<compile_context>
chip_gen: v7x
topology: tpu7x:2x2x1
jax: 0.10.2.dev20260603
libtpu: 0.0.44.dev20260713+nightly
codegen_flags: <defaults>
</compile_context>

<pallas_src>
import functools

import jax
import jax.numpy as jnp
from jax import lax
from jax.experimental import pallas as pl
from jax.experimental.pallas import tpu as pltpu
from jax.experimental.pallas import tpu_sc as plsc


def _gather_call(B, V, D, b_per_w, NC):
    mesh = plsc.VectorSubcoreMesh(core_axis_name="c", subcore_axis_name="s")
    lanes = 16
    n_groups = b_per_w // lanes
    tail_start = (V // 128) * 128
    tail_len = V - tail_start
    max_full_base = tail_start - 128

    @functools.partial(
        pl.kernel,
        mesh=mesh,
        out_type=jax.ShapeDtypeStruct((D, B), jnp.float32),
        scratch_types=[
            pltpu.VMEM((b_per_w,), jnp.int32),
            pltpu.VMEM((D,), jnp.int32),
            pltpu.VMEM((lanes, D, 128), jnp.float32),
            pltpu.VMEM((tail_len, D), jnp.float32),
            pltpu.VMEM((D, b_per_w), jnp.float32),
            pltpu.SemaphoreType.DMA,
        ],
        compiler_params=pltpu.CompilerParams(needs_layout_passes=False),
    )
    def k(labels_hbm, table_hbm, tail_hbm, out_hbm, lab_v, feat_v, cols_v,
          tail_v, out_v, sem):
        wid = lax.axis_index("s") * NC + lax.axis_index("c")
        base = wid * b_per_w
        pltpu.sync_copy(labels_hbm.at[pl.ds(base, b_per_w)], lab_v)
        pltpu.sync_copy(tail_hbm, tail_v)

        lane_ids = lax.iota(jnp.int32, lanes)
        feat_v[pl.ds(0, lanes)] = lane_ids
        feat_v[pl.ds(lanes, lanes)] = lane_ids + lanes

        def group(g):
            labs = lab_v[pl.ds(g * lanes, lanes)]
            lane_vec = labs & 127
            in_tail = labs >= tail_start
            tail_idx = jnp.clip(labs - tail_start, 0, tail_len - 1)
            for i in range(lanes):
                lab = jnp.max(jnp.where(lane_ids == i, labs, 0))
                colb = pl.multiple_of(
                    jnp.minimum(lab & (-128), max_full_base), 128
                )
                pltpu.async_copy(
                    table_hbm.at[feat_v, pl.ds(colb, 128)], cols_v.at[i], sem
                )
            for i in range(lanes):
                pltpu.make_async_copy(
                    table_hbm.at[:, pl.ds(0, 128)], cols_v.at[i], sem
                ).wait()
            for j in range(D):
                j_vec = jnp.full((lanes,), j, dtype=jnp.int32)
                vals = plsc.load_gather(cols_v, [lane_ids, j_vec, lane_vec])
                tvals = plsc.load_gather(tail_v, [tail_idx, j_vec])
                out_v[j, pl.ds(g * lanes, lanes)] = jnp.where(in_tail, tvals, vals)

        pl.loop(0, n_groups)(group)
        pltpu.sync_copy(out_v, out_hbm.at[:, pl.ds(base, b_per_w)])

    return k


def kernel(labels, embedding):
    (B,) = labels.shape
    V, D = embedding.shape
    info = plsc.get_sparse_core_info()
    NC, NS = info.num_cores, info.num_subcores
    NW = NC * NS
    b_per_w = B // NW
    tail_start = (V // 128) * 128
    call = _gather_call(B, V, D, b_per_w, NC)
    out_t = call(
        labels.astype(jnp.int32), embedding.T, embedding[tail_start:, :]
    )
    return out_t.T

# --- scband reference (transcript-rebuilt; emitter-appended) ---
"""Pipeline reference for scband-random-label-embedding-77979426226627 (READ-ONLY COPY).

The authoritative reference and input builder live on the scoring server;
editing this copy changes nothing except your own understanding.
"""

import jax, jax.numpy as jnp
import numpy as np

LABEL_NUM = 1000000
H_DIM = 32
BATCH = 16384

def _kaiming_uniform(key, shape):
    # nn.init.kaiming_uniform_ default: a=sqrt(5) -> gain = sqrt(2/(1+5)) = sqrt(1/3)
    fan_in = shape[1]
    gain = jnp.sqrt(1.0 / 3.0)
    bound = gain * jnp.sqrt(3.0 / fan_in)
    return jax.random.uniform(key, shape, dtype=jnp.float32, minval=-bound, maxval=bound)

def setup_inputs(seed: int = 0) -> dict:
    key = jax.random.key(seed)
    k1, k2 = jax.random.split(key)
    labels = jax.random.randint(k1, (BATCH,), 0, LABEL_NUM, dtype=jnp.int64 if jax.config.jax_enable_x64 else jnp.int32)
    embedding = _kaiming_uniform(k2, (LABEL_NUM, H_DIM))
    return {"labels": labels, "embedding": embedding}

def reference(labels, embedding):
    # self.embedding[labels]
    return jnp.take(embedding, labels, axis=0)

if __name__ == "__main__":
    import jax
    _d = setup_inputs()
    print(jax.jit(kernel)(*tuple(_d.values())))

</pallas_src>

<mosaic_0001>
#map = affine_map<(d0, d1) -> (0)>
#map1 = affine_map<(d0, d1) -> (0, 0)>
module attributes {stable_mosaic.version = 14 : i64} {
  func.func @k(%arg0: i32, %arg1: i32, %arg2: memref<16384xi32, #tpu.memory_space<hbm>>, %arg3: memref<32x1000000xf32, #tpu.memory_space<hbm>>, %arg4: memref<64x32xf32, #tpu.memory_space<hbm>>, %arg5: memref<32x16384xf32, #tpu.memory_space<hbm>>, %arg6: memref<512xi32, #tpu.memory_space<vmem>>, %arg7: memref<32xi32, #tpu.memory_space<vmem>>, %arg8: memref<16x32x128xf32, #tpu.memory_space<vmem>>, %arg9: memref<64x32xf32, #tpu.memory_space<vmem>>, %arg10: memref<32x512xf32, #tpu.memory_space<vmem>>, %arg11: memref<!tpu.dma_semaphore, #tpu.memory_space<semaphore_mem>>) attributes {dimension_semantics = [#tpu.dimension_semantics<core_parallel>, #tpu.dimension_semantics<subcore_parallel>], iteration_bounds = array<i64: 2, 16>, scalar_prefetch = 0 : i64, scratch_operands = 6 : i64, tpu.core_type = #tpu.core_type<sc_vector_subcore>, window_params = [{transform_indices = #map}, {transform_indices = #map1}, {transform_indices = #map1}, {transform_indices = #map1}]} {
    %mul3A = arith.constant 2 : i32
    %mul3A_0 = arith.muli %arg1, %mul3A : i32
    %add3A = arith.addi %mul3A_0, %arg0 : i32
    %mul3A_1 = arith.constant 512 : i32
    %mul3A_2 = arith.muli %add3A, %mul3A_1 : i32
    "tpu.region"() ({
      %run_scoped3A = tpu.sem_alloc : memref<!tpu.dma_semaphore, #tpu.memory_space<semaphore_mem>>
      %dma_start3A = tpu.memref_slice %arg2[%mul3A_2] : memref<16384xi32, #tpu.memory_space<hbm>> -> memref<512xi32, #tpu.memory_space<hbm>>
      %dma_start3A_13 = tpu.memref_slice %arg2[%mul3A_2] : memref<16384xi32, #tpu.memory_space<hbm>> -> memref<512xi32, #tpu.memory_space<hbm>>
      tpu.enqueue_dma source(%dma_start3A_13 : memref<512xi32, #tpu.memory_space<hbm>>) target(%arg6 : memref<512xi32, #tpu.memory_space<vmem>>) target_semaphore(%run_scoped3A : memref<!tpu.dma_semaphore, #tpu.memory_space<semaphore_mem>>)
      %dma_wait3A = tpu.memref_slice %arg2[%mul3A_2] : memref<16384xi32, #tpu.memory_space<hbm>> -> memref<512xi32, #tpu.memory_space<hbm>>
      %dma_wait3A_14 = tpu.memref_slice %arg2[%mul3A_2] : memref<16384xi32, #tpu.memory_space<hbm>> -> memref<512xi32, #tpu.memory_space<hbm>>
      tpu.wait_dma2 semaphore(%run_scoped3A : memref<!tpu.dma_semaphore, #tpu.memory_space<semaphore_mem>>) src(%dma_wait3A_14 : memref<512xi32, #tpu.memory_space<hbm>>) dst(%arg6 : memref<512xi32, #tpu.memory_space<vmem>>)
      tpu.yield
    }) : () -> ()
    "tpu.region"() ({
      %run_scoped3A = tpu.sem_alloc : memref<!tpu.dma_semaphore, #tpu.memory_space<semaphore_mem>>
      tpu.enqueue_dma source(%arg4 : memref<64x32xf32, #tpu.memory_space<hbm>>) target(%arg9 : memref<64x32xf32, #tpu.memory_space<vmem>>) target_semaphore(%run_scoped3A : memref<!tpu.dma_semaphore, #tpu.memory_space<semaphore_mem>>)
      tpu.wait_dma2 semaphore(%run_scoped3A : memref<!tpu.dma_semaphore, #tpu.memory_space<semaphore_mem>>) src(%arg4 : memref<64x32xf32, #tpu.memory_space<hbm>>) dst(%arg9 : memref<64x32xf32, #tpu.memory_space<vmem>>)
      tpu.yield
    }) : () -> ()
    %iota3A = tpu.iota {dimensions = array<i32: 0>} : vector<16xi32>
    %swap3A = arith.constant 0 : index
    %swap3A_3 = tpu.vector_load %arg7[%swap3A] {strides = array<i32>} : memref<32xi32, #tpu.memory_space<vmem>>, vector<16xi32>,
    tpu.vector_store %arg7[%swap3A], %iota3A {strides = array<i32>} : memref<32xi32, #tpu.memory_space<vmem>>, vector<16xi32>,
    %add3A_4 = arith.constant 16 : i32
    %add3A_5 = vector.broadcast %add3A_4 : i32 to vector<16xi32>
    %add3A_6 = arith.addi %iota3A, %add3A_5 : vector<16xi32>
    %swap3A_7 = arith.constant 16 : index
    %swap3A_8 = tpu.vector_load %arg7[%swap3A_7] {strides = array<i32>} : memref<32xi32, #tpu.memory_space<vmem>>, vector<16xi32>,
    tpu.vector_store %arg7[%swap3A_7], %add3A_6 {strides = array<i32>} : memref<32xi32, #tpu.memory_space<vmem>>, vector<16xi32>,
    %scan3A = arith.constant 0 : i32
    %scan3A_9 = arith.constant 32 : i32
    %scan3A_10 = arith.addi %scan3A, %scan3A_9 : i32
    %scan3A_11 = arith.constant 1 : i32
    scf.for %scan3A_13 = %scan3A to %scan3A_10 step %scan3A_11  : i32 {
      %mul3A_14 = arith.constant 1 : i32
      %mul3A_15 = arith.muli %scan3A_13, %mul3A_14 : i32
      %add3A_16 = arith.constant 0 : i32
      %add3A_17 = arith.addi %add3A_16, %mul3A_15 : i32
      %mul3A_18 = arith.constant 16 : i32
      %mul3A_19 = arith.muli %add3A_17, %mul3A_18 : i32
      %get3A = arith.index_cast %mul3A_19 : i32 to index
      %get3A_20 = tpu.vector_load %arg6[%get3A] {strides = array<i32>} : memref<512xi32, #tpu.memory_space<vmem>>, vector<16xi32>,
      %and3A = arith.constant 127 : i32
      %and3A_21 = vector.broadcast %and3A : i32 to vector<16xi32>
      %and3A_22 = arith.andi %get3A_20, %and3A_21 : vector<16xi32>
      %ge3A = arith.constant 999936 : i32
      %ge3A_23 = vector.broadcast %ge3A : i32 to vector<16xi32>
      %ge3A_24 = arith.cmpi sge, %get3A_20, %ge3A_23 : vector<16xi32>
      %sub3A = arith.constant 999936 : i32
      %sub3A_25 = vector.broadcast %sub3A : i32 to vector<16xi32>
      %sub3A_26 = arith.subi %get3A_20, %sub3A_25 : vector<16xi32>
      %jit3A = arith.constant 0 : i32
      %jit3A_27 = arith.constant 63 : i32
      %max3A = vector.broadcast %jit3A : i32 to vector<16xi32>
      %max3A_28 = arith.maxsi %max3A, %sub3A_26 : vector<16xi32>
      %min3A = vector.broadcast %jit3A_27 : i32 to vector<16xi32>
      %min3A_29 = arith.minsi %min3A, %max3A_28 : vector<16xi32>
      %eq3A = arith.constant 0 : i32
      %eq3A_30 = vector.broadcast %eq3A : i32 to vector<16xi32>
      %eq3A_31 = arith.cmpi eq, %iota3A, %eq3A_30 : vector<16xi32>
      %jit3A_32 = arith.constant 0 : i32
      %broadcast_in_dim3A = vector.broadcast %jit3A_32 : i32 to vector<16xi32>
      %select_n3A = arith.select %eq3A_31, %get3A_20, %broadcast_in_dim3A : vector<16xi1>, vector<16xi32>
      %reduce_max3A = arith.constant true
      %reduce_max3A_33 = vector.broadcast %reduce_max3A : i1 to vector<16xi1>
      %reduce_max3A_34 = arith.constant -2147483648 : i32
      %reduce_max3A_35 = vector.broadcast %reduce_max3A_34 : i32 to vector<16xi32>
      %reduce_max3A_36 = arith.xori %select_n3A, %reduce_max3A_35 : vector<16xi32>
      %reduce_max3A_37 = tpu.scan <max>, %reduce_max3A_36 masked %reduce_max3A_33 : vector<16xi32>, vector<16xi1> -> vector<16xi32>
      %reduce_max3A_38 = arith.xori %reduce_max3A_37, %reduce_max3A_35 : vector<16xi32>
      %reduce_max3A_39 = vector.extract %reduce_max3A_38[15] : i32 from vector<16xi32>
      %and3A_40 = arith.constant -128 : i32
      %and3A_41 = arith.andi %reduce_max3A_39, %and3A_40 : i32
      %min3A_42 = arith.constant 999808 : i32
      %min3A_43 = arith.minsi %and3A_41, %min3A_42 : i32
      %multiple_of3A = tpu.assume_multiple %min3A_43, 128 : i32
      %dma_start3A = arith.constant 0 : i32
      %dma_start3A_44 = arith.constant 0 : i32
      %dma_start3A_45 = arith.constant 0 : i32
      %dma_start3A_46 = tpu.memref_slice %arg8[%dma_start3A, %dma_start3A_44, %dma_start3A_45] : memref<16x32x128xf32, #tpu.memory_space<vmem>> -> memref<1x32x128xf32, #tpu.memory_space<vmem>>
      %dma_start3A_47 = tpu.memref_squeeze %dma_start3A_46 : memref<1x32x128xf32, #tpu.memory_space<vmem>> -> memref<32x128xf32, #tpu.memory_space<vmem>>
      %dma_start3A_48 = arith.constant 0 : i32
      %dma_start3A_49 = tpu.memref_slice %arg3[%dma_start3A_48, %multiple_of3A] : memref<32x1000000xf32, #tpu.memory_space<hbm>> -> memref<32x128xf32, #tpu.memory_space<hbm>>
      tpu.enqueue_indirect_dma source(%dma_start3A_49 : memref<32x128xf32, #tpu.memory_space<hbm>>) target(%dma_start3A_47 : memref<32x128xf32, #tpu.memory_space<vmem>>) offsets(%arg7 : memref<32xi32, #tpu.memory_space<vmem>>) semaphore(%arg11 : memref<!tpu.dma_semaphore, #tpu.memory_space<semaphore_mem>>)
      %eq3A_50 = arith.constant 1 : i32
      %eq3A_51 = vector.broadcast %eq3A_50 : i32 to vector<16xi32>
      %eq3A_52 = arith.cmpi eq, %iota3A, %eq3A_51 : vector<16xi32>
      %jit3A_53 = arith.constant 0 : i32
      %broadcast_in_dim3A_54 = vector.broadcast %jit3A_53 : i32 to vector<16xi32>
      %select_n3A_55 = arith.select %eq3A_52, %get3A_20, %broadcast_in_dim3A_54 : vector<16xi1>, vector<16xi32>
      %reduce_max3A_56 = arith.constant true
      %reduce_max3A_57 = vector.broadcast %reduce_max3A_56 : i1 to vector<16xi1>
      %reduce_max3A_58 = arith.constant -2147483648 : i32
      %reduce_max3A_59 = vector.broadcast %reduce_max3A_58 : i32 to vector<16xi32>
      %reduce_max3A_60 = arith.xori %select_n3A_55, %reduce_max3A_59 : vector<16xi32>
      %reduce_max3A_61 = tpu.scan <max>, %reduce_max3A_60 masked %reduce_max3A_57 : vector<16xi32>, vector<16xi1> -> vector<16xi32>
      %reduce_max3A_62 = arith.xori %reduce_max3A_61, %reduce_max3A_59 : vector<16xi32>
      %reduce_max3A_63 = vector.extract %reduce_max3A_62[15] : i32 from vector<16xi32>
      %and3A_64 = arith.constant -128 : i32
      %and3A_65 = arith.andi %reduce_max3A_63, %and3A_64 : i32
      %min3A_66 = arith.constant 999808 : i32
      %min3A_67 = arith.minsi %and3A_65, %min3A_66 : i32
      %multiple_of3A_68 = tpu.assume_multiple %min3A_67, 128 : i32
      %dma_start3A_69 = arith.constant 1 : i32
      %dma_start3A_70 = arith.constant 0 : i32
      %dma_start3A_71 = arith.constant 0 : i32
      %dma_start3A_72 = tpu.memref_slice %arg8[%dma_start3A_69, %dma_start3A_70, %dma_start3A_71] : memref<16x32x128xf32, #tpu.memory_space<vmem>> -> memref<1x32x128xf32, #tpu.memory_space<vmem>>
      %dma_start3A_73 = tpu.memref_squeeze %dma_start3A_72 : memref<1x32x128xf32, #tpu.memory_space<vmem>> -> memref<32x128xf32, #tpu.memory_space<vmem>>
      %dma_start3A_74 = arith.constant 0 : i32
      %dma_start3A_75 = tpu.memref_slice %arg3[%dma_start3A_74, %multiple_of3A_68] : memref<32x1000000xf32, #tpu.memory_space<hbm>> -> memref<32x128xf32, #tpu.memory_space<hbm>>
      tpu.enqueue_indirect_dma source(%dma_start3A_75 : memref<32x128xf32, #tpu.memory_space<hbm>>) target(%dma_start3A_73 : memref<32x128xf32, #tpu.memory_space<vmem>>) offsets(%arg7 : memref<32xi32, #tpu.memory_space<vmem>>) semaphore(%arg11 : memref<!tpu.dma_semaphore, #tpu.memory_space<semaphore_mem>>)
      %eq3A_76 = arith.constant 2 : i32
      %eq3A_77 = vector.broadcast %eq3A_76 : i32 to vector<16xi32>
      %eq3A_78 = arith.cmpi eq, %iota3A, %eq3A_77 : vector<16xi32>
      %jit3A_79 = arith.constant 0 : i32
      %broadcast_in_dim3A_80 = vector.broadcast %jit3A_79 : i32 to vector<16xi32>
      %select_n3A_81 = arith.select %eq3A_78, %get3A_20, %broadcast_in_dim3A_80 : vector<16xi1>, vector<16xi32>
      %reduce_max3A_82 = arith.constant true
      %reduce_max3A_83 = vector.broadcast %reduce_max3A_82 : i1 to vector<16xi1>
      %reduce_max3A_84 = arith.constant -2147483648 : i32
      %reduce_max3A_85 = vector.broadcast %reduce_max3A_84 : i32 to vector<16xi32>
      %reduce_max3A_86 = arith.xori %select_n3A_81, %reduce_max3A_85 : vector<16xi32>
      %reduce_max3A_87 = tpu.scan <max>, %reduce_max3A_86 masked %reduce_max3A_83 : vector<16xi32>, vector<16xi1> -> vector<16xi32>
      %reduce_max3A_88 = arith.xori %reduce_max3A_87, %reduce_max3A_85 : vector<16xi32>
      %reduce_max3A_89 = vector.extract %reduce_max3A_88[15] : i32 from vector<16xi32>
      %and3A_90 = arith.constant -128 : i32
      %and3A_91 = arith.andi %reduce_max3A_89, %and3A_90 : i32
      %min3A_92 = arith.constant 999808 : i32
      %min3A_93 = arith.minsi %and3A_91, %min3A_92 : i32
      %multiple_of3A_94 = tpu.assume_multiple %min3A_93, 128 : i32
      %dma_start3A_95 = arith.constant 2 : i32
      %dma_start3A_96 = arith.constant 0 : i32
      %dma_start3A_97 = arith.constant 0 : i32
      %dma_start3A_98 = tpu.memref_slice %arg8[%dma_start3A_95, %dma_start3A_96, %dma_start3A_97] : memref<16x32x128xf32, #tpu.memory_space<vmem>> -> memref<1x32x128xf32, #tpu.memory_space<vmem>>
      %dma_start3A_99 = tpu.memref_squeeze %dma_start3A_98 : memref<1x32x128xf32, #tpu.memory_space<vmem>> -> memref<32x128xf32, #tpu.memory_space<vmem>>
      %dma_start3A_100 = arith.constant 0 : i32
      %dma_start3A_101 = tpu.memref_slice %arg3[%dma_start3A_100, %multiple_of3A_94] : memref<32x1000000xf32, #tpu.memory_space<hbm>> -> memref<32x128xf32, #tpu.memory_space<hbm>>
      tpu.enqueue_indirect_dma source(%dma_start3A_101 : memref<32x128xf32, #tpu.memory_space<hbm>>) target(%dma_start3A_99 : memref<32x128xf32, #tpu.memory_space<vmem>>) offsets(%arg7 : memref<32xi32, #tpu.memory_space<vmem>>) semaphore(%arg11 : memref<!tpu.dma_semaphore, #tpu.memory_space<semaphore_mem>>)
      %eq3A_102 = arith.constant 3 : i32
      %eq3A_103 = vector.broadcast %eq3A_102 : i32 to vector<16xi32>
      %eq3A_104 = arith.cmpi eq, %iota3A, %eq3A_103 : vector<16xi32>
      %jit3A_105 = arith.constant 0 : i32
      %broadcast_in_dim3A_106 = vector.broadcast %jit3A_105 : i32 to vector<16xi32>
      %select_n3A_107 = arith.select %eq3A_104, %get3A_20, %broadcast_in_dim3A_106 : vector<16xi1>, vector<16xi32>
      %reduce_max3A_108 = arith.constant true
      %reduce_max3A_109 = vector.broadcast %reduce_max3A_108 : i1 to vector<16xi1>
      %reduce_max3A_110 = arith.constant -2147483648 : i32
      %reduce_max3A_111 = vector.broadcast %reduce_max3A_110 : i32 to vector<16xi32>
      %reduce_max3A_112 = arith.xori %select_n3A_107, %reduce_max3A_111 : vector<16xi32>
      %reduce_max3A_113 = tpu.scan <max>, %reduce_max3A_112 masked %reduce_max3A_109 : vector<16xi32>, vector<16xi1> -> vector<16xi32>
      %reduce_max3A_114 = arith.xori %reduce_max3A_113, %reduce_max3A_111 : vector<16xi32>
      %reduce_max3A_115 = vector.extract %reduce_max3A_114[15] : i32 from vector<16xi32>
      %and3A_116 = arith.constant -128 : i32
      %and3A_117 = arith.andi %reduce_max3A_115, %and3A_116 : i32
      %min3A_118 = arith.constant 999808 : i32
      %min3A_119 = arith.minsi %and3A_117, %min3A_118 : i32
      %multiple_of3A_120 = tpu.assume_multiple %min3A_119, 128 : i32
      %dma_start3A_121 = arith.constant 3 : i32
      %dma_start3A_122 = arith.constant 0 : i32
      %dma_start3A_123 = arith.constant 0 : i32
      %dma_start3A_124 = tpu.memref_slice %arg8[%dma_start3A_121, %dma_start3A_122, %dma_start3A_123] : memref<16x32x128xf32, #tpu.memory_space<vmem>> -> memref<1x32x128xf32, #tpu.memory_space<vmem>>
      %dma_start3A_125 = tpu.memref_squeeze %dma_start3A_124 : memref<1x32x128xf32, #tpu.memory_space<vmem>> -> memref<32x128xf32, #tpu.memory_space<vmem>>
      %dma_start3A_126 = arith.constant 0 : i32
      %dma_start3A_127 = tpu.memref_slice %arg3[%dma_start3A_126, %multiple_of3A_120] : memref<32x1000000xf32, #tpu.memory_space<hbm>> -> memref<32x128xf32, #tpu.memory_space<hbm>>
      tpu.enqueue_indirect_dma source(%dma_start3A_127 : memref<32x128xf32, #tpu.memory_space<hbm>>) target(%dma_start3A_125 : memref<32x128xf32, #tpu.memory_space<vmem>>) offsets(%arg7 : memref<32xi32, #tpu.memory_space<vmem>>) semaphore(%arg11 : memref<!tpu.dma_semaphore, #tpu.memory_space<semaphore_mem>>)
      %eq3A_128 = arith.constant 4 : i32
      %eq3A_129 = vector.broadcast %eq3A_128 : i32 to vector<16xi32>
      %eq3A_130 = arith.cmpi eq, %iota3A, %eq3A_129 : vector<16xi32>
      %jit3A_131 = arith.constant 0 : i32
      %broadcast_in_dim3A_132 = vector.broadcast %jit3A_131 : i32 to vector<16xi32>
      %select_n3A_133 = arith.select %eq3A_130, %get3A_20, %broadcast_in_dim3A_132 : vector<16xi1>, vector<16xi32>
      %reduce_max3A_134 = arith.constant true
      %reduce_max3A_135 = vector.broadcast %reduce_max3A_134 : i1 to vector<16xi1>
      %reduce_max3A_136 = arith.constant -2147483648 : i32
      %reduce_max3A_137 = vector.broadcast %reduce_max3A_136 : i32 to vector<16xi32>
      %reduce_max3A_138 = arith.xori %select_n3A_133, %reduce_max3A_137 : vector<16xi32>
      %reduce_max3A_139 = tpu.scan <max>, %reduce_max3A_138 masked %reduce_max3A_135 : vector<16xi32>, vector<16xi1> -> vector<16xi32>
      %reduce_max3A_140 = arith.xori %reduce_max3A_139, %reduce_max3A_137 : vector<16xi32>
      %reduce_max3A_141 = vector.extract %reduce_max3A_140[15] : i32 from vector<16xi32>
      %and3A_142 = arith.constant -128 : i32
      %and3A_143 = arith.andi %reduce_max3A_141, %and3A_142 : i32
      %min3A_144 = arith.constant 999808 : i32
      %min3A_145 = arith.minsi %and3A_143, %min3A_144 : i32
      %multiple_of3A_146 = tpu.assume_multiple %min3A_145, 128 : i32
      %dma_start3A_147 = arith.constant 4 : i32
      %dma_start3A_148 = arith.constant 0 : i32
      %dma_start3A_149 = arith.constant 0 : i32
      %dma_start3A_150 = tpu.memref_slice %arg8[%dma_start3A_147, %dma_start3A_148, %dma_start3A_149] : memref<16x32x128xf32, #tpu.memory_space<vmem>> -> memref<1x32x128xf32, #tpu.memory_space<vmem>>
      %dma_start3A_151 = tpu.memref_squeeze %dma_start3A_150 : memref<1x32x128xf32, #tpu.memory_space<vmem>> -> memref<32x128xf32, #tpu.memory_space<vmem>>
      %dma_start3A_152 = arith.constant 0 : i32
      %dma_start3A_153 = tpu.memref_slice %arg3[%dma_start3A_152, %multiple_of3A_146] : memref<32x1000000xf32, #tpu.memory_space<hbm>> -> memref<32x128xf32, #tpu.memory_space<hbm>>
      tpu.enqueue_indirect_dma source(%dma_start3A_153 : memref<32x128xf32, #tpu.memory_space<hbm>>) target(%dma_start3A_151 : memref<32x128xf32, #tpu.memory_space<vmem>>) offsets(%arg7 : memref<32xi32, #tpu.memory_space<vmem>>) semaphore(%arg11 : memref<!tpu.dma_semaphore, #tpu.memory_space<semaphore_mem>>)
      %eq3A_154 = arith.constant 5 : i32
      %eq3A_155 = vector.broadcast %eq3A_154 : i32 to vector<16xi32>
      %eq3A_156 = arith.cmpi eq, %iota3A, %eq3A_155 : vector<16xi32>
      %jit3A_157 = arith.constant 0 : i32
      %broadcast_in_dim3A_158 = vector.broadcast %jit3A_157 : i32 to vector<16xi32>
      %select_n3A_159 = arith.select %eq3A_156, %get3A_20, %broadcast_in_dim3A_158 : vector<16xi1>, vector<16xi32>
      %reduce_max3A_160 = arith.constant true
      %reduce_max3A_161 = vector.broadcast %reduce_max3A_160 : i1 to vector<16xi1>
      %reduce_max3A_162 = arith.constant -2147483648 : i32
      %reduce_max3A_163 = vector.broadcast %reduce_max3A_162 : i32 to vector<16xi32>
      %reduce_max3A_164 = arith.xori %select_n3A_159, %reduce_max3A_163 : vector<16xi32>
      %reduce_max3A_165 = tpu.scan <max>, %reduce_max3A_164 masked %reduce_max3A_161 : vector<16xi32>, vector<16xi1> -> vector<16xi32>
      %reduce_max3A_166 = arith.xori %reduce_max3A_165, %reduce_max3A_163 : vector<16xi32>
      %reduce_max3A_167 = vector.extract %reduce_max3A_166[15] : i32 from vector<16xi32>
      %and3A_168 = arith.constant -128 : i32
      %and3A_169 = arith.andi %reduce_max3A_167, %and3A_168 : i32
      %min3A_170 = arith.constant 999808 : i32
      %min3A_171 = arith.minsi %and3A_169, %min3A_170 : i32
      %multiple_of3A_172 = tpu.assume_multiple %min3A_171, 128 : i32
      %dma_start3A_173 = arith.constant 5 : i32
      %dma_start3A_174 = arith.constant 0 : i32
      %dma_start3A_175 = arith.constant 0 : i32
      %dma_start3A_176 = tpu.memref_slice %arg8[%dma_start3A_173, %dma_start3A_174, %dma_start3A_175] : memref<16x32x128xf32, #tpu.memory_space<vmem>> -> memref<1x32x128xf32, #tpu.memory_space<vmem>>
      %dma_start3A_177 = tpu.memref_squeeze %dma_start3A_176 : memref<1x32x128xf32, #tpu.memory_space<vmem>> -> memref<32x128xf32, #tpu.memory_space<vmem>>
      %dma_start3A_178 = arith.constant 0 : i32
      %dma_start3A_179 = tpu.memref_slice %arg3[%dma_start3A_178, %multiple_of3A_172] : memref<32x1000000xf32, #tpu.memory_space<hbm>> -> memref<32x128xf32, #tpu.memory_space<hbm>>
      tpu.enqueue_indirect_dma source(%dma_start3A_179 : memref<32x128xf32, #tpu.memory_space<hbm>>) target(%dma_start3A_177 : memref<32x128xf32, #tpu.memory_space<vmem>>) offsets(%arg7 : memref<32xi32, #tpu.memory_space<vmem>>) semaphore(%arg11 : memref<!tpu.dma_semaphore, #tpu.memory_space<semaphore_mem>>)
      %eq3A_180 = arith.constant 6 : i32
      %eq3A_181 = vector.broadcast %eq3A_180 : i32 to vector<16xi32>
      %eq3A_182 = arith.cmpi eq, %iota3A, %eq3A_181 : vector<16xi32>
      %jit3A_183 = arith.constant 0 : i32
      %broadcast_in_dim3A_184 = vector.broadcast %jit3A_183 : i32 to vector<16xi32>
      %select_n3A_185 = arith.select %eq3A_182, %get3A_20, %broadcast_in_dim3A_184 : vector<16xi1>, vector<16xi32>
      %reduce_max3A_186 = arith.constant true
      %reduce_max3A_187 = vector.broadcast %reduce_max3A_186 : i1 to vector<16xi1>
      %reduce_max3A_188 = arith.constant -2147483648 : i32
      %reduce_max3A_189 = vector.broadcast %reduce_max3A_188 : i32 to vector<16xi32>
      %reduce_max3A_190 = arith.xori %select_n3A_185, %reduce_max3A_189 : vector<16xi32>
      %reduce_max3A_191 = tpu.scan <max>, %reduce_max3A_190 masked %reduce_max3A_187 : vector<16xi32>, vector<16xi1> -> vector<16xi32>
      %reduce_max3A_192 = arith.xori %reduce_max3A_191, %reduce_max3A_189 : vector<16xi32>
      %reduce_max3A_193 = vector.extract %reduce_max3A_192[15] : i32 from vector<16xi32>
      %and3A_194 = arith.constant -128 : i32
      %and3A_195 = arith.andi %reduce_max3A_193, %and3A_194 : i32
      %min3A_196 = arith.constant 999808 : i32
      %min3A_197 = arith.minsi %and3A_195, %min3A_196 : i32
      %multiple_of3A_198 = tpu.assume_multiple %min3A_197, 128 : i32
      %dma_start3A_199 = arith.constant 6 : i32
      %dma_start3A_200 = arith.constant 0 : i32
      %dma_start3A_201 = arith.constant 0 : i32
      %dma_start3A_202 = tpu.memref_slice %arg8[%dma_start3A_199, %dma_start3A_200, %dma_start3A_201] : memref<16x32x128xf32, #tpu.memory_space<vmem>> -> memref<1x32x128xf32, #tpu.memory_space<vmem>>
      %dma_start3A_203 = tpu.memref_squeeze %dma_start3A_202 : memref<1x32x128xf32, #tpu.memory_space<vmem>> -> memref<32x128xf32, #tpu.memory_space<vmem>>
      %dma_start3A_204 = arith.constant 0 : i32
      %dma_start3A_205 = tpu.memref_slice %arg3[%dma_start3A_204, %multiple_of3A_198] : memref<32x1000000xf32, #tpu.memory_space<hbm>> -> memref<32x128xf32, #tpu.memory_space<hbm>>
      tpu.enqueue_indirect_dma source(%dma_start3A_205 : memref<32x128xf32, #tpu.memory_space<hbm>>) target(%dma_start3A_203 : memref<32x128xf32, #tpu.memory_space<vmem>>) offsets(%arg7 : memref<32xi32, #tpu.memory_space<vmem>>) semaphore(%arg11 : memref<!tpu.dma_semaphore, #tpu.memory_space<semaphore_mem>>)
      %eq3A_206 = arith.constant 7 : i32
      %eq3A_207 = vector.broadcast %eq3A_206 : i32 to vector<16xi32>
      %eq3A_208 = arith.cmpi eq, %iota3A, %eq3A_207 : vector<16xi32>
      %jit3A_209 = arith.constant 0 : i32
      %broadcast_in_dim3A_210 = vector.broadcast %jit3A_209 : i32 to vector<16xi32>
      %select_n3A_211 = arith.select %eq3A_208, %get3A_20, %broadcast_in_dim3A_210 : vector<16xi1>, vector<16xi32>
      %reduce_max3A_212 = arith.constant true
      %reduce_max3A_213 = vector.broadcast %reduce_max3A_212 : i1 to vector<16xi1>
      %reduce_max3A_214 = arith.constant -2147483648 : i32
      %reduce_max3A_215 = vector.broadcast %reduce_max3A_214 : i32 to vector<16xi32>
      %reduce_max3A_216 = arith.xori %select_n3A_211, %reduce_max3A_215 : vector<16xi32>
      %reduce_max3A_217 = tpu.scan <max>, %reduce_max3A_216 masked %reduce_max3A_213 : vector<16xi32>, vector<16xi1> -> vector<16xi32>
      %reduce_max3A_218 = arith.xori %reduce_max3A_217, %reduce_max3A_215 : vector<16xi32>
      %reduce_max3A_219 = vector.extract %reduce_max3A_218[15] : i32 from vector<16xi32>
      %and3A_220 = arith.constant -128 : i32
      %and3A_221 = arith.andi %reduce_max3A_219, %and3A_220 : i32
      %min3A_222 = arith.constant 999808 : i32
      %min3A_223 = arith.minsi %and3A_221, %min3A_222 : i32
      %multiple_of3A_224 = tpu.assume_multiple %min3A_223, 128 : i32
      %dma_start3A_225 = arith.constant 7 : i32
      %dma_start3A_226 = arith.constant 0 : i32
      %dma_start3A_227 = arith.constant 0 : i32
      %dma_start3A_228 = tpu.memref_slice %arg8[%dma_start3A_225, %dma_start3A_226, %dma_start3A_227] : memref<16x32x128xf32, #tpu.memory_space<vmem>> -> memref<1x32x128xf32, #tpu.memory_space<vmem>>
      %dma_start3A_229 = tpu.memref_squeeze %dma_start3A_228 : memref<1x32x128xf32, #tpu.memory_space<vmem>> -> memref<32x128xf32, #tpu.memory_space<vmem>>
      %dma_start3A_230 = arith.constant 0 : i32
      %dma_start3A_231 = tpu.memref_slice %arg3[%dma_start3A_230, %multiple_of3A_224] : memref<32x1000000xf32, #tpu.memory_space<hbm>> -> memref<32x128xf32, #tpu.memory_space<hbm>>
      tpu.enqueue_indirect_dma source(%dma_start3A_231 : memref<32x128xf32, #tpu.memory_space<hbm>>) target(%dma_start3A_229 : memref<32x128xf32, #tpu.memory_space<vmem>>) offsets(%arg7 : memref<32xi32, #tpu.memory_space<vmem>>) semaphore(%arg11 : memref<!tpu.dma_semaphore, #tpu.memory_space<semaphore_mem>>)
      %eq3A_232 = arith.constant 8 : i32
      %eq3A_233 = vector.broadcast %eq3A_232 : i32 to vector<16xi32>
      %eq3A_234 = arith.cmpi eq, %iota3A, %eq3A_233 : vector<16xi32>
      %jit3A_235 = arith.constant 0 : i32
      %broadcast_in_dim3A_236 = vector.broadcast %jit3A_235 : i32 to vector<16xi32>
      %select_n3A_237 = arith.select %eq3A_234, %get3A_20, %broadcast_in_dim3A_236 : vector<16xi1>, vector<16xi32>
      %reduce_max3A_238 = arith.constant true
      %reduce_max3A_239 = vector.broadcast %reduce_max3A_238 : i1 to vector<16xi1>
      %reduce_max3A_240 = arith.constant -2147483648 : i32
      %reduce_max3A_241 = vector.broadcast %reduce_max3A_240 : i32 to vector<16xi32>
      %reduce_max3A_242 = arith.xori %select_n3A_237, %reduce_max3A_241 : vector<16xi32>
      %reduce_max3A_243 = tpu.scan <max>, %reduce_max3A_242 masked %reduce_max3A_239 : vector<16xi32>, vector<16xi1> -> vector<16xi32>
      %reduce_max3A_244 = arith.xori %reduce_max3A_243, %reduce_max3A_241 : vector<16xi32>
      %reduce_max3A_245 = vector.extract %reduce_max3A_244[15] : i32 from vector<16xi32>
      %and3A_246 = arith.constant -128 : i32
      %and3A_247 = arith.andi %reduce_max3A_245, %and3A_246 : i32
      %min3A_248 = arith.constant 999808 : i32
      %min3A_249 = arith.minsi %and3A_247, %min3A_248 : i32
      %multiple_of3A_250 = tpu.assume_multiple %min3A_249, 128 : i32
      %dma_start3A_251 = arith.constant 8 : i32
      %dma_start3A_252 = arith.constant 0 : i32
      %dma_start3A_253 = arith.constant 0 : i32
      %dma_start3A_254 = tpu.memref_slice %arg8[%dma_start3A_251, %dma_start3A_252, %dma_start3A_253] : memref<16x32x128xf32, #tpu.memory_space<vmem>> -> memref<1x32x128xf32, #tpu.memory_space<vmem>>
      %dma_start3A_255 = tpu.memref_squeeze %dma_start3A_254 : memref<1x32x128xf32, #tpu.memory_space<vmem>> -> memref<32x128xf32, #tpu.memory_space<vmem>>
      %dma_start3A_256 = arith.constant 0 : i32
      %dma_start3A_257 = tpu.memref_slice %arg3[%dma_start3A_256, %multiple_of3A_250] : memref<32x1000000xf32, #tpu.memory_space<hbm>> -> memref<32x128xf32, #tpu.memory_space<hbm>>
      tpu.enqueue_indirect_dma source(%dma_start3A_257 : memref<32x128xf32, #tpu.memory_space<hbm>>) target(%dma_start3A_255 : memref<32x128xf32, #tpu.memory_space<vmem>>) offsets(%arg7 : memref<32xi32, #tpu.memory_space<vmem>>) semaphore(%arg11 : memref<!tpu.dma_semaphore, #tpu.memory_space<semaphore_mem>>)
      %eq3A_258 = arith.constant 9 : i32
      %eq3A_259 = vector.broadcast %eq3A_258 : i32 to vector<16xi32>
      %eq3A_260 = arith.cmpi eq, %iota3A, %eq3A_259 : vector<16xi32>
      %jit3A_261 = arith.constant 0 : i32
      %broadcast_in_dim3A_262 = vector.broadcast %jit3A_261 : i32 to vector<16xi32>
      %select_n3A_263 = arith.select %eq3A_260, %get3A_20, %broadcast_in_dim3A_262 : vector<16xi1>, vector<16xi32>
      %reduce_max3A_264 = arith.constant true
      %reduce_max3A_265 = vector.broadcast %reduce_max3A_264 : i1 to vector<16xi1>
      %reduce_max3A_266 = arith.constant -2147483648 : i32
      %reduce_max3A_267 = vector.broadcast %reduce_max3A_266 : i32 to vector<16xi32>
      %reduce_max3A_268 = arith.xori %select_n3A_263, %reduce_max3A_267 : vector<16xi32>
      %reduce_max3A_269 = tpu.scan <max>, %reduce_max3A_268 masked %reduce_max3A_265 : vector<16xi32>, vector<16xi1> -> vector<16xi32>
      %reduce_max3A_270 = arith.xori %reduce_max3A_269, %reduce_max3A_267 : vector<16xi32>
      %reduce_max3A_271 = vector.extract %reduce_max3A_270[15] : i32 from vector<16xi32>
      %and3A_272 = arith.constant -128 : i32
      %and3A_273 = arith.andi %reduce_max3A_271, %and3A_272 : i32
      %min3A_274 = arith.constant 999808 : i32
      %min3A_275 = arith.minsi %and3A_273, %min3A_274 : i32
      %multiple_of3A_276 = tpu.assume_multiple %min3A_275, 128 : i32
      %dma_start3A_277 = arith.constant 9 : i32
      %dma_start3A_278 = arith.constant 0 : i32
      %dma_start3A_279 = arith.constant 0 : i32
      %dma_start3A_280 = tpu.memref_slice %arg8[%dma_start3A_277, %dma_start3A_278, %dma_start3A_279] : memref<16x32x128xf32, #tpu.memory_space<vmem>> -> memref<1x32x128xf32, #tpu.memory_space<vmem>>
      %dma_start3A_281 = tpu.memref_squeeze %dma_start3A_280 : memref<1x32x128xf32, #tpu.memory_space<vmem>> -> memref<32x128xf32, #tpu.memory_space<vmem>>
      %dma_start3A_282 = arith.constant 0 : i32
      %dma_start3A_283 = tpu.memref_slice %arg3[%dma_start3A_282, %multiple_of3A_276] : memref<32x1000000xf32, #tpu.memory_space<hbm>> -> memref<32x128xf32, #tpu.memory_space<hbm>>
      tpu.enqueue_indirect_dma source(%dma_start3A_283 : memref<32x128xf32, #tpu.memory_space<hbm>>) target(%dma_start3A_281 : memref<32x128xf32, #tpu.memory_space<vmem>>) offsets(%arg7 : memref<32xi32, #tpu.memory_space<vmem>>) semaphore(%arg11 : memref<!tpu.dma_semaphore, #tpu.memory_space<semaphore_mem>>)
      %eq3A_284 = arith.constant 10 : i32
      %eq3A_285 = vector.broadcast %eq3A_284 : i32 to vector<16xi32>
      %eq3A_286 = arith.cmpi eq, %iota3A, %eq3A_285 : vector<16xi32>
      %jit3A_287 = arith.constant 0 : i32
      %broadcast_in_dim3A_288 = vector.broadcast %jit3A_287 : i32 to vector<16xi32>
      %select_n3A_289 = arith.select %eq3A_286, %get3A_20, %broadcast_in_dim3A_288 : vector<16xi1>, vector<16xi32>
      %reduce_max3A_290 = arith.constant true
      %reduce_max3A_291 = vector.broadcast %reduce_max3A_290 : i1 to vector<16xi1>
      %reduce_max3A_292 = arith.constant -2147483648 : i32
      %reduce_max3A_293 = vector.broadcast %reduce_max3A_292 : i32 to vector<16xi32>
      %reduce_max3A_294 = arith.xori %select_n3A_289, %reduce_max3A_293 : vector<16xi32>
      %reduce_max3A_295 = tpu.scan <max>, %reduce_max3A_294 masked %reduce_max3A_291 : vector<16xi32>, vector<16xi1> -> vector<16xi32>
      %reduce_max3A_296 = arith.xori %reduce_max3A_295, %reduce_max3A_293 : vector<16xi32>
      %reduce_max3A_297 = vector.extract %reduce_max3A_296[15] : i32 from vector<16xi32>
      %and3A_298 = arith.constant -128 : i32
      %and3A_299 = arith.andi %reduce_max3A_297, %and3A_298 : i32
      %min3A_300 = arith.constant 999808 : i32
      %min3A_301 = arith.minsi %and3A_299, %min3A_300 : i32
      %multiple_of3A_302 = tpu.assume_multiple %min3A_301, 128 : i32
      %dma_start3A_303 = arith.constant 10 : i32
      %dma_start3A_304 = arith.constant 0 : i32
      %dma_start3A_305 = arith.constant 0 : i32
      %dma_start3A_306 = tpu.memref_slice %arg8[%dma_start3A_303, %dma_start3A_304, %dma_start3A_305] : memref<16x32x128xf32, #tpu.memory_space<vmem>> -> memref<1x32x128xf32, #tpu.memory_space<vmem>>
      %dma_start3A_307 = tpu.memref_squeeze %dma_start3A_306 : memref<1x32x128xf32, #tpu.memory_space<vmem>> -> memref<32x128xf32, #tpu.memory_space<vmem>>
      %dma_start3A_308 = arith.constant 0 : i32
      %dma_start3A_309 = tpu.memref_slice %arg3[%dma_start3A_308, %multiple_of3A_302] : memref<32x1000000xf32, #tpu.memory_space<hbm>> -> memref<32x128xf32, #tpu.memory_space<hbm>>
      tpu.enqueue_indirect_dma source(%dma_start3A_309 : memref<32x128xf32, #tpu.memory_space<hbm>>) target(%dma_start3A_307 : memref<32x128xf32, #tpu.memory_space<vmem>>) offsets(%arg7 : memref<32xi32, #tpu.memory_space<vmem>>) semaphore(%arg11 : memref<!tpu.dma_semaphore, #tpu.memory_space<semaphore_mem>>)
      %eq3A_310 = arith.constant 11 : i32
      %eq3A_311 = vector.broadcast %eq3A_310 : i32 to vector<16xi32>
      %eq3A_312 = arith.cmpi eq, %iota3A, %eq3A_311 : vector<16xi32>
      %jit3A_313 = arith.constant 0 : i32
      %broadcast_in_dim3A_314 = vector.broadcast %jit3A_313 : i32 to vector<16xi32>
      %select_n3A_315 = arith.select %eq3A_312, %get3A_20, %broadcast_in_dim3A_314 : vector<16xi1>, vector<16xi32>
      %reduce_max3A_316 = arith.constant true
      %reduce_max3A_317 = vector.broadcast %reduce_max3A_316 : i1 to vector<16xi1>
      %reduce_max3A_318 = arith.constant -2147483648 : i32
      %reduce_max3A_319 = vector.broadcast %reduce_max3A_318 : i32 to vector<16xi32>
      %reduce_max3A_320 = arith.xori %select_n3A_315, %reduce_max3A_319 : vector<16xi32>
      %reduce_max3A_321 = tpu.scan <max>, %reduce_max3A_320 masked %reduce_max3A_317 : vector<16xi32>, vector<16xi1> -> vector<16xi32>
      %reduce_max3A_322 = arith.xori %reduce_max3A_321, %reduce_max3A_319 : vector<16xi32>
      %reduce_max3A_323 = vector.extract %reduce_max3A_322[15] : i32 from vector<16xi32>
      %and3A_324 = arith.constant -128 : i32
      %and3A_325 = arith.andi %reduce_max3A_323, %and3A_324 : i32
      %min3A_326 = arith.constant 999808 : i32
      %min3A_327 = arith.minsi %and3A_325, %min3A_326 : i32
      %multiple_of3A_328 = tpu.assume_multiple %min3A_327, 128 : i32
      %dma_start3A_329 = arith.constant 11 : i32
      %dma_start3A_330 = arith.constant 0 : i32
      %dma_start3A_331 = arith.constant 0 : i32
      %dma_start3A_332 = tpu.memref_slice %arg8[%dma_start3A_329, %dma_start3A_330, %dma_start3A_331] : memref<16x32x128xf32, #tpu.memory_space<vmem>> -> memref<1x32x128xf32, #tpu.memory_space<vmem>>
      %dma_start3A_333 = tpu.memref_squeeze %dma_start3A_332 : memref<1x32x128xf32, #tpu.memory_space<vmem>> -> memref<32x128xf32, #tpu.memory_space<vmem>>
      %dma_start3A_334 = arith.constant 0 : i32
      %dma_start3A_335 = tpu.memref_slice %arg3[%dma_start3A_334, %multiple_of3A_328] : memref<32x1000000xf32, #tpu.memory_space<hbm>> -> memref<32x128xf32, #tpu.memory_space<hbm>>
      tpu.enqueue_indirect_dma source(%dma_start3A_335 : memref<32x128xf32, #tpu.memory_space<hbm>>) target(%dma_start3A_333 : memref<32x128xf32, #tpu.memory_space<vmem>>) offsets(%arg7 : memref<32xi32, #tpu.memory_space<vmem>>) semaphore(%arg11 : memref<!tpu.dma_semaphore, #tpu.memory_space<semaphore_mem>>)
      %eq3A_336 = arith.constant 12 : i32
      %eq3A_337 = vector.broadcast %eq3A_336 : i32 to vector<16xi32>
      %eq3A_338 = arith.cmpi eq, %iota3A, %eq3A_337 : vector<16xi32>
      %jit3A_339 = arith.constant 0 : i32
      %broadcast_in_dim3A_340 = vector.broadcast %jit3A_339 : i32 to vector<16xi32>
      %select_n3A_341 = arith.select %eq3A_338, %get3A_20, %broadcast_in_dim3A_340 : vector<16xi1>, vector<16xi32>
      %reduce_max3A_342 = arith.constant true
      %reduce_max3A_343 = vector.broadcast %reduce_max3A_342 : i1 to vector<16xi1>
      %reduce_max3A_344 = arith.constant -2147483648 : i32
      %reduce_max3A_345 = vector.broadcast %reduce_max3A_344 : i32 to vector<16xi32>
      %reduce_max3A_346 = arith.xori %select_n3A_341, %reduce_max3A_345 : vector<16xi32>
      %reduce_max3A_347 = tpu.scan <max>, %reduce_max3A_346 masked %reduce_max3A_343 : vector<16xi32>, vector<16xi1> -> vector<16xi32>
      %reduce_max3A_348 = arith.xori %reduce_max3A_347, %reduce_max3A_345 : vector<16xi32>
      %reduce_max3A_349 = vector.extract %reduce_max3A_348[15] : i32 from vector<16xi32>
      %and3A_350 = arith.constant -128 : i32
      %and3A_351 = arith.andi %reduce_max3A_349, %and3A_350 : i32
      %min3A_352 = arith.constant 999808 : i32
      %min3A_353 = arith.minsi %and3A_351, %min3A_352 : i32
      %multiple_of3A_354 = tpu.assume_multiple %min3A_353, 128 : i32
      %dma_start3A_355 = arith.constant 12 : i32
      %dma_start3A_356 = arith.constant 0 : i32
      %dma_start3A_357 = arith.constant 0 : i32
      %dma_start3A_358 = tpu.memref_slice %arg8[%dma_start3A_355, %dma_start3A_356, %dma_start3A_357] : memref<16x32x128xf32, #tpu.memory_space<vmem>> -> memref<1x32x128xf32, #tpu.memory_space<vmem>>
      %dma_start3A_359 = tpu.memref_squeeze %dma_start3A_358 : memref<1x32x128xf32, #tpu.memory_space<vmem>> -> memref<32x128xf32, #tpu.memory_space<vmem>>
      %dma_start3A_360 = arith.constant 0 : i32
      %dma_start3A_361 = tpu.memref_slice %arg3[%dma_start3A_360, %multiple_of3A_354] : memref<32x1000000xf32, #tpu.memory_space<hbm>> -> memref<32x128xf32, #tpu.memory_space<hbm>>
      tpu.enqueue_indirect_dma source(%dma_start3A_361 : memref<32x128xf32, #tpu.memory_space<hbm>>) target(%dma_start3A_359 : memref<32x128xf32, #tpu.memory_space<vmem>>) offsets(%arg7 : memref<32xi32, #tpu.memory_space<vmem>>) semaphore(%arg11 : memref<!tpu.dma_semaphore, #tpu.memory_space<semaphore_mem>>)
      %eq3A_362 = arith.constant 13 : i32
      %eq3A_363 = vector.broadcast %eq3A_362 : i32 to vector<16xi32>
      %eq3A_364 = arith.cmpi eq, %iota3A, %eq3A_363 : vector<16xi32>
      %jit3A_365 = arith.constant 0 : i32
      %broadcast_in_dim3A_366 = vector.broadcast %jit3A_365 : i32 to vector<16xi32>
      %select_n3A_367 = arith.select %eq3A_364, %get3A_20, %broadcast_in_dim3A_366 : vector<16xi1>, vector<16xi32>
      %reduce_max3A_368 = arith.constant true
      %reduce_max3A_369 = vector.broadcast %reduce_max3A_368 : i1 to vector<16xi1>
      %reduce_max3A_370 = arith.constant -2147483648 : i32
      %reduce_max3A_371 = vector.broadcast %reduce_max3A_370 : i32 to vector<16xi32>
      %reduce_max3A_372 = arith.xori %select_n3A_367, %reduce_max3A_371 : vector<16xi32>
      %reduce_max3A_373 = tpu.scan <max>, %reduce_max3A_372 masked %reduce_max3A_369 : vector<16xi32>, vector<16xi1> -> vector<16xi32>
      %reduce_max3A_374 = arith.xori %reduce_max3A_373, %reduce_max3A_371 : vector<16xi32>
      %reduce_max3A_375 = vector.extract %reduce_max3A_374[15] : i32 from vector<16xi32>
      %and3A_376 = arith.constant -128 : i32
      %and3A_377 = arith.andi %reduce_max3A_375, %and3A_376 : i32
      %min3A_378 = arith.constant 999808 : i32
      %min3A_379 = arith.minsi %and3A_377, %min3A_378 : i32
      %multiple_of3A_380 = tpu.assume_multiple %min3A_379, 128 : i32
      %dma_start3A_381 = arith.constant 13 : i32
      %dma_start3A_382 = arith.constant 0 : i32
      %dma_start3A_383 = arith.constant 0 : i32
      %dma_start3A_384 = tpu.memref_slice %arg8[%dma_start3A_381, %dma_start3A_382, %dma_start3A_383] : memref<16x32x128xf32, #tpu.memory_space<vmem>> -> memref<1x32x128xf32, #tpu.memory_space<vmem>>
      %dma_start3A_385 = tpu.memref_squeeze %dma_start3A_384 : memref<1x32x128xf32, #tpu.memory_space<vmem>> -> memref<32x128xf32, #tpu.memory_space<vmem>>
      %dma_start3A_386 = arith.constant 0 : i32
      %dma_start3A_387 = tpu.memref_slice %arg3[%dma_start3A_386, %multiple_of3A_380] : memref<32x1000000xf32, #tpu.memory_space<hbm>> -> memref<32x128xf32, #tpu.memory_space<hbm>>
      tpu.enqueue_indirect_dma source(%dma_start3A_387 : memref<32x128xf32, #tpu.memory_space<hbm>>) target(%dma_start3A_385 : memref<32x128xf32, #tpu.memory_space<vmem>>) offsets(%arg7 : memref<32xi32, #tpu.memory_space<vmem>>) semaphore(%arg11 : memref<!tpu.dma_semaphore, #tpu.memory_space<semaphore_mem>>)
      %eq3A_388 = arith.constant 14 : i32
      %eq3A_389 = vector.broadcast %eq3A_388 : i32 to vector<16xi32>
      %eq3A_390 = arith.cmpi eq, %iota3A, %eq3A_389 : vector<16xi32>
      %jit3A_391 = arith.constant 0 : i32
      %broadcast_in_dim3A_392 = vector.broadcast %jit3A_391 : i32 to vector<16xi32>
      %select_n3A_393 = arith.select %eq3A_390, %get3A_20, %broadcast_in_dim3A_392 : vector<16xi1>, vector<16xi32>
      %reduce_max3A_394 = arith.constant true
      %reduce_max3A_395 = vector.broadcast %reduce_max3A_394 : i1 to vector<16xi1>
      %reduce_max3A_396 = arith.constant -2147483648 : i32
      %reduce_max3A_397 = vector.broadcast %reduce_max3A_396 : i32 to vector<16xi32>
      %reduce_max3A_398 = arith.xori %select_n3A_393, %reduce_max3A_397 : vector<16xi32>
      %reduce_max3A_399 = tpu.scan <max>, %reduce_max3A_398 masked %reduce_max3A_395 : vector<16xi32>, vector<16xi1> -> vector<16xi32>
      %reduce_max3A_400 = arith.xori %reduce_max3A_399, %reduce_max3A_397 : vector<16xi32>
      %reduce_max3A_401 = vector.extract %reduce_max3A_400[15] : i32 from vector<16xi32>
      %and3A_402 = arith.constant -128 : i32
      %and3A_403 = arith.andi %reduce_max3A_401, %and3A_402 : i32
      %min3A_404 = arith.constant 999808 : i32
      %min3A_405 = arith.minsi %and3A_403, %min3A_404 : i32
      %multiple_of3A_406 = tpu.assume_multiple %min3A_405, 128 : i32
      %dma_start3A_407 = arith.constant 14 : i32
      %dma_start3A_408 = arith.constant 0 : i32
      %dma_start3A_409 = arith.constant 0 : i32
      %dma_start3A_410 = tpu.memref_slice %arg8[%dma_start3A_407, %dma_start3A_408, %dma_start3A_409] : memref<16x32x128xf32, #tpu.memory_space<vmem>> -> memref<1x32x128xf32, #tpu.memory_space<vmem>>
      %dma_start3A_411 = tpu.memref_squeeze %dma_start3A_410 : memref<1x32x128xf32, #tpu.memory_space<vmem>> -> memref<32x128xf32, #tpu.memory_space<vmem>>
      %dma_start3A_412 = arith.constant 0 : i32
      %dma_start3A_413 = tpu.memref_slice %arg3[%dma_start3A_412, %multiple_of3A_406] : memref<32x1000000xf32, #tpu.memory_space<hbm>> -> memref<32x128xf32, #tpu.memory_space<hbm>>
      tpu.enqueue_indirect_dma source(%dma_start3A_413 : memref<32x128xf32, #tpu.memory_space<hbm>>) target(%dma_start3A_411 : memref<32x128xf32, #tpu.memory_space<vmem>>) offsets(%arg7 : memref<32xi32, #tpu.memory_space<vmem>>) semaphore(%arg11 : memref<!tpu.dma_semaphore, #tpu.memory_space<semaphore_mem>>)
      %eq3A_414 = arith.constant 15 : i32
      %eq3A_415 = vector.broadcast %eq3A_414 : i32 to vector<16xi32>
      %eq3A_416 = arith.cmpi eq, %iota3A, %eq3A_415 : vector<16xi32>
      %jit3A_417 = arith.constant 0 : i32
      %broadcast_in_dim3A_418 = vector.broadcast %jit3A_417 : i32 to vector<16xi32>
      %select_n3A_419 = arith.select %eq3A_416, %get3A_20, %broadcast_in_dim3A_418 : vector<16xi1>, vector<16xi32>
      %reduce_max3A_420 = arith.constant true
      %reduce_max3A_421 = vector.broadcast %reduce_max3A_420 : i1 to vector<16xi1>
      %reduce_max3A_422 = arith.constant -2147483648 : i32
      %reduce_max3A_423 = vector.broadcast %reduce_max3A_422 : i32 to vector<16xi32>
      %reduce_max3A_424 = arith.xori %select_n3A_419, %reduce_max3A_423 : vector<16xi32>
      %reduce_max3A_425 = tpu.scan <max>, %reduce_max3A_424 masked %reduce_max3A_421 : vector<16xi32>, vector<16xi1> -> vector<16xi32>
      %reduce_max3A_426 = arith.xori %reduce_max3A_425, %reduce_max3A_423 : vector<16xi32>
      %reduce_max3A_427 = vector.extract %reduce_max3A_426[15] : i32 from vector<16xi32>
      %and3A_428 = arith.constant -128 : i32
      %and3A_429 = arith.andi %reduce_max3A_427, %and3A_428 : i32
      %min3A_430 = arith.constant 999808 : i32
      %min3A_431 = arith.minsi %and3A_429, %min3A_430 : i32
      %multiple_of3A_432 = tpu.assume_multiple %min3A_431, 128 : i32
      %dma_start3A_433 = arith.constant 15 : i32
      %dma_start3A_434 = arith.constant 0 : i32
      %dma_start3A_435 = arith.constant 0 : i32
      %dma_start3A_436 = tpu.memref_slice %arg8[%dma_start3A_433, %dma_start3A_434, %dma_start3A_435] : memref<16x32x128xf32, #tpu.memory_space<vmem>> -> memref<1x32x128xf32, #tpu.memory_space<vmem>>
      %dma_start3A_437 = tpu.memref_squeeze %dma_start3A_436 : memref<1x32x128xf32, #tpu.memory_space<vmem>> -> memref<32x128xf32, #tpu.memory_space<vmem>>
      %dma_start3A_438 = arith.constant 0 : i32
      %dma_start3A_439 = tpu.memref_slice %arg3[%dma_start3A_438, %multiple_of3A_432] : memref<32x1000000xf32, #tpu.memory_space<hbm>> -> memref<32x128xf32, #tpu.memory_space<hbm>>
      tpu.enqueue_indirect_dma source(%dma_start3A_439 : memref<32x128xf32, #tpu.memory_space<hbm>>) target(%dma_start3A_437 : memref<32x128xf32, #tpu.memory_space<vmem>>) offsets(%arg7 : memref<32xi32, #tpu.memory_space<vmem>>) semaphore(%arg11 : memref<!tpu.dma_semaphore, #tpu.memory_space<semaphore_mem>>)
      %dma_wait3A = arith.constant 0 : i32
      %dma_wait3A_440 = arith.constant 0 : i32
      %dma_wait3A_441 = arith.constant 0 : i32
      %dma_wait3A_442 = tpu.memref_slice %arg8[%dma_wait3A, %dma_wait3A_440, %dma_wait3A_441] : memref<16x32x128xf32, #tpu.memory_space<vmem>> -> memref<1x32x128xf32, #tpu.memory_space<vmem>>
      %dma_wait3A_443 = tpu.memref_squeeze %dma_wait3A_442 : memref<1x32x128xf32, #tpu.memory_space<vmem>> -> memref<32x128xf32, #tpu.memory_space<vmem>>
      %dma_wait3A_444 = arith.constant 0 : i32
      %dma_wait3A_445 = arith.constant 0 : i32
      %dma_wait3A_446 = tpu.memref_slice %arg3[%dma_wait3A_444, %dma_wait3A_445] : memref<32x1000000xf32, #tpu.memory_space<hbm>> -> memref<32x128xf32, #tpu.memory_space<hbm>>
      %dma_wait3A_447 = arith.constant 0 : i32
      %dma_wait3A_448 = arith.constant 0 : i32
      %dma_wait3A_449 = tpu.memref_slice %arg8[%dma_wait3A, %dma_wait3A_447, %dma_wait3A_448] : memref<16x32x128xf32, #tpu.memory_space<vmem>> -> memref<1x32x128xf32, #tpu.memory_space<vmem>>
      %dma_wait3A_450 = tpu.memref_squeeze %dma_wait3A_449 : memref<1x32x128xf32, #tpu.memory_space<vmem>> -> memref<32x128xf32, #tpu.memory_space<vmem>>
      %dma_wait3A_451 = arith.constant 0 : i32
      %dma_wait3A_452 = arith.constant 0 : i32
      %dma_wait3A_453 = tpu.memref_slice %arg3[%dma_wait3A_451, %dma_wait3A_452] : memref<32x1000000xf32, #tpu.memory_space<hbm>> -> memref<32x128xf32, #tpu.memory_space<hbm>>
      tpu.wait_dma2 semaphore(%arg11 : memref<!tpu.dma_semaphore, #tpu.memory_space<semaphore_mem>>) src(%dma_wait3A_453 : memref<32x128xf32, #tpu.memory_space<hbm>>) dst(%dma_wait3A_450 : memref<32x128xf32, #tpu.memory_space<vmem>>)
      %dma_wait3A_454 = arith.constant 1 : i32
      %dma_wait3A_455 = arith.constant 0 : i32
      %dma_wait3A_456 = arith.constant 0 : i32
      %dma_wait3A_457 = tpu.memref_slice %arg8[%dma_wait3A_454, %dma_wait3A_455, %dma_wait3A_456] : memref<16x32x128xf32, #tpu.memory_space<vmem>> -> memref<1x32x128xf32, #tpu.memory_space<vmem>>
      %dma_wait3A_458 = tpu.memref_squeeze %dma_wait3A_457 : memref<1x32x128xf32, #tpu.memory_space<vmem>> -> memref<32x128xf32, #tpu.memory_space<vmem>>
      %dma_wait3A_459 = arith.constant 0 : i32
      %dma_wait3A_460 = arith.constant 0 : i32
      %dma_wait3A_461 = tpu.memref_slice %arg3[%dma_wait3A_459, %dma_wait3A_460] : memref<32x1000000xf32, #tpu.memory_space<hbm>> -> memref<32x128xf32, #tpu.memory_space<hbm>>
      %dma_wait3A_462 = arith.constant 0 : i32
      %dma_wait3A_463 = arith.constant 0 : i32
      %dma_wait3A_464 = tpu.memref_slice %arg8[%dma_wait3A_454, %dma_wait3A_462, %dma_wait3A_463] : memref<16x32x128xf32, #tpu.memory_space<vmem>> -> memref<1x32x128xf32, #tpu.memory_space<vmem>>
      %dma_wait3A_465 = tpu.memref_squeeze %dma_wait3A_464 : memref<1x32x128xf32, #tpu.memory_space<vmem>> -> memref<32x128xf32, #tpu.memory_space<vmem>>
      %dma_wait3A_466 = arith.constant 0 : i32
      %dma_wait3A_467 = arith.constant 0 : i32
      %dma_wait3A_468 = tpu.memref_slice %arg3[%dma_wait3A_466, %dma_wait3A_467] : memref<32x1000000xf32, #tpu.memory_space<hbm>> -> memref<32x128xf32, #tpu.memory_space<hbm>>
      tpu.wait_dma2 semaphore(%arg11 : memref<!tpu.dma_semaphore, #tpu.memory_space<semaphore_mem>>) src(%dma_wait3A_468 : memref<32x128xf32, #tpu.memory_space<hbm>>) dst(%dma_wait3A_465 : memref<32x128xf32, #tpu.memory_space<vmem>>)
      %dma_wait3A_469 = arith.constant 2 : i32
      %dma_wait3A_470 = arith.constant 0 : i32
      %dma_wait3A_471 = arith.constant 0 : i32
      %dma_wait3A_472 = tpu.memref_slice %arg8[%dma_wait3A_469, %dma_wait3A_470, %dma_wait3A_471] : memref<16x32x128xf32, #tpu.memory_space<vmem>> -> memref<1x32x128xf32, #tpu.memory_space<vmem>>
      %dma_wait3A_473 = tpu.memref_squeeze %dma_wait3A_472 : memref<1x32x128xf32, #tpu.memory_space<vmem>> -> memref<32x128xf32, #tpu.memory_space<vmem>>
      %dma_wait3A_474 = arith.constant 0 : i32
      %dma_wait3A_475 = arith.constant 0 : i32
      %dma_wait3A_476 = tpu.memref_slice %arg3[%dma_wait3A_474, %dma_wait3A_475] : memref<32x1000000xf32, #tpu.memory_space<hbm>> -> memref<32x128xf32, #tpu.memory_space<hbm>>
      %dma_wait3A_477 = arith.constant 0 : i32
      %dma_wait3A_478 = arith.constant 0 : i32
      %dma_wait3A_479 = tpu.memref_slice %arg8[%dma_wait3A_469, %dma_wait3A_477, %dma_wait3A_478] : memref<16x32x128xf32, #tpu.memory_space<vmem>> -> memref<1x32x128xf32, #tpu.memory_space<vmem>>
      %dma_wait3A_480 = tpu.memref_squeeze %dma_wait3A_479 : memref<1x32x128xf32, #tpu.memory_space<vmem>> -> memref<32x128xf32, #tpu.memory_space<vmem>>
      %dma_wait3A_481 = arith.constant 0 : i32
      %dma_wait3A_482 = arith.constant 0 : i32
      %dma_wait3A_483 = tpu.memref_slice %arg3[%dma_wait3A_481, %dma_wait3A_482] : memref<32x1000000xf32, #tpu.memory_space<hbm>> -> memref<32x128xf32, #tpu.memory_space<hbm>>
      tpu.wait_dma2 semaphore(%arg11 : memref<!tpu.dma_semaphore, #tpu.memory_space<semaphore_mem>>) src(%dma_wait3A_483 : memref<32x128xf32, #tpu.memory_space<hbm>>) dst(%dma_wait3A_480 : memref<32x128xf32, #tpu.memory_space<vmem>>)
      %dma_wait3A_484 = arith.constant 3 : i32
      %dma_wait3A_485 = arith.constant 0 : i32
      %dma_wait3A_486 = arith.constant 0 : i32
      %dma_wait3A_487 = tpu.memref_slice %arg8[%dma_wait3A_484, %dma_wait3A_485, %dma_wait3A_486] : memref<16x32x128xf32, #tpu.memory_space<vmem>> -> memref<1x32x128xf32, #tpu.memory_space<vmem>>
      %dma_wait3A_488 = tpu.memref_squeeze %dma_wait3A_487 : memref<1x32x128xf32, #tpu.memory_space<vmem>> -> memref<32x128xf32, #tpu.memory_space<vmem>>
      %dma_wait3A_489 = arith.constant 0 : i32
      %dma_wait3A_490 = arith.constant 0 : i32
      %dma_wait3A_491 = tpu.memref_slice %arg3[%dma_wait3A_489, %dma_wait3A_490] : memref<32x1000000xf32, #tpu.memory_space<hbm>> -> memref<32x128xf32, #tpu.memory_space<hbm>>
      %dma_wait3A_492 = arith.constant 0 : i32
      %dma_wait3A_493 = arith.constant 0 : i32
      %dma_wait3A_494 = tpu.memref_slice %arg8[%dma_wait3A_484, %dma_wait3A_492, %dma_wait3A_493] : memref<16x32x128xf32, #tpu.memory_space<vmem>> -> memref<1x32x128xf32, #tpu.memory_space<vmem>>
      %dma_wait3A_495 = tpu.memref_squeeze %dma_wait3A_494 : memref<1x32x128xf32, #tpu.memory_space<vmem>> -> memref<32x128xf32, #tpu.memory_space<vmem>>
      %dma_wait3A_496 = arith.constant 0 : i32
      %dma_wait3A_497 = arith.constant 0 : i32
      %dma_wait3A_498 = tpu.memref_slice %arg3[%dma_wait3A_496, %dma_wait3A_497] : memref<32x1000000xf32, #tpu.memory_space<hbm>> -> memref<32x128xf32, #tpu.memory_space<hbm>>
      tpu.wait_dma2 semaphore(%arg11 : memref<!tpu.dma_semaphore, #tpu.memory_space<semaphore_mem>>) src(%dma_wait3A_498 : memref<32x128xf32, #tpu.memory_space<hbm>>) dst(%dma_wait3A_495 : memref<32x128xf32, #tpu.memory_space<vmem>>)
      %dma_wait3A_499 = arith.constant 4 : i32
      %dma_wait3A_500 = arith.constant 0 : i32
      %dma_wait3A_501 = arith.constant 0 : i32
      %dma_wait3A_502 = tpu.memref_slice %arg8[%dma_wait3A_499, %dma_wait3A_500, %dma_wait3A_501] : memref<16x32x128xf32, #tpu.memory_space<vmem>> -> memref<1x32x128xf32, #tpu.memory_space<vmem>>
      %dma_wait3A_503 = tpu.memref_squeeze %dma_wait3A_502 : memref<1x32x128xf32, #tpu.memory_space<vmem>> -> memref<32x128xf32, #tpu.memory_space<vmem>>
      %dma_wait3A_504 = arith.constant 0 : i32
      %dma_wait3A_505 = arith.constant 0 : i32
      %dma_wait3A_506 = tpu.memref_slice %arg3[%dma_wait3A_504, %dma_wait3A_505] : memref<32x1000000xf32, #tpu.memory_space<hbm>> -> memref<32x128xf32, #tpu.memory_space<hbm>>
      %dma_wait3A_507 = arith.constant 0 : i32
      %dma_wait3A_508 = arith.constant 0 : i32
      %dma_wait3A_509 = tpu.memref_slice %arg8[%dma_wait3A_499, %dma_wait3A_507, %dma_wait3A_508] : memref<16x32x128xf32, #tpu.memory_space<vmem>> -> memref<1x32x128xf32, #tpu.memory_space<vmem>>
      %dma_wait3A_510 = tpu.memref_squeeze %dma_wait3A_509 : memref<1x32x128xf32, #tpu.memory_space<vmem>> -> memref<32x128xf32, #tpu.memory_space<vmem>>
      %dma_wait3A_511 = arith.constant 0 : i32
      %dma_wait3A_512 = arith.constant 0 : i32
      %dma_wait3A_513 = tpu.memref_slice %arg3[%dma_wait3A_511, %dma_wait3A_512] : memref<32x1000000xf32, #tpu.memory_space<hbm>> -> memref<32x128xf32, #tpu.memory_space<hbm>>
      tpu.wait_dma2 semaphore(%arg11 : memref<!tpu.dma_semaphore, #tpu.memory_space<semaphore_mem>>) src(%dma_wait3A_513 : memref<32x128xf32, #tpu.memory_space<hbm>>) dst(%dma_wait3A_510 : memref<32x128xf32, #tpu.memory_space<vmem>>)
      %dma_wait3A_514 = arith.constant 5 : i32
      %dma_wait3A_515 = arith.constant 0 : i32
      %dma_wait3A_516 = arith.constant 0 : i32
      %dma_wait3A_517 = tpu.memref_slice %arg8[%dma_wait3A_514, %dma_wait3A_515, %dma_wait3A_516] : memref<16x32x128xf32, #tpu.memory_space<vmem>> -> memref<1x32x128xf32, #tpu.memory_space<vmem>>
      %dma_wait3A_518 = tpu.memref_squeeze %dma_wait3A_517 : memref<1x32x128xf32, #tpu.memory_space<vmem>> -> memref<32x128xf32, #tpu.memory_space<vmem>>
      %dma_wait3A_519 = arith.constant 0 : i32
      %dma_wait3A_520 = arith.constant 0 : i32
      %dma_wait3A_521 = tpu.memref_slice %arg3[%dma_wait3A_519, %dma_wait3A_520] : memref<32x1000000xf32, #tpu.memory_space<hbm>> -> memref<32x128xf32, #tpu.memory_space<hbm>>
      %dma_wait3A_522 = arith.constant 0 : i32
      %dma_wait3A_523 = arith.constant 0 : i32
      %dma_wait3A_524 = tpu.memref_slice %arg8[%dma_wait3A_514, %dma_wait3A_522, %dma_wait3A_523] : memref<16x32x128xf32, #tpu.memory_space<vmem>> -> memref<1x32x128xf32, #tpu.memory_space<vmem>>
      %dma_wait3A_525 = tpu.memref_squeeze %dma_wait3A_524 : memref<1x32x128xf32, #tpu.memory_space<vmem>> -> memref<32x128xf32, #tpu.memory_space<vmem>>
      %dma_wait3A_526 = arith.constant 0 : i32
      %dma_wait3A_527 = arith.constant 0 : i32
      %dma_wait3A_528 = tpu.memref_slice %arg3[%dma_wait3A_526, %dma_wait3A_527] : memref<32x1000000xf32, #tpu.memory_space<hbm>> -> memref<32x128xf32, #tpu.memory_space<hbm>>
      tpu.wait_dma2 semaphore(%arg11 : memref<!tpu.dma_semaphore, #tpu.memory_space<semaphore_mem>>) src(%dma_wait3A_528 : memref<32x128xf32, #tpu.memory_space<hbm>>) dst(%dma_wait3A_525 : memref<32x128xf32, #tpu.memory_space<vmem>>)
      %dma_wait3A_529 = arith.constant 6 : i32
      %dma_wait3A_530 = arith.constant 0 : i32
      %dma_wait3A_531 = arith.constant 0 : i32
      %dma_wait3A_532 = tpu.memref_slice %arg8[%dma_wait3A_529, %dma_wait3A_530, %dma_wait3A_531] : memref<16x32x128xf32, #tpu.memory_space<vmem>> -> memref<1x32x128xf32, #tpu.memory_space<vmem>>
      %dma_wait3A_533 = tpu.memref_squeeze %dma_wait3A_532 : memref<1x32x128xf32, #tpu.memory_space<vmem>> -> memref<32x128xf32, #tpu.memory_space<vmem>>
      %dma_wait3A_534 = arith.constant 0 : i32
      %dma_wait3A_535 = arith.constant 0 : i32
      %dma_wait3A_536 = tpu.memref_slice %arg3[%dma_wait3A_534, %dma_wait3A_535] : memref<32x1000000xf32, #tpu.memory_space<hbm>> -> memref<32x128xf32, #tpu.memory_space<hbm>>
      %dma_wait3A_537 = arith.constant 0 : i32
      %dma_wait3A_538 = arith.constant 0 : i32
      %dma_wait3A_539 = tpu.memref_slice %arg8[%dma_wait3A_529, %dma_wait3A_537, %dma_wait3A_538] : memref<16x32x128xf32, #tpu.memory_space<vmem>> -> memref<1x32x128xf32, #tpu.memory_space<vmem>>
      %dma_wait3A_540 = tpu.memref_squeeze %dma_wait3A_539 : memref<1x32x128xf32, #tpu.memory_space<vmem>> -> memref<32x128xf32, #tpu.memory_space<vmem>>
      %dma_wait3A_541 = arith.constant 0 : i32
      %dma_wait3A_542 = arith.constant 0 : i32
      %dma_wait3A_543 = tpu.memref_slice %arg3[%dma_wait3A_541, %dma_wait3A_542] : memref<32x1000000xf32, #tpu.memory_space<hbm>> -> memref<32x128xf32, #tpu.memory_space<hbm>>
      tpu.wait_dma2 semaphore(%arg11 : memref<!tpu.dma_semaphore, #tpu.memory_space<semaphore_mem>>) src(%dma_wait3A_543 : memref<32x128xf32, #tpu.memory_space<hbm>>) dst(%dma_wait3A_540 : memref<32x128xf32, #tpu.memory_space<vmem>>)
      %dma_wait3A_544 = arith.constant 7 : i32
      %dma_wait3A_545 = arith.constant 0 : i32
      %dma_wait3A_546 = arith.constant 0 : i32
      %dma_wait3A_547 = tpu.memref_slice %arg8[%dma_wait3A_544, %dma_wait3A_545, %dma_wait3A_546] : memref<16x32x128xf32, #tpu.memory_space<vmem>> -> memref<1x32x128xf32, #tpu.memory_space<vmem>>
      %dma_wait3A_548 = tpu.memref_squeeze %dma_wait3A_547 : memref<1x32x128xf32, #tpu.memory_space<vmem>> -> memref<32x128xf32, #tpu.memory_space<vmem>>
      %dma_wait3A_549 = arith.constant 0 : i32
      %dma_wait3A_550 = arith.constant 0 : i32
      %dma_wait3A_551 = tpu.memref_slice %arg3[%dma_wait3A_549, %dma_wait3A_550] : memref<32x1000000xf32, #tpu.memory_space<hbm>> -> memref<32x128xf32, #tpu.memory_space<hbm>>
      %dma_wait3A_552 = arith.constant 0 : i32
      %dma_wait3A_553 = arith.constant 0 : i32
      %dma_wait3A_554 = tpu.memref_slice %arg8[%dma_wait3A_544, %dma_wait3A_552, %dma_wait3A_553] : memref<16x32x128xf32, #tpu.memory_space<vmem>> -> memref<1x32x128xf32, #tpu.memory_space<vmem>>
      %dma_wait3A_555 = tpu.memref_squeeze %dma_wait3A_554 : memref<1x32x128xf32, #tpu.memory_space<vmem>> -> memref<32x128xf32, #tpu.memory_space<vmem>>
      %dma_wait3A_556 = arith.constant 0 : i32
      %dma_wait3A_557 = arith.constant 0 : i32
      %dma_wait3A_558 = tpu.memref_slice %arg3[%dma_wait3A_556, %dma_wait3A_557] : memref<32x1000000xf32, #tpu.memory_space<hbm>> -> memref<32x128xf32, #tpu.memory_space<hbm>>
      tpu.wait_dma2 semaphore(%arg11 : memref<!tpu.dma_semaphore, #tpu.memory_space<semaphore_mem>>) src(%dma_wait3A_558 : memref<32x128xf32, #tpu.memory_space<hbm>>) dst(%dma_wait3A_555 : memref<32x128xf32, #tpu.memory_space<vmem>>)
      %dma_wait3A_559 = arith.constant 8 : i32
      %dma_wait3A_560 = arith.constant 0 : i32
      %dma_wait3A_561 = arith.constant 0 : i32
      %dma_wait3A_562 = tpu.memref_slice %arg8[%dma_wait3A_559, %dma_wait3A_560, %dma_wait3A_561] : memref<16x32x128xf32, #tpu.memory_space<vmem>> -> memref<1x32x128xf32, #tpu.memory_space<vmem>>
      %dma_wait3A_563 = tpu.memref_squeeze %dma_wait3A_562 : memref<1x32x128xf32, #tpu.memory_space<vmem>> -> memref<32x128xf32, #tpu.memory_space<vmem>>
      %dma_wait3A_564 = arith.constant 0 : i32
      %dma_wait3A_565 = arith.constant 0 : i32
      %dma_wait3A_566 = tpu.memref_slice %arg3[%dma_wait3A_564, %dma_wait3A_565] : memref<32x1000000xf32, #tpu.memory_space<hbm>> -> memref<32x128xf32, #tpu.memory_space<hbm>>
      %dma_wait3A_567 = arith.constant 0 : i32
      %dma_wait3A_568 = arith.constant 0 : i32
      %dma_wait3A_569 = tpu.memref_slice %arg8[%dma_wait3A_559, %dma_wait3A_567, %dma_wait3A_568] : memref<16x32x128xf32, #tpu.memory_space<vmem>> -> memref<1x32x128xf32, #tpu.memory_space<vmem>>
      %dma_wait3A_570 = tpu.memref_squeeze %dma_wait3A_569 : memref<1x32x128xf32, #tpu.memory_space<vmem>> -> memref<32x128xf32, #tpu.memory_space<vmem>>
      %dma_wait3A_571 = arith.constant 0 : i32
      %dma_wait3A_572 = arith.constant 0 : i32
      %dma_wait3A_573 = tpu.memref_slice %arg3[%dma_wait3A_571, %dma_wait3A_572] : memref<32x1000000xf32, #tpu.memory_space<hbm>> -> memref<32x128xf32, #tpu.memory_space<hbm>>
      tpu.wait_dma2 semaphore(%arg11 : memref<!tpu.dma_semaphore, #tpu.memory_space<semaphore_mem>>) src(%dma_wait3A_573 : memref<32x128xf32, #tpu.memory_space<hbm>>) dst(%dma_wait3A_570 : memref<32x128xf32, #tpu.memory_space<vmem>>)
      %dma_wait3A_574 = arith.constant 9 : i32
      %dma_wait3A_575 = arith.constant 0 : i32
      %dma_wait3A_576 = arith.constant 0 : i32
      %dma_wait3A_577 = tpu.memref_slice %arg8[%dma_wait3A_574, %dma_wait3A_575, %dma_wait3A_576] : memref<16x32x128xf32, #tpu.memory_space<vmem>> -> memref<1x32x128xf32, #tpu.memory_space<vmem>>
      %dma_wait3A_578 = tpu.memref_squeeze %dma_wait3A_577 : memref<1x32x128xf32, #tpu.memory_space<vmem>> -> memref<32x128xf32, #tpu.memory_space<vmem>>
      %dma_wait3A_579 = arith.constant 0 : i32
      %dma_wait3A_580 = arith.constant 0 : i32
      %dma_wait3A_581 = tpu.memref_slice %arg3[%dma_wait3A_579, %dma_wait3A_580] : memref<32x1000000xf32, #tpu.memory_space<hbm>> -> memref<32x128xf32, #tpu.memory_space<hbm>>
      %dma_wait3A_582 = arith.constant 0 : i32
      %dma_wait3A_583 = arith.constant 0 : i32
      %dma_wait3A_584 = tpu.memref_slice %arg8[%dma_wait3A_574, %dma_wait3A_582, %dma_wait3A_583] : memref<16x32x128xf32, #tpu.memory_space<vmem>> -> memref<1x32x128xf32, #tpu.memory_space<vmem>>
      %dma_wait3A_585 = tpu.memref_squeeze %dma_wait3A_584 : memref<1x32x128xf32, #tpu.memory_space<vmem>> -> memref<32x128xf32, #tpu.memory_space<vmem>>
      %dma_wait3A_586 = arith.constant 0 : i32
      %dma_wait3A_587 = arith.constant 0 : i32
      %dma_wait3A_588 = tpu.memref_slice %arg3[%dma_wait3A_586, %dma_wait3A_587] : memref<32x1000000xf32, #tpu.memory_space<hbm>> -> memref<32x128xf32, #tpu.memory_space<hbm>>
      tpu.wait_dma2 semaphore(%arg11 : memref<!tpu.dma_semaphore, #tpu.memory_space<semaphore_mem>>) src(%dma_wait3A_588 : memref<32x128xf32, #tpu.memory_space<hbm>>) dst(%dma_wait3A_585 : memref<32x128xf32, #tpu.memory_space<vmem>>)
      %dma_wait3A_589 = arith.constant 10 : i32
      %dma_wait3A_590 = arith.constant 0 : i32
      %dma_wait3A_591 = arith.constant 0 : i32
      %dma_wait3A_592 = tpu.memref_slice %arg8[%dma_wait3A_589, %dma_wait3A_590, %dma_wait3A_591] : memref<16x32x128xf32, #tpu.memory_space<vmem>> -> memref<1x32x128xf32, #tpu.memory_space<vmem>>
      %dma_wait3A_593 = tpu.memref_squeeze %dma_wait3A_592 : memref<1x32x128xf32, #tpu.memory_space<vmem>> -> memref<32x128xf32, #tpu.memory_space<vmem>>
      %dma_wait3A_594 = arith.constant 0 : i32
      %dma_wait3A_595 = arith.constant 0 : i32
      %dma_wait3A_596 = tpu.memref_slice %arg3[%dma_wait3A_594, %dma_wait3A_595] : memref<32x1000000xf32, #tpu.memory_space<hbm>> -> memref<32x128xf32, #tpu.memory_space<hbm>>
      %dma_wait3A_597 = arith.constant 0 : i32
      %dma_wait3A_598 = arith.constant 0 : i32
      %dma_wait3A_599 = tpu.memref_slice %arg8[%dma_wait3A_589, %dma_wait3A_597, %dma_wait3A_598] : memref<16x32x128xf32, #tpu.memory_space<vmem>> -> memref<1x32x128xf32, #tpu.memory_space<vmem>>
      %dma_wait3A_600 = tpu.memref_squeeze %dma_wait3A_599 : memref<1x32x128xf32, #tpu.memory_space<vmem>> -> memref<32x128xf32, #tpu.memory_space<vmem>>
      %dma_wait3A_601 = arith.constant 0 : i32
      %dma_wait3A_602 = arith.constant 0 : i32
      %dma_wait3A_603 = tpu.memref_slice %arg3[%dma_wait3A_601, %dma_wait3A_602] : memref<32x1000000xf32, #tpu.memory_space<hbm>> -> memref<32x128xf32, #tpu.memory_space<hbm>>
      tpu.wait_dma2 semaphore(%arg11 : memref<!tpu.dma_semaphore, #tpu.memory_space<semaphore_mem>>) src(%dma_wait3A_603 : memref<32x128xf32, #tpu.memory_space<hbm>>) dst(%dma_wait3A_600 : memref<32x128xf32, #tpu.memory_space<vmem>>)
      %dma_wait3A_604 = arith.constant 11 : i32
      %dma_wait3A_605 = arith.constant 0 : i32
      %dma_wait3A_606 = arith.constant 0 : i32
      %dma_wait3A_607 = tpu.memref_slice %arg8[%dma_wait3A_604, %dma_wait3A_605, %dma_wait3A_606] : memref<16x32x128xf32, #tpu.memory_space<vmem>> -> memref<1x32x128xf32, #tpu.memory_space<vmem>>
      %dma_wait3A_608 = tpu.memref_squeeze %dma_wait3A_607 : memref<1x32x128xf32, #tpu.memory_space<vmem>> -> memref<32x128xf32, #tpu.memory_space<vmem>>
      %dma_wait3A_609 = arith.constant 0 : i32
      %dma_wait3A_610 = arith.constant 0 : i32
      %dma_wait3A_611 = tpu.memref_slice %arg3[%dma_wait3A_609, %dma_wait3A_610] : memref<32x1000000xf32, #tpu.memory_space<hbm>> -> memref<32x128xf32, #tpu.memory_space<hbm>>
      %dma_wait3A_612 = arith.constant 0 : i32
      %dma_wait3A_613 = arith.constant 0 : i32
      %dma_wait3A_614 = tpu.memref_slice %arg8[%dma_wait3A_604, %dma_wait3A_612, %dma_wait3A_613] : memref<16x32x128xf32, #tpu.memory_space<vmem>> -> memref<1x32x128xf32, #tpu.memory_space<vmem>>
      %dma_wait3A_615 = tpu.memref_squeeze %dma_wait3A_614 : memref<1x32x128xf32, #tpu.memory_space<vmem>> -> memref<32x128xf32, #tpu.memory_space<vmem>>
      %dma_wait3A_616 = arith.constant 0 : i32
      %dma_wait3A_617 = arith.constant 0 : i32
      %dma_wait3A_618 = tpu.memref_slice %arg3[%dma_wait3A_616, %dma_wait3A_617] : memref<32x1000000xf32, #tpu.memory_space<hbm>> -> memref<32x128xf32, #tpu.memory_space<hbm>>
      tpu.wait_dma2 semaphore(%arg11 : memref<!tpu.dma_semaphore, #tpu.memory_space<semaphore_mem>>) src(%dma_wait3A_618 : memref<32x128xf32, #tpu.memory_space<hbm>>) dst(%dma_wait3A_615 : memref<32x128xf32, #tpu.memory_space<vmem>>)
      %dma_wait3A_619 = arith.constant 12 : i32
      %dma_wait3A_620 = arith.constant 0 : i32
      %dma_wait3A_621 = arith.constant 0 : i32
      %dma_wait3A_622 = tpu.memref_slice %arg8[%dma_wait3A_619, %dma_wait3A_620, %dma_wait3A_621] : memref<16x32x128xf32, #tpu.memory_space<vmem>> -> memref<1x32x128xf32, #tpu.memory_space<vmem>>
      %dma_wait3A_623 = tpu.memref_squeeze %dma_wait3A_622 : memref<1x32x128xf32, #tpu.memory_space<vmem>> -> memref<32x128xf32, #tpu.memory_space<vmem>>
      %dma_wait3A_624 = arith.constant 0 : i32
      %dma_wait3A_625 = arith.constant 0 : i32
      %dma_wait3A_626 = tpu.memref_slice %arg3[%dma_wait3A_624, %dma_wait3A_625] : memref<32x1000000xf32, #tpu.memory_space<hbm>> -> memref<32x128xf32, #tpu.memory_space<hbm>>
      %dma_wait3A_627 = arith.constant 0 : i32
      %dma_wait3A_628 = arith.constant 0 : i32
      %dma_wait3A_629 = tpu.memref_slice %arg8[%dma_wait3A_619, %dma_wait3A_627, %dma_wait3A_628] : memref<16x32x128xf32, #tpu.memory_space<vmem>> -> memref<1x32x128xf32, #tpu.memory_space<vmem>>
      %dma_wait3A_630 = tpu.memref_squeeze %dma_wait3A_629 : memref<1x32x128xf32, #tpu.memory_space<vmem>> -> memref<32x128xf32, #tpu.memory_space<vmem>>
      %dma_wait3A_631 = arith.constant 0 : i32
      %dma_wait3A_632 = arith.constant 0 : i32
      %dma_wait3A_633 = tpu.memref_slice %arg3[%dma_wait3A_631, %dma_wait3A_632] : memref<32x1000000xf32, #tpu.memory_space<hbm>> -> memref<32x128xf32, #tpu.memory_space<hbm>>
      tpu.wait_dma2 semaphore(%arg11 : memref<!tpu.dma_semaphore, #tpu.memory_space<semaphore_mem>>) src(%dma_wait3A_633 : memref<32x128xf32, #tpu.memory_space<hbm>>) dst(%dma_wait3A_630 : memref<32x128xf32, #tpu.memory_space<vmem>>)
      %dma_wait3A_634 = arith.constant 13 : i32
      %dma_wait3A_635 = arith.constant 0 : i32
      %dma_wait3A_636 = arith.constant 0 : i32
      %dma_wait3A_637 = tpu.memref_slice %arg8[%dma_wait3A_634, %dma_wait3A_635, %dma_wait3A_636] : memref<16x32x128xf32, #tpu.memory_space<vmem>> -> memref<1x32x128xf32, #tpu.memory_space<vmem>>
      %dma_wait3A_638 = tpu.memref_squeeze %dma_wait3A_637 : memref<1x32x128xf32, #tpu.memory_space<vmem>> -> memref<32x128xf32, #tpu.memory_space<vmem>>
      %dma_wait3A_639 = arith.constant 0 : i32
      %dma_wait3A_640 = arith.constant 0 : i32
      %dma_wait3A_641 = tpu.memref_slice %arg3[%dma_wait3A_639, %dma_wait3A_640] : memref<32x1000000xf32, #tpu.memory_space<hbm>> -> memref<32x128xf32, #tpu.memory_space<hbm>>
      %dma_wait3A_642 = arith.constant 0 : i32
      %dma_wait3A_643 = arith.constant 0 : i32
      %dma_wait3A_644 = tpu.memref_slice %arg8[%dma_wait3A_634, %dma_wait3A_642, %dma_wait3A_643] : memref<16x32x128xf32, #tpu.memory_space<vmem>> -> memref<1x32x128xf32, #tpu.memory_space<vmem>>
      %dma_wait3A_645 = tpu.memref_squeeze %dma_wait3A_644 : memref<1x32x128xf32, #tpu.memory_space<vmem>> -> memref<32x128xf32, #tpu.memory_space<vmem>>
      %dma_wait3A_646 = arith.constant 0 : i32
      %dma_wait3A_647 = arith.constant 0 : i32
      %dma_wait3A_648 = tpu.memref_slice %arg3[%dma_wait3A_646, %dma_wait3A_647] : memref<32x1000000xf32, #tpu.memory_space<hbm>> -> memref<32x128xf32, #tpu.memory_space<hbm>>
      tpu.wait_dma2 semaphore(%arg11 : memref<!tpu.dma_semaphore, #tpu.memory_space<semaphore_mem>>) src(%dma_wait3A_648 : memref<32x128xf32, #tpu.memory_space<hbm>>) dst(%dma_wait3A_645 : memref<32x128xf32, #tpu.memory_space<vmem>>)
      %dma_wait3A_649 = arith.constant 14 : i32
      %dma_wait3A_650 = arith.constant 0 : i32
      %dma_wait3A_651 = arith.constant 0 : i32
      %dma_wait3A_652 = tpu.memref_slice %arg8[%dma_wait3A_649, %dma_wait3A_650, %dma_wait3A_651] : memref<16x32x128xf32, #tpu.memory_space<vmem>> -> memref<1x32x128xf32, #tpu.memory_space<vmem>>
      %dma_wait3A_653 = tpu.memref_squeeze %dma_wait3A_652 : memref<1x32x128xf32, #tpu.memory_space<vmem>> -> memref<32x128xf32, #tpu.memory_space<vmem>>
      %dma_wait3A_654 = arith.constant 0 : i32
      %dma_wait3A_655 = arith.constant 0 : i32
      %dma_wait3A_656 = tpu.memref_slice %arg3[%dma_wait3A_654, %dma_wait3A_655] : memref<32x1000000xf32, #tpu.memory_space<hbm>> -> memref<32x128xf32, #tpu.memory_space<hbm>>
      %dma_wait3A_657 = arith.constant 0 : i32
      %dma_wait3A_658 = arith.constant 0 : i32
      %dma_wait3A_659 = tpu.memref_slice %arg8[%dma_wait3A_649, %dma_wait3A_657, %dma_wait3A_658] : memref<16x32x128xf32, #tpu.memory_space<vmem>> -> memref<1x32x128xf32, #tpu.memory_space<vmem>>
      %dma_wait3A_660 = tpu.memref_squeeze %dma_wait3A_659 : memref<1x32x128xf32, #tpu.memory_space<vmem>> -> memref<32x128xf32, #tpu.memory_space<vmem>>
      %dma_wait3A_661 = arith.constant 0 : i32
      %dma_wait3A_662 = arith.constant 0 : i32
      %dma_wait3A_663 = tpu.memref_slice %arg3[%dma_wait3A_661, %dma_wait3A_662] : memref<32x1000000xf32, #tpu.memory_space<hbm>> -> memref<32x128xf32, #tpu.memory_space<hbm>>
      tpu.wait_dma2 semaphore(%arg11 : memref<!tpu.dma_semaphore, #tpu.memory_space<semaphore_mem>>) src(%dma_wait3A_663 : memref<32x128xf32, #tpu.memory_space<hbm>>) dst(%dma_wait3A_660 : memref<32x128xf32, #tpu.memory_space<vmem>>)
      %dma_wait3A_664 = arith.constant 15 : i32
      %dma_wait3A_665 = arith.constant 0 : i32
      %dma_wait3A_666 = arith.constant 0 : i32
      %dma_wait3A_667 = tpu.memref_slice %arg8[%dma_wait3A_664, %dma_wait3A_665, %dma_wait3A_666] : memref<16x32x128xf32, #tpu.memory_space<vmem>> -> memref<1x32x128xf32, #tpu.memory_space<vmem>>
      %dma_wait3A_668 = tpu.memref_squeeze %dma_wait3A_667 : memref<1x32x128xf32, #tpu.memory_space<vmem>> -> memref<32x128xf32, #tpu.memory_space<vmem>>
      %dma_wait3A_669 = arith.constant 0 : i32
      %dma_wait3A_670 = arith.constant 0 : i32
      %dma_wait3A_671 = tpu.memref_slice %arg3[%dma_wait3A_669, %dma_wait3A_670] : memref<32x1000000xf32, #tpu.memory_space<hbm>> -> memref<32x128xf32, #tpu.memory_space<hbm>>
      %dma_wait3A_672 = arith.constant 0 : i32
      %dma_wait3A_673 = arith.constant 0 : i32
      %dma_wait3A_674 = tpu.memref_slice %arg8[%dma_wait3A_664, %dma_wait3A_672, %dma_wait3A_673] : memref<16x32x128xf32, #tpu.memory_space<vmem>> -> memref<1x32x128xf32, #tpu.memory_space<vmem>>
      %dma_wait3A_675 = tpu.memref_squeeze %dma_wait3A_674 : memref<1x32x128xf32, #tpu.memory_space<vmem>> -> memref<32x128xf32, #tpu.memory_space<vmem>>
      %dma_wait3A_676 = arith.constant 0 : i32
      %dma_wait3A_677 = arith.constant 0 : i32
      %dma_wait3A_678 = tpu.memref_slice %arg3[%dma_wait3A_676, %dma_wait3A_677] : memref<32x1000000xf32, #tpu.memory_space<hbm>> -> memref<32x128xf32, #tpu.memory_space<hbm>>
      tpu.wait_dma2 semaphore(%arg11 : memref<!tpu.dma_semaphore, #tpu.memory_space<semaphore_mem>>) src(%dma_wait3A_678 : memref<32x128xf32, #tpu.memory_space<hbm>>) dst(%dma_wait3A_675 : memref<32x128xf32, #tpu.memory_space<vmem>>)
      %broadcast_in_dim3A_679 = arith.constant 0 : i32
      %broadcast_in_dim3A_680 = vector.broadcast %broadcast_in_dim3A_679 : i32 to vector<16xi32>
      %gather3A = tpu.vector_load_idx %arg8[%iota3A, %broadcast_in_dim3A_680, %and3A_22] : memref<16x32x128xf32, #tpu.memory_space<vmem>>[vector<16xi32>, vector<16xi32>, vector<16xi32>], vector<16xf32>,
      %gather3A_681 = tpu.vector_load_idx %arg9[%min3A_29, %broadcast_in_dim3A_680] : memref<64x32xf32, #tpu.memory_space<vmem>>[vector<16xi32>, vector<16xi32>], vector<16xf32>,
      %select_n3A_682 = arith.select %ge3A_24, %gather3A_681, %gather3A : vector<16xi1>, vector<16xf32>
      %mul3A_683 = arith.constant 16 : i32
      %mul3A_684 = arith.muli %add3A_17, %mul3A_683 : i32
      %swap3A_685 = arith.constant 0 : i32
      %swap3A_686 = arith.index_cast %swap3A_685 : i32 to index
      %swap3A_687 = arith.index_cast %mul3A_684 : i32 to index
      %swap3A_688 = tpu.vector_load %arg10[%swap3A_686, %swap3A_687] {strides = array<i32>} : memref<32x512xf32, #tpu.memory_space<vmem>>, vector<16xf32>,
      tpu.vector_store %arg10[%swap3A_686, %swap3A_687], %select_n3A_682 {strides = array<i32>} : memref<32x512xf32, #tpu.memory_space<vmem>>, vector<16xf32>,
      %broadcast_in_dim3A_689 = arith.constant 1 : i32
      %broadcast_in_dim3A_690 = vector.broadcast %broadcast_in_dim3A_689 : i32 to vector<16xi32>
      %gather3A_691 = tpu.vector_load_idx %arg8[%iota3A, %broadcast_in_dim3A_690, %and3A_22] : memref<16x32x128xf32, #tpu.memory_space<vmem>>[vector<16xi32>, vector<16xi32>, vector<16xi32>], vector<16xf32>,
      %gather3A_692 = tpu.vector_load_idx %arg9[%min3A_29, %broadcast_in_dim3A_690] : memref<64x32xf32, #tpu.memory_space<vmem>>[vector<16xi32>, vector<16xi32>], vector<16xf32>,
      %select_n3A_693 = arith.select %ge3A_24, %gather3A_692, %gather3A_691 : vector<16xi1>, vector<16xf32>
      %mul3A_694 = arith.constant 16 : i32
      %mul3A_695 = arith.muli %add3A_17, %mul3A_694 : i32
      %swap3A_696 = arith.constant 1 : i32
      %swap3A_697 = arith.index_cast %swap3A_696 : i32 to index
      %swap3A_698 = arith.index_cast %mul3A_695 : i32 to index
      %swap3A_699 = tpu.vector_load %arg10[%swap3A_697, %swap3A_698] {strides = array<i32>} : memref<32x512xf32, #tpu.memory_space<vmem>>, vector<16xf32>,
      tpu.vector_store %arg10[%swap3A_697, %swap3A_698], %select_n3A_693 {strides = array<i32>} : memref<32x512xf32, #tpu.memory_space<vmem>>, vector<16xf32>,
      %broadcast_in_dim3A_700 = arith.constant 2 : i32
      %broadcast_in_dim3A_701 = vector.broadcast %broadcast_in_dim3A_700 : i32 to vector<16xi32>
      %gather3A_702 = tpu.vector_load_idx %arg8[%iota3A, %broadcast_in_dim3A_701, %and3A_22] : memref<16x32x128xf32, #tpu.memory_space<vmem>>[vector<16xi32>, vector<16xi32>, vector<16xi32>], vector<16xf32>,
      %gather3A_703 = tpu.vector_load_idx %arg9[%min3A_29, %broadcast_in_dim3A_701] : memref<64x32xf32, #tpu.memory_space<vmem>>[vector<16xi32>, vector<16xi32>], vector<16xf32>,
      %select_n3A_704 = arith.select %ge3A_24, %gather3A_703, %gather3A_702 : vector<16xi1>, vector<16xf32>
      %mul3A_705 = arith.constant 16 : i32
      %mul3A_706 = arith.muli %add3A_17, %mul3A_705 : i32
      %swap3A_707 = arith.constant 2 : i32
      %swap3A_708 = arith.index_cast %swap3A_707 : i32 to index
      %swap3A_709 = arith.index_cast %mul3A_706 : i32 to index
      %swap3A_710 = tpu.vector_load %arg10[%swap3A_708, %swap3A_709] {strides = array<i32>} : memref<32x512xf32, #tpu.memory_space<vmem>>, vector<16xf32>,
      tpu.vector_store %arg10[%swap3A_708, %swap3A_709], %select_n3A_704 {strides = array<i32>} : memref<32x512xf32, #tpu.memory_space<vmem>>, vector<16xf32>,
      %broadcast_in_dim3A_711 = arith.constant 3 : i32
      %broadcast_in_dim3A_712 = vector.broadcast %broadcast_in_dim3A_711 : i32 to vector<16xi32>
      %gather3A_713 = tpu.vector_load_idx %arg8[%iota3A, %broadcast_in_dim3A_712, %and3A_22] : memref<16x32x128xf32, #tpu.memory_space<vmem>>[vector<16xi32>, vector<16xi32>, vector<16xi32>], vector<16xf32>,
      %gather3A_714 = tpu.vector_load_idx %arg9[%min3A_29, %broadcast_in_dim3A_712] : memref<64x32xf32, #tpu.memory_space<vmem>>[vector<16xi32>, vector<16xi32>], vector<16xf32>,
      %select_n3A_715 = arith.select %ge3A_24, %gather3A_714, %gather3A_713 : vector<16xi1>, vector<16xf32>
      %mul3A_716 = arith.constant 16 : i32
      %mul3A_717 = arith.muli %add3A_17, %mul3A_716 : i32
      %swap3A_718 = arith.constant 3 : i32
      %swap3A_719 = arith.index_cast %swap3A_718 : i32 to index
      %swap3A_720 = arith.index_cast %mul3A_717 : i32 to index
      %swap3A_721 = tpu.vector_load %arg10[%swap3A_719, %swap3A_720] {strides = array<i32>} : memref<32x512xf32, #tpu.memory_space<vmem>>, vector<16xf32>,
      tpu.vector_store %arg10[%swap3A_719, %swap3A_720], %select_n3A_715 {strides = array<i32>} : memref<32x512xf32, #tpu.memory_space<vmem>>, vector<16xf32>,
      %broadcast_in_dim3A_722 = arith.constant 4 : i32
      %broadcast_in_dim3A_723 = vector.broadcast %broadcast_in_dim3A_722 : i32 to vector<16xi32>
      %gather3A_724 = tpu.vector_load_idx %arg8[%iota3A, %broadcast_in_dim3A_723, %and3A_22] : memref<16x32x128xf32, #tpu.memory_space<vmem>>[vector<16xi32>, vector<16xi32>, vector<16xi32>], vector<16xf32>,
      %gather3A_725 = tpu.vector_load_idx %arg9[%min3A_29, %broadcast_in_dim3A_723] : memref<64x32xf32, #tpu.memory_space<vmem>>[vector<16xi32>, vector<16xi32>], vector<16xf32>,
      %select_n3A_726 = arith.select %ge3A_24, %gather3A_725, %gather3A_724 : vector<16xi1>, vector<16xf32>
      %mul3A_727 = arith.constant 16 : i32
      %mul3A_728 = arith.muli %add3A_17, %mul3A_727 : i32
      %swap3A_729 = arith.constant 4 : i32
      %swap3A_730 = arith.index_cast %swap3A_729 : i32 to index
      %swap3A_731 = arith.index_cast %mul3A_728 : i32 to index
      %swap3A_732 = tpu.vector_load %arg10[%swap3A_730, %swap3A_731] {strides = array<i32>} : memref<32x512xf32, #tpu.memory_space<vmem>>, vector<16xf32>,
      tpu.vector_store %arg10[%swap3A_730, %swap3A_731], %select_n3A_726 {strides = array<i32>} : memref<32x512xf32, #tpu.memory_space<vmem>>, vector<16xf32>,
      %broadcast_in_dim3A_733 = arith.constant 5 : i32
      %broadcast_in_dim3A_734 = vector.broadcast %broadcast_in_dim3A_733 : i32 to vector<16xi32>
      %gather3A_735 = tpu.vector_load_idx %arg8[%iota3A, %broadcast_in_dim3A_734, %and3A_22] : memref<16x32x128xf32, #tpu.memory_space<vmem>>[vector<16xi32>, vector<16xi32>, vector<16xi32>], vector<16xf32>,
      %gather3A_736 = tpu.vector_load_idx %arg9[%min3A_29, %broadcast_in_dim3A_734] : memref<64x32xf32, #tpu.memory_space<vmem>>[vector<16xi32>, vector<16xi32>], vector<16xf32>,
      %select_n3A_737 = arith.select %ge3A_24, %gather3A_736, %gather3A_735 : vector<16xi1>, vector<16xf32>
      %mul3A_738 = arith.constant 16 : i32
      %mul3A_739 = arith.muli %add3A_17, %mul3A_738 : i32
      %swap3A_740 = arith.constant 5 : i32
      %swap3A_741 = arith.index_cast %swap3A_740 : i32 to index
      %swap3A_742 = arith.index_cast %mul3A_739 : i32 to index
      %swap3A_743 = tpu.vector_load %arg10[%swap3A_741, %swap3A_742] {strides = array<i32>} : memref<32x512xf32, #tpu.memory_space<vmem>>, vector<16xf32>,
      tpu.vector_store %arg10[%swap3A_741, %swap3A_742], %select_n3A_737 {strides = array<i32>} : memref<32x512xf32, #tpu.memory_space<vmem>>, vector<16xf32>,
      %broadcast_in_dim3A_744 = arith.constant 6 : i32
      %broadcast_in_dim3A_745 = vector.broadcast %broadcast_in_dim3A_744 : i32 to vector<16xi32>
      %gather3A_746 = tpu.vector_load_idx %arg8[%iota3A, %broadcast_in_dim3A_745, %and3A_22] : memref<16x32x128xf32, #tpu.memory_space<vmem>>[vector<16xi32>, vector<16xi32>, vector<16xi32>], vector<16xf32>,
      %gather3A_747 = tpu.vector_load_idx %arg9[%min3A_29, %broadcast_in_dim3A_745] : memref<64x32xf32, #tpu.memory_space<vmem>>[vector<16xi32>, vector<16xi32>], vector<16xf32>,
      %select_n3A_748 = arith.select %ge3A_24, %gather3A_747, %gather3A_746 : vector<16xi1>, vector<16xf32>
      %mul3A_749 = arith.constant 16 : i32
      %mul3A_750 = arith.muli %add3A_17, %mul3A_749 : i32
      %swap3A_751 = arith.constant 6 : i32
      %swap3A_752 = arith.index_cast %swap3A_751 : i32 to index
      %swap3A_753 = arith.index_cast %mul3A_750 : i32 to index
      %swap3A_754 = tpu.vector_load %arg10[%swap3A_752, %swap3A_753] {strides = array<i32>} : memref<32x512xf32, #tpu.memory_space<vmem>>, vector<16xf32>,
      tpu.vector_store %arg10[%swap3A_752, %swap3A_753], %select_n3A_748 {strides = array<i32>} : memref<32x512xf32, #tpu.memory_space<vmem>>, vector<16xf32>,
      %broadcast_in_dim3A_755 = arith.constant 7 : i32
      %broadcast_in_dim3A_756 = vector.broadcast %broadcast_in_dim3A_755 : i32 to vector<16xi32>
      %gather3A_757 = tpu.vector_load_idx %arg8[%iota3A, %broadcast_in_dim3A_756, %and3A_22] : memref<16x32x128xf32, #tpu.memory_space<vmem>>[vector<16xi32>, vector<16xi32>, vector<16xi32>], vector<16xf32>,
      %gather3A_758 = tpu.vector_load_idx %arg9[%min3A_29, %broadcast_in_dim3A_756] : memref<64x32xf32, #tpu.memory_space<vmem>>[vector<16xi32>, vector<16xi32>], vector<16xf32>,
      %select_n3A_759 = arith.select %ge3A_24, %gather3A_758, %gather3A_757 : vector<16xi1>, vector<16xf32>
      %mul3A_760 = arith.constant 16 : i32
      %mul3A_761 = arith.muli %add3A_17, %mul3A_760 : i32
      %swap3A_762 = arith.constant 7 : i32
      %swap3A_763 = arith.index_cast %swap3A_762 : i32 to index
      %swap3A_764 = arith.index_cast %mul3A_761 : i32 to index
      %swap3A_765 = tpu.vector_load %arg10[%swap3A_763, %swap3A_764] {strides = array<i32>} : memref<32x512xf32, #tpu.memory_space<vmem>>, vector<16xf32>,
      tpu.vector_store %arg10[%swap3A_763, %swap3A_764], %select_n3A_759 {strides = array<i32>} : memref<32x512xf32, #tpu.memory_space<vmem>>, vector<16xf32>,
      %broadcast_in_dim3A_766 = arith.constant 8 : i32
      %broadcast_in_dim3A_767 = vector.broadcast %broadcast_in_dim3A_766 : i32 to vector<16xi32>
      %gather3A_768 = tpu.vector_load_idx %arg8[%iota3A, %broadcast_in_dim3A_767, %and3A_22] : memref<16x32x128xf32, #tpu.memory_space<vmem>>[vector<16xi32>, vector<16xi32>, vector<16xi32>], vector<16xf32>,
      %gather3A_769 = tpu.vector_load_idx %arg9[%min3A_29, %broadcast_in_dim3A_767] : memref<64x32xf32, #tpu.memory_space<vmem>>[vector<16xi32>, vector<16xi32>], vector<16xf32>,
      %select_n3A_770 = arith.select %ge3A_24, %gather3A_769, %gather3A_768 : vector<16xi1>, vector<16xf32>
      %mul3A_771 = arith.constant 16 : i32
      %mul3A_772 = arith.muli %add3A_17, %mul3A_771 : i32
      %swap3A_773 = arith.constant 8 : i32
      %swap3A_774 = arith.index_cast %swap3A_773 : i32 to index
      %swap3A_775 = arith.index_cast %mul3A_772 : i32 to index
      %swap3A_776 = tpu.vector_load %arg10[%swap3A_774, %swap3A_775] {strides = array<i32>} : memref<32x512xf32, #tpu.memory_space<vmem>>, vector<16xf32>,
      tpu.vector_store %arg10[%swap3A_774, %swap3A_775], %select_n3A_770 {strides = array<i32>} : memref<32x512xf32, #tpu.memory_space<vmem>>, vector<16xf32>,
      %broadcast_in_dim3A_777 = arith.constant 9 : i32
      %broadcast_in_dim3A_778 = vector.broadcast %broadcast_in_dim3A_777 : i32 to vector<16xi32>
      %gather3A_779 = tpu.vector_load_idx %arg8[%iota3A, %broadcast_in_dim3A_778, %and3A_22] : memref<16x32x128xf32, #tpu.memory_space<vmem>>[vector<16xi32>, vector<16xi32>, vector<16xi32>], vector<16xf32>,
      %gather3A_780 = tpu.vector_load_idx %arg9[%min3A_29, %broadcast_in_dim3A_778] : memref<64x32xf32, #tpu.memory_space<vmem>>[vector<16xi32>, vector<16xi32>], vector<16xf32>,
      %select_n3A_781 = arith.select %ge3A_24, %gather3A_780, %gather3A_779 : vector<16xi1>, vector<16xf32>
      %mul3A_782 = arith.constant 16 : i32
      %mul3A_783 = arith.muli %add3A_17, %mul3A_782 : i32
      %swap3A_784 = arith.constant 9 : i32
      %swap3A_785 = arith.index_cast %swap3A_784 : i32 to index
      %swap3A_786 = arith.index_cast %mul3A_783 : i32 to index
      %swap3A_787 = tpu.vector_load %arg10[%swap3A_785, %swap3A_786] {strides = array<i32>} : memref<32x512xf32, #tpu.memory_space<vmem>>, vector<16xf32>,
      tpu.vector_store %arg10[%swap3A_785, %swap3A_786], %select_n3A_781 {strides = array<i32>} : memref<32x512xf32, #tpu.memory_space<vmem>>, vector<16xf32>,
      %broadcast_in_dim3A_788 = arith.constant 10 : i32
      %broadcast_in_dim3A_789 = vector.broadcast %broadcast_in_dim3A_788 : i32 to vector<16xi32>
      %gather3A_790 = tpu.vector_load_idx %arg8[%iota3A, %broadcast_in_dim3A_789, %and3A_22] : memref<16x32x128xf32, #tpu.memory_space<vmem>>[vector<16xi32>, vector<16xi32>, vector<16xi32>], vector<16xf32>,
      %gather3A_791 = tpu.vector_load_idx %arg9[%min3A_29, %broadcast_in_dim3A_789] : memref<64x32xf32, #tpu.memory_space<vmem>>[vector<16xi32>, vector<16xi32>], vector<16xf32>,
      %select_n3A_792 = arith.select %ge3A_24, %gather3A_791, %gather3A_790 : vector<16xi1>, vector<16xf32>
      %mul3A_793 = arith.constant 16 : i32
      %mul3A_794 = arith.muli %add3A_17, %mul3A_793 : i32
      %swap3A_795 = arith.constant 10 : i32
      %swap3A_796 = arith.index_cast %swap3A_795 : i32 to index
      %swap3A_797 = arith.index_cast %mul3A_794 : i32 to index
      %swap3A_798 = tpu.vector_load %arg10[%swap3A_796, %swap3A_797] {strides = array<i32>} : memref<32x512xf32, #tpu.memory_space<vmem>>, vector<16xf32>,
      tpu.vector_store %arg10[%swap3A_796, %swap3A_797], %select_n3A_792 {strides = array<i32>} : memref<32x512xf32, #tpu.memory_space<vmem>>, vector<16xf32>,
      %broadcast_in_dim3A_799 = arith.constant 11 : i32
      %broadcast_in_dim3A_800 = vector.broadcast %broadcast_in_dim3A_799 : i32 to vector<16xi32>
      %gather3A_801 = tpu.vector_load_idx %arg8[%iota3A, %broadcast_in_dim3A_800, %and3A_22] : memref<16x32x128xf32, #tpu.memory_space<vmem>>[vector<16xi32>, vector<16xi32>, vector<16xi32>], vector<16xf32>,
      %gather3A_802 = tpu.vector_load_idx %arg9[%min3A_29, %broadcast_in_dim3A_800] : memref<64x32xf32, #tpu.memory_space<vmem>>[vector<16xi32>, vector<16xi32>], vector<16xf32>,
      %select_n3A_803 = arith.select %ge3A_24, %gather3A_802, %gather3A_801 : vector<16xi1>, vector<16xf32>
      %mul3A_804 = arith.constant 16 : i32
      %mul3A_805 = arith.muli %add3A_17, %mul3A_804 : i32
      %swap3A_806 = arith.constant 11 : i32
      %swap3A_807 = arith.index_cast %swap3A_806 : i32 to index
      %swap3A_808 = arith.index_cast %mul3A_805 : i32 to index
      %swap3A_809 = tpu.vector_load %arg10[%swap3A_807, %swap3A_808] {strides = array<i32>} : memref<32x512xf32, #tpu.memory_space<vmem>>, vector<16xf32>,
      tpu.vector_store %arg10[%swap3A_807, %swap3A_808], %select_n3A_803 {strides = array<i32>} : memref<32x512xf32, #tpu.memory_space<vmem>>, vector<16xf32>,
      %broadcast_in_dim3A_810 = arith.constant 12 : i32
      %broadcast_in_dim3A_811 = vector.broadcast %broadcast_in_dim3A_810 : i32 to vector<16xi32>
      %gather3A_812 = tpu.vector_load_idx %arg8[%iota3A, %broadcast_in_dim3A_811, %and3A_22] : memref<16x32x128xf32, #tpu.memory_space<vmem>>[vector<16xi32>, vector<16xi32>, vector<16xi32>], vector<16xf32>,
      %gather3A_813 = tpu.vector_load_idx %arg9[%min3A_29, %broadcast_in_dim3A_811] : memref<64x32xf32, #tpu.memory_space<vmem>>[vector<16xi32>, vector<16xi32>], vector<16xf32>,
      %select_n3A_814 = arith.select %ge3A_24, %gather3A_813, %gather3A_812 : vector<16xi1>, vector<16xf32>
      %mul3A_815 = arith.constant 16 : i32
      %mul3A_816 = arith.muli %add3A_17, %mul3A_815 : i32
      %swap3A_817 = arith.constant 12 : i32
      %swap3A_818 = arith.index_cast %swap3A_817 : i32 to index
      %swap3A_819 = arith.index_cast %mul3A_816 : i32 to index
      %swap3A_820 = tpu.vector_load %arg10[%swap3A_818, %swap3A_819] {strides = array<i32>} : memref<32x512xf32, #tpu.memory_space<vmem>>, vector<16xf32>,
      tpu.vector_store %arg10[%swap3A_818, %swap3A_819], %select_n3A_814 {strides = array<i32>} : memref<32x512xf32, #tpu.memory_space<vmem>>, vector<16xf32>,
      %broadcast_in_dim3A_821 = arith.constant 13 : i32
      %broadcast_in_dim3A_822 = vector.broadcast %broadcast_in_dim3A_821 : i32 to vector<16xi32>
      %gather3A_823 = tpu.vector_load_idx %arg8[%iota3A, %broadcast_in_dim3A_822, %and3A_22] : memref<16x32x128xf32, #tpu.memory_space<vmem>>[vector<16xi32>, vector<16xi32>, vector<16xi32>], vector<16xf32>,
      %gather3A_824 = tpu.vector_load_idx %arg9[%min3A_29, %broadcast_in_dim3A_822] : memref<64x32xf32, #tpu.memory_space<vmem>>[vector<16xi32>, vector<16xi32>], vector<16xf32>,
      %select_n3A_825 = arith.select %ge3A_24, %gather3A_824, %gather3A_823 : vector<16xi1>, vector<16xf32>
      %mul3A_826 = arith.constant 16 : i32
      %mul3A_827 = arith.muli %add3A_17, %mul3A_826 : i32
      %swap3A_828 = arith.constant 13 : i32
      %swap3A_829 = arith.index_cast %swap3A_828 : i32 to index
      %swap3A_830 = arith.index_cast %mul3A_827 : i32 to index
      %swap3A_831 = tpu.vector_load %arg10[%swap3A_829, %swap3A_830] {strides = array<i32>} : memref<32x512xf32, #tpu.memory_space<vmem>>, vector<16xf32>,
      tpu.vector_store %arg10[%swap3A_829, %swap3A_830], %select_n3A_825 {strides = array<i32>} : memref<32x512xf32, #tpu.memory_space<vmem>>, vector<16xf32>,
      %broadcast_in_dim3A_832 = arith.constant 14 : i32
      %broadcast_in_dim3A_833 = vector.broadcast %broadcast_in_dim3A_832 : i32 to vector<16xi32>
      %gather3A_834 = tpu.vector_load_idx %arg8[%iota3A, %broadcast_in_dim3A_833, %and3A_22] : memref<16x32x128xf32, #tpu.memory_space<vmem>>[vector<16xi32>, vector<16xi32>, vector<16xi32>], vector<16xf32>,
      %gather3A_835 = tpu.vector_load_idx %arg9[%min3A_29, %broadcast_in_dim3A_833] : memref<64x32xf32, #tpu.memory_space<vmem>>[vector<16xi32>, vector<16xi32>], vector<16xf32>,
      %select_n3A_836 = arith.select %ge3A_24, %gather3A_835, %gather3A_834 : vector<16xi1>, vector<16xf32>
      %mul3A_837 = arith.constant 16 : i32
      %mul3A_838 = arith.muli %add3A_17, %mul3A_837 : i32
      %swap3A_839 = arith.constant 14 : i32
      %swap3A_840 = arith.index_cast %swap3A_839 : i32 to index
      %swap3A_841 = arith.index_cast %mul3A_838 : i32 to index
      %swap3A_842 = tpu.vector_load %arg10[%swap3A_840, %swap3A_841] {strides = array<i32>} : memref<32x512xf32, #tpu.memory_space<vmem>>, vector<16xf32>,
      tpu.vector_store %arg10[%swap3A_840, %swap3A_841], %select_n3A_836 {strides = array<i32>} : memref<32x512xf32, #tpu.memory_space<vmem>>, vector<16xf32>,
      %broadcast_in_dim3A_843 = arith.constant 15 : i32
      %broadcast_in_dim3A_844 = vector.broadcast %broadcast_in_dim3A_843 : i32 to vector<16xi32>
      %gather3A_845 = tpu.vector_load_idx %arg8[%iota3A, %broadcast_in_dim3A_844, %and3A_22] : memref<16x32x128xf32, #tpu.memory_space<vmem>>[vector<16xi32>, vector<16xi32>, vector<16xi32>], vector<16xf32>,
      %gather3A_846 = tpu.vector_load_idx %arg9[%min3A_29, %broadcast_in_dim3A_844] : memref<64x32xf32, #tpu.memory_space<vmem>>[vector<16xi32>, vector<16xi32>], vector<16xf32>,
      %select_n3A_847 = arith.select %ge3A_24, %gather3A_846, %gather3A_845 : vector<16xi1>, vector<16xf32>
      %mul3A_848 = arith.constant 16 : i32
      %mul3A_849 = arith.muli %add3A_17, %mul3A_848 : i32
      %swap3A_850 = arith.constant 15 : i32
      %swap3A_851 = arith.index_cast %swap3A_850 : i32 to index
      %swap3A_852 = arith.index_cast %mul3A_849 : i32 to index
      %swap3A_853 = tpu.vector_load %arg10[%swap3A_851, %swap3A_852] {strides = array<i32>} : memref<32x512xf32, #tpu.memory_space<vmem>>, vector<16xf32>,
      tpu.vector_store %arg10[%swap3A_851, %swap3A_852], %select_n3A_847 {strides = array<i32>} : memref<32x512xf32, #tpu.memory_space<vmem>>, vector<16xf32>,
      %broadcast_in_dim3A_854 = arith.constant 16 : i32
      %broadcast_in_dim3A_855 = vector.broadcast %broadcast_in_dim3A_854 : i32 to vector<16xi32>
      %gather3A_856 = tpu.vector_load_idx %arg8[%iota3A, %broadcast_in_dim3A_855, %and3A_22] : memref<16x32x128xf32, #tpu.memory_space<vmem>>[vector<16xi32>, vector<16xi32>, vector<16xi32>], vector<16xf32>,
      %gather3A_857 = tpu.vector_load_idx %arg9[%min3A_29, %broadcast_in_dim3A_855] : memref<64x32xf32, #tpu.memory_space<vmem>>[vector<16xi32>, vector<16xi32>], vector<16xf32>,
      %select_n3A_858 = arith.select %ge3A_24, %gather3A_857, %gather3A_856 : vector<16xi1>, vector<16xf32>
      %mul3A_859 = arith.constant 16 : i32
      %mul3A_860 = arith.muli %add3A_17, %mul3A_859 : i32
      %swap3A_861 = arith.constant 16 : i32
      %swap3A_862 = arith.index_cast %swap3A_861 : i32 to index
      %swap3A_863 = arith.index_cast %mul3A_860 : i32 to index
      %swap3A_864 = tpu.vector_load %arg10[%swap3A_862, %swap3A_863] {strides = array<i32>} : memref<32x512xf32, #tpu.memory_space<vmem>>, vector<16xf32>,
      tpu.vector_store %arg10[%swap3A_862, %swap3A_863], %select_n3A_858 {strides = array<i32>} : memref<32x512xf32, #tpu.memory_space<vmem>>, vector<16xf32>,
      %broadcast_in_dim3A_865 = arith.constant 17 : i32
      %broadcast_in_dim3A_866 = vector.broadcast %broadcast_in_dim3A_865 : i32 to vector<16xi32>
      %gather3A_867 = tpu.vector_load_idx %arg8[%iota3A, %broadcast_in_dim3A_866, %and3A_22] : memref<16x32x128xf32, #tpu.memory_space<vmem>>[vector<16xi32>, vector<16xi32>, vector<16xi32>], vector<16xf32>,
      %gather3A_868 = tpu.vector_load_idx %arg9[%min3A_29, %broadcast_in_dim3A_866] : memref<64x32xf32, #tpu.memory_space<vmem>>[vector<16xi32>, vector<16xi32>], vector<16xf32>,
      %select_n3A_869 = arith.select %ge3A_24, %gather3A_868, %gather3A_867 : vector<16xi1>, vector<16xf32>
      %mul3A_870 = arith.constant 16 : i32
      %mul3A_871 = arith.muli %add3A_17, %mul3A_870 : i32
      %swap3A_872 = arith.constant 17 : i32
      %swap3A_873 = arith.index_cast %swap3A_872 : i32 to index
      %swap3A_874 = arith.index_cast %mul3A_871 : i32 to index
      %swap3A_875 = tpu.vector_load %arg10[%swap3A_873, %swap3A_874] {strides = array<i32>} : memref<32x512xf32, #tpu.memory_space<vmem>>, vector<16xf32>,
      tpu.vector_store %arg10[%swap3A_873, %swap3A_874], %select_n3A_869 {strides = array<i32>} : memref<32x512xf32, #tpu.memory_space<vmem>>, vector<16xf32>,
      %broadcast_in_dim3A_876 = arith.constant 18 : i32
      %broadcast_in_dim3A_877 = vector.broadcast %broadcast_in_dim3A_876 : i32 to vector<16xi32>
      %gather3A_878 = tpu.vector_load_idx %arg8[%iota3A, %broadcast_in_dim3A_877, %and3A_22] : memref<16x32x128xf32, #tpu.memory_space<vmem>>[vector<16xi32>, vector<16xi32>, vector<16xi32>], vector<16xf32>,
      %gather3A_879 = tpu.vector_load_idx %arg9[%min3A_29, %broadcast_in_dim3A_877] : memref<64x32xf32, #tpu.memory_space<vmem>>[vector<16xi32>, vector<16xi32>], vector<16xf32>,
      %select_n3A_880 = arith.select %ge3A_24, %gather3A_879, %gather3A_878 : vector<16xi1>, vector<16xf32>
      %mul3A_881 = arith.constant 16 : i32
      %mul3A_882 = arith.muli %add3A_17, %mul3A_881 : i32
      %swap3A_883 = arith.constant 18 : i32
      %swap3A_884 = arith.index_cast %swap3A_883 : i32 to index
      %swap3A_885 = arith.index_cast %mul3A_882 : i32 to index
      %swap3A_886 = tpu.vector_load %arg10[%swap3A_884, %swap3A_885] {strides = array<i32>} : memref<32x512xf32, #tpu.memory_space<vmem>>, vector<16xf32>,
      tpu.vector_store %arg10[%swap3A_884, %swap3A_885], %select_n3A_880 {strides = array<i32>} : memref<32x512xf32, #tpu.memory_space<vmem>>, vector<16xf32>,
      %broadcast_in_dim3A_887 = arith.constant 19 : i32
      %broadcast_in_dim3A_888 = vector.broadcast %broadcast_in_dim3A_887 : i32 to vector<16xi32>
      %gather3A_889 = tpu.vector_load_idx %arg8[%iota3A, %broadcast_in_dim3A_888, %and3A_22] : memref<16x32x128xf32, #tpu.memory_space<vmem>>[vector<16xi32>, vector<16xi32>, vector<16xi32>], vector<16xf32>,
      %gather3A_890 = tpu.vector_load_idx %arg9[%min3A_29, %broadcast_in_dim3A_888] : memref<64x32xf32, #tpu.memory_space<vmem>>[vector<16xi32>, vector<16xi32>], vector<16xf32>,
      %select_n3A_891 = arith.select %ge3A_24, %gather3A_890, %gather3A_889 : vector<16xi1>, vector<16xf32>
      %mul3A_892 = arith.constant 16 : i32
      %mul3A_893 = arith.muli %add3A_17, %mul3A_892 : i32
      %swap3A_894 = arith.constant 19 : i32
      %swap3A_895 = arith.index_cast %swap3A_894 : i32 to index
      %swap3A_896 = arith.index_cast %mul3A_893 : i32 to index
      %swap3A_897 = tpu.vector_load %arg10[%swap3A_895, %swap3A_896] {strides = array<i32>} : memref<32x512xf32, #tpu.memory_space<vmem>>, vector<16xf32>,
      tpu.vector_store %arg10[%swap3A_895, %swap3A_896], %select_n3A_891 {strides = array<i32>} : memref<32x512xf32, #tpu.memory_space<vmem>>, vector<16xf32>,
      %broadcast_in_dim3A_898 = arith.constant 20 : i32
      %broadcast_in_dim3A_899 = vector.broadcast %broadcast_in_dim3A_898 : i32 to vector<16xi32>
      %gather3A_900 = tpu.vector_load_idx %arg8[%iota3A, %broadcast_in_dim3A_899, %and3A_22] : memref<16x32x128xf32, #tpu.memory_space<vmem>>[vector<16xi32>, vector<16xi32>, vector<16xi32>], vector<16xf32>,
      %gather3A_901 = tpu.vector_load_idx %arg9[%min3A_29, %broadcast_in_dim3A_899] : memref<64x32xf32, #tpu.memory_space<vmem>>[vector<16xi32>, vector<16xi32>], vector<16xf32>,
      %select_n3A_902 = arith.select %ge3A_24, %gather3A_901, %gather3A_900 : vector<16xi1>, vector<16xf32>
      %mul3A_903 = arith.constant 16 : i32
      %mul3A_904 = arith.muli %add3A_17, %mul3A_903 : i32
      %swap3A_905 = arith.constant 20 : i32
      %swap3A_906 = arith.index_cast %swap3A_905 : i32 to index
      %swap3A_907 = arith.index_cast %mul3A_904 : i32 to index
      %swap3A_908 = tpu.vector_load %arg10[%swap3A_906, %swap3A_907] {strides = array<i32>} : memref<32x512xf32, #tpu.memory_space<vmem>>, vector<16xf32>,
      tpu.vector_store %arg10[%swap3A_906, %swap3A_907], %select_n3A_902 {strides = array<i32>} : memref<32x512xf32, #tpu.memory_space<vmem>>, vector<16xf32>,
      %broadcast_in_dim3A_909 = arith.constant 21 : i32
      %broadcast_in_dim3A_910 = vector.broadcast %broadcast_in_dim3A_909 : i32 to vector<16xi32>
      %gather3A_911 = tpu.vector_load_idx %arg8[%iota3A, %broadcast_in_dim3A_910, %and3A_22] : memref<16x32x128xf32, #tpu.memory_space<vmem>>[vector<16xi32>, vector<16xi32>, vector<16xi32>], vector<16xf32>,
      %gather3A_912 = tpu.vector_load_idx %arg9[%min3A_29, %broadcast_in_dim3A_910] : memref<64x32xf32, #tpu.memory_space<vmem>>[vector<16xi32>, vector<16xi32>], vector<16xf32>,
      %select_n3A_913 = arith.select %ge3A_24, %gather3A_912, %gather3A_911 : vector<16xi1>, vector<16xf32>
      %mul3A_914 = arith.constant 16 : i32
      %mul3A_915 = arith.muli %add3A_17, %mul3A_914 : i32
      %swap3A_916 = arith.constant 21 : i32
      %swap3A_917 = arith.index_cast %swap3A_916 : i32 to index
      %swap3A_918 = arith.index_cast %mul3A_915 : i32 to index
      %swap3A_919 = tpu.vector_load %arg10[%swap3A_917, %swap3A_918] {strides = array<i32>} : memref<32x512xf32, #tpu.memory_space<vmem>>, vector<16xf32>,
      tpu.vector_store %arg10[%swap3A_917, %swap3A_918], %select_n3A_913 {strides = array<i32>} : memref<32x512xf32, #tpu.memory_space<vmem>>, vector<16xf32>,
      %broadcast_in_dim3A_920 = arith.constant 22 : i32
      %broadcast_in_dim3A_921 = vector.broadcast %broadcast_in_dim3A_920 : i32 to vector<16xi32>
      %gather3A_922 = tpu.vector_load_idx %arg8[%iota3A, %broadcast_in_dim3A_921, %and3A_22] : memref<16x32x128xf32, #tpu.memory_space<vmem>>[vector<16xi32>, vector<16xi32>, vector<16xi32>], vector<16xf32>,
      %gather3A_923 = tpu.vector_load_idx %arg9[%min3A_29, %broadcast_in_dim3A_921] : memref<64x32xf32, #tpu.memory_space<vmem>>[vector<16xi32>, vector<16xi32>], vector<16xf32>,
      %select_n3A_924 = arith.select %ge3A_24, %gather3A_923, %gather3A_922 : vector<16xi1>, vector<16xf32>
      %mul3A_925 = arith.constant 16 : i32
      %mul3A_926 = arith.muli %add3A_17, %mul3A_925 : i32
      %swap3A_927 = arith.constant 22 : i32
      %swap3A_928 = arith.index_cast %swap3A_927 : i32 to index
      %swap3A_929 = arith.index_cast %mul3A_926 : i32 to index
      %swap3A_930 = tpu.vector_load %arg10[%swap3A_928, %swap3A_929] {strides = array<i32>} : memref<32x512xf32, #tpu.memory_space<vmem>>, vector<16xf32>,
      tpu.vector_store %arg10[%swap3A_928, %swap3A_929], %select_n3A_924 {strides = array<i32>} : memref<32x512xf32, #tpu.memory_space<vmem>>, vector<16xf32>,
      %broadcast_in_dim3A_931 = arith.constant 23 : i32
      %broadcast_in_dim3A_932 = vector.broadcast %broadcast_in_dim3A_931 : i32 to vector<16xi32>
      %gather3A_933 = tpu.vector_load_idx %arg8[%iota3A, %broadcast_in_dim3A_932, %and3A_22] : memref<16x32x128xf32, #tpu.memory_space<vmem>>[vector<16xi32>, vector<16xi32>, vector<16xi32>], vector<16xf32>,
      %gather3A_934 = tpu.vector_load_idx %arg9[%min3A_29, %broadcast_in_dim3A_932] : memref<64x32xf32, #tpu.memory_space<vmem>>[vector<16xi32>, vector<16xi32>], vector<16xf32>,
      %select_n3A_935 = arith.select %ge3A_24, %gather3A_934, %gather3A_933 : vector<16xi1>, vector<16xf32>
      %mul3A_936 = arith.constant 16 : i32
      %mul3A_937 = arith.muli %add3A_17, %mul3A_936 : i32
      %swap3A_938 = arith.constant 23 : i32
      %swap3A_939 = arith.index_cast %swap3A_938 : i32 to index
      %swap3A_940 = arith.index_cast %mul3A_937 : i32 to index
      %swap3A_941 = tpu.vector_load %arg10[%swap3A_939, %swap3A_940] {strides = array<i32>} : memref<32x512xf32, #tpu.memory_space<vmem>>, vector<16xf32>,
      tpu.vector_store %arg10[%swap3A_939, %swap3A_940], %select_n3A_935 {strides = array<i32>} : memref<32x512xf32, #tpu.memory_space<vmem>>, vector<16xf32>,
      %broadcast_in_dim3A_942 = arith.constant 24 : i32
      %broadcast_in_dim3A_943 = vector.broadcast %broadcast_in_dim3A_942 : i32 to vector<16xi32>
      %gather3A_944 = tpu.vector_load_idx %arg8[%iota3A, %broadcast_in_dim3A_943, %and3A_22] : memref<16x32x128xf32, #tpu.memory_space<vmem>>[vector<16xi32>, vector<16xi32>, vector<16xi32>], vector<16xf32>,
      %gather3A_945 = tpu.vector_load_idx %arg9[%min3A_29, %broadcast_in_dim3A_943] : memref<64x32xf32, #tpu.memory_space<vmem>>[vector<16xi32>, vector<16xi32>], vector<16xf32>,
      %select_n3A_946 = arith.select %ge3A_24, %gather3A_945, %gather3A_944 : vector<16xi1>, vector<16xf32>
      %mul3A_947 = arith.constant 16 : i32
      %mul3A_948 = arith.muli %add3A_17, %mul3A_947 : i32
      %swap3A_949 = arith.constant 24 : i32
      %swap3A_950 = arith.index_cast %swap3A_949 : i32 to index
      %swap3A_951 = arith.index_cast %mul3A_948 : i32 to index
      %swap3A_952 = tpu.vector_load %arg10[%swap3A_950, %swap3A_951] {strides = array<i32>} : memref<32x512xf32, #tpu.memory_space<vmem>>, vector<16xf32>,
      tpu.vector_store %arg10[%swap3A_950, %swap3A_951], %select_n3A_946 {strides = array<i32>} : memref<32x512xf32, #tpu.memory_space<vmem>>, vector<16xf32>,
      %broadcast_in_dim3A_953 = arith.constant 25 : i32
      %broadcast_in_dim3A_954 = vector.broadcast %broadcast_in_dim3A_953 : i32 to vector<16xi32>
      %gather3A_955 = tpu.vector_load_idx %arg8[%iota3A, %broadcast_in_dim3A_954, %and3A_22] : memref<16x32x128xf32, #tpu.memory_space<vmem>>[vector<16xi32>, vector<16xi32>, vector<16xi32>], vector<16xf32>,
      %gather3A_956 = tpu.vector_load_idx %arg9[%min3A_29, %broadcast_in_dim3A_954] : memref<64x32xf32, #tpu.memory_space<vmem>>[vector<16xi32>, vector<16xi32>], vector<16xf32>,
      %select_n3A_957 = arith.select %ge3A_24, %gather3A_956, %gather3A_955 : vector<16xi1>, vector<16xf32>
      %mul3A_958 = arith.constant 16 : i32
      %mul3A_959 = arith.muli %add3A_17, %mul3A_958 : i32
      %swap3A_960 = arith.constant 25 : i32
      %swap3A_961 = arith.index_cast %swap3A_960 : i32 to index
      %swap3A_962 = arith.index_cast %mul3A_959 : i32 to index
      %swap3A_963 = tpu.vector_load %arg10[%swap3A_961, %swap3A_962] {strides = array<i32>} : memref<32x512xf32, #tpu.memory_space<vmem>>, vector<16xf32>,
      tpu.vector_store %arg10[%swap3A_961, %swap3A_962], %select_n3A_957 {strides = array<i32>} : memref<32x512xf32, #tpu.memory_space<vmem>>, vector<16xf32>,
      %broadcast_in_dim3A_964 = arith.constant 26 : i32
      %broadcast_in_dim3A_965 = vector.broadcast %broadcast_in_dim3A_964 : i32 to vector<16xi32>
      %gather3A_966 = tpu.vector_load_idx %arg8[%iota3A, %broadcast_in_dim3A_965, %and3A_22] : memref<16x32x128xf32, #tpu.memory_space<vmem>>[vector<16xi32>, vector<16xi32>, vector<16xi32>], vector<16xf32>,
      %gather3A_967 = tpu.vector_load_idx %arg9[%min3A_29, %broadcast_in_dim3A_965] : memref<64x32xf32, #tpu.memory_space<vmem>>[vector<16xi32>, vector<16xi32>], vector<16xf32>,
      %select_n3A_968 = arith.select %ge3A_24, %gather3A_967, %gather3A_966 : vector<16xi1>, vector<16xf32>
      %mul3A_969 = arith.constant 16 : i32
      %mul3A_970 = arith.muli %add3A_17, %mul3A_969 : i32
      %swap3A_971 = arith.constant 26 : i32
      %swap3A_972 = arith.index_cast %swap3A_971 : i32 to index
      %swap3A_973 = arith.index_cast %mul3A_970 : i32 to index
      %swap3A_974 = tpu.vector_load %arg10[%swap3A_972, %swap3A_973] {strides = array<i32>} : memref<32x512xf32, #tpu.memory_space<vmem>>, vector<16xf32>,
      tpu.vector_store %arg10[%swap3A_972, %swap3A_973], %select_n3A_968 {strides = array<i32>} : memref<32x512xf32, #tpu.memory_space<vmem>>, vector<16xf32>,
      %broadcast_in_dim3A_975 = arith.constant 27 : i32
      %broadcast_in_dim3A_976 = vector.broadcast %broadcast_in_dim3A_975 : i32 to vector<16xi32>
      %gather3A_977 = tpu.vector_load_idx %arg8[%iota3A, %broadcast_in_dim3A_976, %and3A_22] : memref<16x32x128xf32, #tpu.memory_space<vmem>>[vector<16xi32>, vector<16xi32>, vector<16xi32>], vector<16xf32>,
      %gather3A_978 = tpu.vector_load_idx %arg9[%min3A_29, %broadcast_in_dim3A_976] : memref<64x32xf32, #tpu.memory_space<vmem>>[vector<16xi32>, vector<16xi32>], vector<16xf32>,
      %select_n3A_979 = arith.select %ge3A_24, %gather3A_978, %gather3A_977 : vector<16xi1>, vector<16xf32>
      %mul3A_980 = arith.constant 16 : i32
      %mul3A_981 = arith.muli %add3A_17, %mul3A_980 : i32
      %swap3A_982 = arith.constant 27 : i32
      %swap3A_983 = arith.index_cast %swap3A_982 : i32 to index
      %swap3A_984 = arith.index_cast %mul3A_981 : i32 to index
      %swap3A_985 = tpu.vector_load %arg10[%swap3A_983, %swap3A_984] {strides = array<i32>} : memref<32x512xf32, #tpu.memory_space<vmem>>, vector<16xf32>,
      tpu.vector_store %arg10[%swap3A_983, %swap3A_984], %select_n3A_979 {strides = array<i32>} : memref<32x512xf32, #tpu.memory_space<vmem>>, vector<16xf32>,
      %broadcast_in_dim3A_986 = arith.constant 28 : i32
      %broadcast_in_dim3A_987 = vector.broadcast %broadcast_in_dim3A_986 : i32 to vector<16xi32>
      %gather3A_988 = tpu.vector_load_idx %arg8[%iota3A, %broadcast_in_dim3A_987, %and3A_22] : memref<16x32x128xf32, #tpu.memory_space<vmem>>[vector<16xi32>, vector<16xi32>, vector<16xi32>], vector<16xf32>,
      %gather3A_989 = tpu.vector_load_idx %arg9[%min3A_29, %broadcast_in_dim3A_987] : memref<64x32xf32, #tpu.memory_space<vmem>>[vector<16xi32>, vector<16xi32>], vector<16xf32>,
      %select_n3A_990 = arith.select %ge3A_24, %gather3A_989, %gather3A_988 : vector<16xi1>, vector<16xf32>
      %mul3A_991 = arith.constant 16 : i32
      %mul3A_992 = arith.muli %add3A_17, %mul3A_991 : i32
      %swap3A_993 = arith.constant 28 : i32
      %swap3A_994 = arith.index_cast %swap3A_993 : i32 to index
      %swap3A_995 = arith.index_cast %mul3A_992 : i32 to index
      %swap3A_996 = tpu.vector_load %arg10[%swap3A_994, %swap3A_995] {strides = array<i32>} : memref<32x512xf32, #tpu.memory_space<vmem>>, vector<16xf32>,
      tpu.vector_store %arg10[%swap3A_994, %swap3A_995], %select_n3A_990 {strides = array<i32>} : memref<32x512xf32, #tpu.memory_space<vmem>>, vector<16xf32>,
      %broadcast_in_dim3A_997 = arith.constant 29 : i32
      %broadcast_in_dim3A_998 = vector.broadcast %broadcast_in_dim3A_997 : i32 to vector<16xi32>
      %gather3A_999 = tpu.vector_load_idx %arg8[%iota3A, %broadcast_in_dim3A_998, %and3A_22] : memref<16x32x128xf32, #tpu.memory_space<vmem>>[vector<16xi32>, vector<16xi32>, vector<16xi32>], vector<16xf32>,
      %gather3A_1000 = tpu.vector_load_idx %arg9[%min3A_29, %broadcast_in_dim3A_998] : memref<64x32xf32, #tpu.memory_space<vmem>>[vector<16xi32>, vector<16xi32>], vector<16xf32>,
      %select_n3A_1001 = arith.select %ge3A_24, %gather3A_1000, %gather3A_999 : vector<16xi1>, vector<16xf32>
      %mul3A_1002 = arith.constant 16 : i32
      %mul3A_1003 = arith.muli %add3A_17, %mul3A_1002 : i32
      %swap3A_1004 = arith.constant 29 : i32
      %swap3A_1005 = arith.index_cast %swap3A_1004 : i32 to index
      %swap3A_1006 = arith.index_cast %mul3A_1003 : i32 to index
      %swap3A_1007 = tpu.vector_load %arg10[%swap3A_1005, %swap3A_1006] {strides = array<i32>} : memref<32x512xf32, #tpu.memory_space<vmem>>, vector<16xf32>,
      tpu.vector_store %arg10[%swap3A_1005, %swap3A_1006], %select_n3A_1001 {strides = array<i32>} : memref<32x512xf32, #tpu.memory_space<vmem>>, vector<16xf32>,
      %broadcast_in_dim3A_1008 = arith.constant 30 : i32
      %broadcast_in_dim3A_1009 = vector.broadcast %broadcast_in_dim3A_1008 : i32 to vector<16xi32>
      %gather3A_1010 = tpu.vector_load_idx %arg8[%iota3A, %broadcast_in_dim3A_1009, %and3A_22] : memref<16x32x128xf32, #tpu.memory_space<vmem>>[vector<16xi32>, vector<16xi32>, vector<16xi32>], vector<16xf32>,
      %gather3A_1011 = tpu.vector_load_idx %arg9[%min3A_29, %broadcast_in_dim3A_1009] : memref<64x32xf32, #tpu.memory_space<vmem>>[vector<16xi32>, vector<16xi32>], vector<16xf32>,
      %select_n3A_1012 = arith.select %ge3A_24, %gather3A_1011, %gather3A_1010 : vector<16xi1>, vector<16xf32>
      %mul3A_1013 = arith.constant 16 : i32
      %mul3A_1014 = arith.muli %add3A_17, %mul3A_1013 : i32
      %swap3A_1015 = arith.constant 30 : i32
      %swap3A_1016 = arith.index_cast %swap3A_1015 : i32 to index
      %swap3A_1017 = arith.index_cast %mul3A_1014 : i32 to index
      %swap3A_1018 = tpu.vector_load %arg10[%swap3A_1016, %swap3A_1017] {strides = array<i32>} : memref<32x512xf32, #tpu.memory_space<vmem>>, vector<16xf32>,
      tpu.vector_store %arg10[%swap3A_1016, %swap3A_1017], %select_n3A_1012 {strides = array<i32>} : memref<32x512xf32, #tpu.memory_space<vmem>>, vector<16xf32>,
      %broadcast_in_dim3A_1019 = arith.constant 31 : i32
      %broadcast_in_dim3A_1020 = vector.broadcast %broadcast_in_dim3A_1019 : i32 to vector<16xi32>
      %gather3A_1021 = tpu.vector_load_idx %arg8[%iota3A, %broadcast_in_dim3A_1020, %and3A_22] : memref<16x32x128xf32, #tpu.memory_space<vmem>>[vector<16xi32>, vector<16xi32>, vector<16xi32>], vector<16xf32>,
      %gather3A_1022 = tpu.vector_load_idx %arg9[%min3A_29, %broadcast_in_dim3A_1020] : memref<64x32xf32, #tpu.memory_space<vmem>>[vector<16xi32>, vector<16xi32>], vector<16xf32>,
      %select_n3A_1023 = arith.select %ge3A_24, %gather3A_1022, %gather3A_1021 : vector<16xi1>, vector<16xf32>
      %mul3A_1024 = arith.constant 16 : i32
      %mul3A_1025 = arith.muli %add3A_17, %mul3A_1024 : i32
      %swap3A_1026 = arith.constant 31 : i32
      %swap3A_1027 = arith.index_cast %swap3A_1026 : i32 to index
      %swap3A_1028 = arith.index_cast %mul3A_1025 : i32 to index
      %swap3A_1029 = tpu.vector_load %arg10[%swap3A_1027, %swap3A_1028] {strides = array<i32>} : memref<32x512xf32, #tpu.memory_space<vmem>>, vector<16xf32>,
      tpu.vector_store %arg10[%swap3A_1027, %swap3A_1028], %select_n3A_1023 {strides = array<i32>} : memref<32x512xf32, #tpu.memory_space<vmem>>, vector<16xf32>,
    }
    %scan3A_12 = arith.constant 32 : i32
    "tpu.region"() ({
      %run_scoped3A = tpu.sem_alloc : memref<!tpu.dma_semaphore, #tpu.memory_space<semaphore_mem>>
      %dma_start3A = arith.constant 0 : i32
      %dma_start3A_13 = tpu.memref_slice %arg5[%dma_start3A, %mul3A_2] : memref<32x16384xf32, #tpu.memory_space<hbm>> -> memref<32x512xf32, #tpu.memory_space<hbm>>
      %dma_start3A_14 = arith.constant 0 : i32
      %dma_start3A_15 = tpu.memref_slice %arg5[%dma_start3A_14, %mul3A_2] : memref<32x16384xf32, #tpu.memory_space<hbm>> -> memref<32x512xf32, #tpu.memory_space<hbm>>
      tpu.enqueue_dma source(%arg10 : memref<32x512xf32, #tpu.memory_space<vmem>>) target(%dma_start3A_15 : memref<32x512xf32, #tpu.memory_space<hbm>>) target_semaphore(%run_scoped3A : memref<!tpu.dma_semaphore, #tpu.memory_space<semaphore_mem>>)
      %dma_wait3A = arith.constant 0 : i32
      %dma_wait3A_16 = tpu.memref_slice %arg5[%dma_wait3A, %mul3A_2] : memref<32x16384xf32, #tpu.memory_space<hbm>> -> memref<32x512xf32, #tpu.memory_space<hbm>>
      %dma_wait3A_17 = arith.constant 0 : i32
      %dma_wait3A_18 = tpu.memref_slice %arg5[%dma_wait3A_17, %mul3A_2] : memref<32x16384xf32, #tpu.memory_space<hbm>> -> memref<32x512xf32, #tpu.memory_space<hbm>>
      tpu.wait_dma2 semaphore(%run_scoped3A : memref<!tpu.dma_semaphore, #tpu.memory_space<semaphore_mem>>) src(%arg10 : memref<32x512xf32, #tpu.memory_space<vmem>>) dst(%dma_wait3A_18 : memref<32x512xf32, #tpu.memory_space<hbm>>)
      tpu.yield
    }) : () -> ()
    return
  }
}

</mosaic_0001>

<sc_bundles>
// kernel: kernel.3.cloned.1.call-start
scs
__scs_entry_jumppad:
0x0: {  	(pc) =	sbr.rel $0x88, $3  }
0x1: {  	(tag) =	ssettag $0x0;
	lr =	simm.s32 $0x1  }
0x2: {  	[smem:$0x3F9F] =	sst lr;
	_ =	strace $0xD0000000  }
0x3: {  	_ = 	snop  }
0x4: {  	_ = 	snop  }
0x5: {  	_ = 	snop  }
0x6: {  	_ = 	snop  }
0x7: {  	_ = 	snop  }
__scs_overlays_trampoline_lowered:
0x8: {  	[smem:$0x3FAE] =	sst s0  }
0x9: {  	[smem:$0x3FAF] =	sst s1  }
0xa: {  	[smem:$0x3FB0] =	sst s2  }
0xb: {  	[smem:$0x3FB1] =	sst s3  }
0xc: {  	[smem:$0x3FB2] =	sst s4  }
0xd: {  	[smem:$0x3FB3] =	sst s5  }
0xe: {  	[smem:$0x3FB4] =	sst s6  }
0xf: {  	[smem:$0x3FB5] =	sst s7  }
0x10: {  	[smem:$0x3FB6] =	sst s8  }
0x11: {  	[smem:$0x3FB7] =	sst s9;
	s0 =	simm.s32 @!p0 $0x0  }
0x12: {  	s1 =	sld [smem:$0x3F9D];
	s0 =	simm.s32 @p0 $0x1  }
0x13: {  	[smem:$0x3FB8] =	sst s0;
	s0 =	simm.s32 @!p1 $0x0  }
0x14: {  	s2 =	sld [smem:$0x3F9C];
	s0 =	simm.s32 @p1 $0x1  }
0x15: {  	[smem:$0x3FB9] =	sst s0;
	s0 =	simm.s32 @!p2 $0x0  }
0x16: {  	s3 =	sld [smem:$0x3FDB];
	s0 =	simm.s32 @p2 $0x1  }
0x17: {  	s4 =	simm.s32 $0x1BF5;
	[smem:$0x3FBB] =	sst s0  }
0x18: {  	s0 =	sld [smem:$0x3F9E];
	_ =	swait.ge [sflag:s4], $0x0  }
0x19: {  	s7 =	sld [smem:$0x3F9F]  }
0x1a: {  	s8 =	sadd.s32 $0xFFFFE003, lr  }
0x1b: {  	s9 =	sadd.s32 $0xFFFFFEF7, lr;
	s5 =	simm.s32 $0xFFFFFFFF;
	p2 =	slt.u32 s8, $0xFFFFF086  }
0x1c: {  	p1 =	slt.u32 s9, $0xF7A;
	s5 =	simm.s32 @!p2 $0x0  }
0x1d: {  	s5 =	simm.s32 @p1 $0x1;
	p0 =	seq.s32 s7, s2  }
0x1e: {  	s7 =	smul.u32 @!p0 $0xF7A, s2;
	p2 =	seq.s32 @!p0 s5, $0x0  }
0x1f: {  	s9 =	smul.u32 $0xF7A, s1;
	s8 =	simm.s32 @!p0 $0x1BF5;
	p2 =	por !p2, p0  }
0x20: {  	[sflag:s8] =	ssyncset.s32 @!p0 $0xFFFFF086;
	s6 =	sadd.s32 @!p0 s3, s7;
	s7 =	simm.s32 @!p0 $0x108  }
0x21: {  	s3 =	sadd.s32 s3, s9;
	s6 =	sadd.s32 @!p0 $0x88, s6;
	s7 =	simm.s32 @p2 $0x1082  }
0x22: {  	[simem:s7], [sflag:s8] =	dma.local @!p0 [hbm:s6], $0xF7A  }
0x23: {  	s9 =	sor.u32 $0xD0000000, s2;
	s6 =	simm.s32 $0x108;
	_ =	swait.ge @!p0 [sflag:s8], $0x0  }
0x24: {  	s3 =	sadd.s32 $0x88, s3;
	s6 =	simm.s32 @!p1 $0x1082;
	[sflag:s4] =	ssyncset.s32 $0xFFFFF086  }
0x25: {  	[simem:s6], [sflag:s4] =	dma.local [hbm:s3], $0xF7A  }
0x26: {  	[smem:$0x3F9F] =	sst s1;
	(tag) =	ssettag s2;
	_ =	strace s9  }
0x27: {  	s1 =	sld [smem:$0x3FAF]  }
0x28: {  	s2 =	sld [smem:$0x3FB0]  }
0x29: {  	s4 =	sld [smem:$0x3FB2]  }
0x2a: {  	p0 =	seq.s32 s5, $0x0;
	s5 =	sld [smem:$0x3FB3]  }
0x2b: {  	s6 =	sld [smem:$0x3FB4]  }
0x2c: {  	s7 =	sld [smem:$0x3FB5]  }
0x2d: {  	s3 =	simm.s32 $0x108;
	s8 =	sld [smem:$0x3FB6]  }
0x2e: {  	s3 =	simm.s32 @!p0 $0x1082;
	s9 =	sld [smem:$0x3FB7]  }
0x2f: {  	lr =	sadd.s32 s0, s3;
	s0 =	sld [smem:$0x3FAE]  }
0x30: {  	s3 =	sld [smem:$0x3FB1]  }
0x31: {  	[smem:$0x3FBA] =	sst s10  }
0x32: {  	s10 =	sld [smem:$0x3FB8];
	_ =	sdelay $0x3  }
0x33: {  	p0 =	seq.s32 s10, $0x1;
	s10 =	sld [smem:$0x3FBA];
	_ =	sdelay $0x3  }
0x34: {  	[smem:$0x3FBA] =	sst s10  }
0x35: {  	s10 =	sld [smem:$0x3FB9];
	_ =	sdelay $0x3  }
0x36: {  	p1 =	seq.s32 s10, $0x1;
	s10 =	sld [smem:$0x3FBA];
	_ =	sdelay $0x3  }
0x37: {  	[smem:$0x3FBA] =	sst s10  }
0x38: {  	s10 =	sld [smem:$0x3FBB]  }
0x39: {  	_ = 	snop;
	(pc) =	sbr.ind lr, $3  }
0x3a: {  	_ = 	snop  }
0x3b: {  	_ = 	snop  }
0x3c: {  	p2 =	seq.s32 s10, $0x1;
	s10 =	sld [smem:$0x3FBA]  }
0x3d: {  	_ =	shalt  }
0x3e: {  	_ =	shalt  }
0x3f: {  	_ =	shalt  }
0x40: {  	_ =	shalt  }
0x41: {  	_ =	shalt  }
0x42: {  	_ =	shalt  }
0x43: {  	_ =	shalt  }
0x44: {  	_ =	shalt  }
0x45: {  	_ =	shalt  }
0x46: {  	_ =	shalt  }
0x47: {  	_ =	shalt  }
0x48: {  	_ =	shalt  }
0x49: {  	_ =	shalt  }
0x4a: {  	_ =	shalt  }
0x4b: {  	_ =	shalt  }
0x4c: {  	_ =	shalt  }
0x4d: {  	_ =	shalt  }
0x4e: {  	_ =	shalt  }
0x4f: {  	_ =	shalt  }
0x50: {  	_ =	shalt  }
0x51: {  	_ =	shalt  }
0x52: {  	_ =	shalt  }
0x53: {  	_ =	shalt  }
0x54: {  	_ =	shalt  }
0x55: {  	_ =	shalt  }
0x56: {  	_ =	shalt  }
0x57: {  	_ =	shalt  }
0x58: {  	_ =	shalt  }
0x59: {  	_ =	shalt  }
0x5a: {  	_ =	shalt  }
0x5b: {  	_ =	shalt  }
0x5c: {  	_ =	shalt  }
0x5d: {  	_ =	shalt  }
0x5e: {  	_ =	shalt  }
0x5f: {  	_ =	shalt  }
0x60: {  	_ =	shalt  }
0x61: {  	_ =	shalt  }
0x62: {  	_ =	shalt  }
0x63: {  	_ =	shalt  }
0x64: {  	_ =	shalt  }
0x65: {  	_ =	shalt  }
0x66: {  	_ =	shalt  }
0x67: {  	_ =	shalt  }
0x68: {  	_ =	shalt  }
0x69: {  	_ =	shalt  }
0x6a: {  	_ =	shalt  }
0x6b: {  	_ =	shalt  }
0x6c: {  	_ =	shalt  }
0x6d: {  	_ =	shalt  }
0x6e: {  	_ =	shalt  }
0x6f: {  	_ =	shalt  }
0x70: {  	_ =	shalt  }
0x71: {  	_ =	shalt  }
0x72: {  	_ =	shalt  }
0x73: {  	_ =	shalt  }
0x74: {  	_ =	shalt  }
0x75: {  	_ =	shalt  }
0x76: {  	_ =	shalt  }
0x77: {  	_ =	shalt  }
0x78: {  	_ =	shalt  }
0x79: {  	_ =	shalt  }
0x7a: {  	_ =	shalt  }
0x7b: {  	_ =	shalt  }
0x7c: {  	_ =	shalt  }
0x7d: {  	_ =	shalt  }
0x7e: {  	_ =	shalt  }
0x7f: {  	_ =	shalt  }
0x80: {  	_ =	shalt  }
0x81: {  	_ =	shalt  }
0x82: {  	_ =	shalt  }
0x83: {  	_ =	shalt  }
0x84: {  	_ =	shalt  }
0x85: {  	_ =	shalt  }
0x86: {  	_ =	shalt  }
0x87: {  	_ =	shalt  }
.Lfunc_end0:
.L_simem_size_0:
called_computation_lowered:
.L_overlay_start_0:
0x88: {  	s2 =	sld [smem:$0x3FD9]  }
0x89: {  	s3 =	sld [smem:$0x3FFE];
	_ =	sdelay $0x1  }
0x8a: {  	s1 =	srdreg.scid  }
0x8b: {  	s0 =	sand.u32 $0x1, s1  }
0x8c: {  	s17 =	sshll.u32 s0, $0xA;
	s2 =	sadd.s32 s3, s2  }
0x8d: {  	s2 =	sadd.s32 s2, s17  }
0x8e: {  	[smem:$0x3FC6] =	sst s2  }
0x8f: {  	_ = 	snop  }
0x90: {  	s2 =	sld [smem:$0x3FC9]  }
0x91: {  	s18 =	sld [smem:$0x3FC8]  }
0x92: {  	s4 =	sld [smem:$0x3FD0];
	(tm) =	ssettm $0x1  }
0x93: {  	s5 =	sld [smem:$0x3FFB];
	_ =	sdelay $0x3  }
0x94: {  	_ =	strace s5  }
0x95: {  	s5 =	sld [smem:$0x3FFC];
	_ =	sdelay $0x3  }
0x96: {  	_ =	strace s5  }
0x97: {  	s5 =	sld [smem:$0x3FFD];
	_ =	sdelay $0x3  }
0x98: {  	_ =	strace s5  }
0x99: {  	_ =	strace $0x8FFFFFFF  }
0x9a: {  	s19 =	sld [smem:$0x3FDB];
	_ =	sdelay $0x1  }
0x9b: {  	s6 =	simm.s32 $_scs_section_size  }
0x9c: {  	s7 =	simm.s32 $_size__tile_overlayer_lowered;
	s8 =	simm.s32 $_tile_overlayer_lowered  }
0x9d: {  	s22 =	simm.s32 $0x1BFF;
	s21 =	sshll.u32 s8, $0x1;
	s5 =	sadd.s32 s6, s19  }
0x9e: {  	s9 =	simm.s32 $0x0;
	s20 =	sshll.u32 s7, $0x1;
	s7 =	sadd.s32 s21, s5  }
0x9f: {  	[timem:s9], [sflag:s22] =	dma.local [hbm:s7], s20  }
0xa0: {  	_ =	swait.ge [sflag:s22], s20  }
0xa1: {  	s6 =	ssub.s32 $0x0, s20;
	[sflag:s22] =	ssyncset.done $0x0  }
0xa2: {  	[sflag:s22] =	ssyncadd.s32 s6;
	_ =	sdelay $0x1  }
0xa3: {  	s23 =	simm.s32 $0x1B8B  }
0xa4: {  	_ =	swait.ge [sflag:s23], $0x1  }
0xa5: {  	[sflag:s23] =	ssyncset.done $0x0  }
0xa6: {  	s25 =	simm.s32 $0x1B8E;
	s24 =	sld [smem:$0x3FFE];
	[sflag:s23] =	ssyncadd.s32 $0xFFFFFFFF  }
0xa7: {  	s26 =	simm.s32 $execute0_lowered;
	[smem:$0x3FD2] =	sst s25  }
0xa8: {  	s7 =	sshll.u32 s26, $0x1;
	_ =	strace $0x80000046;
	[dreg:$0x1] =	wrdreg $0xFFFFFFFF  }
0xa9: {  	s28 =	simm.s32 $_size_execute0_lowered;
	s5 =	sadd.s32 s5, s7;
	[dreg:$0x0] =	wrdreg $0x0  }
0xaa: {  	s7 =	sshll.u32 s28, $0x1;
	[dreg:$0x2] =	wrdreg s5  }
0xab: {  	[dreg:$0x3] =	wrdreg s7  }
0xac: {  	[dreg:$0x4] =	wrdreg $0xC0  }
0xad: {  	_ =	task [dreg:s9], $0x5FFFF  }
0xae: {  	[dreg:$0x1] =	wrdreg $0xFFFFFFFF  }
0xaf: {  	[dreg:$0x0] =	wrdreg $0x60  }
0xb0: {  	[dreg:$0x2] =	wrdreg s2  }
0xb1: {  	[dreg:$0x3] =	wrdreg s18  }
0xb2: {  	[dreg:$0x4] =	wrdreg s24  }
0xb3: {  	[dreg:$0x5] =	wrdreg s4  }
0xb4: {  	[dreg:$0x6] =	wrdreg $0x9  }
0xb5: {  	_ =	task.clear_ibuf [dreg:s9], $0x7FFFF;
	_ =	strace $0x90000046  }
0xb6: {  	s29 =	simm.s32 $0x9;
	_ =	strace $0x80000048  }
0xb7: {  	_ =	swait.ge [sflag:s29], $0x1  }
0xb8: {  	[sflag:s29] =	ssyncadd.s32 $0xFFFFFFFF  }
0xb9: {  	_ =	strace $0x90000048  }
0xba: {  	_ =	sfence  }
0xbb: {  	s30 =	sld [smem:$0x0];
	_ =	sdelay $0x2  }
0xbc: {  	s31 =	sshll.u32 s1, $0xD;
	s1 =	sshrl.u32 s1, $0x2  }
0xbd: {  	s3 =	sand.u32 $0x4000, s31;
	s1 =	sadd.s32 s1, s30  }
0xbe: {  	s0 =	sor.u32 s3, s0;
	s1 =	sshll.u32 s1, $0x11  }
0xbf: {  	s0 =	sor.u32 s1, s0  }
0xc0: {  	s0 =	sadd.s32 $0x8F2B, s0  }
0xc1: {  	[sflag:s0] =	ssyncadd.remote.s32 $0x1  }
0xc2: {  	_ =	sfence.sel $0xFFFF  }
0xc3: {  	[dreg:$0x0] =	wrdreg $0xFFFFFFFF;
	(pc) =	sbr.abs _section_cstart, $3  }
0xc4: {  	[dreg:$0x1] =	wrdreg $0xFFFFFFFF  }
0xc5: {  	_ =	task.clear_ibuf [dreg:s9], $0x2FFFF;
	_ =	strace $0x9FFFFFFF  }
0xc6: {  	(tm) =	ssettm $0x7FFFFFFF  }
0xc7: {  	_ =	shalt  }
tec
execute0_lowered:
.L_overlay_start_1:
0x0: {  	(tag) =	ssettag $0x1  }
0x1: {  	s5 =	rddreg [dreg:$0x0]  }
0x2: {  	s1 =	rddreg [dreg:$0x1]  }
0x3: {  	s3 =	rddreg [dreg:$0x2]  }
0x4: {  	s6 =	rddreg [dreg:$0x3]  }
0x5: {  	s0 =	rddreg [dreg:$0x4];
	s2 =	simm.s32 $0x0  }
0x6: {  	s4 =	simm.s32 $0x300;
	[smem:$0x7FF] =	sst s2  }
0x7: {  	s28 =	simm.s32 $0x380;
	_ =	strace $0x80000047;
	[dreg:$0x5] =	wrdreg s4  }
0x8: {  	s29 =	simm.s32 $0x400;
	[dreg:$0x6] =	wrdreg s28  }
0x9: {  	s30 =	simm.s32 $0x480;
	[dreg:$0x7] =	wrdreg s29  }
0xa: {  	s31 =	simm.s32 $0x500;
	[dreg:$0x8] =	wrdreg s30  }
0xb: {  	s7 =	simm.s32 $0x580;
	[dreg:$0x9] =	wrdreg s31  }
0xc: {  	s8 =	simm.s32 $0x600;
	[dreg:$0xa] =	wrdreg s7  }
0xd: {  	s9 =	simm.s32 $0x680;
	[dreg:$0xb] =	wrdreg s8  }
0xe: {  	s10 =	simm.s32 $0x700;
	[dreg:$0xc] =	wrdreg s9  }
0xf: {  	s11 =	simm.s32 $0x780;
	[dreg:$0xd] =	wrdreg s10  }
0x10: {  	s12 =	simm.s32 $0x800;
	[dreg:$0xe] =	wrdreg s11  }
0x11: {  	s13 =	simm.s32 $0x880;
	[dreg:$0xf] =	wrdreg s12  }
0x12: {  	s14 =	simm.s32 $0x900;
	[dreg:$0x10] =	wrdreg s13  }
0x13: {  	s15 =	simm.s32 $0x980;
	[dreg:$0x11] =	wrdreg s14  }
0x14: {  	s16 =	simm.s32 $0xA00;
	[dreg:$0x12] =	wrdreg s15  }
0x15: {  	s17 =	simm.s32 $0xA80;
	[dreg:$0x13] =	wrdreg s16  }
0x16: {  	s18 =	simm.s32 $0xB00;
	[dreg:$0x14] =	wrdreg s17  }
0x17: {  	s19 =	simm.s32 $0xB80;
	[dreg:$0x15] =	wrdreg s18  }
0x18: {  	s20 =	simm.s32 $0xC00;
	[dreg:$0x16] =	wrdreg s19  }
0x19: {  	s21 =	simm.s32 $0xC80;
	[dreg:$0x17] =	wrdreg s20  }
0x1a: {  	s22 =	simm.s32 $0xD00;
	[dreg:$0x18] =	wrdreg s21  }
0x1b: {  	s23 =	simm.s32 $0xD80;
	[dreg:$0x19] =	wrdreg s22  }
0x1c: {  	s24 =	simm.s32 $0xE00;
	[dreg:$0x1a] =	wrdreg s23  }
0x1d: {  	s25 =	simm.s32 $0xE80;
	[dreg:$0x1b] =	wrdreg s24  }
0x1e: {  	s26 =	simm.s32 $0xF00;
	[dreg:$0x1c] =	wrdreg s25  }
0x1f: {  	[dreg:$0x1d] =	wrdreg s26;
	s28 =	simm.s32 $0xF80  }
0x20: {  	s29 =	simm.s32 $0x1080;
	[dreg:$0x1e] =	wrdreg s28  }
0x21: {  	s30 =	simm.s32 $0x1100;
	[dreg:$0x1f] =	wrdreg s29  }
0x22: {  	s31 =	simm.s32 $0x1180;
	[smem:$0x61B] =	sst s30  }
0x23: {  	s7 =	simm.s32 $0x1200;
	[smem:$0x61C] =	sst s31  }
0x24: {  	s8 =	simm.s32 $0x1280;
	[smem:$0x61D] =	sst s7  }
0x25: {  	s9 =	simm.s32 $0x1300;
	[smem:$0x61E] =	sst s8  }
0x26: {  	s10 =	simm.s32 $0x1380;
	[smem:$0x61F] =	sst s9  }
0x27: {  	s11 =	simm.s32 $0x1400;
	[smem:$0x620] =	sst s10  }
0x28: {  	s12 =	simm.s32 $0x1480;
	[smem:$0x621] =	sst s11  }
0x29: {  	s13 =	simm.s32 $0x1500;
	[smem:$0x622] =	sst s12  }
0x2a: {  	s14 =	simm.s32 $0x1580;
	[smem:$0x623] =	sst s13  }
0x2b: {  	s15 =	simm.s32 $0x1600;
	[smem:$0x624] =	sst s14  }
0x2c: {  	s16 =	simm.s32 $0x1680;
	[smem:$0x625] =	sst s15  }
0x2d: {  	s17 =	simm.s32 $0x1700;
	[smem:$0x626] =	sst s16  }
0x2e: {  	s18 =	simm.s32 $0x1780;
	[smem:$0x627] =	sst s17  }
0x2f: {  	s19 =	simm.s32 $0x1800;
	[smem:$0x628] =	sst s18  }
0x30: {  	s20 =	simm.s32 $0x1880;
	[smem:$0x629] =	sst s19  }
0x31: {  	s21 =	simm.s32 $0x1900;
	[smem:$0x62A] =	sst s20  }
0x32: {  	s22 =	simm.s32 $0x1980;
	[smem:$0x62B] =	sst s21  }
0x33: {  	s23 =	simm.s32 $0x1A00;
	[smem:$0x62C] =	sst s22  }
0x34: {  	s24 =	simm.s32 $0x1A80;
	[smem:$0x62D] =	sst s23  }
0x35: {  	s25 =	simm.s32 $0x1B00;
	[smem:$0x62E] =	sst s24  }
0x36: {  	s26 =	simm.s32 $0x1B80;
	[smem:$0x62F] =	sst s25  }
0x37: {  	[smem:$0x630] =	sst s26;
	s28 =	simm.s32 $0x1C00  }
0x38: {  	s29 =	simm.s32 $0x1C80;
	[smem:$0x631] =	sst s28  }
0x39: {  	s30 =	simm.s32 $0x1D00;
	[smem:$0x632] =	sst s29  }
0x3a: {  	s31 =	simm.s32 $0x1D80;
	[smem:$0x633] =	sst s30  }
0x3b: {  	s7 =	simm.s32 $0x1E00;
	[smem:$0x634] =	sst s31  }
0x3c: {  	s8 =	simm.s32 $0x1E80;
	[smem:$0x635] =	sst s7  }
0x3d: {  	s9 =	simm.s32 $0x1F00;
	[smem:$0x636] =	sst s8  }
0x3e: {  	s10 =	simm.s32 $0x1F80;
	[smem:$0x637] =	sst s9  }
0x3f: {  	s11 =	simm.s32 $0x2000;
	[smem:$0x638] =	sst s10  }
0x40: {  	s12 =	simm.s32 $0x2080;
	[smem:$0x639] =	sst s11  }
0x41: {  	s13 =	simm.s32 $0x2100;
	[smem:$0x63A] =	sst s12  }
0x42: {  	s14 =	simm.s32 $0x2180;
	[smem:$0x63B] =	sst s13  }
0x43: {  	s15 =	simm.s32 $0x2200;
	[smem:$0x63C] =	sst s14  }
0x44: {  	s16 =	simm.s32 $0x2280;
	[smem:$0x63D] =	sst s15  }
0x45: {  	s17 =	simm.s32 $0x2300;
	[smem:$0x63E] =	sst s16  }
0x46: {  	s18 =	simm.s32 $0x2380;
	[smem:$0x63F] =	sst s17  }
0x47: {  	s19 =	simm.s32 $0x2400;
	[smem:$0x640] =	sst s18  }
0x48: {  	s20 =	simm.s32 $0x2480;
	[smem:$0x641] =	sst s19  }
0x49: {  	s21 =	simm.s32 $0x2500;
	[smem:$0x642] =	sst s20  }
0x4a: {  	s22 =	simm.s32 $0x2580;
	[smem:$0x643] =	sst s21  }
0x4b: {  	s23 =	simm.s32 $0x2600;
	[smem:$0x644] =	sst s22  }
0x4c: {  	s24 =	simm.s32 $0x2680;
	[smem:$0x645] =	sst s23  }
0x4d: {  	s25 =	simm.s32 $0x2700;
	[smem:$0x646] =	sst s24  }
0x4e: {  	s26 =	simm.s32 $0x2780;
	[smem:$0x647] =	sst s25  }
0x4f: {  	[smem:$0x648] =	sst s26;
	s28 =	simm.s32 $0x2800  }
0x50: {  	s29 =	simm.s32 $0x2880;
	[smem:$0x649] =	sst s28  }
0x51: {  	s30 =	simm.s32 $0x2900;
	[smem:$0x64A] =	sst s29  }
0x52: {  	s31 =	simm.s32 $0x2980;
	[smem:$0x64B] =	sst s30  }
0x53: {  	s7 =	simm.s32 $0x2A00;
	[smem:$0x64C] =	sst s31  }
0x54: {  	s8 =	simm.s32 $0x2A80;
	[smem:$0x64D] =	sst s7  }
0x55: {  	s9 =	simm.s32 $0x2B00;
	[smem:$0x64E] =	sst s8  }
0x56: {  	s10 =	simm.s32 $0x2B80;
	[smem:$0x64F] =	sst s9  }
0x57: {  	s11 =	simm.s32 $0x2C00;
	[smem:$0x650] =	sst s10  }
0x58: {  	s12 =	simm.s32 $0x2C80;
	[smem:$0x651] =	sst s11  }
0x59: {  	s13 =	simm.s32 $0x2D00;
	[smem:$0x652] =	sst s12  }
0x5a: {  	s14 =	simm.s32 $0x2D80;
	[smem:$0x653] =	sst s13  }
0x5b: {  	s15 =	simm.s32 $0x2E00;
	[smem:$0x654] =	sst s14  }
0x5c: {  	s16 =	simm.s32 $0x2E80;
	[smem:$0x655] =	sst s15  }
0x5d: {  	s17 =	simm.s32 $0x2F00;
	[smem:$0x656] =	sst s16  }
0x5e: {  	s18 =	simm.s32 $0x2F80;
	[smem:$0x657] =	sst s17  }
0x5f: {  	s19 =	simm.s32 $0x3000;
	[smem:$0x658] =	sst s18  }
0x60: {  	s20 =	simm.s32 $0x3080;
	[smem:$0x659] =	sst s19  }
0x61: {  	s21 =	simm.s32 $0x3100;
	[smem:$0x65A] =	sst s20  }
0x62: {  	s22 =	simm.s32 $0x3180;
	[smem:$0x65B] =	sst s21  }
0x63: {  	s23 =	simm.s32 $0x3200;
	[smem:$0x65C] =	sst s22  }
0x64: {  	s24 =	simm.s32 $0x3280;
	[smem:$0x65D] =	sst s23  }
0x65: {  	s25 =	simm.s32 $0x3300;
	[smem:$0x65E] =	sst s24  }
0x66: {  	s26 =	simm.s32 $0x3380;
	[smem:$0x65F] =	sst s25  }
0x67: {  	[smem:$0x660] =	sst s26;
	s28 =	simm.s32 $0x3400  }
0x68: {  	s29 =	simm.s32 $0x3480;
	[smem:$0x661] =	sst s28  }
0x69: {  	s30 =	simm.s32 $0x3500;
	[smem:$0x662] =	sst s29  }
0x6a: {  	s31 =	simm.s32 $0x3580;
	[smem:$0x663] =	sst s30  }
0x6b: {  	s7 =	simm.s32 $0x3600;
	[smem:$0x664] =	sst s31  }
0x6c: {  	s8 =	simm.s32 $0x3680;
	[smem:$0x665] =	sst s7  }
0x6d: {  	s9 =	simm.s32 $0x3700;
	[smem:$0x666] =	sst s8  }
0x6e: {  	s10 =	simm.s32 $0x3780;
	[smem:$0x667] =	sst s9  }
0x6f: {  	s11 =	simm.s32 $0x3800;
	[smem:$0x668] =	sst s10  }
0x70: {  	s12 =	simm.s32 $0x3880;
	[smem:$0x669] =	sst s11  }
0x71: {  	s13 =	simm.s32 $0x3900;
	[smem:$0x66A] =	sst s12  }
0x72: {  	s14 =	simm.s32 $0x3980;
	[smem:$0x66B] =	sst s13  }
0x73: {  	s15 =	simm.s32 $0x3A00;
	[smem:$0x66C] =	sst s14  }
0x74: {  	s16 =	simm.s32 $0x3A80;
	[smem:$0x66D] =	sst s15  }
0x75: {  	s17 =	simm.s32 $0x3B00;
	[smem:$0x66E] =	sst s16  }
0x76: {  	s18 =	simm.s32 $0x3B80;
	[smem:$0x66F] =	sst s17  }
0x77: {  	s19 =	simm.s32 $0x3C00;
	[smem:$0x670] =	sst s18  }
0x78: {  	s20 =	simm.s32 $0x3C80;
	[smem:$0x671] =	sst s19  }
0x79: {  	s21 =	simm.s32 $0x3D00;
	[smem:$0x672] =	sst s20  }
0x7a: {  	s22 =	simm.s32 $0x3D80;
	[smem:$0x673] =	sst s21  }
0x7b: {  	s23 =	simm.s32 $0x3E00;
	[smem:$0x674] =	sst s22  }
0x7c: {  	s24 =	simm.s32 $0x3E80;
	[smem:$0x675] =	sst s23  }
0x7d: {  	s25 =	simm.s32 $0x3F00;
	[smem:$0x676] =	sst s24  }
0x7e: {  	s26 =	simm.s32 $0x3F80;
	[smem:$0x677] =	sst s25  }
0x7f: {  	[smem:$0x678] =	sst s26;
	s28 =	simm.s32 $0x4000  }
0x80: {  	s29 =	simm.s32 $0x4080;
	[smem:$0x679] =	sst s28  }
0x81: {  	s30 =	simm.s32 $0x4100;
	[smem:$0x67A] =	sst s29  }
0x82: {  	s31 =	simm.s32 $0x4180;
	[smem:$0x67B] =	sst s30  }
0x83: {  	s7 =	simm.s32 $0x4200;
	[smem:$0x67C] =	sst s31  }
0x84: {  	s8 =	simm.s32 $0x4280;
	[smem:$0x67D] =	sst s7  }
0x85: {  	s9 =	simm.s32 $0x4300;
	[smem:$0x67E] =	sst s8  }
0x86: {  	s10 =	simm.s32 $0x4380;
	[smem:$0x67F] =	sst s9  }
0x87: {  	s11 =	simm.s32 $0x4400;
	[smem:$0x680] =	sst s10  }
0x88: {  	s12 =	simm.s32 $0x4480;
	[smem:$0x681] =	sst s11  }
0x89: {  	s13 =	simm.s32 $0x4500;
	[smem:$0x682] =	sst s12  }
0x8a: {  	s14 =	simm.s32 $0x4580;
	[smem:$0x683] =	sst s13  }
0x8b: {  	s15 =	simm.s32 $0x4600;
	[smem:$0x684] =	sst s14  }
0x8c: {  	s16 =	simm.s32 $0x4680;
	[smem:$0x685] =	sst s15  }
0x8d: {  	s17 =	simm.s32 $0x4700;
	[smem:$0x686] =	sst s16  }
0x8e: {  	s18 =	simm.s32 $0x4780;
	[smem:$0x687] =	sst s17  }
0x8f: {  	s19 =	simm.s32 $0x4800;
	[smem:$0x688] =	sst s18  }
0x90: {  	s20 =	simm.s32 $0x4880;
	[smem:$0x689] =	sst s19  }
0x91: {  	s21 =	simm.s32 $0x4900;
	[smem:$0x68A] =	sst s20  }
0x92: {  	s22 =	simm.s32 $0x4980;
	[smem:$0x68B] =	sst s21  }
0x93: {  	s23 =	simm.s32 $0x4A00;
	[smem:$0x68C] =	sst s22  }
0x94: {  	s24 =	simm.s32 $0x4A80;
	[smem:$0x68D] =	sst s23  }
0x95: {  	s25 =	simm.s32 $0x4B00;
	[smem:$0x68E] =	sst s24  }
0x96: {  	s26 =	simm.s32 $0x4B80;
	[smem:$0x68F] =	sst s25  }
0x97: {  	[smem:$0x690] =	sst s26;
	s28 =	simm.s32 $0x4C00  }
0x98: {  	s29 =	simm.s32 $0x4C80;
	[smem:$0x691] =	sst s28  }
0x99: {  	s30 =	simm.s32 $0x4D00;
	[smem:$0x692] =	sst s29  }
0x9a: {  	s31 =	simm.s32 $0x4D80;
	[smem:$0x693] =	sst s30  }
0x9b: {  	s7 =	simm.s32 $0x4E00;
	[smem:$0x694] =	sst s31  }
0x9c: {  	s8 =	simm.s32 $0x4E80;
	[smem:$0x695] =	sst s7  }
0x9d: {  	s9 =	simm.s32 $0x4F00;
	[smem:$0x696] =	sst s8  }
0x9e: {  	s10 =	simm.s32 $0x4F80;
	[smem:$0x697] =	sst s9  }
0x9f: {  	s11 =	simm.s32 $0x5000;
	[smem:$0x698] =	sst s10  }
0xa0: {  	s12 =	simm.s32 $0x5080;
	[smem:$0x699] =	sst s11  }
0xa1: {  	s13 =	simm.s32 $0x5100;
	[smem:$0x69A] =	sst s12  }
0xa2: {  	s14 =	simm.s32 $0x5180;
	[smem:$0x69B] =	sst s13  }
0xa3: {  	s15 =	simm.s32 $0x5200;
	[smem:$0x69C] =	sst s14  }
0xa4: {  	s16 =	simm.s32 $0x5280;
	[smem:$0x69D] =	sst s15  }
0xa5: {  	s17 =	simm.s32 $0x5300;
	[smem:$0x69E] =	sst s16  }
0xa6: {  	s18 =	simm.s32 $0x5380;
	[smem:$0x69F] =	sst s17  }
0xa7: {  	s19 =	simm.s32 $0x5400;
	[smem:$0x6A0] =	sst s18  }
0xa8: {  	s20 =	simm.s32 $0x5480;
	[smem:$0x6A1] =	sst s19  }
0xa9: {  	s21 =	simm.s32 $0x5500;
	[smem:$0x6A2] =	sst s20  }
0xaa: {  	s22 =	simm.s32 $0x5580;
	[smem:$0x6A3] =	sst s21  }
0xab: {  	s23 =	simm.s32 $0x5600;
	[smem:$0x6A4] =	sst s22  }
0xac: {  	s24 =	simm.s32 $0x5680;
	[smem:$0x6A5] =	sst s23  }
0xad: {  	s25 =	simm.s32 $0x5700;
	[smem:$0x6A6] =	sst s24  }
0xae: {  	s26 =	simm.s32 $0x5780;
	[smem:$0x6A7] =	sst s25  }
0xaf: {  	[smem:$0x6A8] =	sst s26;
	s28 =	simm.s32 $0x5800  }
0xb0: {  	s29 =	simm.s32 $0x5880;
	[smem:$0x6A9] =	sst s28  }
0xb1: {  	s30 =	simm.s32 $0x5900;
	[smem:$0x6AA] =	sst s29  }
0xb2: {  	s31 =	simm.s32 $0x5980;
	[smem:$0x6AB] =	sst s30  }
0xb3: {  	s7 =	simm.s32 $0x5A00;
	[smem:$0x6AC] =	sst s31  }
0xb4: {  	s8 =	simm.s32 $0x5A80;
	[smem:$0x6AD] =	sst s7  }
0xb5: {  	s9 =	simm.s32 $0x5B00;
	[smem:$0x6AE] =	sst s8  }
0xb6: {  	s10 =	simm.s32 $0x5B80;
	[smem:$0x6AF] =	sst s9  }
0xb7: {  	s11 =	simm.s32 $0x5C00;
	[smem:$0x6B0] =	sst s10  }
0xb8: {  	s12 =	simm.s32 $0x5C80;
	[smem:$0x6B1] =	sst s11  }
0xb9: {  	s13 =	simm.s32 $0x5D00;
	[smem:$0x6B2] =	sst s12  }
0xba: {  	s14 =	simm.s32 $0x5D80;
	[smem:$0x6B3] =	sst s13  }
0xbb: {  	s15 =	simm.s32 $0x5E00;
	[smem:$0x6B4] =	sst s14  }
0xbc: {  	s16 =	simm.s32 $0x5E80;
	[smem:$0x6B5] =	sst s15  }
0xbd: {  	s17 =	simm.s32 $0x5F00;
	[smem:$0x6B6] =	sst s16  }
0xbe: {  	s18 =	simm.s32 $0x5F80;
	[smem:$0x6B7] =	sst s17  }
0xbf: {  	s19 =	simm.s32 $0x6000;
	[smem:$0x6B8] =	sst s18  }
0xc0: {  	s20 =	simm.s32 $0x6080;
	[smem:$0x6B9] =	sst s19  }
0xc1: {  	s21 =	simm.s32 $0x6100;
	[smem:$0x6BA] =	sst s20  }
0xc2: {  	s22 =	simm.s32 $0x6180;
	[smem:$0x6BB] =	sst s21  }
0xc3: {  	s23 =	simm.s32 $0x6200;
	[smem:$0x6BC] =	sst s22  }
0xc4: {  	s24 =	simm.s32 $0x6280;
	[smem:$0x6BD] =	sst s23  }
0xc5: {  	s25 =	simm.s32 $0x6300;
	[smem:$0x6BE] =	sst s24  }
0xc6: {  	s26 =	simm.s32 $0x6380;
	[smem:$0x6BF] =	sst s25  }
0xc7: {  	[smem:$0x6C0] =	sst s26;
	s28 =	simm.s32 $0x6400  }
0xc8: {  	s29 =	simm.s32 $0x6480;
	[smem:$0x6C1] =	sst s28  }
0xc9: {  	s30 =	simm.s32 $0x6500;
	[smem:$0x6C2] =	sst s29  }
0xca: {  	s31 =	simm.s32 $0x6580;
	[smem:$0x6C3] =	sst s30  }
0xcb: {  	s7 =	simm.s32 $0x6600;
	[smem:$0x6C4] =	sst s31  }
0xcc: {  	s8 =	simm.s32 $0x6680;
	[smem:$0x6C5] =	sst s7  }
0xcd: {  	s9 =	simm.s32 $0x6700;
	[smem:$0x6C6] =	sst s8  }
0xce: {  	s10 =	simm.s32 $0x6780;
	[smem:$0x6C7] =	sst s9  }
0xcf: {  	s11 =	simm.s32 $0x6800;
	[smem:$0x6C8] =	sst s10  }
0xd0: {  	s12 =	simm.s32 $0x6880;
	[smem:$0x6C9] =	sst s11  }
0xd1: {  	s13 =	simm.s32 $0x6900;
	[smem:$0x6CA] =	sst s12  }
0xd2: {  	s14 =	simm.s32 $0x6980;
	[smem:$0x6CB] =	sst s13  }
0xd3: {  	s15 =	simm.s32 $0x6A00;
	[smem:$0x6CC] =	sst s14  }
0xd4: {  	s16 =	simm.s32 $0x6A80;
	[smem:$0x6CD] =	sst s15  }
0xd5: {  	s17 =	simm.s32 $0x6B00;
	[smem:$0x6CE] =	sst s16  }
0xd6: {  	s18 =	simm.s32 $0x6B80;
	[smem:$0x6CF] =	sst s17  }
0xd7: {  	s19 =	simm.s32 $0x6C00;
	[smem:$0x6D0] =	sst s18  }
0xd8: {  	s20 =	simm.s32 $0x6C80;
	[smem:$0x6D1] =	sst s19  }
0xd9: {  	s21 =	simm.s32 $0x6D00;
	[smem:$0x6D2] =	sst s20  }
0xda: {  	s22 =	simm.s32 $0x6D80;
	[smem:$0x6D3] =	sst s21  }
0xdb: {  	s23 =	simm.s32 $0x6E00;
	[smem:$0x6D4] =	sst s22  }
0xdc: {  	s24 =	simm.s32 $0x6E80;
	[smem:$0x6D5] =	sst s23  }
0xdd: {  	s25 =	simm.s32 $0x6F00;
	[smem:$0x6D6] =	sst s24  }
0xde: {  	s26 =	simm.s32 $0x6F80;
	[smem:$0x6D7] =	sst s25  }
0xdf: {  	[smem:$0x6D8] =	sst s26;
	s28 =	simm.s32 $0x7000  }
0xe0: {  	s29 =	simm.s32 $0x7080;
	[smem:$0x6D9] =	sst s28  }
0xe1: {  	s30 =	simm.s32 $0x7100;
	[smem:$0x6DA] =	sst s29  }
0xe2: {  	s31 =	simm.s32 $0x7180;
	[smem:$0x6DB] =	sst s30  }
0xe3: {  	s7 =	simm.s32 $0x7200;
	[smem:$0x6DC] =	sst s31  }
0xe4: {  	s8 =	simm.s32 $0x7280;
	[smem:$0x6DD] =	sst s7  }
0xe5: {  	s9 =	simm.s32 $0x7300;
	[smem:$0x6DE] =	sst s8  }
0xe6: {  	s10 =	simm.s32 $0x7380;
	[smem:$0x6DF] =	sst s9  }
0xe7: {  	s11 =	simm.s32 $0x7400;
	[smem:$0x6E0] =	sst s10  }
0xe8: {  	s12 =	simm.s32 $0x7480;
	[smem:$0x6E1] =	sst s11  }
0xe9: {  	s13 =	simm.s32 $0x7500;
	[smem:$0x6E2] =	sst s12  }
0xea: {  	s14 =	simm.s32 $0x7580;
	[smem:$0x6E3] =	sst s13  }
0xeb: {  	s15 =	simm.s32 $0x7600;
	[smem:$0x6E4] =	sst s14  }
0xec: {  	s16 =	simm.s32 $0x7680;
	[smem:$0x6E5] =	sst s15  }
0xed: {  	s17 =	simm.s32 $0x7700;
	[smem:$0x6E6] =	sst s16  }
0xee: {  	s18 =	simm.s32 $0x7780;
	[smem:$0x6E7] =	sst s17  }
0xef: {  	s19 =	simm.s32 $0x7800;
	[smem:$0x6E8] =	sst s18  }
0xf0: {  	s20 =	simm.s32 $0x7880;
	[smem:$0x6E9] =	sst s19  }
0xf1: {  	s21 =	simm.s32 $0x7900;
	[smem:$0x6EA] =	sst s20  }
0xf2: {  	s22 =	simm.s32 $0x7980;
	[smem:$0x6EB] =	sst s21  }
0xf3: {  	s23 =	simm.s32 $0x7A00;
	[smem:$0x6EC] =	sst s22  }
0xf4: {  	s24 =	simm.s32 $0x7A80;
	[smem:$0x6ED] =	sst s23  }
0xf5: {  	s25 =	simm.s32 $0x7B00;
	[smem:$0x6EE] =	sst s24  }
0xf6: {  	s26 =	simm.s32 $0x7B80;
	[smem:$0x6EF] =	sst s25  }
0xf7: {  	[smem:$0x6F0] =	sst s26;
	s28 =	simm.s32 $0x7C00  }
0xf8: {  	s29 =	simm.s32 $0x7C80;
	[smem:$0x6F1] =	sst s28  }
0xf9: {  	s30 =	simm.s32 $0x7D00;
	[smem:$0x6F2] =	sst s29  }
0xfa: {  	s31 =	simm.s32 $0x7D80;
	[smem:$0x6F3] =	sst s30  }
0xfb: {  	s7 =	simm.s32 $0x7E00;
	[smem:$0x6F4] =	sst s31  }
0xfc: {  	s8 =	simm.s32 $0x7E80;
	[smem:$0x6F5] =	sst s7  }
0xfd: {  	s9 =	simm.s32 $0x7F00;
	[smem:$0x6F6] =	sst s8  }
0xfe: {  	s10 =	simm.s32 $0x7F80;
	[smem:$0x6F7] =	sst s9  }
0xff: {  	s11 =	simm.s32 $0x8000;
	[smem:$0x6F8] =	sst s10  }
0x100: {  	s12 =	simm.s32 $0x8080;
	[smem:$0x6F9] =	sst s11  }
0x101: {  	s13 =	simm.s32 $0x8100;
	[smem:$0x6FA] =	sst s12  }
0x102: {  	s14 =	simm.s32 $0x8180;
	[smem:$0x6FB] =	sst s13  }
0x103: {  	s15 =	simm.s32 $0x8200;
	[smem:$0x6FC] =	sst s14  }
0x104: {  	s16 =	simm.s32 $0x8280;
	[smem:$0x6FD] =	sst s15  }
0x105: {  	s17 =	simm.s32 $0x8300;
	[smem:$0x6FE] =	sst s16  }
0x106: {  	s18 =	simm.s32 $0x8380;
	[smem:$0x6FF] =	sst s17  }
0x107: {  	s19 =	simm.s32 $0x8400;
	[smem:$0x700] =	sst s18  }
0x108: {  	s20 =	simm.s32 $0x8480;
	[smem:$0x701] =	sst s19  }
0x109: {  	s21 =	simm.s32 $0x8500;
	[smem:$0x702] =	sst s20  }
0x10a: {  	s22 =	simm.s32 $0x8580;
	[smem:$0x703] =	sst s21  }
0x10b: {  	s23 =	simm.s32 $0x8600;
	[smem:$0x704] =	sst s22  }
0x10c: {  	s24 =	simm.s32 $0x8680;
	[smem:$0x705] =	sst s23  }
0x10d: {  	s25 =	simm.s32 $0x8700;
	[smem:$0x706] =	sst s24  }
0x10e: {  	s26 =	simm.s32 $0x8780;
	[smem:$0x707] =	sst s25  }
0x10f: {  	[smem:$0x708] =	sst s26;
	s28 =	simm.s32 $0x8800  }
0x110: {  	s29 =	simm.s32 $0x8880;
	[smem:$0x709] =	sst s28  }
0x111: {  	s7 =	simm.s32 $0x9880;
	[smem:$0x70A] =	sst s29  }
0x112: {  	s30 =	simm.s32 $0x9900;
	[smem:$0x70B] =	sst s7  }
0x113: {  	s31 =	simm.s32 $0x9980;
	[smem:$0x70C] =	sst s30  }
0x114: {  	s8 =	simm.s32 $0x9A80;
	[smem:$0x70D] =	sst s31  }
0x115: {  	s9 =	simm.s32 $0x9B00;
	[smem:$0x70F] =	sst s8  }
0x116: {  	s10 =	simm.s32 $0x9B80;
	[smem:$0x710] =	sst s9  }
0x117: {  	s11 =	simm.s32 $0x9C00;
	[smem:$0x711] =	sst s10  }
0x118: {  	s12 =	simm.s32 $0x9C80;
	[smem:$0x712] =	sst s11  }
0x119: {  	s13 =	simm.s32 $0x9D00;
	[smem:$0x713] =	sst s12  }
0x11a: {  	s14 =	simm.s32 $0x9D80;
	[smem:$0x714] =	sst s13  }
0x11b: {  	s15 =	simm.s32 $0x9E00;
	[smem:$0x715] =	sst s14  }
0x11c: {  	s16 =	simm.s32 $0x9E80;
	[smem:$0x716] =	sst s15  }
0x11d: {  	s17 =	simm.s32 $0x9F00;
	[smem:$0x717] =	sst s16  }
0x11e: {  	s18 =	simm.s32 $0x9F80;
	[smem:$0x718] =	sst s17  }
0x11f: {  	s19 =	simm.s32 $0xA000;
	[smem:$0x719] =	sst s18  }
0x120: {  	s20 =	simm.s32 $0xA080;
	[smem:$0x71A] =	sst s19  }
0x121: {  	s21 =	simm.s32 $0xA100;
	[smem:$0x71B] =	sst s20  }
0x122: {  	s22 =	simm.s32 $0xA180;
	[smem:$0x71C] =	sst s21  }
0x123: {  	s23 =	simm.s32 $0xA200;
	[smem:$0x71D] =	sst s22  }
0x124: {  	s24 =	simm.s32 $0x9780;
	[smem:$0x71E] =	sst s23  }
0x125: {  	s25 =	simm.s32 $0xA280;
	[smem:$0x71F] =	sst s24  }
0x126: {  	s26 =	simm.s32 $0xA300;
	[smem:$0x720] =	sst s25  }
0x127: {  	s7 =	simm.s32 $0x9A00;
	[smem:$0x721] =	sst s26  }
0x128: {  	s28 =	simm.s32 $0xA380;
	[smem:$0x70E] =	sst s7  }
0x129: {  	s29 =	simm.s32 $0xA400;
	[smem:$0x722] =	sst s28  }
0x12a: {  	s30 =	simm.s32 $0xA480;
	[smem:$0x723] =	sst s29  }
0x12b: {  	s31 =	simm.s32 $0xA500;
	[smem:$0x724] =	sst s30  }
0x12c: {  	s8 =	simm.s32 $0xA600;
	[smem:$0x725] =	sst s31  }
0x12d: {  	s9 =	simm.s32 $0xA680;
	[smem:$0x727] =	sst s8  }
0x12e: {  	s10 =	simm.s32 $0xA700;
	[smem:$0x728] =	sst s9  }
0x12f: {  	s11 =	simm.s32 $0xA780;
	[smem:$0x729] =	sst s10  }
0x130: {  	s12 =	simm.s32 $0xA800;
	[smem:$0x72A] =	sst s11  }
0x131: {  	s13 =	simm.s32 $0xA880;
	[smem:$0x72B] =	sst s12  }
0x132: {  	s14 =	simm.s32 $0xA900;
	[smem:$0x72C] =	sst s13  }
0x133: {  	s15 =	simm.s32 $0xA980;
	[smem:$0x72D] =	sst s14  }
0x134: {  	s16 =	simm.s32 $0xAA00;
	[smem:$0x72E] =	sst s15  }
0x135: {  	s17 =	simm.s32 $0xAA80;
	[smem:$0x72F] =	sst s16  }
0x136: {  	s18 =	simm.s32 $0xAB00;
	[smem:$0x730] =	sst s17  }
0x137: {  	s19 =	simm.s32 $0xAB80;
	[smem:$0x731] =	sst s18  }
0x138: {  	s20 =	simm.s32 $0xAC00;
	[smem:$0x732] =	sst s19  }
0x139: {  	s21 =	simm.s32 $0xAC80;
	[smem:$0x733] =	sst s20  }
0x13a: {  	s22 =	simm.s32 $0xAD00;
	[smem:$0x734] =	sst s21  }
0x13b: {  	s23 =	simm.s32 $0xAD80;
	[smem:$0x735] =	sst s22  }
0x13c: {  	s24 =	simm.s32 $0xAE00;
	[smem:$0x736] =	sst s23  }
0x13d: {  	s25 =	simm.s32 $0xAE80;
	[smem:$0x737] =	sst s24  }
0x13e: {  	s26 =	simm.s32 $0xAF00;
	[smem:$0x738] =	sst s25  }
0x13f: {  	s7 =	simm.s32 $0xA580;
	[smem:$0x739] =	sst s26  }
0x140: {  	s28 =	simm.s32 $0xAF80;
	[smem:$0x726] =	sst s7  }
0x141: {  	s29 =	simm.s32 $0xB000;
	[smem:$0x73A] =	sst s28  }
0x142: {  	s30 =	simm.s32 $0xB080;
	[smem:$0x73B] =	sst s29  }
0x143: {  	s31 =	simm.s32 $0xB100;
	[smem:$0x73C] =	sst s30  }
0x144: {  	s8 =	simm.s32 $0xB200;
	[smem:$0x73D] =	sst s31  }
0x145: {  	s9 =	simm.s32 $0xF280;
	[smem:$0x73F] =	sst s8  }
0x146: {  	s10 =	simm.s32 $0x10080;
	[smem:$0x740] =	sst s9  }
0x147: {  	s11 =	simm.s32 $0xF200;
	[smem:$0x741] =	sst s10  }
0x148: {  	s12 =	simm.s32 $0xF180;
	[smem:$0x742] =	sst s11  }
0x149: {  	s13 =	simm.s32 $0xF480;
	[smem:$0x743] =	sst s12  }
0x14a: {  	s14 =	simm.s32 $0x8900;
	[smem:$0x744] =	sst s13  }
0x14b: {  	s15 =	simm.s32 $0x8980;
	[smem:$0x745] =	sst s14  }
0x14c: {  	s16 =	simm.s32 $0x8A00;
	[smem:$0x746] =	sst s15  }
0x14d: {  	s17 =	simm.s32 $0x8A80;
	[smem:$0x747] =	sst s16  }
0x14e: {  	s18 =	simm.s32 $0x8B00;
	[smem:$0x748] =	sst s17  }
0x14f: {  	s19 =	simm.s32 $0x8B80;
	[smem:$0x749] =	sst s18  }
0x150: {  	s20 =	simm.s32 $0x8C00;
	[smem:$0x74A] =	sst s19  }
0x151: {  	s21 =	simm.s32 $0x8C80;
	[smem:$0x74B] =	sst s20  }
0x152: {  	s22 =	simm.s32 $0x8D00;
	[smem:$0x74C] =	sst s21  }
0x153: {  	s23 =	simm.s32 $0x8D80;
	[smem:$0x74D] =	sst s22  }
0x154: {  	s24 =	simm.s32 $0x8E00;
	[smem:$0x74E] =	sst s23  }
0x155: {  	s25 =	simm.s32 $0x8E80;
	[smem:$0x74F] =	sst s24  }
0x156: {  	s26 =	simm.s32 $0x8F00;
	[smem:$0x750] =	sst s25  }
0x157: {  	s7 =	simm.s32 $0xB180;
	[smem:$0x751] =	sst s26  }
0x158: {  	s28 =	simm.s32 $0x8F80;
	[smem:$0x73E] =	sst s7  }
0x159: {  	s29 =	simm.s32 $0x9000;
	[smem:$0x752] =	sst s28  }
0x15a: {  	s30 =	simm.s32 $0xFF80;
	[smem:$0x753] =	sst s29  }
0x15b: {  	s31 =	simm.s32 $0x9080;
	[smem:$0x754] =	sst s30  }
0x15c: {  	s8 =	simm.s32 $0x9180;
	[smem:$0x755] =	sst s31  }
0x15d: {  	s9 =	simm.s32 $0x9200;
	[smem:$0x757] =	sst s8  }
0x15e: {  	s10 =	simm.s32 $0x9280;
	[smem:$0x758] =	sst s9  }
0x15f: {  	s11 =	simm.s32 $0x9300;
	[smem:$0x759] =	sst s10  }
0x160: {  	s12 =	simm.s32 $0x9380;
	[smem:$0x75A] =	sst s11  }
0x161: {  	s13 =	simm.s32 $0x9400;
	[smem:$0x75B] =	sst s12  }
0x162: {  	s14 =	simm.s32 $0x9480;
	[smem:$0x75C] =	sst s13  }
0x163: {  	s15 =	simm.s32 $0x9500;
	[smem:$0x75D] =	sst s14  }
0x164: {  	s16 =	simm.s32 $0x9580;
	[smem:$0x75E] =	sst s15  }
0x165: {  	s17 =	simm.s32 $0x9600;
	[smem:$0x75F] =	sst s16  }
0x166: {  	s18 =	simm.s32 $0x9680;
	[smem:$0x760] =	sst s17  }
0x167: {  	s19 =	simm.s32 $0x9700;
	[smem:$0x761] =	sst s18  }
0x168: {  	s20 =	simm.s32 $0x9800;
	[smem:$0x762] =	sst s19  }
0x169: {  	s21 =	simm.s32 $0xB280;
	[smem:$0x763] =	sst s20  }
0x16a: {  	s22 =	simm.s32 $0xB300;
	[smem:$0x764] =	sst s21  }
0x16b: {  	s23 =	simm.s32 $0xB380;
	[smem:$0x765] =	sst s22  }
0x16c: {  	s24 =	simm.s32 $0xB400;
	[smem:$0x766] =	sst s23  }
0x16d: {  	s25 =	simm.s32 $0xB480;
	[smem:$0x767] =	sst s24  }
0x16e: {  	s26 =	simm.s32 $0xB500;
	[smem:$0x768] =	sst s25  }
0x16f: {  	s7 =	simm.s32 $0x9100;
	[smem:$0x769] =	sst s26  }
0x170: {  	s28 =	simm.s32 $0xB580;
	[smem:$0x756] =	sst s7  }
0x171: {  	s29 =	simm.s32 $0xB600;
	[smem:$0x76A] =	sst s28  }
0x172: {  	s30 =	simm.s32 $0xB680;
	[smem:$0x76B] =	sst s29  }
0x173: {  	s31 =	simm.s32 $0xB700;
	[smem:$0x76C] =	sst s30  }
0x174: {  	s8 =	simm.s32 $0xB800;
	[smem:$0x76D] =	sst s31  }
0x175: {  	s9 =	simm.s32 $0xB880;
	[smem:$0x76F] =	sst s8  }
0x176: {  	s10 =	simm.s32 $0xB900;
	[smem:$0x770] =	sst s9  }
0x177: {  	s11 =	simm.s32 $0xB980;
	[smem:$0x771] =	sst s10  }
0x178: {  	s12 =	simm.s32 $0xBA00;
	[smem:$0x772] =	sst s11  }
0x179: {  	s13 =	simm.s32 $0xBA80;
	[smem:$0x773] =	sst s12  }
0x17a: {  	s14 =	simm.s32 $0xFF00;
	[smem:$0x774] =	sst s13  }
0x17b: {  	s15 =	simm.s32 $0xBB00;
	[smem:$0x775] =	sst s14  }
0x17c: {  	s16 =	simm.s32 $0xBB80;
	[smem:$0x776] =	sst s15  }
0x17d: {  	s17 =	simm.s32 $0xBC00;
	[smem:$0x777] =	sst s16  }
0x17e: {  	s18 =	simm.s32 $0xBC80;
	[smem:$0x778] =	sst s17  }
0x17f: {  	s19 =	simm.s32 $0xBD00;
	[smem:$0x779] =	sst s18  }
0x180: {  	s20 =	simm.s32 $0xBD80;
	[smem:$0x77A] =	sst s19  }
0x181: {  	s21 =	simm.s32 $0xBE00;
	[smem:$0x77B] =	sst s20  }
0x182: {  	s22 =	simm.s32 $0xBE80;
	[smem:$0x77C] =	sst s21  }
0x183: {  	s23 =	simm.s32 $0xBF00;
	[smem:$0x77D] =	sst s22  }
0x184: {  	s24 =	simm.s32 $0xBF80;
	[smem:$0x77E] =	sst s23  }
0x185: {  	s25 =	simm.s32 $0xC000;
	[smem:$0x77F] =	sst s24  }
0x186: {  	s26 =	simm.s32 $0xC080;
	[smem:$0x780] =	sst s25  }
0x187: {  	s7 =	simm.s32 $0xB780;
	[smem:$0x781] =	sst s26  }
0x188: {  	s28 =	simm.s32 $0xC100;
	[smem:$0x76E] =	sst s7  }
0x189: {  	s29 =	simm.s32 $0xC180;
	[smem:$0x782] =	sst s28  }
0x18a: {  	s30 =	simm.s32 $0xC200;
	[smem:$0x783] =	sst s29  }
0x18b: {  	s31 =	simm.s32 $0xC280;
	[smem:$0x784] =	sst s30  }
0x18c: {  	s8 =	simm.s32 $0xC380;
	[smem:$0x785] =	sst s31  }
0x18d: {  	s9 =	simm.s32 $0xC400;
	[smem:$0x787] =	sst s8  }
0x18e: {  	s10 =	simm.s32 $0xC480;
	[smem:$0x788] =	sst s9  }
0x18f: {  	s11 =	simm.s32 $0xC500;
	[smem:$0x789] =	sst s10  }
0x190: {  	s12 =	simm.s32 $0xC580;
	[smem:$0x78A] =	sst s11  }
0x191: {  	s13 =	simm.s32 $0xC600;
	[smem:$0x78B] =	sst s12  }
0x192: {  	s14 =	simm.s32 $0xC680;
	[smem:$0x78C] =	sst s13  }
0x193: {  	s15 =	simm.s32 $0xC700;
	[smem:$0x78D] =	sst s14  }
0x194: {  	s16 =	simm.s32 $0xC780;
	[smem:$0x78E] =	sst s15  }
0x195: {  	s17 =	simm.s32 $0xC800;
	[smem:$0x78F] =	sst s16  }
0x196: {  	s18 =	simm.s32 $0xC880;
	[smem:$0x790] =	sst s17  }
0x197: {  	s19 =	simm.s32 $0xC900;
	[smem:$0x791] =	sst s18  }
0x198: {  	s20 =	simm.s32 $0xC980;
	[smem:$0x792] =	sst s19  }
0x199: {  	s21 =	simm.s32 $0xCA00;
	[smem:$0x793] =	sst s20  }
0x19a: {  	s22 =	simm.s32 $0xCA80;
	[smem:$0x794] =	sst s21  }
0x19b: {  	s23 =	simm.s32 $0xFE80;
	[smem:$0x795] =	sst s22  }
0x19c: {  	s24 =	simm.s32 $0xCB00;
	[smem:$0x796] =	sst s23  }
0x19d: {  	s25 =	simm.s32 $0xCB80;
	[smem:$0x797] =	sst s24  }
0x19e: {  	s26 =	simm.s32 $0xCC00;
	[smem:$0x798] =	sst s25  }
0x19f: {  	s7 =	simm.s32 $0xC300;
	[smem:$0x799] =	sst s26  }
0x1a0: {  	s28 =	simm.s32 $0xCC80;
	[smem:$0x786] =	sst s7  }
0x1a1: {  	s29 =	simm.s32 $0xCD00;
	[smem:$0x79A] =	sst s28  }
0x1a2: {  	s30 =	simm.s32 $0xCD80;
	[smem:$0x79B] =	sst s29  }
0x1a3: {  	s31 =	simm.s32 $0xCE00;
	[smem:$0x79C] =	sst s30  }
0x1a4: {  	s8 =	simm.s32 $0xCF00;
	[smem:$0x79D] =	sst s31  }
0x1a5: {  	s9 =	simm.s32 $0xCF80;
	[smem:$0x79F] =	sst s8  }
0x1a6: {  	s10 =	simm.s32 $0xD000;
	[smem:$0x7A0] =	sst s9  }
0x1a7: {  	s11 =	simm.s32 $0xD080;
	[smem:$0x7A1] =	sst s10  }
0x1a8: {  	s12 =	simm.s32 $0xD100;
	[smem:$0x7A2] =	sst s11  }
0x1a9: {  	s13 =	simm.s32 $0xD180;
	[smem:$0x7A3] =	sst s12  }
0x1aa: {  	s14 =	simm.s32 $0xD200;
	[smem:$0x7A4] =	sst s13  }
0x1ab: {  	s15 =	simm.s32 $0xD280;
	[smem:$0x7A5] =	sst s14  }
0x1ac: {  	s16 =	simm.s32 $0xD300;
	[smem:$0x7A6] =	sst s15  }
0x1ad: {  	s17 =	simm.s32 $0xD380;
	[smem:$0x7A7] =	sst s16  }
0x1ae: {  	s18 =	simm.s32 $0xD400;
	[smem:$0x7A8] =	sst s17  }
0x1af: {  	s19 =	simm.s32 $0xD480;
	[smem:$0x7A9] =	sst s18  }
0x1b0: {  	s20 =	simm.s32 $0xD500;
	[smem:$0x7AA] =	sst s19  }
0x1b1: {  	s21 =	simm.s32 $0xD580;
	[smem:$0x7AB] =	sst s20  }
0x1b2: {  	s22 =	simm.s32 $0xD600;
	[smem:$0x7AC] =	sst s21  }
0x1b3: {  	s23 =	simm.s32 $0xD680;
	[smem:$0x7AD] =	sst s22  }
0x1b4: {  	s24 =	simm.s32 $0xD700;
	[smem:$0x7AE] =	sst s23  }
0x1b5: {  	s25 =	simm.s32 $0xD780;
	[smem:$0x7AF] =	sst s24  }
0x1b6: {  	s26 =	simm.s32 $0xD800;
	[smem:$0x7B0] =	sst s25  }
0x1b7: {  	s7 =	simm.s32 $0xCE80;
	[smem:$0x7B1] =	sst s26  }
0x1b8: {  	s28 =	simm.s32 $0xD880;
	[smem:$0x79E] =	sst s7  }
0x1b9: {  	s29 =	simm.s32 $0xD900;
	[smem:$0x7B2] =	sst s28  }
0x1ba: {  	s30 =	simm.s32 $0xD980;
	[smem:$0x7B3] =	sst s29  }
0x1bb: {  	s31 =	simm.s32 $0xDA00;
	[smem:$0x7B4] =	sst s30  }
0x1bc: {  	s8 =	simm.s32 $0xFE00;
	[smem:$0x7B5] =	sst s31  }
0x1bd: {  	s9 =	simm.s32 $0xDB00;
	[smem:$0x7B7] =	sst s8  }
0x1be: {  	s10 =	simm.s32 $0xDB80;
	[smem:$0x7B8] =	sst s9  }
0x1bf: {  	s11 =	simm.s32 $0xDC00;
	[smem:$0x7B9] =	sst s10  }
0x1c0: {  	s12 =	simm.s32 $0xDC80;
	[smem:$0x7BA] =	sst s11  }
0x1c1: {  	s13 =	simm.s32 $0xDD00;
	[smem:$0x7BB] =	sst s12  }
0x1c2: {  	s14 =	simm.s32 $0xDD80;
	[smem:$0x7BC] =	sst s13  }
0x1c3: {  	s15 =	simm.s32 $0xDE00;
	[smem:$0x7BD] =	sst s14  }
0x1c4: {  	s16 =	simm.s32 $0xDE80;
	[smem:$0x7BE] =	sst s15  }
0x1c5: {  	s17 =	simm.s32 $0xDF00;
	[smem:$0x7BF] =	sst s16  }
0x1c6: {  	s18 =	simm.s32 $0xDF80;
	[smem:$0x7C0] =	sst s17  }
0x1c7: {  	s19 =	simm.s32 $0xE000;
	[smem:$0x7C1] =	sst s18  }
0x1c8: {  	s20 =	simm.s32 $0xE080;
	[smem:$0x7C2] =	sst s19  }
0x1c9: {  	s21 =	simm.s32 $0xE100;
	[smem:$0x7C3] =	sst s20  }
0x1ca: {  	s22 =	simm.s32 $0xE180;
	[smem:$0x7C4] =	sst s21  }
0x1cb: {  	s23 =	simm.s32 $0xE200;
	[smem:$0x7C5] =	sst s22  }
0x1cc: {  	s24 =	simm.s32 $0xE280;
	[smem:$0x7C6] =	sst s23  }
0x1cd: {  	s25 =	simm.s32 $0xE300;
	[smem:$0x7C7] =	sst s24  }
0x1ce: {  	s26 =	simm.s32 $0xE380;
	[smem:$0x7C8] =	sst s25  }
0x1cf: {  	s7 =	simm.s32 $0xDA80;
	[smem:$0x7C9] =	sst s26  }
0x1d0: {  	s28 =	simm.s32 $0xE400;
	[smem:$0x7B6] =	sst s7  }
0x1d1: {  	s29 =	simm.s32 $0xE480;
	[smem:$0x7CA] =	sst s28  }
0x1d2: {  	s30 =	simm.s32 $0xE500;
	[smem:$0x7CB] =	sst s29  }
0x1d3: {  	s31 =	simm.s32 $0xE580;
	[smem:$0x7CC] =	sst s30  }
0x1d4: {  	s8 =	simm.s32 $0xE680;
	[smem:$0x7CD] =	sst s31  }
0x1d5: {  	s9 =	simm.s32 $0xE700;
	[smem:$0x7CF] =	sst s8  }
0x1d6: {  	s10 =	simm.s32 $0xE780;
	[smem:$0x7D0] =	sst s9  }
0x1d7: {  	s11 =	simm.s32 $0xE800;
	[smem:$0x7D1] =	sst s10  }
0x1d8: {  	s12 =	simm.s32 $0xE880;
	[smem:$0x7D2] =	sst s11  }
0x1d9: {  	s13 =	simm.s32 $0xE900;
	[smem:$0x7D3] =	sst s12  }
0x1da: {  	s14 =	simm.s32 $0xE980;
	[smem:$0x7D4] =	sst s13  }
0x1db: {  	s15 =	simm.s32 $0xEA00;
	[smem:$0x7D5] =	sst s14  }
0x1dc: {  	s16 =	simm.s32 $0xEA80;
	[smem:$0x7D6] =	sst s15  }
0x1dd: {  	s17 =	simm.s32 $0xFD80;
	[smem:$0x7D7] =	sst s16  }
0x1de: {  	s18 =	simm.s32 $0xEB00;
	[smem:$0x7D8] =	sst s17  }
0x1df: {  	s19 =	simm.s32 $0xEB80;
	[smem:$0x7D9] =	sst s18  }
0x1e0: {  	s20 =	simm.s32 $0xEC00;
	[smem:$0x7DA] =	sst s19  }
0x1e1: {  	s21 =	simm.s32 $0xEC80;
	[smem:$0x7DB] =	sst s20  }
0x1e2: {  	s22 =	simm.s32 $0xED00;
	[smem:$0x7DC] =	sst s21  }
0x1e3: {  	s23 =	simm.s32 $0xED80;
	[smem:$0x7DD] =	sst s22  }
0x1e4: {  	s24 =	simm.s32 $0xEE00;
	[smem:$0x7DE] =	sst s23  }
0x1e5: {  	s25 =	simm.s32 $0xEE80;
	[smem:$0x7DF] =	sst s24  }
0x1e6: {  	s26 =	simm.s32 $0xEF00;
	[smem:$0x7E0] =	sst s25  }
0x1e7: {  	s7 =	simm.s32 $0xE600;
	[smem:$0x7E1] =	sst s26  }
0x1e8: {  	s28 =	simm.s32 $0xEF80;
	[smem:$0x7CE] =	sst s7  }
0x1e9: {  	s29 =	simm.s32 $0xF000;
	[smem:$0x7E2] =	sst s28  }
0x1ea: {  	s30 =	simm.s32 $0xF080;
	[smem:$0x7E3] =	sst s29  }
0x1eb: {  	s31 =	simm.s32 $0xF100;
	[smem:$0x7E4] =	sst s30  }
0x1ec: {  	s8 =	simm.s32 $0xF300;
	[smem:$0x7E5] =	sst s31  }
0x1ed: {  	s9 =	simm.s32 $0xF380;
	[smem:$0x7E6] =	sst s8  }
0x1ee: {  	s10 =	simm.s32 $0xF400;
	[smem:$0x7E7] =	sst s9  }
0x1ef: {  	s11 =	simm.s32 $0xF500;
	[smem:$0x7E8] =	sst s10  }
0x1f0: {  	s12 =	simm.s32 $0xF580;
	[smem:$0x7E9] =	sst s11  }
0x1f1: {  	v0 =	vlaneseq.u32;
	vm0 =	vmmov $0x1;
	v2 =	vimm.s32 $0x3;
	s13 =	simm.s32 $0xF600;
	[smem:$0x7EA] =	sst s12  }
0x1f2: {  	v3 =	vimm.s32 $0x7;
	v4 =	vimm.s32 $0x0;
	v6 =	vimm.s32 $0x1;
	s14 =	simm.s32 $0xFD00;
	[smem:$0x7EB] =	sst s13  }
0x1f3: {  	v7 =	vimm.s32 $0x2;
	v8 =	vimm.s32 $0x4;
	v9 =	vimm.s32 $0x5;
	s15 =	simm.s32 $0xF680;
	[smem:$0x7EC] =	sst s14  }
0x1f4: {  	v10 =	vimm.s32 $0x6;
	v11 =	vimm.s32 $0x8;
	v12 =	vimm.s32 $0x9;
	s17 =	simm.s32 $0xF780;
	[smem:$0x7ED] =	sst s15  }
0x1f5: {  	v13 =	vimm.s32 $0xA;
	v14 =	vimm.s32 $0xB;
	v15 =	vimm.s32 $0xC;
	s18 =	simm.s32 $0xF800;
	[smem:$0x7EF] =	sst s17  }
0x1f6: {  	v16 =	vimm.s32 $0xD;
	v17 =	vimm.s32 $0xE;
	v18 =	vimm.s32 $0xF;
	s19 =	simm.s32 $0xF880;
	[smem:$0x7F0] =	sst s18  }
0x1f7: {  	vm1 =	vcmask $0x308;
	vm2 =	vcmask $0x70C;
	vm3 =	vcmask $0xB10;
	s20 =	simm.s32 $0xF900;
	[smem:$0x7F1] =	sst s19  }
0x1f8: {  	vm4 =	vcmask $0xF14;
	vm5 =	vcmask $0x1318;
	vm6 =	vcmask $0x171C;
	s21 =	simm.s32 $0xF980;
	[smem:$0x7F2] =	sst s20  }
0x1f9: {  	vm7 =	vcmask $0x1B20;
	vm8 =	vcmask $0x1F24;
	vm9 =	vcmask $0x272C;
	s3 =	sadd.s32 $0x400, s3;
	s23 =	simm.s32 $0xFC80;
	[smem:$0x7F3] =	sst s21  }
0x1fa: {  	vm10 =	vcmask $0x2B30;
	vm11 =	vcmask $0x2F34;
	vm12 =	vcmask $0x3338;
	s4 =	stileid.u32;
	s24 =	simm.s32 $0xFA80;
	[smem:$0x7F4] =	sst s23  }
0x1fb: {  	vm13 =	vcmask $0x373C;
	vm14 =	vmmov $0x7fff;
	v19 =	vmul.u32 $0x1000, v0;
	s16 =	srdreg.scid;
	s25 =	simm.s32 $0xFB00;
	[smem:$0x7F6] =	sst s24  }
0x1fc: {  	vm15 =	vcmask $0x2328;
	v51 =	vimm.s32 $0x0;
	v1 =	vor.u32 $0x10, v0;
	s22 =	sshll.u32 s4, $0xA;
	s26 =	simm.s32 $0xFC00;
	[smem:$0x7F7] =	sst s25  }
0x1fd: {  	v5 =	vmul.u32 $0x8, v0;
	v51 =	vsel vm14, $0xFFFFFFFF, v51;
	v20 =	vor.u32 $0x80, v19;
	s8 =	simm.s32 $0xF700;
	s7 =	sand.u32 $0x1, s16;
	[smem:$0x7F8] =	sst s26  }
0x1fe: {  	v21 =	vor.u32 $0x100, v19;
	v22 =	vor.u32 $0x180, v19;
	v23 =	vor.u32 $0x200, v19;
	s11 =	simm.s32 $0xFA00;
	s28 =	simm.s32 $0xFB80;
	[smem:$0x7EE] =	sst s8  }
0x1ff: {  	v24 =	vor.u32 $0x280, v19;
	v25 =	vor.u32 $0x300, v19;
	v26 =	vor.u32 $0x380, v19;
	s29 =	simm.s32 $0x10000;
	s30 =	simm.s32 $0x10100;
	[smem:$0x7F5] =	sst s11  }
0x200: {  	v27 =	vor.u32 $0x400, v19;
	v28 =	vor.u32 $0x480, v19;
	v29 =	vor.u32 $0x500, v19;
	s31 =	simm.s32 $0x10180;
	s12 =	simm.s32 $0x10200;
	[smem:$0x7F9] =	sst s28  }
0x201: {  	v30 =	vor.u32 $0x580, v19;
	v31 =	vor.u32 $0x600, v19;
	v32 =	vor.u32 $0x680, v19;
	s13 =	simm.s32 $0x20000;
	s14 =	simm.s32 $0x12280;
	[smem:$0x7FA] =	sst s29  }
0x202: {  	v33 =	vor.u32 $0x700, v19;
	v34 =	vor.u32 $0x780, v19;
	v35 =	vor.u32 $0x800, v19;
	s15 =	simm.s32 $0x0;
	s9 =	ssub.s32 $0x2, s7;
	[smem:$0x7FB] =	sst s30  }
0x203: {  	v36 =	vor.u32 $0x880, v19;
	v37 =	vor.u32 $0x900, v19;
	v38 =	vor.u32 $0x980, v19;
	s7 =	sshll.u32 s7, $0x9;
	s8 =	simm.s32 $0x2;
	[smem:$0x7FC] =	sst s31  }
0x204: {  	v39 =	vor.u32 $0xA00, v19;
	v40 =	vor.u32 $0xA80, v19;
	v41 =	vor.u32 $0xB00, v19;
	s11 =	simm.s32 $0x1000;
	s10 =	sshrl.u32 s9, $0x1;
	s7 =	sor.u32 s7, s22  }
0x205: {  	v42 =	vor.u32 $0xB80, v19;
	v43 =	vor.u32 $0xC00, v19;
	v44 =	vor.u32 $0xC80, v19;
	[smem:$0x7FD] =	sst s12;
	s9 =	ssub.s32 s9, s10;
	s10 =	sshrl.u32 s7, $0x3  }
0x206: {  	v45 =	vor.u32 $0xD00, v19;
	v46 =	vor.u32 $0xD80, v19;
	v47 =	vor.u32 $0xE00, v19;
	s12 =	simm.s32 $0x1;
	s6 =	sadd.s32 s6, s7;
	s5 =	sadd.s32 s5, s10  }
0x207: {  	[tilespmem:$0x1FFF0] =	vst v51;
	v48 =	vor.u32 $0xE80, v19;
	v49 =	vor.u32 $0xF00, v19;
	v50 =	vor.u32 $0xF80, v19;
	s7 =	smax.u32 s9, $0x1;
	s9 =	simm.s32 $0x10280;
	s10 =	simm.s32 $0x280  }
.LBB2_1:
0x208: {  	[tilespmem:s2], [sflag:$0x2] =	stream.linear.gather [hbm4b:s5+s2], $0x200, $0x38;
	[tilespmem:$0x16280] =	vst v63  }
0x209: {  	_ =	swait.ge [sflag:s8], $0x200  }
0x20a: {  	[sflag:s8] =	ssyncset.done $0x0  }
0x20b: {  	[sflag:s8] =	ssyncadd.s32 $0xFFFFFE00  }
0x20c: {  	[tilespmem:s9], [sflag:$0x2] =	stream.linear.gather [hbm4b:s3+s2], $0x2000, $0x38;
	[tilespmem:$0x16280] =	vst v63  }
0x20d: {  	_ =	swait.ge [sflag:s8], $0x2000  }
0x20e: {  	[sflag:s8] =	ssyncset.done $0x0  }
0x20f: {  	[sflag:s8] =	ssyncadd.s32 $0xFFFFE000  }
0x210: {  	[tilespmem:$0x200] =	vst v0  }
0x211: {  	s16 =	simm.s32 $0x0;
	s17 =	simm.s32 $0x0;
	s18 =	simm.s32 $0x0;
	[tilespmem:$0x210] =	vst v1  }
.LBB2_2:
0x212: {  	v51 =	vld [tilespmem:s16+$0x0];
	_ =	sdelay $0x4  }
0x213: {  	v52 =	vnsel vm0, $0x0, v51  }
0x214: {  	v52 =	vxor.u32 $0x80000000, v52  }
0x215: {  	(xrf0) =	vmax.scan.msk.u32 $0xffff, v52;
	_ =	sdelay $0x5  }
0x216: {  	v52, _, _ =	vpop (xrf0)  }
0x217: {  	(v2sf) =	vpush v52, $0xF;
	_ =	sdelay $0x4  }
0x218: {  	v59 =	vld [tilespmem:$0x200];
	_ =	sdelay $0x4  }
0x219: {  	v53 =	vshrl.u32 v59, $0x3  }
0x21a: {  	v53 =	vmul.u32 $0xF428, v53  }
0x21b: {  	v52 =	vand.u32 $0x7, v59  }
0x21c: {  	v52 =	vor.u32 v52, v53  }
0x21d: {  	v53 =	vperm.xlane v52, v4  }
0x21e: {  	s19 =	spop (v2sf)  }
0x21f: {  	v54 =	vperm.xlane v52, v6;
	v53 =	vadd.s32 v5, v53;
	s19 =	sand.u32 $0xFFFFFF80, s19  }
0x220: {  	s19 =	sxor.u32 $0x80000000, s19  }
0x221: {  	v55 =	vperm.xlane v52, v7;
	v54 =	vadd.s32 v5, v54;
	p0 =	slt.s32 s19, $0xF4180  }
0x222: {  	s19 =	simm.s32 @!p0 $0xF4180  }
0x223: {  	v56 =	vperm.xlane v52, v2;
	v55 =	vadd.s32 v5, v55;
	s19 =	sadd.s32 s1, s19  }
0x224: {  	[tilespmem:s10], [sflag:$0x1] =	stream.indirect_vreg.gather [hbm4b:s19+s2], $0x80, v53, vm0, $0xb8;
	[tilespmem:$0x16280] =	vst v63  }
0x225: {  	s20 =	rddreg [dreg:$0x5];
	v61 =	vperm.xlane v52, v8;
	v60 =	vadd.s32 v5, v56  }
0x226: {  	[tilespmem:s20], [sflag:$0x1] =	stream.indirect_vreg.gather [hbm4b:s19+s2], $0x80, v54, vm0, $0xb8;
	[tilespmem:$0x16280] =	vst v63  }
0x227: {  	s21 =	rddreg [dreg:$0x6];
	v62 =	vperm.xlane v52, v9;
	v54 =	vadd.s32 v5, v61  }
0x228: {  	[tilespmem:s21], [sflag:$0x1] =	stream.indirect_vreg.gather [hbm4b:s19+s2], $0x80, v55, vm0, $0xb8;
	[tilespmem:$0x16280] =	vst v63  }
0x229: {  	s28 =	rddreg [dreg:$0x7];
	v63 =	vperm.xlane v52, v10;
	v55 =	vadd.s32 v5, v62  }
0x22a: {  	[tilespmem:s28], [sflag:$0x1] =	stream.indirect_vreg.gather [hbm4b:s19+s2], $0x80, v60, vm0, $0xb8;
	[tilespmem:$0x16280] =	vst v63  }
0x22b: {  	s29 =	rddreg [dreg:$0x8];
	v61 =	vperm.xlane v52, v3;
	v60 =	vadd.s32 v5, v63  }
0x22c: {  	[tilespmem:s29], [sflag:$0x1] =	stream.indirect_vreg.gather [hbm4b:s19+s2], $0x80, v54, vm0, $0xb8;
	[tilespmem:$0x16280] =	vst v63  }
0x22d: {  	s30 =	rddreg [dreg:$0x9];
	v62 =	vperm.xlane v52, v11;
	v54 =	vadd.s32 v5, v61  }
0x22e: {  	[tilespmem:s30], [sflag:$0x1] =	stream.indirect_vreg.gather [hbm4b:s19+s2], $0x80, v55, vm0, $0xb8;
	[tilespmem:$0x16280] =	vst v63  }
0x22f: {  	s31 =	rddreg [dreg:$0xa];
	v63 =	vperm.xlane v52, v12;
	v55 =	vadd.s32 v5, v62  }
0x230: {  	[tilespmem:s31], [sflag:$0x1] =	stream.indirect_vreg.gather [hbm4b:s19+s2], $0x80, v60, vm0, $0xb8;
	[tilespmem:$0x16280] =	vst v63  }
0x231: {  	s22 =	rddreg [dreg:$0xb];
	v61 =	vperm.xlane v52, v13;
	v60 =	vadd.s32 v5, v63  }
0x232: {  	[tilespmem:s22], [sflag:$0x1] =	stream.indirect_vreg.gather [hbm4b:s19+s2], $0x80, v54, vm0, $0xb8;
	[tilespmem:$0x16280] =	vst v63  }
0x233: {  	s23 =	rddreg [dreg:$0xc];
	v62 =	vperm.xlane v52, v14;
	v54 =	vadd.s32 v5, v61  }
0x234: {  	[tilespmem:s23], [sflag:$0x1] =	stream.indirect_vreg.gather [hbm4b:s19+s2], $0x80, v55, vm0, $0xb8;
	[tilespmem:$0x16280] =	vst v63  }
0x235: {  	s24 =	rddreg [dreg:$0xd];
	v63 =	vperm.xlane v52, v15;
	v55 =	vadd.s32 v5, v62  }
0x236: {  	[tilespmem:s24], [sflag:$0x1] =	stream.indirect_vreg.gather [hbm4b:s19+s2], $0x80, v60, vm0, $0xb8;
	[tilespmem:$0x16280] =	vst v63  }
0x237: {  	s25 =	rddreg [dreg:$0xe];
	v61 =	vperm.xlane v52, v16;
	v60 =	vadd.s32 v5, v63  }
0x238: {  	[tilespmem:s25], [sflag:$0x1] =	stream.indirect_vreg.gather [hbm4b:s19+s2], $0x80, v54, vm0, $0xb8;
	[tilespmem:$0x16280] =	vst v63  }
0x239: {  	s26 =	rddreg [dreg:$0xf];
	v62 =	vadd.s32 v5, v61;
	v63 =	vperm.xlane v52, v17  }
0x23a: {  	[tilespmem:s26], [sflag:$0x1] =	stream.indirect_vreg.gather [hbm4b:s19+s2], $0x80, v55, vm0, $0xb8;
	[tilespmem:$0x16280] =	vst v63  }
0x23b: {  	s28 =	rddreg [dreg:$0x10];
	v52 =	vperm.xlane v52, v18;
	v57 =	vadd.s32 v5, v63  }
0x23c: {  	[tilespmem:s28], [sflag:$0x1] =	stream.indirect_vreg.gather [hbm4b:s19+s2], $0x80, v60, vm0, $0xb8;
	[tilespmem:$0x16280] =	vst v63  }
0x23d: {  	s29 =	rddreg [dreg:$0x11];
	v52 =	vadd.s32 v5, v52  }
0x23e: {  	[tilespmem:s29], [sflag:$0x1] =	stream.indirect_vreg.gather [hbm4b:s19+s2], $0x80, v62, vm0, $0xb8;
	[tilespmem:$0x16280] =	vst v63  }
0x23f: {  	s30 =	rddreg [dreg:$0x12]  }
0x240: {  	[tilespmem:s30], [sflag:$0x1] =	stream.indirect_vreg.gather [hbm4b:s19+s2], $0x80, v57, vm0, $0xb8;
	[tilespmem:$0x16280] =	vst v63  }
0x241: {  	s31 =	rddreg [dreg:$0x13]  }
0x242: {  	[tilespmem:s31], [sflag:$0x1] =	stream.indirect_vreg.gather [hbm4b:s19+s2], $0x80, v52, vm0, $0xb8;
	[tilespmem:$0x16280] =	vst v63  }
0x243: {  	v52 =	vld [tilespmem:$0x210];
	_ =	sdelay $0x4  }
0x244: {  	v58 =	vshrl.u32 v52, $0x3  }
0x245: {  	v53 =	vmul.u32 $0xF428, v58  }
0x246: {  	v52 =	vand.u32 $0x7, v52  }
0x247: {  	v52 =	vor.u32 v52, v53  }
0x248: {  	v53 =	vperm.xlane v52, v4;
	_ =	sdelay $0x1  }
0x249: {  	v59 =	vperm.xlane v52, v6;
	v53 =	vadd.s32 v5, v53;
	_ =	sdelay $0x1  }
0x24a: {  	v60 =	vperm.xlane v52, v7;
	v54 =	vadd.s32 v5, v59;
	_ =	sdelay $0x1  }
0x24b: {  	s22 =	rddreg [dreg:$0x14];
	v61 =	vperm.xlane v52, v2;
	v55 =	vadd.s32 v5, v60  }
0x24c: {  	[tilespmem:s22], [sflag:$0x1] =	stream.indirect_vreg.gather [hbm4b:s19+s2], $0x80, v53, vm0, $0xb8;
	[tilespmem:$0x16280] =	vst v63  }
0x24d: {  	s23 =	rddreg [dreg:$0x15];
	v62 =	vperm.xlane v52, v8;
	v53 =	vadd.s32 v5, v61  }
0x24e: {  	[tilespmem:s23], [sflag:$0x1] =	stream.indirect_vreg.gather [hbm4b:s19+s2], $0x80, v54, vm0, $0xb8;
	[tilespmem:$0x16280] =	vst v63  }
0x24f: {  	s24 =	rddreg [dreg:$0x16];
	v63 =	vperm.xlane v52, v9;
	v54 =	vadd.s32 v5, v62  }
0x250: {  	[tilespmem:s24], [sflag:$0x1] =	stream.indirect_vreg.gather [hbm4b:s19+s2], $0x80, v55, vm0, $0xb8;
	[tilespmem:$0x16280] =	vst v63  }
0x251: {  	s25 =	rddreg [dreg:$0x17];
	v60 =	vadd.s32 v5, v63;
	v61 =	vperm.xlane v52, v10  }
0x252: {  	[tilespmem:s25], [sflag:$0x1] =	stream.indirect_vreg.gather [hbm4b:s19+s2], $0x80, v53, vm0, $0xb8;
	[tilespmem:$0x16280] =	vst v63  }
0x253: {  	s26 =	rddreg [dreg:$0x18];
	v62 =	vperm.xlane v52, v3;
	v53 =	vadd.s32 v5, v61  }
0x254: {  	[tilespmem:s26], [sflag:$0x1] =	stream.indirect_vreg.gather [hbm4b:s19+s2], $0x80, v54, vm0, $0xb8;
	[tilespmem:$0x16280] =	vst v63  }
0x255: {  	s28 =	rddreg [dreg:$0x19];
	v63 =	vperm.xlane v52, v11;
	v54 =	vadd.s32 v5, v62  }
0x256: {  	[tilespmem:s28], [sflag:$0x1] =	stream.indirect_vreg.gather [hbm4b:s19+s2], $0x80, v60, vm0, $0xb8;
	[tilespmem:$0x16280] =	vst v63  }
0x257: {  	s29 =	rddreg [dreg:$0x1a];
	v61 =	vperm.xlane v52, v12;
	v60 =	vadd.s32 v5, v63  }
0x258: {  	[tilespmem:s29], [sflag:$0x1] =	stream.indirect_vreg.gather [hbm4b:s19+s2], $0x80, v53, vm0, $0xb8;
	[tilespmem:$0x16280] =	vst v63  }
0x259: {  	s30 =	rddreg [dreg:$0x1b];
	v62 =	vperm.xlane v52, v13;
	v53 =	vadd.s32 v5, v61  }
0x25a: {  	[tilespmem:s30], [sflag:$0x1] =	stream.indirect_vreg.gather [hbm4b:s19+s2], $0x80, v54, vm0, $0xb8;
	[tilespmem:$0x16280] =	vst v63  }
0x25b: {  	s31 =	rddreg [dreg:$0x1c];
	v63 =	vperm.xlane v52, v14;
	v54 =	vadd.s32 v5, v62  }
0x25c: {  	[tilespmem:s31], [sflag:$0x1] =	stream.indirect_vreg.gather [hbm4b:s19+s2], $0x80, v60, vm0, $0xb8;
	[tilespmem:$0x16280] =	vst v63  }
0x25d: {  	v57 =	vsel vm1, $0x0, v51;
	s22 =	rddreg [dreg:$0x1d];
	v61 =	vperm.xlane v52, v15;
	v60 =	vadd.s32 v5, v63  }
0x25e: {  	v62 =	vxor.u32 $0x80000000, v57;
	[tilespmem:s22], [sflag:$0x1] =	stream.indirect_vreg.gather [hbm4b:s19+s2], $0x80, v53, vm0, $0xb8;
	[tilespmem:$0x16280] =	vst v63  }
0x25f: {  	s23 =	rddreg [dreg:$0x1e];
	v56 =	vadd.s32 v5, v61;
	(xrf0) =	vmax.scan.msk.u32 $0xffff, v62;
	v63 =	vperm.xlane v52, v16  }
0x260: {  	[tilespmem:s23], [sflag:$0x1] =	stream.indirect_vreg.gather [hbm4b:s19+s2], $0x80, v54, vm0, $0xb8;
	[tilespmem:$0x16280] =	vst v63  }
0x261: {  	v58 =	vperm.xlane v52, v17;
	s24 =	rddreg [dreg:$0x1f];
	v57 =	vadd.s32 v5, v63  }
0x262: {  	[tilespmem:s11], [sflag:$0x1] =	stream.indirect_vreg.gather [hbm4b:s19+s2], $0x80, v60, vm0, $0xb8;
	[tilespmem:$0x16280] =	vst v63  }
0x263: {  	s25 =	sld [smem:$0x61B];
	v52 =	vperm.xlane v52, v18;
	v54 =	vadd.s32 v5, v58  }
0x264: {  	[tilespmem:s24], [sflag:$0x1] =	stream.indirect_vreg.gather [hbm4b:s19+s2], $0x80, v56, vm0, $0xb8;
	[tilespmem:$0x16280] =	vst v63  }
0x265: {  	s26 =	sld [smem:$0x61C];
	v52 =	vadd.s32 v5, v52;
	v59, _, _ =	vpop (xrf0)  }
0x266: {  	(v2sf) =	vpush v59, $0xF;
	[tilespmem:s25], [sflag:$0x1] =	stream.indirect_vreg.gather [hbm4b:s19+s2], $0x80, v57, vm0, $0xb8;
	[tilespmem:$0x16280] =	vst v63  }
0x267: {  	s28 =	sld [smem:$0x61D]  }
0x268: {  	[tilespmem:s26], [sflag:$0x1] =	stream.indirect_vreg.gather [hbm4b:s19+s2], $0x80, v54, vm0, $0xb8;
	[tilespmem:$0x16280] =	vst v63  }
0x269: {  	_ = 	snop  }
0x26a: {  	[tilespmem:s28], [sflag:$0x1] =	stream.indirect_vreg.gather [hbm4b:s19+s2], $0x80, v52, vm0, $0xb8;
	[tilespmem:$0x16280] =	vst v63  }
0x26b: {  	v52 =	vld [tilespmem:$0x200];
	_ =	sdelay $0x4  }
0x26c: {  	v60 =	vshrl.u32 v52, $0x3  }
0x26d: {  	v53 =	vmul.u32 $0xF428, v60  }
0x26e: {  	v52 =	vand.u32 $0x7, v52  }
0x26f: {  	v52 =	vor.u32 v52, v53  }
0x270: {  	v53 =	vperm.xlane v52, v4  }
0x271: {  	s29 =	spop (v2sf)  }
0x272: {  	s19 =	sand.u32 $0xFFFFFF80, s29;
	v61 =	vperm.xlane v52, v6;
	v53 =	vadd.s32 v5, v53  }
0x273: {  	s19 =	sxor.u32 $0x80000000, s19  }
0x274: {  	s30 =	sld [smem:$0x61E];
	p0 =	slt.s32 s19, $0xF4180;
	v62 =	vperm.xlane v52, v7;
	v54 =	vadd.s32 v5, v61  }
0x275: {  	s19 =	simm.s32 @!p0 $0xF4180  }
0x276: {  	s31 =	sld [smem:$0x61F];
	v63 =	vperm.xlane v52, v2;
	s19 =	sadd.s32 s1, s19;
	v55 =	vadd.s32 v5, v62  }
0x277: {  	[tilespmem:s30], [sflag:$0x1] =	stream.indirect_vreg.gather [hbm4b:s19+s2], $0x80, v53, vm0, $0xb8;
	[tilespmem:$0x16280] =	vst v63  }
0x278: {  	s22 =	sld [smem:$0x620];
	v60 =	vadd.s32 v5, v63;
	v61 =	vperm.xlane v52, v8  }
0x279: {  	[tilespmem:s31], [sflag:$0x1] =	stream.indirect_vreg.gather [hbm4b:s19+s2], $0x80, v54, vm0, $0xb8;
	[tilespmem:$0x16280] =	vst v63  }
0x27a: {  	s23 =	sld [smem:$0x621];
	v62 =	vperm.xlane v52, v9;
	v54 =	vadd.s32 v5, v61  }
0x27b: {  	[tilespmem:s22], [sflag:$0x1] =	stream.indirect_vreg.gather [hbm4b:s19+s2], $0x80, v55, vm0, $0xb8;
	[tilespmem:$0x16280] =	vst v63  }
0x27c: {  	s24 =	sld [smem:$0x622];
	v63 =	vperm.xlane v52, v10;
	v55 =	vadd.s32 v5, v62  }
0x27d: {  	[tilespmem:s23], [sflag:$0x1] =	stream.indirect_vreg.gather [hbm4b:s19+s2], $0x80, v60, vm0, $0xb8;
	[tilespmem:$0x16280] =	vst v63  }
0x27e: {  	s25 =	sld [smem:$0x623];
	v61 =	vperm.xlane v52, v3;
	v60 =	vadd.s32 v5, v63  }
0x27f: {  	[tilespmem:s24], [sflag:$0x1] =	stream.indirect_vreg.gather [hbm4b:s19+s2], $0x80, v54, vm0, $0xb8;
	[tilespmem:$0x16280] =	vst v63  }
0x280: {  	s26 =	sld [smem:$0x624];
	v62 =	vperm.xlane v52, v11;
	v54 =	vadd.s32 v5, v61  }
0x281: {  	[tilespmem:s25], [sflag:$0x1] =	stream.indirect_vreg.gather [hbm4b:s19+s2], $0x80, v55, vm0, $0xb8;
	[tilespmem:$0x16280] =	vst v63  }
0x282: {  	s28 =	sld [smem:$0x625];
	v63 =	vperm.xlane v52, v12;
	v55 =	vadd.s32 v5, v62  }
0x283: {  	[tilespmem:s26], [sflag:$0x1] =	stream.indirect_vreg.gather [hbm4b:s19+s2], $0x80, v60, vm0, $0xb8;
	[tilespmem:$0x16280] =	vst v63  }
0x284: {  	s29 =	sld [smem:$0x626];
	v61 =	vperm.xlane v52, v13;
	v60 =	vadd.s32 v5, v63  }
0x285: {  	[tilespmem:s28], [sflag:$0x1] =	stream.indirect_vreg.gather [hbm4b:s19+s2], $0x80, v54, vm0, $0xb8;
	[tilespmem:$0x16280] =	vst v63  }
0x286: {  	s30 =	sld [smem:$0x627];
	v62 =	vperm.xlane v52, v14;
	v54 =	vadd.s32 v5, v61  }
0x287: {  	[tilespmem:s29], [sflag:$0x1] =	stream.indirect_vreg.gather [hbm4b:s19+s2], $0x80, v55, vm0, $0xb8;
	[tilespmem:$0x16280] =	vst v63  }
0x288: {  	s31 =	sld [smem:$0x628];
	v63 =	vperm.xlane v52, v15;
	v55 =	vadd.s32 v5, v62  }
0x289: {  	[tilespmem:s30], [sflag:$0x1] =	stream.indirect_vreg.gather [hbm4b:s19+s2], $0x80, v60, vm0, $0xb8;
	[tilespmem:$0x16280] =	vst v63  }
0x28a: {  	s22 =	sld [smem:$0x629];
	v61 =	vperm.xlane v52, v16;
	v60 =	vadd.s32 v5, v63  }
0x28b: {  	[tilespmem:s31], [sflag:$0x1] =	stream.indirect_vreg.gather [hbm4b:s19+s2], $0x80, v54, vm0, $0xb8;
	[tilespmem:$0x16280] =	vst v63  }
0x28c: {  	s23 =	sld [smem:$0x62A];
	v62 =	vadd.s32 v5, v61;
	v63 =	vperm.xlane v52, v17  }
0x28d: {  	[tilespmem:s22], [sflag:$0x1] =	stream.indirect_vreg.gather [hbm4b:s19+s2], $0x80, v55, vm0, $0xb8;
	[tilespmem:$0x16280] =	vst v63  }
0x28e: {  	s24 =	sld [smem:$0x62B];
	v52 =	vperm.xlane v52, v18;
	v57 =	vadd.s32 v5, v63  }
0x28f: {  	[tilespmem:s23], [sflag:$0x1] =	stream.indirect_vreg.gather [hbm4b:s19+s2], $0x80, v60, vm0, $0xb8;
	[tilespmem:$0x16280] =	vst v63  }
0x290: {  	s25 =	sld [smem:$0x62C];
	v52 =	vadd.s32 v5, v52  }
0x291: {  	[tilespmem:s24], [sflag:$0x1] =	stream.indirect_vreg.gather [hbm4b:s19+s2], $0x80, v62, vm0, $0xb8;
	[tilespmem:$0x16280] =	vst v63  }
0x292: {  	s26 =	sld [smem:$0x62D]  }
0x293: {  	[tilespmem:s25], [sflag:$0x1] =	stream.indirect_vreg.gather [hbm4b:s19+s2], $0x80, v57, vm0, $0xb8;
	[tilespmem:$0x16280] =	vst v63  }
0x294: {  	_ = 	snop  }
0x295: {  	[tilespmem:s26], [sflag:$0x1] =	stream.indirect_vreg.gather [hbm4b:s19+s2], $0x80, v52, vm0, $0xb8;
	[tilespmem:$0x16280] =	vst v63  }
0x296: {  	v52 =	vld [tilespmem:$0x210];
	_ =	sdelay $0x4  }
0x297: {  	v58 =	vshrl.u32 v52, $0x3  }
0x298: {  	v53 =	vmul.u32 $0xF428, v58  }
0x299: {  	v52 =	vand.u32 $0x7, v52  }
0x29a: {  	v52 =	vor.u32 v52, v53  }
0x29b: {  	v53 =	vperm.xlane v52, v4;
	_ =	sdelay $0x1  }
0x29c: {  	v59 =	vperm.xlane v52, v6;
	v53 =	vadd.s32 v5, v53;
	_ =	sdelay $0x1  }
0x29d: {  	s28 =	sld [smem:$0x62E];
	v60 =	vperm.xlane v52, v7;
	v54 =	vadd.s32 v5, v59;
	_ =	sdelay $0x1  }
0x29e: {  	s29 =	sld [smem:$0x62F];
	v61 =	vperm.xlane v52, v2;
	v55 =	vadd.s32 v5, v60  }
0x29f: {  	[tilespmem:s28], [sflag:$0x1] =	stream.indirect_vreg.gather [hbm4b:s19+s2], $0x80, v53, vm0, $0xb8;
	[tilespmem:$0x16280] =	vst v63  }
0x2a0: {  	s30 =	sld [smem:$0x630];
	v62 =	vperm.xlane v52, v8;
	v53 =	vadd.s32 v5, v61  }
0x2a1: {  	[tilespmem:s29], [sflag:$0x1] =	stream.indirect_vreg.gather [hbm4b:s19+s2], $0x80, v54, vm0, $0xb8;
	[tilespmem:$0x16280] =	vst v63  }
0x2a2: {  	s31 =	sld [smem:$0x631];
	v63 =	vperm.xlane v52, v9;
	v54 =	vadd.s32 v5, v62  }
0x2a3: {  	[tilespmem:s30], [sflag:$0x1] =	stream.indirect_vreg.gather [hbm4b:s19+s2], $0x80, v55, vm0, $0xb8;
	[tilespmem:$0x16280] =	vst v63  }
0x2a4: {  	s22 =	sld [smem:$0x632];
	v60 =	vadd.s32 v5, v63;
	v61 =	vperm.xlane v52, v10  }
0x2a5: {  	[tilespmem:s31], [sflag:$0x1] =	stream.indirect_vreg.gather [hbm4b:s19+s2], $0x80, v53, vm0, $0xb8;
	[tilespmem:$0x16280] =	vst v63  }
0x2a6: {  	s23 =	sld [smem:$0x633];
	v62 =	vperm.xlane v52, v3;
	v53 =	vadd.s32 v5, v61  }
0x2a7: {  	[tilespmem:s22], [sflag:$0x1] =	stream.indirect_vreg.gather [hbm4b:s19+s2], $0x80, v54, vm0, $0xb8;
	[tilespmem:$0x16280] =	vst v63  }
0x2a8: {  	s24 =	sld [smem:$0x634];
	v63 =	vperm.xlane v52, v11;
	v54 =	vadd.s32 v5, v62  }
0x2a9: {  	[tilespmem:s23], [sflag:$0x1] =	stream.indirect_vreg.gather [hbm4b:s19+s2], $0x80, v60, vm0, $0xb8;
	[tilespmem:$0x16280] =	vst v63  }
0x2aa: {  	s25 =	sld [smem:$0x635];
	v61 =	vperm.xlane v52, v12;
	v60 =	vadd.s32 v5, v63  }
0x2ab: {  	[tilespmem:s24], [sflag:$0x1] =	stream.indirect_vreg.gather [hbm4b:s19+s2], $0x80, v53, vm0, $0xb8;
	[tilespmem:$0x16280] =	vst v63  }
0x2ac: {  	s26 =	sld [smem:$0x636];
	v62 =	vperm.xlane v52, v13;
	v53 =	vadd.s32 v5, v61  }
0x2ad: {  	[tilespmem:s25], [sflag:$0x1] =	stream.indirect_vreg.gather [hbm4b:s19+s2], $0x80, v54, vm0, $0xb8;
	[tilespmem:$0x16280] =	vst v63  }
0x2ae: {  	s28 =	sld [smem:$0x637];
	v63 =	vperm.xlane v52, v14;
	v54 =	vadd.s32 v5, v62  }
0x2af: {  	[tilespmem:s26], [sflag:$0x1] =	stream.indirect_vreg.gather [hbm4b:s19+s2], $0x80, v60, vm0, $0xb8;
	[tilespmem:$0x16280] =	vst v63  }
0x2b0: {  	s29 =	sld [smem:$0x638];
	v55 =	vadd.s32 v5, v63;
	v61 =	vsel vm2, $0x0, v51;
	v60 =	vperm.xlane v52, v15  }
0x2b1: {  	v62 =	vxor.u32 $0x80000000, v61;
	[tilespmem:s28], [sflag:$0x1] =	stream.indirect_vreg.gather [hbm4b:s19+s2], $0x80, v53, vm0, $0xb8;
	[tilespmem:$0x16280] =	vst v63  }
0x2b2: {  	s30 =	sld [smem:$0x639];
	v63 =	vperm.xlane v52, v16;
	(xrf0) =	vmax.scan.msk.u32 $0xffff, v62;
	v56 =	vadd.s32 v5, v60  }
0x2b3: {  	[tilespmem:s29], [sflag:$0x1] =	stream.indirect_vreg.gather [hbm4b:s19+s2], $0x80, v54, vm0, $0xb8;
	[tilespmem:$0x16280] =	vst v63  }
0x2b4: {  	v58 =	vperm.xlane v52, v17;
	s31 =	sld [smem:$0x63A];
	v57 =	vadd.s32 v5, v63  }
0x2b5: {  	[tilespmem:s30], [sflag:$0x1] =	stream.indirect_vreg.gather [hbm4b:s19+s2], $0x80, v55, vm0, $0xb8;
	[tilespmem:$0x16280] =	vst v63  }
0x2b6: {  	s22 =	sld [smem:$0x63B];
	v52 =	vperm.xlane v52, v18;
	v54 =	vadd.s32 v5, v58  }
0x2b7: {  	[tilespmem:s31], [sflag:$0x1] =	stream.indirect_vreg.gather [hbm4b:s19+s2], $0x80, v56, vm0, $0xb8;
	[tilespmem:$0x16280] =	vst v63  }
0x2b8: {  	s23 =	sld [smem:$0x63C];
	v52 =	vadd.s32 v5, v52;
	v59, _, _ =	vpop (xrf0)  }
0x2b9: {  	(v2sf) =	vpush v59, $0xF;
	[tilespmem:s22], [sflag:$0x1] =	stream.indirect_vreg.gather [hbm4b:s19+s2], $0x80, v57, vm0, $0xb8;
	[tilespmem:$0x16280] =	vst v63  }
0x2ba: {  	s24 =	sld [smem:$0x63D]  }
0x2bb: {  	[tilespmem:s23], [sflag:$0x1] =	stream.indirect_vreg.gather [hbm4b:s19+s2], $0x80, v54, vm0, $0xb8;
	[tilespmem:$0x16280] =	vst v63  }
0x2bc: {  	_ = 	snop  }
0x2bd: {  	[tilespmem:s24], [sflag:$0x1] =	stream.indirect_vreg.gather [hbm4b:s19+s2], $0x80, v52, vm0, $0xb8;
	[tilespmem:$0x16280] =	vst v63  }
0x2be: {  	v52 =	vld [tilespmem:$0x200];
	_ =	sdelay $0x4  }
0x2bf: {  	v60 =	vshrl.u32 v52, $0x3  }
0x2c0: {  	v53 =	vmul.u32 $0xF428, v60  }
0x2c1: {  	v52 =	vand.u32 $0x7, v52  }
0x2c2: {  	v52 =	vor.u32 v52, v53  }
0x2c3: {  	v53 =	vperm.xlane v52, v4  }
0x2c4: {  	s25 =	spop (v2sf)  }
0x2c5: {  	s19 =	sand.u32 $0xFFFFFF80, s25;
	v61 =	vperm.xlane v52, v6;
	v53 =	vadd.s32 v5, v53  }
0x2c6: {  	s19 =	sxor.u32 $0x80000000, s19  }
0x2c7: {  	s26 =	sld [smem:$0x63E];
	p0 =	slt.s32 s19, $0xF4180;
	v62 =	vperm.xlane v52, v7;
	v54 =	vadd.s32 v5, v61  }
0x2c8: {  	s19 =	simm.s32 @!p0 $0xF4180  }
0x2c9: {  	s28 =	sld [smem:$0x63F];
	v63 =	vperm.xlane v52, v2;
	s19 =	sadd.s32 s1, s19;
	v55 =	vadd.s32 v5, v62  }
0x2ca: {  	[tilespmem:s26], [sflag:$0x1] =	stream.indirect_vreg.gather [hbm4b:s19+s2], $0x80, v53, vm0, $0xb8;
	[tilespmem:$0x16280] =	vst v63  }
0x2cb: {  	s29 =	sld [smem:$0x640];
	v60 =	vadd.s32 v5, v63;
	v61 =	vperm.xlane v52, v8  }
0x2cc: {  	[tilespmem:s28], [sflag:$0x1] =	stream.indirect_vreg.gather [hbm4b:s19+s2], $0x80, v54, vm0, $0xb8;
	[tilespmem:$0x16280] =	vst v63  }
0x2cd: {  	s30 =	sld [smem:$0x641];
	v62 =	vperm.xlane v52, v9;
	v54 =	vadd.s32 v5, v61  }
0x2ce: {  	[tilespmem:s29], [sflag:$0x1] =	stream.indirect_vreg.gather [hbm4b:s19+s2], $0x80, v55, vm0, $0xb8;
	[tilespmem:$0x16280] =	vst v63  }
0x2cf: {  	s31 =	sld [smem:$0x642];
	v63 =	vperm.xlane v52, v10;
	v55 =	vadd.s32 v5, v62  }
0x2d0: {  	[tilespmem:s30], [sflag:$0x1] =	stream.indirect_vreg.gather [hbm4b:s19+s2], $0x80, v60, vm0, $0xb8;
	[tilespmem:$0x16280] =	vst v63  }
0x2d1: {  	s22 =	sld [smem:$0x643];
	v61 =	vperm.xlane v52, v3;
	v60 =	vadd.s32 v5, v63  }
0x2d2: {  	[tilespmem:s31], [sflag:$0x1] =	stream.indirect_vreg.gather [hbm4b:s19+s2], $0x80, v54, vm0, $0xb8;
	[tilespmem:$0x16280] =	vst v63  }
0x2d3: {  	s23 =	sld [smem:$0x644];
	v62 =	vperm.xlane v52, v11;
	v54 =	vadd.s32 v5, v61  }
0x2d4: {  	[tilespmem:s22], [sflag:$0x1] =	stream.indirect_vreg.gather [hbm4b:s19+s2], $0x80, v55, vm0, $0xb8;
	[tilespmem:$0x16280] =	vst v63  }
0x2d5: {  	s24 =	sld [smem:$0x645];
	v63 =	vperm.xlane v52, v12;
	v55 =	vadd.s32 v5, v62  }
0x2d6: {  	[tilespmem:s23], [sflag:$0x1] =	stream.indirect_vreg.gather [hbm4b:s19+s2], $0x80, v60, vm0, $0xb8;
	[tilespmem:$0x16280] =	vst v63  }
0x2d7: {  	s25 =	sld [smem:$0x646];
	v61 =	vperm.xlane v52, v13;
	v60 =	vadd.s32 v5, v63  }
0x2d8: {  	[tilespmem:s24], [sflag:$0x1] =	stream.indirect_vreg.gather [hbm4b:s19+s2], $0x80, v54, vm0, $0xb8;
	[tilespmem:$0x16280] =	vst v63  }
0x2d9: {  	s26 =	sld [smem:$0x647];
	v62 =	vperm.xlane v52, v14;
	v54 =	vadd.s32 v5, v61  }
0x2da: {  	[tilespmem:s25], [sflag:$0x1] =	stream.indirect_vreg.gather [hbm4b:s19+s2], $0x80, v55, vm0, $0xb8;
	[tilespmem:$0x16280] =	vst v63  }
0x2db: {  	s28 =	sld [smem:$0x648];
	v63 =	vperm.xlane v52, v15;
	v55 =	vadd.s32 v5, v62  }
0x2dc: {  	[tilespmem:s26], [sflag:$0x1] =	stream.indirect_vreg.gather [hbm4b:s19+s2], $0x80, v60, vm0, $0xb8;
	[tilespmem:$0x16280] =	vst v63  }
0x2dd: {  	s29 =	sld [smem:$0x649];
	v61 =	vperm.xlane v52, v16;
	v60 =	vadd.s32 v5, v63  }
0x2de: {  	[tilespmem:s28], [sflag:$0x1] =	stream.indirect_vreg.gather [hbm4b:s19+s2], $0x80, v54, vm0, $0xb8;
	[tilespmem:$0x16280] =	vst v63  }
0x2df: {  	s30 =	sld [smem:$0x64A];
	v62 =	vadd.s32 v5, v61;
	v63 =	vperm.xlane v52, v17  }
0x2e0: {  	[tilespmem:s29], [sflag:$0x1] =	stream.indirect_vreg.gather [hbm4b:s19+s2], $0x80, v55, vm0, $0xb8;
	[tilespmem:$0x16280] =	vst v63  }
0x2e1: {  	s31 =	sld [smem:$0x64B];
	v52 =	vperm.xlane v52, v18;
	v57 =	vadd.s32 v5, v63  }
0x2e2: {  	[tilespmem:s30], [sflag:$0x1] =	stream.indirect_vreg.gather [hbm4b:s19+s2], $0x80, v60, vm0, $0xb8;
	[tilespmem:$0x16280] =	vst v63  }
0x2e3: {  	s22 =	sld [smem:$0x64C];
	v52 =	vadd.s32 v5, v52  }
0x2e4: {  	[tilespmem:s31], [sflag:$0x1] =	stream.indirect_vreg.gather [hbm4b:s19+s2], $0x80, v62, vm0, $0xb8;
	[tilespmem:$0x16280] =	vst v63  }
0x2e5: {  	s23 =	sld [smem:$0x64D]  }
0x2e6: {  	[tilespmem:s22], [sflag:$0x1] =	stream.indirect_vreg.gather [hbm4b:s19+s2], $0x80, v57, vm0, $0xb8;
	[tilespmem:$0x16280] =	vst v63  }
0x2e7: {  	_ = 	snop  }
0x2e8: {  	[tilespmem:s23], [sflag:$0x1] =	stream.indirect_vreg.gather [hbm4b:s19+s2], $0x80, v52, vm0, $0xb8;
	[tilespmem:$0x16280] =	vst v63  }
0x2e9: {  	v52 =	vld [tilespmem:$0x210];
	_ =	sdelay $0x4  }
0x2ea: {  	v58 =	vshrl.u32 v52, $0x3  }
0x2eb: {  	v53 =	vmul.u32 $0xF428, v58  }
0x2ec: {  	v52 =	vand.u32 $0x7, v52  }
0x2ed: {  	v52 =	vor.u32 v52, v53  }
0x2ee: {  	v53 =	vperm.xlane v52, v4;
	_ =	sdelay $0x1  }
0x2ef: {  	v59 =	vperm.xlane v52, v6;
	v53 =	vadd.s32 v5, v53;
	_ =	sdelay $0x1  }
0x2f0: {  	s24 =	sld [smem:$0x64E];
	v60 =	vperm.xlane v52, v7;
	v54 =	vadd.s32 v5, v59;
	_ =	sdelay $0x1  }
0x2f1: {  	s25 =	sld [smem:$0x64F];
	v61 =	vperm.xlane v52, v2;
	v55 =	vadd.s32 v5, v60  }
0x2f2: {  	[tilespmem:s24], [sflag:$0x1] =	stream.indirect_vreg.gather [hbm4b:s19+s2], $0x80, v53, vm0, $0xb8;
	[tilespmem:$0x16280] =	vst v63  }
0x2f3: {  	s26 =	sld [smem:$0x650];
	v62 =	vperm.xlane v52, v8;
	v53 =	vadd.s32 v5, v61  }
0x2f4: {  	[tilespmem:s25], [sflag:$0x1] =	stream.indirect_vreg.gather [hbm4b:s19+s2], $0x80, v54, vm0, $0xb8;
	[tilespmem:$0x16280] =	vst v63  }
0x2f5: {  	s28 =	sld [smem:$0x651];
	v63 =	vperm.xlane v52, v9;
	v54 =	vadd.s32 v5, v62  }
0x2f6: {  	[tilespmem:s26], [sflag:$0x1] =	stream.indirect_vreg.gather [hbm4b:s19+s2], $0x80, v55, vm0, $0xb8;
	[tilespmem:$0x16280] =	vst v63  }
0x2f7: {  	s29 =	sld [smem:$0x652];
	v60 =	vadd.s32 v5, v63;
	v61 =	vperm.xlane v52, v10  }
0x2f8: {  	[tilespmem:s28], [sflag:$0x1] =	stream.indirect_vreg.gather [hbm4b:s19+s2], $0x80, v53, vm0, $0xb8;
	[tilespmem:$0x16280] =	vst v63  }
0x2f9: {  	s30 =	sld [smem:$0x653];
	v62 =	vperm.xlane v52, v3;
	v53 =	vadd.s32 v5, v61  }
0x2fa: {  	[tilespmem:s29], [sflag:$0x1] =	stream.indirect_vreg.gather [hbm4b:s19+s2], $0x80, v54, vm0, $0xb8;
	[tilespmem:$0x16280] =	vst v63  }
0x2fb: {  	s31 =	sld [smem:$0x654];
	v63 =	vperm.xlane v52, v11;
	v54 =	vadd.s32 v5, v62  }
0x2fc: {  	[tilespmem:s30], [sflag:$0x1] =	stream.indirect_vreg.gather [hbm4b:s19+s2], $0x80, v60, vm0, $0xb8;
	[tilespmem:$0x16280] =	vst v63  }
0x2fd: {  	s22 =	sld [smem:$0x655];
	v61 =	vperm.xlane v52, v12;
	v60 =	vadd.s32 v5, v63  }
0x2fe: {  	[tilespmem:s31], [sflag:$0x1] =	stream.indirect_vreg.gather [hbm4b:s19+s2], $0x80, v53, vm0, $0xb8;
	[tilespmem:$0x16280] =	vst v63  }
0x2ff: {  	s23 =	sld [smem:$0x656];
	v62 =	vperm.xlane v52, v13;
	v53 =	vadd.s32 v5, v61  }
0x300: {  	[tilespmem:s22], [sflag:$0x1] =	stream.indirect_vreg.gather [hbm4b:s19+s2], $0x80, v54, vm0, $0xb8;
	[tilespmem:$0x16280] =	vst v63  }
0x301: {  	s24 =	sld [smem:$0x657];
	v63 =	vperm.xlane v52, v14;
	v54 =	vadd.s32 v5, v62  }
0x302: {  	[tilespmem:s23], [sflag:$0x1] =	stream.indirect_vreg.gather [hbm4b:s19+s2], $0x80, v60, vm0, $0xb8;
	[tilespmem:$0x16280] =	vst v63  }
0x303: {  	s25 =	sld [smem:$0x658];
	v55 =	vadd.s32 v5, v63;
	v61 =	vsel vm3, $0x0, v51;
	v60 =	vperm.xlane v52, v15  }
0x304: {  	v62 =	vxor.u32 $0x80000000, v61;
	[tilespmem:s24], [sflag:$0x1] =	stream.indirect_vreg.gather [hbm4b:s19+s2], $0x80, v53, vm0, $0xb8;
	[tilespmem:$0x16280] =	vst v63  }
0x305: {  	s26 =	sld [smem:$0x659];
	v63 =	vperm.xlane v52, v16;
	(xrf0) =	vmax.scan.msk.u32 $0xffff, v62;
	v56 =	vadd.s32 v5, v60  }
0x306: {  	[tilespmem:s25], [sflag:$0x1] =	stream.indirect_vreg.gather [hbm4b:s19+s2], $0x80, v54, vm0, $0xb8;
	[tilespmem:$0x16280] =	vst v63  }
0x307: {  	v58 =	vperm.xlane v52, v17;
	s28 =	sld [smem:$0x65A];
	v57 =	vadd.s32 v5, v63  }
0x308: {  	[tilespmem:s26], [sflag:$0x1] =	stream.indirect_vreg.gather [hbm4b:s19+s2], $0x80, v55, vm0, $0xb8;
	[tilespmem:$0x16280] =	vst v63  }
0x309: {  	s29 =	sld [smem:$0x65B];
	v52 =	vperm.xlane v52, v18;
	v54 =	vadd.s32 v5, v58  }
0x30a: {  	[tilespmem:s28], [sflag:$0x1] =	stream.indirect_vreg.gather [hbm4b:s19+s2], $0x80, v56, vm0, $0xb8;
	[tilespmem:$0x16280] =	vst v63  }
0x30b: {  	s30 =	sld [smem:$0x65C];
	v52 =	vadd.s32 v5, v52;
	v59, _, _ =	vpop (xrf0)  }
0x30c: {  	(v2sf) =	vpush v59, $0xF;
	[tilespmem:s29], [sflag:$0x1] =	stream.indirect_vreg.gather [hbm4b:s19+s2], $0x80, v57, vm0, $0xb8;
	[tilespmem:$0x16280] =	vst v63  }
0x30d: {  	s31 =	sld [smem:$0x65D]  }
0x30e: {  	[tilespmem:s30], [sflag:$0x1] =	stream.indirect_vreg.gather [hbm4b:s19+s2], $0x80, v54, vm0, $0xb8;
	[tilespmem:$0x16280] =	vst v63  }
0x30f: {  	_ = 	snop  }
0x310: {  	[tilespmem:s31], [sflag:$0x1] =	stream.indirect_vreg.gather [hbm4b:s19+s2], $0x80, v52, vm0, $0xb8;
	[tilespmem:$0x16280] =	vst v63  }
0x311: {  	v52 =	vld [tilespmem:$0x200];
	_ =	sdelay $0x4  }
0x312: {  	v60 =	vshrl.u32 v52, $0x3  }
0x313: {  	v53 =	vmul.u32 $0xF428, v60  }
0x314: {  	v52 =	vand.u32 $0x7, v52  }
0x315: {  	v52 =	vor.u32 v52, v53  }
0x316: {  	v53 =	vperm.xlane v52, v4  }
0x317: {  	s21 =	spop (v2sf)  }
0x318: {  	s19 =	sand.u32 $0xFFFFFF80, s21;
	v61 =	vperm.xlane v52, v6;
	v53 =	vadd.s32 v5, v53  }
0x319: {  	s19 =	sxor.u32 $0x80000000, s19  }
0x31a: {  	s22 =	sld [smem:$0x65E];
	p0 =	slt.s32 s19, $0xF4180;
	v62 =	vperm.xlane v52, v7;
	v54 =	vadd.s32 v5, v61  }
0x31b: {  	s19 =	simm.s32 @!p0 $0xF4180  }
0x31c: {  	s23 =	sld [smem:$0x65F];
	v63 =	vperm.xlane v52, v2;
	s19 =	sadd.s32 s1, s19;
	v55 =	vadd.s32 v5, v62  }
0x31d: {  	[tilespmem:s22], [sflag:$0x1] =	stream.indirect_vreg.gather [hbm4b:s19+s2], $0x80, v53, vm0, $0xb8;
	[tilespmem:$0x16280] =	vst v63  }
0x31e: {  	s24 =	sld [smem:$0x660];
	v60 =	vadd.s32 v5, v63;
	v61 =	vperm.xlane v52, v8  }
0x31f: {  	[tilespmem:s23], [sflag:$0x1] =	stream.indirect_vreg.gather [hbm4b:s19+s2], $0x80, v54, vm0, $0xb8;
	[tilespmem:$0x16280] =	vst v63  }
0x320: {  	s25 =	sld [smem:$0x661];
	v62 =	vperm.xlane v52, v9;
	v54 =	vadd.s32 v5, v61  }
0x321: {  	[tilespmem:s24], [sflag:$0x1] =	stream.indirect_vreg.gather [hbm4b:s19+s2], $0x80, v55, vm0, $0xb8;
	[tilespmem:$0x16280] =	vst v63  }
0x322: {  	s26 =	sld [smem:$0x662];
	v63 =	vperm.xlane v52, v10;
	v55 =	vadd.s32 v5, v62  }
0x323: {  	[tilespmem:s25], [sflag:$0x1] =	stream.indirect_vreg.gather [hbm4b:s19+s2], $0x80, v60, vm0, $0xb8;
	[tilespmem:$0x16280] =	vst v63  }
0x324: {  	s28 =	sld [smem:$0x663];
	v61 =	vperm.xlane v52, v3;
	v60 =	vadd.s32 v5, v63  }
0x325: {  	[tilespmem:s26], [sflag:$0x1] =	stream.indirect_vreg.gather [hbm4b:s19+s2], $0x80, v54, vm0, $0xb8;
	[tilespmem:$0x16280] =	vst v63  }
0x326: {  	s29 =	sld [smem:$0x664];
	v62 =	vperm.xlane v52, v11;
	v54 =	vadd.s32 v5, v61  }
0x327: {  	[tilespmem:s28], [sflag:$0x1] =	stream.indirect_vreg.gather [hbm4b:s19+s2], $0x80, v55, vm0, $0xb8;
	[tilespmem:$0x16280] =	vst v63  }
0x328: {  	s30 =	sld [smem:$0x665];
	v63 =	vperm.xlane v52, v12;
	v55 =	vadd.s32 v5, v62  }
0x329: {  	[tilespmem:s29], [sflag:$0x1] =	stream.indirect_vreg.gather [hbm4b:s19+s2], $0x80, v60, vm0, $0xb8;
	[tilespmem:$0x16280] =	vst v63  }
0x32a: {  	s31 =	sld [smem:$0x666];
	v61 =	vperm.xlane v52, v13;
	v60 =	vadd.s32 v5, v63  }
0x32b: {  	[tilespmem:s30], [sflag:$0x1] =	stream.indirect_vreg.gather [hbm4b:s19+s2], $0x80, v54, vm0, $0xb8;
	[tilespmem:$0x16280] =	vst v63  }
0x32c: {  	s22 =	sld [smem:$0x667];
	v62 =	vperm.xlane v52, v14;
	v54 =	vadd.s32 v5, v61  }
0x32d: {  	[tilespmem:s31], [sflag:$0x1] =	stream.indirect_vreg.gather [hbm4b:s19+s2], $0x80, v55, vm0, $0xb8;
	[tilespmem:$0x16280] =	vst v63  }
0x32e: {  	s23 =	sld [smem:$0x668];
	v63 =	vperm.xlane v52, v15;
	v55 =	vadd.s32 v5, v62  }
0x32f: {  	[tilespmem:s22], [sflag:$0x1] =	stream.indirect_vreg.gather [hbm4b:s19+s2], $0x80, v60, vm0, $0xb8;
	[tilespmem:$0x16280] =	vst v63  }
0x330: {  	s24 =	sld [smem:$0x669];
	v61 =	vperm.xlane v52, v16;
	v60 =	vadd.s32 v5, v63  }
0x331: {  	[tilespmem:s23], [sflag:$0x1] =	stream.indirect_vreg.gather [hbm4b:s19+s2], $0x80, v54, vm0, $0xb8;
	[tilespmem:$0x16280] =	vst v63  }
0x332: {  	s25 =	sld [smem:$0x66A];
	v62 =	vadd.s32 v5, v61;
	v63 =	vperm.xlane v52, v17  }
0x333: {  	[tilespmem:s24], [sflag:$0x1] =	stream.indirect_vreg.gather [hbm4b:s19+s2], $0x80, v55, vm0, $0xb8;
	[tilespmem:$0x16280] =	vst v63  }
0x334: {  	s26 =	sld [smem:$0x66B];
	v52 =	vperm.xlane v52, v18;
	v57 =	vadd.s32 v5, v63  }
0x335: {  	[tilespmem:s25], [sflag:$0x1] =	stream.indirect_vreg.gather [hbm4b:s19+s2], $0x80, v60, vm0, $0xb8;
	[tilespmem:$0x16280] =	vst v63  }
0x336: {  	s28 =	sld [smem:$0x66C];
	v52 =	vadd.s32 v5, v52  }
0x337: {  	[tilespmem:s26], [sflag:$0x1] =	stream.indirect_vreg.gather [hbm4b:s19+s2], $0x80, v62, vm0, $0xb8;
	[tilespmem:$0x16280] =	vst v63  }
0x338: {  	s29 =	sld [smem:$0x66D]  }
0x339: {  	[tilespmem:s28], [sflag:$0x1] =	stream.indirect_vreg.gather [hbm4b:s19+s2], $0x80, v57, vm0, $0xb8;
	[tilespmem:$0x16280] =	vst v63  }
0x33a: {  	_ = 	snop  }
0x33b: {  	[tilespmem:s29], [sflag:$0x1] =	stream.indirect_vreg.gather [hbm4b:s19+s2], $0x80, v52, vm0, $0xb8;
	[tilespmem:$0x16280] =	vst v63  }
0x33c: {  	v52 =	vld [tilespmem:$0x210];
	_ =	sdelay $0x4  }
0x33d: {  	v58 =	vshrl.u32 v52, $0x3  }
0x33e: {  	v53 =	vmul.u32 $0xF428, v58  }
0x33f: {  	v52 =	vand.u32 $0x7, v52  }
0x340: {  	v52 =	vor.u32 v52, v53  }
0x341: {  	v53 =	vperm.xlane v52, v4;
	_ =	sdelay $0x1  }
0x342: {  	v59 =	vperm.xlane v52, v6;
	v53 =	vadd.s32 v5, v53;
	_ =	sdelay $0x1  }
0x343: {  	s30 =	sld [smem:$0x66E];
	v60 =	vperm.xlane v52, v7;
	v54 =	vadd.s32 v5, v59;
	_ =	sdelay $0x1  }
0x344: {  	s21 =	sld [smem:$0x66F];
	v61 =	vperm.xlane v52, v2;
	v55 =	vadd.s32 v5, v60  }
0x345: {  	[tilespmem:s30], [sflag:$0x1] =	stream.indirect_vreg.gather [hbm4b:s19+s2], $0x80, v53, vm0, $0xb8;
	[tilespmem:$0x16280] =	vst v63  }
0x346: {  	s31 =	sld [smem:$0x670];
	v62 =	vperm.xlane v52, v8;
	v53 =	vadd.s32 v5, v61  }
0x347: {  	[tilespmem:s21], [sflag:$0x1] =	stream.indirect_vreg.gather [hbm4b:s19+s2], $0x80, v54, vm0, $0xb8;
	[tilespmem:$0x16280] =	vst v63  }
0x348: {  	s22 =	sld [smem:$0x671];
	v63 =	vperm.xlane v52, v9;
	v54 =	vadd.s32 v5, v62  }
0x349: {  	[tilespmem:s31], [sflag:$0x1] =	stream.indirect_vreg.gather [hbm4b:s19+s2], $0x80, v55, vm0, $0xb8;
	[tilespmem:$0x16280] =	vst v63  }
0x34a: {  	s23 =	sld [smem:$0x672];
	v60 =	vadd.s32 v5, v63;
	v61 =	vperm.xlane v52, v10  }
0x34b: {  	[tilespmem:s22], [sflag:$0x1] =	stream.indirect_vreg.gather [hbm4b:s19+s2], $0x80, v53, vm0, $0xb8;
	[tilespmem:$0x16280] =	vst v63  }
0x34c: {  	s24 =	sld [smem:$0x673];
	v62 =	vperm.xlane v52, v3;
	v53 =	vadd.s32 v5, v61  }
0x34d: {  	[tilespmem:s23], [sflag:$0x1] =	stream.indirect_vreg.gather [hbm4b:s19+s2], $0x80, v54, vm0, $0xb8;
	[tilespmem:$0x16280] =	vst v63  }
0x34e: {  	s25 =	sld [smem:$0x674];
	v63 =	vperm.xlane v52, v11;
	v54 =	vadd.s32 v5, v62  }
0x34f: {  	[tilespmem:s24], [sflag:$0x1] =	stream.indirect_vreg.gather [hbm4b:s19+s2], $0x80, v60, vm0, $0xb8;
	[tilespmem:$0x16280] =	vst v63  }
0x350: {  	s26 =	sld [smem:$0x675];
	v61 =	vperm.xlane v52, v12;
	v60 =	vadd.s32 v5, v63  }
0x351: {  	[tilespmem:s25], [sflag:$0x1] =	stream.indirect_vreg.gather [hbm4b:s19+s2], $0x80, v53, vm0, $0xb8;
	[tilespmem:$0x16280] =	vst v63  }
0x352: {  	s28 =	sld [smem:$0x676];
	v62 =	vperm.xlane v52, v13;
	v53 =	vadd.s32 v5, v61  }
0x353: {  	[tilespmem:s26], [sflag:$0x1] =	stream.indirect_vreg.gather [hbm4b:s19+s2], $0x80, v54, vm0, $0xb8;
	[tilespmem:$0x16280] =	vst v63  }
0x354: {  	s29 =	sld [smem:$0x677];
	v63 =	vperm.xlane v52, v14;
	v54 =	vadd.s32 v5, v62  }
0x355: {  	[tilespmem:s28], [sflag:$0x1] =	stream.indirect_vreg.gather [hbm4b:s19+s2], $0x80, v60, vm0, $0xb8;
	[tilespmem:$0x16280] =	vst v63  }
0x356: {  	s30 =	sld [smem:$0x678];
	v55 =	vadd.s32 v5, v63;
	v61 =	vsel vm4, $0x0, v51;
	v60 =	vperm.xlane v52, v15  }
0x357: {  	v62 =	vxor.u32 $0x80000000, v61;
	[tilespmem:s29], [sflag:$0x1] =	stream.indirect_vreg.gather [hbm4b:s19+s2], $0x80, v53, vm0, $0xb8;
	[tilespmem:$0x16280] =	vst v63  }
0x358: {  	s31 =	sld [smem:$0x679];
	v63 =	vperm.xlane v52, v16;
	(xrf0) =	vmax.scan.msk.u32 $0xffff, v62;
	v56 =	vadd.s32 v5, v60  }
0x359: {  	[tilespmem:s30], [sflag:$0x1] =	stream.indirect_vreg.gather [hbm4b:s19+s2], $0x80, v54, vm0, $0xb8;
	[tilespmem:$0x16280] =	vst v63  }
0x35a: {  	v58 =	vperm.xlane v52, v17;
	s22 =	sld [smem:$0x67A];
	v57 =	vadd.s32 v5, v63  }
0x35b: {  	[tilespmem:s31], [sflag:$0x1] =	stream.indirect_vreg.gather [hbm4b:s19+s2], $0x80, v55, vm0, $0xb8;
	[tilespmem:$0x16280] =	vst v63  }
0x35c: {  	s23 =	sld [smem:$0x67B];
	v52 =	vperm.xlane v52, v18;
	v54 =	vadd.s32 v5, v58  }
0x35d: {  	[tilespmem:s22], [sflag:$0x1] =	stream.indirect_vreg.gather [hbm4b:s19+s2], $0x80, v56, vm0, $0xb8;
	[tilespmem:$0x16280] =	vst v63  }
0x35e: {  	s24 =	sld [smem:$0x67C];
	v52 =	vadd.s32 v5, v52;
	v59, _, _ =	vpop (xrf0)  }
0x35f: {  	(v2sf) =	vpush v59, $0xF;
	[tilespmem:s23], [sflag:$0x1] =	stream.indirect_vreg.gather [hbm4b:s19+s2], $0x80, v57, vm0, $0xb8;
	[tilespmem:$0x16280] =	vst v63  }
0x360: {  	s25 =	sld [smem:$0x67D]  }
0x361: {  	[tilespmem:s24], [sflag:$0x1] =	stream.indirect_vreg.gather [hbm4b:s19+s2], $0x80, v54, vm0, $0xb8;
	[tilespmem:$0x16280] =	vst v63  }
0x362: {  	_ = 	snop  }
0x363: {  	[tilespmem:s25], [sflag:$0x1] =	stream.indirect_vreg.gather [hbm4b:s19+s2], $0x80, v52, vm0, $0xb8;
	[tilespmem:$0x16280] =	vst v63  }
0x364: {  	v52 =	vld [tilespmem:$0x200];
	_ =	sdelay $0x4  }
0x365: {  	v60 =	vshrl.u32 v52, $0x3  }
0x366: {  	v53 =	vmul.u32 $0xF428, v60  }
0x367: {  	v52 =	vand.u32 $0x7, v52  }
0x368: {  	v52 =	vor.u32 v52, v53  }
0x369: {  	v53 =	vperm.xlane v52, v4  }
0x36a: {  	s26 =	spop (v2sf)  }
0x36b: {  	s19 =	sand.u32 $0xFFFFFF80, s26;
	v61 =	vperm.xlane v52, v6;
	v53 =	vadd.s32 v5, v53  }
0x36c: {  	s19 =	sxor.u32 $0x80000000, s19  }
0x36d: {  	s28 =	sld [smem:$0x67E];
	p0 =	slt.s32 s19, $0xF4180;
	v62 =	vperm.xlane v52, v7;
	v54 =	vadd.s32 v5, v61  }
0x36e: {  	s19 =	simm.s32 @!p0 $0xF4180  }
0x36f: {  	s29 =	sld [smem:$0x67F];
	v63 =	vperm.xlane v52, v2;
	s19 =	sadd.s32 s1, s19;
	v55 =	vadd.s32 v5, v62  }
0x370: {  	[tilespmem:s28], [sflag:$0x1] =	stream.indirect_vreg.gather [hbm4b:s19+s2], $0x80, v53, vm0, $0xb8;
	[tilespmem:$0x16280] =	vst v63  }
0x371: {  	s30 =	sld [smem:$0x680];
	v60 =	vadd.s32 v5, v63;
	v61 =	vperm.xlane v52, v8  }
0x372: {  	[tilespmem:s29], [sflag:$0x1] =	stream.indirect_vreg.gather [hbm4b:s19+s2], $0x80, v54, vm0, $0xb8;
	[tilespmem:$0x16280] =	vst v63  }
0x373: {  	s31 =	sld [smem:$0x681];
	v62 =	vperm.xlane v52, v9;
	v54 =	vadd.s32 v5, v61  }
0x374: {  	[tilespmem:s30], [sflag:$0x1] =	stream.indirect_vreg.gather [hbm4b:s19+s2], $0x80, v55, vm0, $0xb8;
	[tilespmem:$0x16280] =	vst v63  }
0x375: {  	s22 =	sld [smem:$0x682];
	v63 =	vperm.xlane v52, v10;
	v55 =	vadd.s32 v5, v62  }
0x376: {  	[tilespmem:s31], [sflag:$0x1] =	stream.indirect_vreg.gather [hbm4b:s19+s2], $0x80, v60, vm0, $0xb8;
	[tilespmem:$0x16280] =	vst v63  }
0x377: {  	s23 =	sld [smem:$0x683];
	v61 =	vperm.xlane v52, v3;
	v60 =	vadd.s32 v5, v63  }
0x378: {  	[tilespmem:s22], [sflag:$0x1] =	stream.indirect_vreg.gather [hbm4b:s19+s2], $0x80, v54, vm0, $0xb8;
	[tilespmem:$0x16280] =	vst v63  }
0x379: {  	s24 =	sld [smem:$0x684];
	v62 =	vperm.xlane v52, v11;
	v54 =	vadd.s32 v5, v61  }
0x37a: {  	[tilespmem:s23], [sflag:$0x1] =	stream.indirect_vreg.gather [hbm4b:s19+s2], $0x80, v55, vm0, $0xb8;
	[tilespmem:$0x16280] =	vst v63  }
0x37b: {  	s25 =	sld [smem:$0x685];
	v63 =	vperm.xlane v52, v12;
	v55 =	vadd.s32 v5, v62  }
0x37c: {  	[tilespmem:s24], [sflag:$0x1] =	stream.indirect_vreg.gather [hbm4b:s19+s2], $0x80, v60, vm0, $0xb8;
	[tilespmem:$0x16280] =	vst v63  }
0x37d: {  	s26 =	sld [smem:$0x686];
	v61 =	vperm.xlane v52, v13;
	v60 =	vadd.s32 v5, v63  }
0x37e: {  	[tilespmem:s25], [sflag:$0x1] =	stream.indirect_vreg.gather [hbm4b:s19+s2], $0x80, v54, vm0, $0xb8;
	[tilespmem:$0x16280] =	vst v63  }
0x37f: {  	s28 =	sld [smem:$0x687];
	v62 =	vperm.xlane v52, v14;
	v54 =	vadd.s32 v5, v61  }
0x380: {  	[tilespmem:s26], [sflag:$0x1] =	stream.indirect_vreg.gather [hbm4b:s19+s2], $0x80, v55, vm0, $0xb8;
	[tilespmem:$0x16280] =	vst v63  }
0x381: {  	s29 =	sld [smem:$0x688];
	v63 =	vperm.xlane v52, v15;
	v55 =	vadd.s32 v5, v62  }
0x382: {  	[tilespmem:s28], [sflag:$0x1] =	stream.indirect_vreg.gather [hbm4b:s19+s2], $0x80, v60, vm0, $0xb8;
	[tilespmem:$0x16280] =	vst v63  }
0x383: {  	s30 =	sld [smem:$0x689];
	v61 =	vperm.xlane v52, v16;
	v60 =	vadd.s32 v5, v63  }
0x384: {  	[tilespmem:s29], [sflag:$0x1] =	stream.indirect_vreg.gather [hbm4b:s19+s2], $0x80, v54, vm0, $0xb8;
	[tilespmem:$0x16280] =	vst v63  }
0x385: {  	s31 =	sld [smem:$0x68A];
	v62 =	vadd.s32 v5, v61;
	v63 =	vperm.xlane v52, v17  }
0x386: {  	[tilespmem:s30], [sflag:$0x1] =	stream.indirect_vreg.gather [hbm4b:s19+s2], $0x80, v55, vm0, $0xb8;
	[tilespmem:$0x16280] =	vst v63  }
0x387: {  	s22 =	sld [smem:$0x68B];
	v52 =	vperm.xlane v52, v18;
	v57 =	vadd.s32 v5, v63  }
0x388: {  	[tilespmem:s31], [sflag:$0x1] =	stream.indirect_vreg.gather [hbm4b:s19+s2], $0x80, v60, vm0, $0xb8;
	[tilespmem:$0x16280] =	vst v63  }
0x389: {  	s23 =	sld [smem:$0x68C];
	v52 =	vadd.s32 v5, v52  }
0x38a: {  	[tilespmem:s22], [sflag:$0x1] =	stream.indirect_vreg.gather [hbm4b:s19+s2], $0x80, v62, vm0, $0xb8;
	[tilespmem:$0x16280] =	vst v63  }
0x38b: {  	s24 =	sld [smem:$0x68D]  }
0x38c: {  	[tilespmem:s23], [sflag:$0x1] =	stream.indirect_vreg.gather [hbm4b:s19+s2], $0x80, v57, vm0, $0xb8;
	[tilespmem:$0x16280] =	vst v63  }
0x38d: {  	_ = 	snop  }
0x38e: {  	[tilespmem:s24], [sflag:$0x1] =	stream.indirect_vreg.gather [hbm4b:s19+s2], $0x80, v52, vm0, $0xb8;
	[tilespmem:$0x16280] =	vst v63  }
0x38f: {  	v52 =	vld [tilespmem:$0x210];
	_ =	sdelay $0x4  }
0x390: {  	v58 =	vshrl.u32 v52, $0x3  }
0x391: {  	v53 =	vmul.u32 $0xF428, v58  }
0x392: {  	v52 =	vand.u32 $0x7, v52  }
0x393: {  	v52 =	vor.u32 v52, v53  }
0x394: {  	v53 =	vperm.xlane v52, v4;
	_ =	sdelay $0x1  }
0x395: {  	v59 =	vperm.xlane v52, v6;
	v53 =	vadd.s32 v5, v53;
	_ =	sdelay $0x1  }
0x396: {  	s25 =	sld [smem:$0x68E];
	v60 =	vperm.xlane v52, v7;
	v54 =	vadd.s32 v5, v59;
	_ =	sdelay $0x1  }
0x397: {  	s26 =	sld [smem:$0x68F];
	v61 =	vperm.xlane v52, v2;
	v55 =	vadd.s32 v5, v60  }
0x398: {  	[tilespmem:s25], [sflag:$0x1] =	stream.indirect_vreg.gather [hbm4b:s19+s2], $0x80, v53, vm0, $0xb8;
	[tilespmem:$0x16280] =	vst v63  }
0x399: {  	s28 =	sld [smem:$0x690];
	v62 =	vperm.xlane v52, v8;
	v53 =	vadd.s32 v5, v61  }
0x39a: {  	[tilespmem:s26], [sflag:$0x1] =	stream.indirect_vreg.gather [hbm4b:s19+s2], $0x80, v54, vm0, $0xb8;
	[tilespmem:$0x16280] =	vst v63  }
0x39b: {  	s29 =	sld [smem:$0x691];
	v63 =	vperm.xlane v52, v9;
	v54 =	vadd.s32 v5, v62  }
0x39c: {  	[tilespmem:s28], [sflag:$0x1] =	stream.indirect_vreg.gather [hbm4b:s19+s2], $0x80, v55, vm0, $0xb8;
	[tilespmem:$0x16280] =	vst v63  }
0x39d: {  	s30 =	sld [smem:$0x692];
	v60 =	vadd.s32 v5, v63;
	v61 =	vperm.xlane v52, v10  }
0x39e: {  	[tilespmem:s29], [sflag:$0x1] =	stream.indirect_vreg.gather [hbm4b:s19+s2], $0x80, v53, vm0, $0xb8;
	[tilespmem:$0x16280] =	vst v63  }
0x39f: {  	s31 =	sld [smem:$0x693];
	v62 =	vperm.xlane v52, v3;
	v53 =	vadd.s32 v5, v61  }
0x3a0: {  	[tilespmem:s30], [sflag:$0x1] =	stream.indirect_vreg.gather [hbm4b:s19+s2], $0x80, v54, vm0, $0xb8;
	[tilespmem:$0x16280] =	vst v63  }
0x3a1: {  	s22 =	sld [smem:$0x694];
	v63 =	vperm.xlane v52, v11;
	v54 =	vadd.s32 v5, v62  }
0x3a2: {  	[tilespmem:s31], [sflag:$0x1] =	stream.indirect_vreg.gather [hbm4b:s19+s2], $0x80, v60, vm0, $0xb8;
	[tilespmem:$0x16280] =	vst v63  }
0x3a3: {  	s23 =	sld [smem:$0x695];
	v61 =	vperm.xlane v52, v12;
	v60 =	vadd.s32 v5, v63  }
0x3a4: {  	[tilespmem:s22], [sflag:$0x1] =	stream.indirect_vreg.gather [hbm4b:s19+s2], $0x80, v53, vm0, $0xb8;
	[tilespmem:$0x16280] =	vst v63  }
0x3a5: {  	s24 =	sld [smem:$0x696];
	v62 =	vperm.xlane v52, v13;
	v53 =	vadd.s32 v5, v61  }
0x3a6: {  	[tilespmem:s23], [sflag:$0x1] =	stream.indirect_vreg.gather [hbm4b:s19+s2], $0x80, v54, vm0, $0xb8;
	[tilespmem:$0x16280] =	vst v63  }
0x3a7: {  	s25 =	sld [smem:$0x697];
	v63 =	vperm.xlane v52, v14;
	v54 =	vadd.s32 v5, v62  }
0x3a8: {  	[tilespmem:s24], [sflag:$0x1] =	stream.indirect_vreg.gather [hbm4b:s19+s2], $0x80, v60, vm0, $0xb8;
	[tilespmem:$0x16280] =	vst v63  }
0x3a9: {  	s26 =	sld [smem:$0x698];
	v55 =	vadd.s32 v5, v63;
	v61 =	vsel vm5, $0x0, v51;
	v60 =	vperm.xlane v52, v15  }
0x3aa: {  	v62 =	vxor.u32 $0x80000000, v61;
	[tilespmem:s25], [sflag:$0x1] =	stream.indirect_vreg.gather [hbm4b:s19+s2], $0x80, v53, vm0, $0xb8;
	[tilespmem:$0x16280] =	vst v63  }
0x3ab: {  	s28 =	sld [smem:$0x699];
	v63 =	vperm.xlane v52, v16;
	(xrf0) =	vmax.scan.msk.u32 $0xffff, v62;
	v56 =	vadd.s32 v5, v60  }
0x3ac: {  	[tilespmem:s26], [sflag:$0x1] =	stream.indirect_vreg.gather [hbm4b:s19+s2], $0x80, v54, vm0, $0xb8;
	[tilespmem:$0x16280] =	vst v63  }
0x3ad: {  	v58 =	vperm.xlane v52, v17;
	s29 =	sld [smem:$0x69A];
	v57 =	vadd.s32 v5, v63  }
0x3ae: {  	[tilespmem:s28], [sflag:$0x1] =	stream.indirect_vreg.gather [hbm4b:s19+s2], $0x80, v55, vm0, $0xb8;
	[tilespmem:$0x16280] =	vst v63  }
0x3af: {  	s30 =	sld [smem:$0x69B];
	v52 =	vperm.xlane v52, v18;
	v54 =	vadd.s32 v5, v58  }
0x3b0: {  	[tilespmem:s29], [sflag:$0x1] =	stream.indirect_vreg.gather [hbm4b:s19+s2], $0x80, v56, vm0, $0xb8;
	[tilespmem:$0x16280] =	vst v63  }
0x3b1: {  	s31 =	sld [smem:$0x69C];
	v52 =	vadd.s32 v5, v52;
	v59, _, _ =	vpop (xrf0)  }
0x3b2: {  	(v2sf) =	vpush v59, $0xF;
	[tilespmem:s30], [sflag:$0x1] =	stream.indirect_vreg.gather [hbm4b:s19+s2], $0x80, v57, vm0, $0xb8;
	[tilespmem:$0x16280] =	vst v63  }
0x3b3: {  	s22 =	sld [smem:$0x69D]  }
0x3b4: {  	[tilespmem:s31], [sflag:$0x1] =	stream.indirect_vreg.gather [hbm4b:s19+s2], $0x80, v54, vm0, $0xb8;
	[tilespmem:$0x16280] =	vst v63  }
0x3b5: {  	_ = 	snop  }
0x3b6: {  	[tilespmem:s22], [sflag:$0x1] =	stream.indirect_vreg.gather [hbm4b:s19+s2], $0x80, v52, vm0, $0xb8;
	[tilespmem:$0x16280] =	vst v63  }
0x3b7: {  	v52 =	vld [tilespmem:$0x200];
	_ =	sdelay $0x4  }
0x3b8: {  	v60 =	vshrl.u32 v52, $0x3  }
0x3b9: {  	v53 =	vmul.u32 $0xF428, v60  }
0x3ba: {  	v52 =	vand.u32 $0x7, v52  }
0x3bb: {  	v52 =	vor.u32 v52, v53  }
0x3bc: {  	v53 =	vperm.xlane v52, v4  }
0x3bd: {  	s23 =	spop (v2sf)  }
0x3be: {  	s19 =	sand.u32 $0xFFFFFF80, s23;
	v61 =	vperm.xlane v52, v6;
	v53 =	vadd.s32 v5, v53  }
0x3bf: {  	s19 =	sxor.u32 $0x80000000, s19  }
0x3c0: {  	s24 =	sld [smem:$0x69E];
	p0 =	slt.s32 s19, $0xF4180;
	v62 =	vperm.xlane v52, v7;
	v54 =	vadd.s32 v5, v61  }
0x3c1: {  	s19 =	simm.s32 @!p0 $0xF4180  }
0x3c2: {  	s25 =	sld [smem:$0x69F];
	v63 =	vperm.xlane v52, v2;
	s19 =	sadd.s32 s1, s19;
	v55 =	vadd.s32 v5, v62  }
0x3c3: {  	[tilespmem:s24], [sflag:$0x1] =	stream.indirect_vreg.gather [hbm4b:s19+s2], $0x80, v53, vm0, $0xb8;
	[tilespmem:$0x16280] =	vst v63  }
0x3c4: {  	s26 =	sld [smem:$0x6A0];
	v60 =	vadd.s32 v5, v63;
	v61 =	vperm.xlane v52, v8  }
0x3c5: {  	[tilespmem:s25], [sflag:$0x1] =	stream.indirect_vreg.gather [hbm4b:s19+s2], $0x80, v54, vm0, $0xb8;
	[tilespmem:$0x16280] =	vst v63  }
0x3c6: {  	s28 =	sld [smem:$0x6A1];
	v62 =	vperm.xlane v52, v9;
	v54 =	vadd.s32 v5, v61  }
0x3c7: {  	[tilespmem:s26], [sflag:$0x1] =	stream.indirect_vreg.gather [hbm4b:s19+s2], $0x80, v55, vm0, $0xb8;
	[tilespmem:$0x16280] =	vst v63  }
0x3c8: {  	s29 =	sld [smem:$0x6A2];
	v63 =	vperm.xlane v52, v10;
	v55 =	vadd.s32 v5, v62  }
0x3c9: {  	[tilespmem:s28], [sflag:$0x1] =	stream.indirect_vreg.gather [hbm4b:s19+s2], $0x80, v60, vm0, $0xb8;
	[tilespmem:$0x16280] =	vst v63  }
0x3ca: {  	s30 =	sld [smem:$0x6A3];
	v61 =	vperm.xlane v52, v3;
	v60 =	vadd.s32 v5, v63  }
0x3cb: {  	[tilespmem:s29], [sflag:$0x1] =	stream.indirect_vreg.gather [hbm4b:s19+s2], $0x80, v54, vm0, $0xb8;
	[tilespmem:$0x16280] =	vst v63  }
0x3cc: {  	s31 =	sld [smem:$0x6A4];
	v62 =	vperm.xlane v52, v11;
	v54 =	vadd.s32 v5, v61  }
0x3cd: {  	[tilespmem:s30], [sflag:$0x1] =	stream.indirect_vreg.gather [hbm4b:s19+s2], $0x80, v55, vm0, $0xb8;
	[tilespmem:$0x16280] =	vst v63  }
0x3ce: {  	s22 =	sld [smem:$0x6A5];
	v63 =	vperm.xlane v52, v12;
	v55 =	vadd.s32 v5, v62  }
0x3cf: {  	[tilespmem:s31], [sflag:$0x1] =	stream.indirect_vreg.gather [hbm4b:s19+s2], $0x80, v60, vm0, $0xb8;
	[tilespmem:$0x16280] =	vst v63  }
0x3d0: {  	s23 =	sld [smem:$0x6A6];
	v61 =	vperm.xlane v52, v13;
	v60 =	vadd.s32 v5, v63  }
0x3d1: {  	[tilespmem:s22], [sflag:$0x1] =	stream.indirect_vreg.gather [hbm4b:s19+s2], $0x80, v54, vm0, $0xb8;
	[tilespmem:$0x16280] =	vst v63  }
0x3d2: {  	s24 =	sld [smem:$0x6A7];
	v62 =	vperm.xlane v52, v14;
	v54 =	vadd.s32 v5, v61  }
0x3d3: {  	[tilespmem:s23], [sflag:$0x1] =	stream.indirect_vreg.gather [hbm4b:s19+s2], $0x80, v55, vm0, $0xb8;
	[tilespmem:$0x16280] =	vst v63  }
0x3d4: {  	s25 =	sld [smem:$0x6A8];
	v63 =	vperm.xlane v52, v15;
	v55 =	vadd.s32 v5, v62  }
0x3d5: {  	[tilespmem:s24], [sflag:$0x1] =	stream.indirect_vreg.gather [hbm4b:s19+s2], $0x80, v60, vm0, $0xb8;
	[tilespmem:$0x16280] =	vst v63  }
0x3d6: {  	s26 =	sld [smem:$0x6A9];
	v61 =	vperm.xlane v52, v16;
	v60 =	vadd.s32 v5, v63  }
0x3d7: {  	[tilespmem:s25], [sflag:$0x1] =	stream.indirect_vreg.gather [hbm4b:s19+s2], $0x80, v54, vm0, $0xb8;
	[tilespmem:$0x16280] =	vst v63  }
0x3d8: {  	s28 =	sld [smem:$0x6AA];
	v62 =	vadd.s32 v5, v61;
	v63 =	vperm.xlane v52, v17  }
0x3d9: {  	[tilespmem:s26], [sflag:$0x1] =	stream.indirect_vreg.gather [hbm4b:s19+s2], $0x80, v55, vm0, $0xb8;
	[tilespmem:$0x16280] =	vst v63  }
0x3da: {  	s29 =	sld [smem:$0x6AB];
	v52 =	vperm.xlane v52, v18;
	v57 =	vadd.s32 v5, v63  }
0x3db: {  	[tilespmem:s28], [sflag:$0x1] =	stream.indirect_vreg.gather [hbm4b:s19+s2], $0x80, v60, vm0, $0xb8;
	[tilespmem:$0x16280] =	vst v63  }
0x3dc: {  	s30 =	sld [smem:$0x6AC];
	v52 =	vadd.s32 v5, v52  }
0x3dd: {  	[tilespmem:s29], [sflag:$0x1] =	stream.indirect_vreg.gather [hbm4b:s19+s2], $0x80, v62, vm0, $0xb8;
	[tilespmem:$0x16280] =	vst v63  }
0x3de: {  	s31 =	sld [smem:$0x6AD]  }
0x3df: {  	[tilespmem:s30], [sflag:$0x1] =	stream.indirect_vreg.gather [hbm4b:s19+s2], $0x80, v57, vm0, $0xb8;
	[tilespmem:$0x16280] =	vst v63  }
0x3e0: {  	_ = 	snop  }
0x3e1: {  	[tilespmem:s31], [sflag:$0x1] =	stream.indirect_vreg.gather [hbm4b:s19+s2], $0x80, v52, vm0, $0xb8;
	[tilespmem:$0x16280] =	vst v63  }
0x3e2: {  	v52 =	vld [tilespmem:$0x210];
	_ =	sdelay $0x4  }
0x3e3: {  	v58 =	vshrl.u32 v52, $0x3  }
0x3e4: {  	v53 =	vmul.u32 $0xF428, v58  }
0x3e5: {  	v52 =	vand.u32 $0x7, v52  }
0x3e6: {  	v52 =	vor.u32 v52, v53  }
0x3e7: {  	v53 =	vperm.xlane v52, v4;
	_ =	sdelay $0x1  }
0x3e8: {  	v59 =	vperm.xlane v52, v6;
	v53 =	vadd.s32 v5, v53;
	_ =	sdelay $0x1  }
0x3e9: {  	s21 =	sld [smem:$0x6AE];
	v60 =	vperm.xlane v52, v7;
	v54 =	vadd.s32 v5, v59;
	_ =	sdelay $0x1  }
0x3ea: {  	s22 =	sld [smem:$0x6AF];
	v61 =	vperm.xlane v52, v2;
	v55 =	vadd.s32 v5, v60  }
0x3eb: {  	[tilespmem:s21], [sflag:$0x1] =	stream.indirect_vreg.gather [hbm4b:s19+s2], $0x80, v53, vm0, $0xb8;
	[tilespmem:$0x16280] =	vst v63  }
0x3ec: {  	s23 =	sld [smem:$0x6B0];
	v62 =	vperm.xlane v52, v8;
	v53 =	vadd.s32 v5, v61  }
0x3ed: {  	[tilespmem:s22], [sflag:$0x1] =	stream.indirect_vreg.gather [hbm4b:s19+s2], $0x80, v54, vm0, $0xb8;
	[tilespmem:$0x16280] =	vst v63  }
0x3ee: {  	s24 =	sld [smem:$0x6B1];
	v63 =	vperm.xlane v52, v9;
	v54 =	vadd.s32 v5, v62  }
0x3ef: {  	[tilespmem:s23], [sflag:$0x1] =	stream.indirect_vreg.gather [hbm4b:s19+s2], $0x80, v55, vm0, $0xb8;
	[tilespmem:$0x16280] =	vst v63  }
0x3f0: {  	s25 =	sld [smem:$0x6B2];
	v60 =	vadd.s32 v5, v63;
	v61 =	vperm.xlane v52, v10  }
0x3f1: {  	[tilespmem:s24], [sflag:$0x1] =	stream.indirect_vreg.gather [hbm4b:s19+s2], $0x80, v53, vm0, $0xb8;
	[tilespmem:$0x16280] =	vst v63  }
0x3f2: {  	s26 =	sld [smem:$0x6B3];
	v62 =	vperm.xlane v52, v3;
	v53 =	vadd.s32 v5, v61  }
0x3f3: {  	[tilespmem:s25], [sflag:$0x1] =	stream.indirect_vreg.gather [hbm4b:s19+s2], $0x80, v54, vm0, $0xb8;
	[tilespmem:$0x16280] =	vst v63  }
0x3f4: {  	s28 =	sld [smem:$0x6B4];
	v63 =	vperm.xlane v52, v11;
	v54 =	vadd.s32 v5, v62  }
0x3f5: {  	[tilespmem:s26], [sflag:$0x1] =	stream.indirect_vreg.gather [hbm4b:s19+s2], $0x80, v60, vm0, $0xb8;
	[tilespmem:$0x16280] =	vst v63  }
0x3f6: {  	s29 =	sld [smem:$0x6B5];
	v61 =	vperm.xlane v52, v12;
	v60 =	vadd.s32 v5, v63  }
0x3f7: {  	[tilespmem:s28], [sflag:$0x1] =	stream.indirect_vreg.gather [hbm4b:s19+s2], $0x80, v53, vm0, $0xb8;
	[tilespmem:$0x16280] =	vst v63  }
0x3f8: {  	s30 =	sld [smem:$0x6B6];
	v62 =	vperm.xlane v52, v13;
	v53 =	vadd.s32 v5, v61  }
0x3f9: {  	[tilespmem:s29], [sflag:$0x1] =	stream.indirect_vreg.gather [hbm4b:s19+s2], $0x80, v54, vm0, $0xb8;
	[tilespmem:$0x16280] =	vst v63  }
0x3fa: {  	s31 =	sld [smem:$0x6B7];
	v63 =	vperm.xlane v52, v14;
	v54 =	vadd.s32 v5, v62  }
0x3fb: {  	[tilespmem:s30], [sflag:$0x1] =	stream.indirect_vreg.gather [hbm4b:s19+s2], $0x80, v60, vm0, $0xb8;
	[tilespmem:$0x16280] =	vst v63  }
0x3fc: {  	s22 =	sld [smem:$0x6B8];
	v55 =	vadd.s32 v5, v63;
	v61 =	vsel vm6, $0x0, v51;
	v60 =	vperm.xlane v52, v15  }
0x3fd: {  	v62 =	vxor.u32 $0x80000000, v61;
	[tilespmem:s31], [sflag:$0x1] =	stream.indirect_vreg.gather [hbm4b:s19+s2], $0x80, v53, vm0, $0xb8;
	[tilespmem:$0x16280] =	vst v63  }
0x3fe: {  	s23 =	sld [smem:$0x6B9];
	v63 =	vperm.xlane v52, v16;
	(xrf0) =	vmax.scan.msk.u32 $0xffff, v62;
	v56 =	vadd.s32 v5, v60  }
0x3ff: {  	[tilespmem:s22], [sflag:$0x1] =	stream.indirect_vreg.gather [hbm4b:s19+s2], $0x80, v54, vm0, $0xb8;
	[tilespmem:$0x16280] =	vst v63  }
0x400: {  	v58 =	vperm.xlane v52, v17;
	s24 =	sld [smem:$0x6BA];
	v57 =	vadd.s32 v5, v63  }
0x401: {  	[tilespmem:s23], [sflag:$0x1] =	stream.indirect_vreg.gather [hbm4b:s19+s2], $0x80, v55, vm0, $0xb8;
	[tilespmem:$0x16280] =	vst v63  }
0x402: {  	s25 =	sld [smem:$0x6BB];
	v52 =	vperm.xlane v52, v18;
	v54 =	vadd.s32 v5, v58  }
0x403: {  	[tilespmem:s24], [sflag:$0x1] =	stream.indirect_vreg.gather [hbm4b:s19+s2], $0x80, v56, vm0, $0xb8;
	[tilespmem:$0x16280] =	vst v63  }
0x404: {  	s26 =	sld [smem:$0x6BC];
	v52 =	vadd.s32 v5, v52;
	v59, _, _ =	vpop (xrf0)  }
0x405: {  	(v2sf) =	vpush v59, $0xF;
	[tilespmem:s25], [sflag:$0x1] =	stream.indirect_vreg.gather [hbm4b:s19+s2], $0x80, v57, vm0, $0xb8;
	[tilespmem:$0x16280] =	vst v63  }
0x406: {  	s28 =	sld [smem:$0x6BD]  }
0x407: {  	[tilespmem:s26], [sflag:$0x1] =	stream.indirect_vreg.gather [hbm4b:s19+s2], $0x80, v54, vm0, $0xb8;
	[tilespmem:$0x16280] =	vst v63  }
0x408: {  	_ = 	snop  }
0x409: {  	[tilespmem:s28], [sflag:$0x1] =	stream.indirect_vreg.gather [hbm4b:s19+s2], $0x80, v52, vm0, $0xb8;
	[tilespmem:$0x16280] =	vst v63  }
0x40a: {  	v52 =	vld [tilespmem:$0x200];
	_ =	sdelay $0x4  }
0x40b: {  	v60 =	vshrl.u32 v52, $0x3  }
0x40c: {  	v53 =	vmul.u32 $0xF428, v60  }
0x40d: {  	v52 =	vand.u32 $0x7, v52  }
0x40e: {  	v52 =	vor.u32 v52, v53  }
0x40f: {  	v53 =	vperm.xlane v52, v4  }
0x410: {  	s29 =	spop (v2sf)  }
0x411: {  	s19 =	sand.u32 $0xFFFFFF80, s29;
	v61 =	vperm.xlane v52, v6;
	v53 =	vadd.s32 v5, v53  }
0x412: {  	s19 =	sxor.u32 $0x80000000, s19  }
0x413: {  	s30 =	sld [smem:$0x6BE];
	p0 =	slt.s32 s19, $0xF4180;
	v62 =	vperm.xlane v52, v7;
	v54 =	vadd.s32 v5, v61  }
0x414: {  	s19 =	simm.s32 @!p0 $0xF4180  }
0x415: {  	s31 =	sld [smem:$0x6BF];
	v63 =	vperm.xlane v52, v2;
	s19 =	sadd.s32 s1, s19;
	v55 =	vadd.s32 v5, v62  }
0x416: {  	[tilespmem:s30], [sflag:$0x1] =	stream.indirect_vreg.gather [hbm4b:s19+s2], $0x80, v53, vm0, $0xb8;
	[tilespmem:$0x16280] =	vst v63  }
0x417: {  	s22 =	sld [smem:$0x6C0];
	v60 =	vadd.s32 v5, v63;
	v61 =	vperm.xlane v52, v8  }
0x418: {  	[tilespmem:s31], [sflag:$0x1] =	stream.indirect_vreg.gather [hbm4b:s19+s2], $0x80, v54, vm0, $0xb8;
	[tilespmem:$0x16280] =	vst v63  }
0x419: {  	s23 =	sld [smem:$0x6C1];
	v62 =	vperm.xlane v52, v9;
	v54 =	vadd.s32 v5, v61  }
0x41a: {  	[tilespmem:s22], [sflag:$0x1] =	stream.indirect_vreg.gather [hbm4b:s19+s2], $0x80, v55, vm0, $0xb8;
	[tilespmem:$0x16280] =	vst v63  }
0x41b: {  	s24 =	sld [smem:$0x6C2];
	v63 =	vperm.xlane v52, v10;
	v55 =	vadd.s32 v5, v62  }
0x41c: {  	[tilespmem:s23], [sflag:$0x1] =	stream.indirect_vreg.gather [hbm4b:s19+s2], $0x80, v60, vm0, $0xb8;
	[tilespmem:$0x16280] =	vst v63  }
0x41d: {  	s25 =	sld [smem:$0x6C3];
	v61 =	vperm.xlane v52, v3;
	v60 =	vadd.s32 v5, v63  }
0x41e: {  	[tilespmem:s24], [sflag:$0x1] =	stream.indirect_vreg.gather [hbm4b:s19+s2], $0x80, v54, vm0, $0xb8;
	[tilespmem:$0x16280] =	vst v63  }
0x41f: {  	s26 =	sld [smem:$0x6C4];
	v62 =	vperm.xlane v52, v11;
	v54 =	vadd.s32 v5, v61  }
0x420: {  	[tilespmem:s25], [sflag:$0x1] =	stream.indirect_vreg.gather [hbm4b:s19+s2], $0x80, v55, vm0, $0xb8;
	[tilespmem:$0x16280] =	vst v63  }
0x421: {  	s28 =	sld [smem:$0x6C5];
	v63 =	vperm.xlane v52, v12;
	v55 =	vadd.s32 v5, v62  }
0x422: {  	[tilespmem:s26], [sflag:$0x1] =	stream.indirect_vreg.gather [hbm4b:s19+s2], $0x80, v60, vm0, $0xb8;
	[tilespmem:$0x16280] =	vst v63  }
0x423: {  	s29 =	sld [smem:$0x6C6];
	v61 =	vperm.xlane v52, v13;
	v60 =	vadd.s32 v5, v63  }
0x424: {  	[tilespmem:s28], [sflag:$0x1] =	stream.indirect_vreg.gather [hbm4b:s19+s2], $0x80, v54, vm0, $0xb8;
	[tilespmem:$0x16280] =	vst v63  }
0x425: {  	s30 =	sld [smem:$0x6C7];
	v62 =	vperm.xlane v52, v14;
	v54 =	vadd.s32 v5, v61  }
0x426: {  	[tilespmem:s29], [sflag:$0x1] =	stream.indirect_vreg.gather [hbm4b:s19+s2], $0x80, v55, vm0, $0xb8;
	[tilespmem:$0x16280] =	vst v63  }
0x427: {  	s31 =	sld [smem:$0x6C8];
	v63 =	vperm.xlane v52, v15;
	v55 =	vadd.s32 v5, v62  }
0x428: {  	[tilespmem:s30], [sflag:$0x1] =	stream.indirect_vreg.gather [hbm4b:s19+s2], $0x80, v60, vm0, $0xb8;
	[tilespmem:$0x16280] =	vst v63  }
0x429: {  	s22 =	sld [smem:$0x6C9];
	v61 =	vperm.xlane v52, v16;
	v60 =	vadd.s32 v5, v63  }
0x42a: {  	[tilespmem:s31], [sflag:$0x1] =	stream.indirect_vreg.gather [hbm4b:s19+s2], $0x80, v54, vm0, $0xb8;
	[tilespmem:$0x16280] =	vst v63  }
0x42b: {  	s23 =	sld [smem:$0x6CA];
	v62 =	vadd.s32 v5, v61;
	v63 =	vperm.xlane v52, v17  }
0x42c: {  	[tilespmem:s22], [sflag:$0x1] =	stream.indirect_vreg.gather [hbm4b:s19+s2], $0x80, v55, vm0, $0xb8;
	[tilespmem:$0x16280] =	vst v63  }
0x42d: {  	s24 =	sld [smem:$0x6CB];
	v52 =	vperm.xlane v52, v18;
	v57 =	vadd.s32 v5, v63  }
0x42e: {  	[tilespmem:s23], [sflag:$0x1] =	stream.indirect_vreg.gather [hbm4b:s19+s2], $0x80, v60, vm0, $0xb8;
	[tilespmem:$0x16280] =	vst v63  }
0x42f: {  	s25 =	sld [smem:$0x6CC];
	v52 =	vadd.s32 v5, v52  }
0x430: {  	[tilespmem:s24], [sflag:$0x1] =	stream.indirect_vreg.gather [hbm4b:s19+s2], $0x80, v62, vm0, $0xb8;
	[tilespmem:$0x16280] =	vst v63  }
0x431: {  	s26 =	sld [smem:$0x6CD]  }
0x432: {  	[tilespmem:s25], [sflag:$0x1] =	stream.indirect_vreg.gather [hbm4b:s19+s2], $0x80, v57, vm0, $0xb8;
	[tilespmem:$0x16280] =	vst v63  }
0x433: {  	_ = 	snop  }
0x434: {  	[tilespmem:s26], [sflag:$0x1] =	stream.indirect_vreg.gather [hbm4b:s19+s2], $0x80, v52, vm0, $0xb8;
	[tilespmem:$0x16280] =	vst v63  }
0x435: {  	v52 =	vld [tilespmem:$0x210];
	_ =	sdelay $0x4  }
0x436: {  	v58 =	vshrl.u32 v52, $0x3  }
0x437: {  	v53 =	vmul.u32 $0xF428, v58  }
0x438: {  	v52 =	vand.u32 $0x7, v52  }
0x439: {  	v52 =	vor.u32 v52, v53  }
0x43a: {  	v53 =	vperm.xlane v52, v4;
	_ =	sdelay $0x1  }
0x43b: {  	v59 =	vperm.xlane v52, v6;
	v53 =	vadd.s32 v5, v53;
	_ =	sdelay $0x1  }
0x43c: {  	s28 =	sld [smem:$0x6CE];
	v60 =	vperm.xlane v52, v7;
	v54 =	vadd.s32 v5, v59;
	_ =	sdelay $0x1  }
0x43d: {  	s29 =	sld [smem:$0x6CF];
	v61 =	vperm.xlane v52, v2;
	v55 =	vadd.s32 v5, v60  }
0x43e: {  	[tilespmem:s28], [sflag:$0x1] =	stream.indirect_vreg.gather [hbm4b:s19+s2], $0x80, v53, vm0, $0xb8;
	[tilespmem:$0x16280] =	vst v63  }
0x43f: {  	s30 =	sld [smem:$0x6D0];
	v62 =	vperm.xlane v52, v8;
	v53 =	vadd.s32 v5, v61  }
0x440: {  	[tilespmem:s29], [sflag:$0x1] =	stream.indirect_vreg.gather [hbm4b:s19+s2], $0x80, v54, vm0, $0xb8;
	[tilespmem:$0x16280] =	vst v63  }
0x441: {  	s31 =	sld [smem:$0x6D1];
	v63 =	vperm.xlane v52, v9;
	v54 =	vadd.s32 v5, v62  }
0x442: {  	[tilespmem:s30], [sflag:$0x1] =	stream.indirect_vreg.gather [hbm4b:s19+s2], $0x80, v55, vm0, $0xb8;
	[tilespmem:$0x16280] =	vst v63  }
0x443: {  	s22 =	sld [smem:$0x6D2];
	v60 =	vadd.s32 v5, v63;
	v61 =	vperm.xlane v52, v10  }
0x444: {  	[tilespmem:s31], [sflag:$0x1] =	stream.indirect_vreg.gather [hbm4b:s19+s2], $0x80, v53, vm0, $0xb8;
	[tilespmem:$0x16280] =	vst v63  }
0x445: {  	s23 =	sld [smem:$0x6D3];
	v62 =	vperm.xlane v52, v3;
	v53 =	vadd.s32 v5, v61  }
0x446: {  	[tilespmem:s22], [sflag:$0x1] =	stream.indirect_vreg.gather [hbm4b:s19+s2], $0x80, v54, vm0, $0xb8;
	[tilespmem:$0x16280] =	vst v63  }
0x447: {  	s24 =	sld [smem:$0x6D4];
	v63 =	vperm.xlane v52, v11;
	v54 =	vadd.s32 v5, v62  }
0x448: {  	[tilespmem:s23], [sflag:$0x1] =	stream.indirect_vreg.gather [hbm4b:s19+s2], $0x80, v60, vm0, $0xb8;
	[tilespmem:$0x16280] =	vst v63  }
0x449: {  	s25 =	sld [smem:$0x6D5];
	v61 =	vperm.xlane v52, v12;
	v60 =	vadd.s32 v5, v63  }
0x44a: {  	[tilespmem:s24], [sflag:$0x1] =	stream.indirect_vreg.gather [hbm4b:s19+s2], $0x80, v53, vm0, $0xb8;
	[tilespmem:$0x16280] =	vst v63  }
0x44b: {  	s26 =	sld [smem:$0x6D6];
	v62 =	vperm.xlane v52, v13;
	v53 =	vadd.s32 v5, v61  }
0x44c: {  	[tilespmem:s25], [sflag:$0x1] =	stream.indirect_vreg.gather [hbm4b:s19+s2], $0x80, v54, vm0, $0xb8;
	[tilespmem:$0x16280] =	vst v63  }
0x44d: {  	s28 =	sld [smem:$0x6D7];
	v63 =	vperm.xlane v52, v14;
	v54 =	vadd.s32 v5, v62  }
0x44e: {  	[tilespmem:s26], [sflag:$0x1] =	stream.indirect_vreg.gather [hbm4b:s19+s2], $0x80, v60, vm0, $0xb8;
	[tilespmem:$0x16280] =	vst v63  }
0x44f: {  	s29 =	sld [smem:$0x6D8];
	v55 =	vadd.s32 v5, v63;
	v61 =	vsel vm7, $0x0, v51;
	v60 =	vperm.xlane v52, v15  }
0x450: {  	v62 =	vxor.u32 $0x80000000, v61;
	[tilespmem:s28], [sflag:$0x1] =	stream.indirect_vreg.gather [hbm4b:s19+s2], $0x80, v53, vm0, $0xb8;
	[tilespmem:$0x16280] =	vst v63  }
0x451: {  	s30 =	sld [smem:$0x6D9];
	v63 =	vperm.xlane v52, v16;
	(xrf0) =	vmax.scan.msk.u32 $0xffff, v62;
	v56 =	vadd.s32 v5, v60  }
0x452: {  	[tilespmem:s29], [sflag:$0x1] =	stream.indirect_vreg.gather [hbm4b:s19+s2], $0x80, v54, vm0, $0xb8;
	[tilespmem:$0x16280] =	vst v63  }
0x453: {  	v58 =	vperm.xlane v52, v17;
	s31 =	sld [smem:$0x6DA];
	v57 =	vadd.s32 v5, v63  }
0x454: {  	[tilespmem:s30], [sflag:$0x1] =	stream.indirect_vreg.gather [hbm4b:s19+s2], $0x80, v55, vm0, $0xb8;
	[tilespmem:$0x16280] =	vst v63  }
0x455: {  	s22 =	sld [smem:$0x6DB];
	v52 =	vperm.xlane v52, v18;
	v54 =	vadd.s32 v5, v58  }
0x456: {  	[tilespmem:s31], [sflag:$0x1] =	stream.indirect_vreg.gather [hbm4b:s19+s2], $0x80, v56, vm0, $0xb8;
	[tilespmem:$0x16280] =	vst v63  }
0x457: {  	s23 =	sld [smem:$0x6DC];
	v52 =	vadd.s32 v5, v52;
	v59, _, _ =	vpop (xrf0)  }
0x458: {  	(v2sf) =	vpush v59, $0xF;
	[tilespmem:s22], [sflag:$0x1] =	stream.indirect_vreg.gather [hbm4b:s19+s2], $0x80, v57, vm0, $0xb8;
	[tilespmem:$0x16280] =	vst v63  }
0x459: {  	s24 =	sld [smem:$0x6DD]  }
0x45a: {  	[tilespmem:s23], [sflag:$0x1] =	stream.indirect_vreg.gather [hbm4b:s19+s2], $0x80, v54, vm0, $0xb8;
	[tilespmem:$0x16280] =	vst v63  }
0x45b: {  	_ = 	snop  }
0x45c: {  	[tilespmem:s24], [sflag:$0x1] =	stream.indirect_vreg.gather [hbm4b:s19+s2], $0x80, v52, vm0, $0xb8;
	[tilespmem:$0x16280] =	vst v63  }
0x45d: {  	v52 =	vld [tilespmem:$0x200];
	_ =	sdelay $0x4  }
0x45e: {  	v60 =	vshrl.u32 v52, $0x3  }
0x45f: {  	v53 =	vmul.u32 $0xF428, v60  }
0x460: {  	v52 =	vand.u32 $0x7, v52  }
0x461: {  	v52 =	vor.u32 v52, v53  }
0x462: {  	v53 =	vperm.xlane v52, v4  }
0x463: {  	s25 =	spop (v2sf)  }
0x464: {  	s19 =	sand.u32 $0xFFFFFF80, s25;
	v61 =	vperm.xlane v52, v6;
	v53 =	vadd.s32 v5, v53  }
0x465: {  	s19 =	sxor.u32 $0x80000000, s19  }
0x466: {  	s26 =	sld [smem:$0x6DE];
	p0 =	slt.s32 s19, $0xF4180;
	v62 =	vperm.xlane v52, v7;
	v54 =	vadd.s32 v5, v61  }
0x467: {  	s19 =	simm.s32 @!p0 $0xF4180  }
0x468: {  	s28 =	sld [smem:$0x6DF];
	v63 =	vperm.xlane v52, v2;
	s19 =	sadd.s32 s1, s19;
	v55 =	vadd.s32 v5, v62  }
0x469: {  	[tilespmem:s26], [sflag:$0x1] =	stream.indirect_vreg.gather [hbm4b:s19+s2], $0x80, v53, vm0, $0xb8;
	[tilespmem:$0x16280] =	vst v63  }
0x46a: {  	s29 =	sld [smem:$0x6E0];
	v60 =	vadd.s32 v5, v63;
	v61 =	vperm.xlane v52, v8  }
0x46b: {  	[tilespmem:s28], [sflag:$0x1] =	stream.indirect_vreg.gather [hbm4b:s19+s2], $0x80, v54, vm0, $0xb8;
	[tilespmem:$0x16280] =	vst v63  }
0x46c: {  	s30 =	sld [smem:$0x6E1];
	v62 =	vperm.xlane v52, v9;
	v54 =	vadd.s32 v5, v61  }
0x46d: {  	[tilespmem:s29], [sflag:$0x1] =	stream.indirect_vreg.gather [hbm4b:s19+s2], $0x80, v55, vm0, $0xb8;
	[tilespmem:$0x16280] =	vst v63  }
0x46e: {  	s31 =	sld [smem:$0x6E2];
	v63 =	vperm.xlane v52, v10;
	v55 =	vadd.s32 v5, v62  }
0x46f: {  	[tilespmem:s30], [sflag:$0x1] =	stream.indirect_vreg.gather [hbm4b:s19+s2], $0x80, v60, vm0, $0xb8;
	[tilespmem:$0x16280] =	vst v63  }
0x470: {  	s22 =	sld [smem:$0x6E3];
	v61 =	vperm.xlane v52, v3;
	v60 =	vadd.s32 v5, v63  }
0x471: {  	[tilespmem:s31], [sflag:$0x1] =	stream.indirect_vreg.gather [hbm4b:s19+s2], $0x80, v54, vm0, $0xb8;
	[tilespmem:$0x16280] =	vst v63  }
0x472: {  	s23 =	sld [smem:$0x6E4];
	v62 =	vperm.xlane v52, v11;
	v54 =	vadd.s32 v5, v61  }
0x473: {  	[tilespmem:s22], [sflag:$0x1] =	stream.indirect_vreg.gather [hbm4b:s19+s2], $0x80, v55, vm0, $0xb8;
	[tilespmem:$0x16280] =	vst v63  }
0x474: {  	s24 =	sld [smem:$0x6E5];
	v63 =	vperm.xlane v52, v12;
	v55 =	vadd.s32 v5, v62  }
0x475: {  	[tilespmem:s23], [sflag:$0x1] =	stream.indirect_vreg.gather [hbm4b:s19+s2], $0x80, v60, vm0, $0xb8;
	[tilespmem:$0x16280] =	vst v63  }
0x476: {  	s25 =	sld [smem:$0x6E6];
	v61 =	vperm.xlane v52, v13;
	v60 =	vadd.s32 v5, v63  }
0x477: {  	[tilespmem:s24], [sflag:$0x1] =	stream.indirect_vreg.gather [hbm4b:s19+s2], $0x80, v54, vm0, $0xb8;
	[tilespmem:$0x16280] =	vst v63  }
0x478: {  	s26 =	sld [smem:$0x6E7];
	v62 =	vperm.xlane v52, v14;
	v54 =	vadd.s32 v5, v61  }
0x479: {  	[tilespmem:s25], [sflag:$0x1] =	stream.indirect_vreg.gather [hbm4b:s19+s2], $0x80, v55, vm0, $0xb8;
	[tilespmem:$0x16280] =	vst v63  }
0x47a: {  	s28 =	sld [smem:$0x6E8];
	v63 =	vperm.xlane v52, v15;
	v55 =	vadd.s32 v5, v62  }
0x47b: {  	[tilespmem:s26], [sflag:$0x1] =	stream.indirect_vreg.gather [hbm4b:s19+s2], $0x80, v60, vm0, $0xb8;
	[tilespmem:$0x16280] =	vst v63  }
0x47c: {  	s29 =	sld [smem:$0x6E9];
	v61 =	vperm.xlane v52, v16;
	v60 =	vadd.s32 v5, v63  }
0x47d: {  	[tilespmem:s28], [sflag:$0x1] =	stream.indirect_vreg.gather [hbm4b:s19+s2], $0x80, v54, vm0, $0xb8;
	[tilespmem:$0x16280] =	vst v63  }
0x47e: {  	s30 =	sld [smem:$0x6EA];
	v62 =	vadd.s32 v5, v61;
	v63 =	vperm.xlane v52, v17  }
0x47f: {  	[tilespmem:s29], [sflag:$0x1] =	stream.indirect_vreg.gather [hbm4b:s19+s2], $0x80, v55, vm0, $0xb8;
	[tilespmem:$0x16280] =	vst v63  }
0x480: {  	s31 =	sld [smem:$0x6EB];
	v52 =	vperm.xlane v52, v18;
	v57 =	vadd.s32 v5, v63  }
0x481: {  	[tilespmem:s30], [sflag:$0x1] =	stream.indirect_vreg.gather [hbm4b:s19+s2], $0x80, v60, vm0, $0xb8;
	[tilespmem:$0x16280] =	vst v63  }
0x482: {  	s22 =	sld [smem:$0x6EC];
	v52 =	vadd.s32 v5, v52  }
0x483: {  	[tilespmem:s31], [sflag:$0x1] =	stream.indirect_vreg.gather [hbm4b:s19+s2], $0x80, v62, vm0, $0xb8;
	[tilespmem:$0x16280] =	vst v63  }
0x484: {  	s23 =	sld [smem:$0x6ED]  }
0x485: {  	[tilespmem:s22], [sflag:$0x1] =	stream.indirect_vreg.gather [hbm4b:s19+s2], $0x80, v57, vm0, $0xb8;
	[tilespmem:$0x16280] =	vst v63  }
0x486: {  	_ = 	snop  }
0x487: {  	[tilespmem:s23], [sflag:$0x1] =	stream.indirect_vreg.gather [hbm4b:s19+s2], $0x80, v52, vm0, $0xb8;
	[tilespmem:$0x16280] =	vst v63  }
0x488: {  	v52 =	vld [tilespmem:$0x210];
	_ =	sdelay $0x4  }
0x489: {  	v58 =	vshrl.u32 v52, $0x3  }
0x48a: {  	v53 =	vmul.u32 $0xF428, v58  }
0x48b: {  	v52 =	vand.u32 $0x7, v52  }
0x48c: {  	v52 =	vor.u32 v52, v53  }
0x48d: {  	v53 =	vperm.xlane v52, v4;
	_ =	sdelay $0x1  }
0x48e: {  	v59 =	vperm.xlane v52, v6;
	v53 =	vadd.s32 v5, v53;
	_ =	sdelay $0x1  }
0x48f: {  	s24 =	sld [smem:$0x6EE];
	v60 =	vperm.xlane v52, v7;
	v54 =	vadd.s32 v5, v59;
	_ =	sdelay $0x1  }
0x490: {  	s25 =	sld [smem:$0x6EF];
	v61 =	vperm.xlane v52, v2;
	v55 =	vadd.s32 v5, v60  }
0x491: {  	[tilespmem:s24], [sflag:$0x1] =	stream.indirect_vreg.gather [hbm4b:s19+s2], $0x80, v53, vm0, $0xb8;
	[tilespmem:$0x16280] =	vst v63  }
0x492: {  	s26 =	sld [smem:$0x6F0];
	v62 =	vperm.xlane v52, v8;
	v53 =	vadd.s32 v5, v61  }
0x493: {  	[tilespmem:s25], [sflag:$0x1] =	stream.indirect_vreg.gather [hbm4b:s19+s2], $0x80, v54, vm0, $0xb8;
	[tilespmem:$0x16280] =	vst v63  }
0x494: {  	s28 =	sld [smem:$0x6F1];
	v63 =	vperm.xlane v52, v9;
	v54 =	vadd.s32 v5, v62  }
0x495: {  	[tilespmem:s26], [sflag:$0x1] =	stream.indirect_vreg.gather [hbm4b:s19+s2], $0x80, v55, vm0, $0xb8;
	[tilespmem:$0x16280] =	vst v63  }
0x496: {  	s29 =	sld [smem:$0x6F2];
	v60 =	vadd.s32 v5, v63;
	v61 =	vperm.xlane v52, v10  }
0x497: {  	[tilespmem:s28], [sflag:$0x1] =	stream.indirect_vreg.gather [hbm4b:s19+s2], $0x80, v53, vm0, $0xb8;
	[tilespmem:$0x16280] =	vst v63  }
0x498: {  	s30 =	sld [smem:$0x6F3];
	v62 =	vperm.xlane v52, v3;
	v53 =	vadd.s32 v5, v61  }
0x499: {  	[tilespmem:s29], [sflag:$0x1] =	stream.indirect_vreg.gather [hbm4b:s19+s2], $0x80, v54, vm0, $0xb8;
	[tilespmem:$0x16280] =	vst v63  }
0x49a: {  	s31 =	sld [smem:$0x6F4];
	v63 =	vperm.xlane v52, v11;
	v54 =	vadd.s32 v5, v62  }
0x49b: {  	[tilespmem:s30], [sflag:$0x1] =	stream.indirect_vreg.gather [hbm4b:s19+s2], $0x80, v60, vm0, $0xb8;
	[tilespmem:$0x16280] =	vst v63  }
0x49c: {  	s22 =	sld [smem:$0x6F5];
	v61 =	vperm.xlane v52, v12;
	v60 =	vadd.s32 v5, v63  }
0x49d: {  	[tilespmem:s31], [sflag:$0x1] =	stream.indirect_vreg.gather [hbm4b:s19+s2], $0x80, v53, vm0, $0xb8;
	[tilespmem:$0x16280] =	vst v63  }
0x49e: {  	s23 =	sld [smem:$0x6F6];
	v62 =	vperm.xlane v52, v13;
	v53 =	vadd.s32 v5, v61  }
0x49f: {  	[tilespmem:s22], [sflag:$0x1] =	stream.indirect_vreg.gather [hbm4b:s19+s2], $0x80, v54, vm0, $0xb8;
	[tilespmem:$0x16280] =	vst v63  }
0x4a0: {  	s24 =	sld [smem:$0x6F7];
	v63 =	vperm.xlane v52, v14;
	v54 =	vadd.s32 v5, v62  }
0x4a1: {  	[tilespmem:s23], [sflag:$0x1] =	stream.indirect_vreg.gather [hbm4b:s19+s2], $0x80, v60, vm0, $0xb8;
	[tilespmem:$0x16280] =	vst v63  }
0x4a2: {  	s25 =	sld [smem:$0x6F8];
	v55 =	vadd.s32 v5, v63;
	v61 =	vsel vm8, $0x0, v51;
	v60 =	vperm.xlane v52, v15  }
0x4a3: {  	v62 =	vxor.u32 $0x80000000, v61;
	[tilespmem:s24], [sflag:$0x1] =	stream.indirect_vreg.gather [hbm4b:s19+s2], $0x80, v53, vm0, $0xb8;
	[tilespmem:$0x16280] =	vst v63  }
0x4a4: {  	s26 =	sld [smem:$0x6F9];
	v63 =	vperm.xlane v52, v16;
	(xrf0) =	vmax.scan.msk.u32 $0xffff, v62;
	v56 =	vadd.s32 v5, v60  }
0x4a5: {  	[tilespmem:s25], [sflag:$0x1] =	stream.indirect_vreg.gather [hbm4b:s19+s2], $0x80, v54, vm0, $0xb8;
	[tilespmem:$0x16280] =	vst v63  }
0x4a6: {  	v58 =	vperm.xlane v52, v17;
	s28 =	sld [smem:$0x6FA];
	v57 =	vadd.s32 v5, v63  }
0x4a7: {  	[tilespmem:s26], [sflag:$0x1] =	stream.indirect_vreg.gather [hbm4b:s19+s2], $0x80, v55, vm0, $0xb8;
	[tilespmem:$0x16280] =	vst v63  }
0x4a8: {  	s29 =	sld [smem:$0x6FB];
	v52 =	vperm.xlane v52, v18;
	v54 =	vadd.s32 v5, v58  }
0x4a9: {  	[tilespmem:s28], [sflag:$0x1] =	stream.indirect_vreg.gather [hbm4b:s19+s2], $0x80, v56, vm0, $0xb8;
	[tilespmem:$0x16280] =	vst v63  }
0x4aa: {  	s30 =	sld [smem:$0x6FC];
	v52 =	vadd.s32 v5, v52;
	v59, _, _ =	vpop (xrf0)  }
0x4ab: {  	(v2sf) =	vpush v59, $0xF;
	[tilespmem:s29], [sflag:$0x1] =	stream.indirect_vreg.gather [hbm4b:s19+s2], $0x80, v57, vm0, $0xb8;
	[tilespmem:$0x16280] =	vst v63  }
0x4ac: {  	s31 =	sld [smem:$0x6FD]  }
0x4ad: {  	[tilespmem:s30], [sflag:$0x1] =	stream.indirect_vreg.gather [hbm4b:s19+s2], $0x80, v54, vm0, $0xb8;
	[tilespmem:$0x16280] =	vst v63  }
0x4ae: {  	_ = 	snop  }
0x4af: {  	[tilespmem:s31], [sflag:$0x1] =	stream.indirect_vreg.gather [hbm4b:s19+s2], $0x80, v52, vm0, $0xb8;
	[tilespmem:$0x16280] =	vst v63  }
0x4b0: {  	v52 =	vld [tilespmem:$0x200];
	_ =	sdelay $0x4  }
0x4b1: {  	v60 =	vshrl.u32 v52, $0x3  }
0x4b2: {  	v53 =	vmul.u32 $0xF428, v60  }
0x4b3: {  	v52 =	vand.u32 $0x7, v52  }
0x4b4: {  	v52 =	vor.u32 v52, v53  }
0x4b5: {  	v53 =	vperm.xlane v52, v4  }
0x4b6: {  	s20 =	spop (v2sf)  }
0x4b7: {  	s19 =	sand.u32 $0xFFFFFF80, s20;
	v61 =	vperm.xlane v52, v6;
	v53 =	vadd.s32 v5, v53  }
0x4b8: {  	s19 =	sxor.u32 $0x80000000, s19  }
0x4b9: {  	s21 =	sld [smem:$0x6FE];
	p0 =	slt.s32 s19, $0xF4180;
	v62 =	vperm.xlane v52, v7;
	v54 =	vadd.s32 v5, v61  }
0x4ba: {  	s19 =	simm.s32 @!p0 $0xF4180  }
0x4bb: {  	s22 =	sld [smem:$0x6FF];
	v63 =	vperm.xlane v52, v2;
	s19 =	sadd.s32 s1, s19;
	v55 =	vadd.s32 v5, v62  }
0x4bc: {  	[tilespmem:s21], [sflag:$0x1] =	stream.indirect_vreg.gather [hbm4b:s19+s2], $0x80, v53, vm0, $0xb8;
	[tilespmem:$0x16280] =	vst v63  }
0x4bd: {  	s23 =	sld [smem:$0x700];
	v60 =	vadd.s32 v5, v63;
	v61 =	vperm.xlane v52, v8  }
0x4be: {  	[tilespmem:s22], [sflag:$0x1] =	stream.indirect_vreg.gather [hbm4b:s19+s2], $0x80, v54, vm0, $0xb8;
	[tilespmem:$0x16280] =	vst v63  }
0x4bf: {  	s24 =	sld [smem:$0x701];
	v62 =	vperm.xlane v52, v9;
	v54 =	vadd.s32 v5, v61  }
0x4c0: {  	[tilespmem:s23], [sflag:$0x1] =	stream.indirect_vreg.gather [hbm4b:s19+s2], $0x80, v55, vm0, $0xb8;
	[tilespmem:$0x16280] =	vst v63  }
0x4c1: {  	s25 =	sld [smem:$0x702];
	v63 =	vperm.xlane v52, v10;
	v55 =	vadd.s32 v5, v62  }
0x4c2: {  	[tilespmem:s24], [sflag:$0x1] =	stream.indirect_vreg.gather [hbm4b:s19+s2], $0x80, v60, vm0, $0xb8;
	[tilespmem:$0x16280] =	vst v63  }
0x4c3: {  	s26 =	sld [smem:$0x703];
	v61 =	vperm.xlane v52, v3;
	v60 =	vadd.s32 v5, v63  }
0x4c4: {  	[tilespmem:s25], [sflag:$0x1] =	stream.indirect_vreg.gather [hbm4b:s19+s2], $0x80, v54, vm0, $0xb8;
	[tilespmem:$0x16280] =	vst v63  }
0x4c5: {  	s28 =	sld [smem:$0x704];
	v62 =	vperm.xlane v52, v11;
	v54 =	vadd.s32 v5, v61  }
0x4c6: {  	[tilespmem:s26], [sflag:$0x1] =	stream.indirect_vreg.gather [hbm4b:s19+s2], $0x80, v55, vm0, $0xb8;
	[tilespmem:$0x16280] =	vst v63  }
0x4c7: {  	s29 =	sld [smem:$0x705];
	v63 =	vperm.xlane v52, v12;
	v55 =	vadd.s32 v5, v62  }
0x4c8: {  	[tilespmem:s28], [sflag:$0x1] =	stream.indirect_vreg.gather [hbm4b:s19+s2], $0x80, v60, vm0, $0xb8;
	[tilespmem:$0x16280] =	vst v63  }
0x4c9: {  	s30 =	sld [smem:$0x706];
	v61 =	vperm.xlane v52, v13;
	v60 =	vadd.s32 v5, v63  }
0x4ca: {  	[tilespmem:s29], [sflag:$0x1] =	stream.indirect_vreg.gather [hbm4b:s19+s2], $0x80, v54, vm0, $0xb8;
	[tilespmem:$0x16280] =	vst v63  }
0x4cb: {  	s31 =	sld [smem:$0x707];
	v62 =	vperm.xlane v52, v14;
	v54 =	vadd.s32 v5, v61  }
0x4cc: {  	[tilespmem:s30], [sflag:$0x1] =	stream.indirect_vreg.gather [hbm4b:s19+s2], $0x80, v55, vm0, $0xb8;
	[tilespmem:$0x16280] =	vst v63  }
0x4cd: {  	s22 =	sld [smem:$0x708];
	v63 =	vperm.xlane v52, v15;
	v55 =	vadd.s32 v5, v62  }
0x4ce: {  	[tilespmem:s31], [sflag:$0x1] =	stream.indirect_vreg.gather [hbm4b:s19+s2], $0x80, v60, vm0, $0xb8;
	[tilespmem:$0x16280] =	vst v63  }
0x4cf: {  	s23 =	sld [smem:$0x709];
	v61 =	vperm.xlane v52, v16;
	v60 =	vadd.s32 v5, v63  }
0x4d0: {  	[tilespmem:s22], [sflag:$0x1] =	stream.indirect_vreg.gather [hbm4b:s19+s2], $0x80, v54, vm0, $0xb8;
	[tilespmem:$0x16280] =	vst v63  }
0x4d1: {  	s24 =	sld [smem:$0x70A];
	v62 =	vadd.s32 v5, v61;
	v63 =	vperm.xlane v52, v17  }
0x4d2: {  	[tilespmem:s23], [sflag:$0x1] =	stream.indirect_vreg.gather [hbm4b:s19+s2], $0x80, v55, vm0, $0xb8;
	[tilespmem:$0x16280] =	vst v63  }
0x4d3: {  	s25 =	sld [smem:$0x745];
	v52 =	vperm.xlane v52, v18;
	v57 =	vadd.s32 v5, v63  }
0x4d4: {  	[tilespmem:s24], [sflag:$0x1] =	stream.indirect_vreg.gather [hbm4b:s19+s2], $0x80, v60, vm0, $0xb8;
	[tilespmem:$0x16280] =	vst v63  }
0x4d5: {  	s26 =	sld [smem:$0x746];
	v52 =	vadd.s32 v5, v52  }
0x4d6: {  	[tilespmem:s25], [sflag:$0x1] =	stream.indirect_vreg.gather [hbm4b:s19+s2], $0x80, v62, vm0, $0xb8;
	[tilespmem:$0x16280] =	vst v63  }
0x4d7: {  	s28 =	sld [smem:$0x747]  }
0x4d8: {  	[tilespmem:s26], [sflag:$0x1] =	stream.indirect_vreg.gather [hbm4b:s19+s2], $0x80, v57, vm0, $0xb8;
	[tilespmem:$0x16280] =	vst v63  }
0x4d9: {  	_ = 	snop  }
0x4da: {  	[tilespmem:s28], [sflag:$0x1] =	stream.indirect_vreg.gather [hbm4b:s19+s2], $0x80, v52, vm0, $0xb8;
	[tilespmem:$0x16280] =	vst v63  }
0x4db: {  	v52 =	vld [tilespmem:$0x210];
	_ =	sdelay $0x4  }
0x4dc: {  	v58 =	vshrl.u32 v52, $0x3  }
0x4dd: {  	v53 =	vmul.u32 $0xF428, v58  }
0x4de: {  	v52 =	vand.u32 $0x7, v52  }
0x4df: {  	v52 =	vor.u32 v52, v53  }
0x4e0: {  	v53 =	vperm.xlane v52, v4;
	_ =	sdelay $0x1  }
0x4e1: {  	v59 =	vperm.xlane v52, v6;
	v53 =	vadd.s32 v5, v53;
	_ =	sdelay $0x1  }
0x4e2: {  	s29 =	sld [smem:$0x748];
	v60 =	vperm.xlane v52, v7;
	v54 =	vadd.s32 v5, v59;
	_ =	sdelay $0x1  }
0x4e3: {  	s30 =	sld [smem:$0x749];
	v61 =	vperm.xlane v52, v2;
	v55 =	vadd.s32 v5, v60  }
0x4e4: {  	[tilespmem:s29], [sflag:$0x1] =	stream.indirect_vreg.gather [hbm4b:s19+s2], $0x80, v53, vm0, $0xb8;
	[tilespmem:$0x16280] =	vst v63  }
0x4e5: {  	s31 =	sld [smem:$0x74A];
	v62 =	vperm.xlane v52, v8;
	v53 =	vadd.s32 v5, v61  }
0x4e6: {  	[tilespmem:s30], [sflag:$0x1] =	stream.indirect_vreg.gather [hbm4b:s19+s2], $0x80, v54, vm0, $0xb8;
	[tilespmem:$0x16280] =	vst v63  }
0x4e7: {  	s22 =	sld [smem:$0x74B];
	v63 =	vperm.xlane v52, v9;
	v54 =	vadd.s32 v5, v62  }
0x4e8: {  	[tilespmem:s31], [sflag:$0x1] =	stream.indirect_vreg.gather [hbm4b:s19+s2], $0x80, v55, vm0, $0xb8;
	[tilespmem:$0x16280] =	vst v63  }
0x4e9: {  	s23 =	sld [smem:$0x74C];
	v60 =	vadd.s32 v5, v63;
	v61 =	vperm.xlane v52, v10  }
0x4ea: {  	[tilespmem:s22], [sflag:$0x1] =	stream.indirect_vreg.gather [hbm4b:s19+s2], $0x80, v53, vm0, $0xb8;
	[tilespmem:$0x16280] =	vst v63  }
0x4eb: {  	s24 =	sld [smem:$0x74D];
	v62 =	vperm.xlane v52, v3;
	v53 =	vadd.s32 v5, v61  }
0x4ec: {  	[tilespmem:s23], [sflag:$0x1] =	stream.indirect_vreg.gather [hbm4b:s19+s2], $0x80, v54, vm0, $0xb8;
	[tilespmem:$0x16280] =	vst v63  }
0x4ed: {  	s25 =	sld [smem:$0x74E];
	v63 =	vperm.xlane v52, v11;
	v54 =	vadd.s32 v5, v62  }
0x4ee: {  	[tilespmem:s24], [sflag:$0x1] =	stream.indirect_vreg.gather [hbm4b:s19+s2], $0x80, v60, vm0, $0xb8;
	[tilespmem:$0x16280] =	vst v63  }
0x4ef: {  	s26 =	sld [smem:$0x74F];
	v61 =	vperm.xlane v52, v12;
	v60 =	vadd.s32 v5, v63  }
0x4f0: {  	[tilespmem:s25], [sflag:$0x1] =	stream.indirect_vreg.gather [hbm4b:s19+s2], $0x80, v53, vm0, $0xb8;
	[tilespmem:$0x16280] =	vst v63  }
0x4f1: {  	s28 =	sld [smem:$0x750];
	v62 =	vperm.xlane v52, v13;
	v53 =	vadd.s32 v5, v61  }
0x4f2: {  	[tilespmem:s26], [sflag:$0x1] =	stream.indirect_vreg.gather [hbm4b:s19+s2], $0x80, v54, vm0, $0xb8;
	[tilespmem:$0x16280] =	vst v63  }
0x4f3: {  	s29 =	sld [smem:$0x751];
	v63 =	vperm.xlane v52, v14;
	v54 =	vadd.s32 v5, v62  }
0x4f4: {  	[tilespmem:s28], [sflag:$0x1] =	stream.indirect_vreg.gather [hbm4b:s19+s2], $0x80, v60, vm0, $0xb8;
	[tilespmem:$0x16280] =	vst v63  }
0x4f5: {  	s30 =	sld [smem:$0x752];
	v55 =	vadd.s32 v5, v63;
	v61 =	vsel vm15, $0x0, v51;
	v60 =	vperm.xlane v52, v15  }
0x4f6: {  	v62 =	vxor.u32 $0x80000000, v61;
	[tilespmem:s29], [sflag:$0x1] =	stream.indirect_vreg.gather [hbm4b:s19+s2], $0x80, v53, vm0, $0xb8;
	[tilespmem:$0x16280] =	vst v63  }
0x4f7: {  	s31 =	sld [smem:$0x753];
	v63 =	vperm.xlane v52, v16;
	(xrf0) =	vmax.scan.msk.u32 $0xffff, v62;
	v56 =	vadd.s32 v5, v60  }
0x4f8: {  	[tilespmem:s30], [sflag:$0x1] =	stream.indirect_vreg.gather [hbm4b:s19+s2], $0x80, v54, vm0, $0xb8;
	[tilespmem:$0x16280] =	vst v63  }
0x4f9: {  	v58 =	vperm.xlane v52, v17;
	s22 =	sld [smem:$0x755];
	v57 =	vadd.s32 v5, v63  }
0x4fa: {  	[tilespmem:s31], [sflag:$0x1] =	stream.indirect_vreg.gather [hbm4b:s19+s2], $0x80, v55, vm0, $0xb8;
	[tilespmem:$0x16280] =	vst v63  }
0x4fb: {  	s23 =	sld [smem:$0x756];
	v52 =	vperm.xlane v52, v18;
	v54 =	vadd.s32 v5, v58  }
0x4fc: {  	[tilespmem:s22], [sflag:$0x1] =	stream.indirect_vreg.gather [hbm4b:s19+s2], $0x80, v56, vm0, $0xb8;
	[tilespmem:$0x16280] =	vst v63  }
0x4fd: {  	s24 =	sld [smem:$0x757];
	v52 =	vadd.s32 v5, v52;
	v59, _, _ =	vpop (xrf0)  }
0x4fe: {  	(v2sf) =	vpush v59, $0xF;
	[tilespmem:s23], [sflag:$0x1] =	stream.indirect_vreg.gather [hbm4b:s19+s2], $0x80, v57, vm0, $0xb8;
	[tilespmem:$0x16280] =	vst v63  }
0x4ff: {  	s25 =	sld [smem:$0x758]  }
0x500: {  	[tilespmem:s24], [sflag:$0x1] =	stream.indirect_vreg.gather [hbm4b:s19+s2], $0x80, v54, vm0, $0xb8;
	[tilespmem:$0x16280] =	vst v63  }
0x501: {  	_ = 	snop  }
0x502: {  	[tilespmem:s25], [sflag:$0x1] =	stream.indirect_vreg.gather [hbm4b:s19+s2], $0x80, v52, vm0, $0xb8;
	[tilespmem:$0x16280] =	vst v63  }
0x503: {  	v52 =	vld [tilespmem:$0x200];
	_ =	sdelay $0x4  }
0x504: {  	v60 =	vshrl.u32 v52, $0x3  }
0x505: {  	v53 =	vmul.u32 $0xF428, v60  }
0x506: {  	v52 =	vand.u32 $0x7, v52  }
0x507: {  	v52 =	vor.u32 v52, v53  }
0x508: {  	v53 =	vperm.xlane v52, v4  }
0x509: {  	s26 =	spop (v2sf)  }
0x50a: {  	s19 =	sand.u32 $0xFFFFFF80, s26;
	v61 =	vperm.xlane v52, v6;
	v53 =	vadd.s32 v5, v53  }
0x50b: {  	s19 =	sxor.u32 $0x80000000, s19  }
0x50c: {  	s28 =	sld [smem:$0x759];
	p0 =	slt.s32 s19, $0xF4180;
	v62 =	vperm.xlane v52, v7;
	v54 =	vadd.s32 v5, v61  }
0x50d: {  	s19 =	simm.s32 @!p0 $0xF4180  }
0x50e: {  	s29 =	sld [smem:$0x75A];
	v63 =	vperm.xlane v52, v2;
	s19 =	sadd.s32 s1, s19;
	v55 =	vadd.s32 v5, v62  }
0x50f: {  	[tilespmem:s28], [sflag:$0x1] =	stream.indirect_vreg.gather [hbm4b:s19+s2], $0x80, v53, vm0, $0xb8;
	[tilespmem:$0x16280] =	vst v63  }
0x510: {  	s30 =	sld [smem:$0x75B];
	v60 =	vadd.s32 v5, v63;
	v61 =	vperm.xlane v52, v8  }
0x511: {  	[tilespmem:s29], [sflag:$0x1] =	stream.indirect_vreg.gather [hbm4b:s19+s2], $0x80, v54, vm0, $0xb8;
	[tilespmem:$0x16280] =	vst v63  }
0x512: {  	s31 =	sld [smem:$0x75C];
	v62 =	vperm.xlane v52, v9;
	v54 =	vadd.s32 v5, v61  }
0x513: {  	[tilespmem:s30], [sflag:$0x1] =	stream.indirect_vreg.gather [hbm4b:s19+s2], $0x80, v55, vm0, $0xb8;
	[tilespmem:$0x16280] =	vst v63  }
0x514: {  	s22 =	sld [smem:$0x75D];
	v63 =	vperm.xlane v52, v10;
	v55 =	vadd.s32 v5, v62  }
0x515: {  	[tilespmem:s31], [sflag:$0x1] =	stream.indirect_vreg.gather [hbm4b:s19+s2], $0x80, v60, vm0, $0xb8;
	[tilespmem:$0x16280] =	vst v63  }
0x516: {  	s23 =	sld [smem:$0x75E];
	v61 =	vperm.xlane v52, v3;
	v60 =	vadd.s32 v5, v63  }
0x517: {  	[tilespmem:s22], [sflag:$0x1] =	stream.indirect_vreg.gather [hbm4b:s19+s2], $0x80, v54, vm0, $0xb8;
	[tilespmem:$0x16280] =	vst v63  }
0x518: {  	s24 =	sld [smem:$0x75F];
	v62 =	vperm.xlane v52, v11;
	v54 =	vadd.s32 v5, v61  }
0x519: {  	[tilespmem:s23], [sflag:$0x1] =	stream.indirect_vreg.gather [hbm4b:s19+s2], $0x80, v55, vm0, $0xb8;
	[tilespmem:$0x16280] =	vst v63  }
0x51a: {  	s25 =	sld [smem:$0x760];
	v63 =	vperm.xlane v52, v12;
	v55 =	vadd.s32 v5, v62  }
0x51b: {  	[tilespmem:s24], [sflag:$0x1] =	stream.indirect_vreg.gather [hbm4b:s19+s2], $0x80, v60, vm0, $0xb8;
	[tilespmem:$0x16280] =	vst v63  }
0x51c: {  	s26 =	sld [smem:$0x761];
	v61 =	vperm.xlane v52, v13;
	v60 =	vadd.s32 v5, v63  }
0x51d: {  	[tilespmem:s25], [sflag:$0x1] =	stream.indirect_vreg.gather [hbm4b:s19+s2], $0x80, v54, vm0, $0xb8;
	[tilespmem:$0x16280] =	vst v63  }
0x51e: {  	s28 =	sld [smem:$0x762];
	v62 =	vperm.xlane v52, v14;
	v54 =	vadd.s32 v5, v61  }
0x51f: {  	[tilespmem:s26], [sflag:$0x1] =	stream.indirect_vreg.gather [hbm4b:s19+s2], $0x80, v55, vm0, $0xb8;
	[tilespmem:$0x16280] =	vst v63  }
0x520: {  	s29 =	sld [smem:$0x71F];
	v63 =	vperm.xlane v52, v15;
	v55 =	vadd.s32 v5, v62  }
0x521: {  	[tilespmem:s28], [sflag:$0x1] =	stream.indirect_vreg.gather [hbm4b:s19+s2], $0x80, v60, vm0, $0xb8;
	[tilespmem:$0x16280] =	vst v63  }
0x522: {  	s30 =	sld [smem:$0x763];
	v61 =	vperm.xlane v52, v16;
	v60 =	vadd.s32 v5, v63  }
0x523: {  	[tilespmem:s29], [sflag:$0x1] =	stream.indirect_vreg.gather [hbm4b:s19+s2], $0x80, v54, vm0, $0xb8;
	[tilespmem:$0x16280] =	vst v63  }
0x524: {  	s31 =	sld [smem:$0x70B];
	v62 =	vadd.s32 v5, v61;
	v63 =	vperm.xlane v52, v17  }
0x525: {  	[tilespmem:s30], [sflag:$0x1] =	stream.indirect_vreg.gather [hbm4b:s19+s2], $0x80, v55, vm0, $0xb8;
	[tilespmem:$0x16280] =	vst v63  }
0x526: {  	s22 =	sld [smem:$0x70C];
	v52 =	vperm.xlane v52, v18;
	v57 =	vadd.s32 v5, v63  }
0x527: {  	[tilespmem:s31], [sflag:$0x1] =	stream.indirect_vreg.gather [hbm4b:s19+s2], $0x80, v60, vm0, $0xb8;
	[tilespmem:$0x16280] =	vst v63  }
0x528: {  	s23 =	sld [smem:$0x70D];
	v52 =	vadd.s32 v5, v52  }
0x529: {  	[tilespmem:s22], [sflag:$0x1] =	stream.indirect_vreg.gather [hbm4b:s19+s2], $0x80, v62, vm0, $0xb8;
	[tilespmem:$0x16280] =	vst v63  }
0x52a: {  	s24 =	sld [smem:$0x70E]  }
0x52b: {  	[tilespmem:s23], [sflag:$0x1] =	stream.indirect_vreg.gather [hbm4b:s19+s2], $0x80, v57, vm0, $0xb8;
	[tilespmem:$0x16280] =	vst v63  }
0x52c: {  	_ = 	snop  }
0x52d: {  	[tilespmem:s24], [sflag:$0x1] =	stream.indirect_vreg.gather [hbm4b:s19+s2], $0x80, v52, vm0, $0xb8;
	[tilespmem:$0x16280] =	vst v63  }
0x52e: {  	v52 =	vld [tilespmem:$0x210];
	_ =	sdelay $0x4  }
0x52f: {  	v58 =	vshrl.u32 v52, $0x3  }
0x530: {  	v53 =	vmul.u32 $0xF428, v58  }
0x531: {  	v52 =	vand.u32 $0x7, v52  }
0x532: {  	v52 =	vor.u32 v52, v53  }
0x533: {  	v53 =	vperm.xlane v52, v4;
	_ =	sdelay $0x1  }
0x534: {  	v59 =	vperm.xlane v52, v6;
	v53 =	vadd.s32 v5, v53;
	_ =	sdelay $0x1  }
0x535: {  	s25 =	sld [smem:$0x70F];
	v60 =	vperm.xlane v52, v7;
	v54 =	vadd.s32 v5, v59;
	_ =	sdelay $0x1  }
0x536: {  	s26 =	sld [smem:$0x710];
	v61 =	vperm.xlane v52, v2;
	v55 =	vadd.s32 v5, v60  }
0x537: {  	[tilespmem:s25], [sflag:$0x1] =	stream.indirect_vreg.gather [hbm4b:s19+s2], $0x80, v53, vm0, $0xb8;
	[tilespmem:$0x16280] =	vst v63  }
0x538: {  	s28 =	sld [smem:$0x711];
	v62 =	vperm.xlane v52, v8;
	v53 =	vadd.s32 v5, v61  }
0x539: {  	[tilespmem:s26], [sflag:$0x1] =	stream.indirect_vreg.gather [hbm4b:s19+s2], $0x80, v54, vm0, $0xb8;
	[tilespmem:$0x16280] =	vst v63  }
0x53a: {  	s29 =	sld [smem:$0x712];
	v63 =	vperm.xlane v52, v9;
	v54 =	vadd.s32 v5, v62  }
0x53b: {  	[tilespmem:s28], [sflag:$0x1] =	stream.indirect_vreg.gather [hbm4b:s19+s2], $0x80, v55, vm0, $0xb8;
	[tilespmem:$0x16280] =	vst v63  }
0x53c: {  	s30 =	sld [smem:$0x713];
	v60 =	vadd.s32 v5, v63;
	v61 =	vperm.xlane v52, v10  }
0x53d: {  	[tilespmem:s29], [sflag:$0x1] =	stream.indirect_vreg.gather [hbm4b:s19+s2], $0x80, v53, vm0, $0xb8;
	[tilespmem:$0x16280] =	vst v63  }
0x53e: {  	s31 =	sld [smem:$0x714];
	v62 =	vperm.xlane v52, v3;
	v53 =	vadd.s32 v5, v61  }
0x53f: {  	[tilespmem:s30], [sflag:$0x1] =	stream.indirect_vreg.gather [hbm4b:s19+s2], $0x80, v54, vm0, $0xb8;
	[tilespmem:$0x16280] =	vst v63  }
0x540: {  	s22 =	sld [smem:$0x715];
	v63 =	vperm.xlane v52, v11;
	v54 =	vadd.s32 v5, v62  }
0x541: {  	[tilespmem:s31], [sflag:$0x1] =	stream.indirect_vreg.gather [hbm4b:s19+s2], $0x80, v60, vm0, $0xb8;
	[tilespmem:$0x16280] =	vst v63  }
0x542: {  	s23 =	sld [smem:$0x716];
	v61 =	vperm.xlane v52, v12;
	v60 =	vadd.s32 v5, v63  }
0x543: {  	[tilespmem:s22], [sflag:$0x1] =	stream.indirect_vreg.gather [hbm4b:s19+s2], $0x80, v53, vm0, $0xb8;
	[tilespmem:$0x16280] =	vst v63  }
0x544: {  	s24 =	sld [smem:$0x717];
	v62 =	vperm.xlane v52, v13;
	v53 =	vadd.s32 v5, v61  }
0x545: {  	[tilespmem:s23], [sflag:$0x1] =	stream.indirect_vreg.gather [hbm4b:s19+s2], $0x80, v54, vm0, $0xb8;
	[tilespmem:$0x16280] =	vst v63  }
0x546: {  	s25 =	sld [smem:$0x718];
	v63 =	vperm.xlane v52, v14;
	v54 =	vadd.s32 v5, v62  }
0x547: {  	[tilespmem:s24], [sflag:$0x1] =	stream.indirect_vreg.gather [hbm4b:s19+s2], $0x80, v60, vm0, $0xb8;
	[tilespmem:$0x16280] =	vst v63  }
0x548: {  	s26 =	sld [smem:$0x719];
	v55 =	vadd.s32 v5, v63;
	v61 =	vsel vm9, $0x0, v51;
	v60 =	vperm.xlane v52, v15  }
0x549: {  	v62 =	vxor.u32 $0x80000000, v61;
	[tilespmem:s25], [sflag:$0x1] =	stream.indirect_vreg.gather [hbm4b:s19+s2], $0x80, v53, vm0, $0xb8;
	[tilespmem:$0x16280] =	vst v63  }
0x54a: {  	s28 =	sld [smem:$0x71A];
	v63 =	vperm.xlane v52, v16;
	(xrf0) =	vmax.scan.msk.u32 $0xffff, v62;
	v56 =	vadd.s32 v5, v60  }
0x54b: {  	[tilespmem:s26], [sflag:$0x1] =	stream.indirect_vreg.gather [hbm4b:s19+s2], $0x80, v54, vm0, $0xb8;
	[tilespmem:$0x16280] =	vst v63  }
0x54c: {  	v58 =	vperm.xlane v52, v17;
	s29 =	sld [smem:$0x71B];
	v57 =	vadd.s32 v5, v63  }
0x54d: {  	[tilespmem:s28], [sflag:$0x1] =	stream.indirect_vreg.gather [hbm4b:s19+s2], $0x80, v55, vm0, $0xb8;
	[tilespmem:$0x16280] =	vst v63  }
0x54e: {  	s30 =	sld [smem:$0x71C];
	v52 =	vperm.xlane v52, v18;
	v54 =	vadd.s32 v5, v58  }
0x54f: {  	[tilespmem:s29], [sflag:$0x1] =	stream.indirect_vreg.gather [hbm4b:s19+s2], $0x80, v56, vm0, $0xb8;
	[tilespmem:$0x16280] =	vst v63  }
0x550: {  	s31 =	sld [smem:$0x71D];
	v52 =	vadd.s32 v5, v52;
	v59, _, _ =	vpop (xrf0)  }
0x551: {  	(v2sf) =	vpush v59, $0xF;
	[tilespmem:s30], [sflag:$0x1] =	stream.indirect_vreg.gather [hbm4b:s19+s2], $0x80, v57, vm0, $0xb8;
	[tilespmem:$0x16280] =	vst v63  }
0x552: {  	s22 =	sld [smem:$0x71E]  }
0x553: {  	[tilespmem:s31], [sflag:$0x1] =	stream.indirect_vreg.gather [hbm4b:s19+s2], $0x80, v54, vm0, $0xb8;
	[tilespmem:$0x16280] =	vst v63  }
0x554: {  	_ = 	snop  }
0x555: {  	[tilespmem:s22], [sflag:$0x1] =	stream.indirect_vreg.gather [hbm4b:s19+s2], $0x80, v52, vm0, $0xb8;
	[tilespmem:$0x16280] =	vst v63  }
0x556: {  	v52 =	vld [tilespmem:$0x200];
	_ =	sdelay $0x4  }
0x557: {  	v60 =	vshrl.u32 v52, $0x3  }
0x558: {  	v53 =	vmul.u32 $0xF428, v60  }
0x559: {  	v52 =	vand.u32 $0x7, v52  }
0x55a: {  	v52 =	vor.u32 v52, v53  }
0x55b: {  	v53 =	vperm.xlane v52, v4  }
0x55c: {  	s23 =	spop (v2sf)  }
0x55d: {  	s19 =	sand.u32 $0xFFFFFF80, s23;
	v61 =	vperm.xlane v52, v6;
	v53 =	vadd.s32 v5, v53  }
0x55e: {  	s19 =	sxor.u32 $0x80000000, s19  }
0x55f: {  	s24 =	sld [smem:$0x720];
	p0 =	slt.s32 s19, $0xF4180;
	v62 =	vperm.xlane v52, v7;
	v54 =	vadd.s32 v5, v61  }
0x560: {  	s19 =	simm.s32 @!p0 $0xF4180  }
0x561: {  	s25 =	sld [smem:$0x721];
	v63 =	vperm.xlane v52, v2;
	s19 =	sadd.s32 s1, s19;
	v55 =	vadd.s32 v5, v62  }
0x562: {  	[tilespmem:s24], [sflag:$0x1] =	stream.indirect_vreg.gather [hbm4b:s19+s2], $0x80, v53, vm0, $0xb8;
	[tilespmem:$0x16280] =	vst v63  }
0x563: {  	s26 =	sld [smem:$0x722];
	v60 =	vadd.s32 v5, v63;
	v61 =	vperm.xlane v52, v8  }
0x564: {  	[tilespmem:s25], [sflag:$0x1] =	stream.indirect_vreg.gather [hbm4b:s19+s2], $0x80, v54, vm0, $0xb8;
	[tilespmem:$0x16280] =	vst v63  }
0x565: {  	s28 =	sld [smem:$0x723];
	v62 =	vperm.xlane v52, v9;
	v54 =	vadd.s32 v5, v61  }
0x566: {  	[tilespmem:s26], [sflag:$0x1] =	stream.indirect_vreg.gather [hbm4b:s19+s2], $0x80, v55, vm0, $0xb8;
	[tilespmem:$0x16280] =	vst v63  }
0x567: {  	s29 =	sld [smem:$0x724];
	v63 =	vperm.xlane v52, v10;
	v55 =	vadd.s32 v5, v62  }
0x568: {  	[tilespmem:s28], [sflag:$0x1] =	stream.indirect_vreg.gather [hbm4b:s19+s2], $0x80, v60, vm0, $0xb8;
	[tilespmem:$0x16280] =	vst v63  }
0x569: {  	s30 =	sld [smem:$0x725];
	v61 =	vperm.xlane v52, v3;
	v60 =	vadd.s32 v5, v63  }
0x56a: {  	[tilespmem:s29], [sflag:$0x1] =	stream.indirect_vreg.gather [hbm4b:s19+s2], $0x80, v54, vm0, $0xb8;
	[tilespmem:$0x16280] =	vst v63  }
0x56b: {  	s31 =	sld [smem:$0x726];
	v62 =	vperm.xlane v52, v11;
	v54 =	vadd.s32 v5, v61  }
0x56c: {  	[tilespmem:s30], [sflag:$0x1] =	stream.indirect_vreg.gather [hbm4b:s19+s2], $0x80, v55, vm0, $0xb8;
	[tilespmem:$0x16280] =	vst v63  }
0x56d: {  	s22 =	sld [smem:$0x727];
	v63 =	vperm.xlane v52, v12;
	v55 =	vadd.s32 v5, v62  }
0x56e: {  	[tilespmem:s31], [sflag:$0x1] =	stream.indirect_vreg.gather [hbm4b:s19+s2], $0x80, v60, vm0, $0xb8;
	[tilespmem:$0x16280] =	vst v63  }
0x56f: {  	s23 =	sld [smem:$0x728];
	v61 =	vperm.xlane v52, v13;
	v60 =	vadd.s32 v5, v63  }
0x570: {  	[tilespmem:s22], [sflag:$0x1] =	stream.indirect_vreg.gather [hbm4b:s19+s2], $0x80, v54, vm0, $0xb8;
	[tilespmem:$0x16280] =	vst v63  }
0x571: {  	s24 =	sld [smem:$0x729];
	v62 =	vperm.xlane v52, v14;
	v54 =	vadd.s32 v5, v61  }
0x572: {  	[tilespmem:s23], [sflag:$0x1] =	stream.indirect_vreg.gather [hbm4b:s19+s2], $0x80, v55, vm0, $0xb8;
	[tilespmem:$0x16280] =	vst v63  }
0x573: {  	s25 =	sld [smem:$0x72A];
	v63 =	vperm.xlane v52, v15;
	v55 =	vadd.s32 v5, v62  }
0x574: {  	[tilespmem:s24], [sflag:$0x1] =	stream.indirect_vreg.gather [hbm4b:s19+s2], $0x80, v60, vm0, $0xb8;
	[tilespmem:$0x16280] =	vst v63  }
0x575: {  	s26 =	sld [smem:$0x72B];
	v61 =	vperm.xlane v52, v16;
	v60 =	vadd.s32 v5, v63  }
0x576: {  	[tilespmem:s25], [sflag:$0x1] =	stream.indirect_vreg.gather [hbm4b:s19+s2], $0x80, v54, vm0, $0xb8;
	[tilespmem:$0x16280] =	vst v63  }
0x577: {  	s28 =	sld [smem:$0x72C];
	v62 =	vadd.s32 v5, v61;
	v63 =	vperm.xlane v52, v17  }
0x578: {  	[tilespmem:s26], [sflag:$0x1] =	stream.indirect_vreg.gather [hbm4b:s19+s2], $0x80, v55, vm0, $0xb8;
	[tilespmem:$0x16280] =	vst v63  }
0x579: {  	s29 =	sld [smem:$0x72D];
	v52 =	vperm.xlane v52, v18;
	v58 =	vadd.s32 v5, v63  }
0x57a: {  	[tilespmem:s28], [sflag:$0x1] =	stream.indirect_vreg.gather [hbm4b:s19+s2], $0x80, v60, vm0, $0xb8;
	[tilespmem:$0x16280] =	vst v63  }
0x57b: {  	s30 =	sld [smem:$0x72E];
	v52 =	vadd.s32 v5, v52  }
0x57c: {  	[tilespmem:s29], [sflag:$0x1] =	stream.indirect_vreg.gather [hbm4b:s19+s2], $0x80, v62, vm0, $0xb8;
	[tilespmem:$0x16280] =	vst v63  }
0x57d: {  	s31 =	sld [smem:$0x72F]  }
0x57e: {  	[tilespmem:s30], [sflag:$0x1] =	stream.indirect_vreg.gather [hbm4b:s19+s2], $0x80, v58, vm0, $0xb8;
	[tilespmem:$0x16280] =	vst v63  }
0x57f: {  	_ = 	snop  }
0x580: {  	[tilespmem:s31], [sflag:$0x1] =	stream.indirect_vreg.gather [hbm4b:s19+s2], $0x80, v52, vm0, $0xb8;
	[tilespmem:$0x16280] =	vst v63  }
0x581: {  	v52 =	vld [tilespmem:$0x210];
	_ =	sdelay $0x4  }
0x582: {  	v59 =	vshrl.u32 v52, $0x3  }
0x583: {  	v53 =	vmul.u32 $0xF428, v59  }
0x584: {  	v52 =	vand.u32 $0x7, v52  }
0x585: {  	v52 =	vor.u32 v52, v53  }
0x586: {  	v53 =	vperm.xlane v52, v4;
	_ =	sdelay $0x1  }
0x587: {  	v60 =	vperm.xlane v52, v6;
	v53 =	vadd.s32 v5, v53;
	_ =	sdelay $0x1  }
0x588: {  	s22 =	sld [smem:$0x730];
	v61 =	vperm.xlane v52, v7;
	v54 =	vadd.s32 v5, v60;
	_ =	sdelay $0x1  }
0x589: {  	s23 =	sld [smem:$0x731];
	v62 =	vperm.xlane v52, v2;
	v55 =	vadd.s32 v5, v61  }
0x58a: {  	[tilespmem:s22], [sflag:$0x1] =	stream.indirect_vreg.gather [hbm4b:s19+s2], $0x80, v53, vm0, $0xb8;
	[tilespmem:$0x16280] =	vst v63  }
0x58b: {  	s24 =	sld [smem:$0x732];
	v63 =	vadd.s32 v5, v62;
	v60 =	vperm.xlane v52, v8  }
0x58c: {  	[tilespmem:s23], [sflag:$0x1] =	stream.indirect_vreg.gather [hbm4b:s19+s2], $0x80, v54, vm0, $0xb8;
	[tilespmem:$0x16280] =	vst v63  }
0x58d: {  	s25 =	sld [smem:$0x733];
	v61 =	vadd.s32 v5, v60  }
0x58e: {  	v62 =	vperm.xlane v52, v9;
	[tilespmem:s24], [sflag:$0x1] =	stream.indirect_vreg.gather [hbm4b:s19+s2], $0x80, v55, vm0, $0xb8;
	[tilespmem:$0x16280] =	vst v63  }
0x58f: {  	s26 =	sld [smem:$0x734]  }
0x590: {  	v60 =	vperm.xlane v52, v10;
	[tilespmem:s25], [sflag:$0x1] =	stream.indirect_vreg.gather [hbm4b:s19+s2], $0x80, v63, vm0, $0xb8;
	v63 =	vadd.s32 v5, v62;
	[tilespmem:$0x16280] =	vst v63  }
0x591: {  	s28 =	sld [smem:$0x735]  }
0x592: {  	v54 =	vadd.s32 v5, v60;
	[tilespmem:s26], [sflag:$0x1] =	stream.indirect_vreg.gather [hbm4b:s19+s2], $0x80, v61, vm0, $0xb8;
	v61 =	vperm.xlane v52, v3;
	[tilespmem:$0x16280] =	vst v63  }
0x593: {  	_ = 	snop  }
0x594: {  	v62 =	vperm.xlane v52, v11;
	s21 =	sld [smem:$0x736];
	v55 =	vadd.s32 v5, v61  }
0x595: {  	[tilespmem:s28], [sflag:$0x1] =	stream.indirect_vreg.gather [hbm4b:s19+s2], $0x80, v63, vm0, $0xb8;
	[tilespmem:$0x16280] =	vst v63  }
0x596: {  	v60 =	vperm.xlane v52, v12;
	s29 =	sld [smem:$0x737];
	v63 =	vadd.s32 v5, v62  }
0x597: {  	[tilespmem:s21], [sflag:$0x1] =	stream.indirect_vreg.gather [hbm4b:s19+s2], $0x80, v54, vm0, $0xb8;
	[tilespmem:$0x16280] =	vst v63  }
0x598: {  	s30 =	sld [smem:$0x738];
	v61 =	vperm.xlane v52, v13;
	v54 =	vadd.s32 v5, v60  }
0x599: {  	[tilespmem:s29], [sflag:$0x1] =	stream.indirect_vreg.gather [hbm4b:s19+s2], $0x80, v55, vm0, $0xb8;
	[tilespmem:$0x16280] =	vst v63  }
0x59a: {  	s31 =	sld [smem:$0x739];
	v62 =	vperm.xlane v52, v14;
	v55 =	vadd.s32 v5, v61  }
0x59b: {  	[tilespmem:s30], [sflag:$0x1] =	stream.indirect_vreg.gather [hbm4b:s19+s2], $0x80, v63, vm0, $0xb8;
	[tilespmem:$0x16280] =	vst v63  }
0x59c: {  	s22 =	sld [smem:$0x73A];
	v53 =	vadd.s32 v5, v62;
	v60 =	vsel vm10, $0x0, v51;
	v63 =	vperm.xlane v52, v15  }
0x59d: {  	v61 =	vxor.u32 $0x80000000, v60;
	[tilespmem:s31], [sflag:$0x1] =	stream.indirect_vreg.gather [hbm4b:s19+s2], $0x80, v54, vm0, $0xb8;
	[tilespmem:$0x16280] =	vst v63  }
0x59e: {  	s23 =	sld [smem:$0x73B];
	v62 =	vperm.xlane v52, v16;
	(xrf0) =	vmax.scan.msk.u32 $0xffff, v61;
	v56 =	vadd.s32 v5, v63  }
0x59f: {  	[tilespmem:s22], [sflag:$0x1] =	stream.indirect_vreg.gather [hbm4b:s19+s2], $0x80, v55, vm0, $0xb8;
	[tilespmem:$0x16280] =	vst v63  }
0x5a0: {  	v57 =	vperm.xlane v52, v17;
	s24 =	sld [smem:$0x73C];
	v63 =	vadd.s32 v5, v62  }
0x5a1: {  	[tilespmem:s23], [sflag:$0x1] =	stream.indirect_vreg.gather [hbm4b:s19+s2], $0x80, v53, vm0, $0xb8;
	[tilespmem:$0x16280] =	vst v63  }
0x5a2: {  	v58 =	vadd.s32 v5, v57;
	s25 =	sld [smem:$0x73D];
	v52 =	vperm.xlane v52, v18  }
0x5a3: {  	[tilespmem:s24], [sflag:$0x1] =	stream.indirect_vreg.gather [hbm4b:s19+s2], $0x80, v56, vm0, $0xb8;
	[tilespmem:$0x16280] =	vst v63  }
0x5a4: {  	s26 =	sld [smem:$0x73E];
	v52 =	vadd.s32 v5, v52;
	v59, _, _ =	vpop (xrf0)  }
0x5a5: {  	(v2sf) =	vpush v59, $0xF;
	[tilespmem:s25], [sflag:$0x1] =	stream.indirect_vreg.gather [hbm4b:s19+s2], $0x80, v63, vm0, $0xb8;
	[tilespmem:$0x16280] =	vst v63  }
0x5a6: {  	s28 =	sld [smem:$0x73F]  }
0x5a7: {  	[tilespmem:s26], [sflag:$0x1] =	stream.indirect_vreg.gather [hbm4b:s19+s2], $0x80, v58, vm0, $0xb8;
	[tilespmem:$0x16280] =	vst v63  }
0x5a8: {  	_ = 	snop  }
0x5a9: {  	[tilespmem:s28], [sflag:$0x1] =	stream.indirect_vreg.gather [hbm4b:s19+s2], $0x80, v52, vm0, $0xb8;
	[tilespmem:$0x16280] =	vst v63  }
0x5aa: {  	v52 =	vld [tilespmem:$0x200];
	_ =	sdelay $0x4  }
0x5ab: {  	v60 =	vshrl.u32 v52, $0x3  }
0x5ac: {  	v53 =	vmul.u32 $0xF428, v60  }
0x5ad: {  	v52 =	vand.u32 $0x7, v52  }
0x5ae: {  	v52 =	vor.u32 v52, v53  }
0x5af: {  	v53 =	vperm.xlane v52, v4  }
0x5b0: {  	s29 =	spop (v2sf)  }
0x5b1: {  	s19 =	sand.u32 $0xFFFFFF80, s29;
	v61 =	vperm.xlane v52, v6;
	v53 =	vadd.s32 v5, v53  }
0x5b2: {  	s19 =	sxor.u32 $0x80000000, s19  }
0x5b3: {  	s30 =	sld [smem:$0x764];
	p0 =	slt.s32 s19, $0xF4180;
	v62 =	vperm.xlane v52, v7;
	v54 =	vadd.s32 v5, v61  }
0x5b4: {  	s19 =	simm.s32 @!p0 $0xF4180  }
0x5b5: {  	s31 =	sld [smem:$0x765];
	v63 =	vperm.xlane v52, v2;
	s19 =	sadd.s32 s1, s19;
	v55 =	vadd.s32 v5, v62  }
0x5b6: {  	[tilespmem:s30], [sflag:$0x1] =	stream.indirect_vreg.gather [hbm4b:s19+s2], $0x80, v53, vm0, $0xb8;
	[tilespmem:$0x16280] =	vst v63  }
0x5b7: {  	s22 =	sld [smem:$0x766];
	v60 =	vadd.s32 v5, v63;
	v61 =	vperm.xlane v52, v8  }
0x5b8: {  	[tilespmem:s31], [sflag:$0x1] =	stream.indirect_vreg.gather [hbm4b:s19+s2], $0x80, v54, vm0, $0xb8;
	[tilespmem:$0x16280] =	vst v63  }
0x5b9: {  	s23 =	sld [smem:$0x767];
	v62 =	vperm.xlane v52, v9;
	v54 =	vadd.s32 v5, v61  }
0x5ba: {  	[tilespmem:s22], [sflag:$0x1] =	stream.indirect_vreg.gather [hbm4b:s19+s2], $0x80, v55, vm0, $0xb8;
	[tilespmem:$0x16280] =	vst v63  }
0x5bb: {  	s24 =	sld [smem:$0x768];
	v63 =	vperm.xlane v52, v10;
	v55 =	vadd.s32 v5, v62  }
0x5bc: {  	[tilespmem:s23], [sflag:$0x1] =	stream.indirect_vreg.gather [hbm4b:s19+s2], $0x80, v60, vm0, $0xb8;
	[tilespmem:$0x16280] =	vst v63  }
0x5bd: {  	s25 =	sld [smem:$0x769];
	v61 =	vperm.xlane v52, v3;
	v60 =	vadd.s32 v5, v63  }
0x5be: {  	[tilespmem:s24], [sflag:$0x1] =	stream.indirect_vreg.gather [hbm4b:s19+s2], $0x80, v54, vm0, $0xb8;
	[tilespmem:$0x16280] =	vst v63  }
0x5bf: {  	s26 =	sld [smem:$0x76A];
	v62 =	vperm.xlane v52, v11;
	v54 =	vadd.s32 v5, v61  }
0x5c0: {  	[tilespmem:s25], [sflag:$0x1] =	stream.indirect_vreg.gather [hbm4b:s19+s2], $0x80, v55, vm0, $0xb8;
	[tilespmem:$0x16280] =	vst v63  }
0x5c1: {  	s28 =	sld [smem:$0x76B];
	v63 =	vperm.xlane v52, v12;
	v55 =	vadd.s32 v5, v62  }
0x5c2: {  	[tilespmem:s26], [sflag:$0x1] =	stream.indirect_vreg.gather [hbm4b:s19+s2], $0x80, v60, vm0, $0xb8;
	[tilespmem:$0x16280] =	vst v63  }
0x5c3: {  	s29 =	sld [smem:$0x76C];
	v61 =	vperm.xlane v52, v13;
	v60 =	vadd.s32 v5, v63  }
0x5c4: {  	[tilespmem:s28], [sflag:$0x1] =	stream.indirect_vreg.gather [hbm4b:s19+s2], $0x80, v54, vm0, $0xb8;
	[tilespmem:$0x16280] =	vst v63  }
0x5c5: {  	s30 =	sld [smem:$0x76D];
	v62 =	vperm.xlane v52, v14;
	v54 =	vadd.s32 v5, v61  }
0x5c6: {  	[tilespmem:s29], [sflag:$0x1] =	stream.indirect_vreg.gather [hbm4b:s19+s2], $0x80, v55, vm0, $0xb8;
	[tilespmem:$0x16280] =	vst v63  }
0x5c7: {  	s31 =	sld [smem:$0x76E];
	v63 =	vperm.xlane v52, v15;
	v55 =	vadd.s32 v5, v62  }
0x5c8: {  	[tilespmem:s30], [sflag:$0x1] =	stream.indirect_vreg.gather [hbm4b:s19+s2], $0x80, v60, vm0, $0xb8;
	[tilespmem:$0x16280] =	vst v63  }
0x5c9: {  	s22 =	sld [smem:$0x76F];
	v61 =	vperm.xlane v52, v16;
	v60 =	vadd.s32 v5, v63  }
0x5ca: {  	[tilespmem:s31], [sflag:$0x1] =	stream.indirect_vreg.gather [hbm4b:s19+s2], $0x80, v54, vm0, $0xb8;
	[tilespmem:$0x16280] =	vst v63  }
0x5cb: {  	s23 =	sld [smem:$0x770];
	v62 =	vadd.s32 v5, v61;
	v63 =	vperm.xlane v52, v17  }
0x5cc: {  	[tilespmem:s22], [sflag:$0x1] =	stream.indirect_vreg.gather [hbm4b:s19+s2], $0x80, v55, vm0, $0xb8;
	[tilespmem:$0x16280] =	vst v63  }
0x5cd: {  	s24 =	sld [smem:$0x771];
	v52 =	vperm.xlane v52, v18;
	v57 =	vadd.s32 v5, v63  }
0x5ce: {  	[tilespmem:s23], [sflag:$0x1] =	stream.indirect_vreg.gather [hbm4b:s19+s2], $0x80, v60, vm0, $0xb8;
	[tilespmem:$0x16280] =	vst v63  }
0x5cf: {  	s25 =	sld [smem:$0x772];
	v52 =	vadd.s32 v5, v52  }
0x5d0: {  	[tilespmem:s24], [sflag:$0x1] =	stream.indirect_vreg.gather [hbm4b:s19+s2], $0x80, v62, vm0, $0xb8;
	[tilespmem:$0x16280] =	vst v63  }
0x5d1: {  	s26 =	sld [smem:$0x773]  }
0x5d2: {  	[tilespmem:s25], [sflag:$0x1] =	stream.indirect_vreg.gather [hbm4b:s19+s2], $0x80, v57, vm0, $0xb8;
	[tilespmem:$0x16280] =	vst v63  }
0x5d3: {  	_ = 	snop  }
0x5d4: {  	[tilespmem:s26], [sflag:$0x1] =	stream.indirect_vreg.gather [hbm4b:s19+s2], $0x80, v52, vm0, $0xb8;
	[tilespmem:$0x16280] =	vst v63  }
0x5d5: {  	v52 =	vld [tilespmem:$0x210];
	_ =	sdelay $0x4  }
0x5d6: {  	v58 =	vshrl.u32 v52, $0x3  }
0x5d7: {  	v53 =	vmul.u32 $0xF428, v58  }
0x5d8: {  	v52 =	vand.u32 $0x7, v52  }
0x5d9: {  	v52 =	vor.u32 v52, v53  }
0x5da: {  	v53 =	vperm.xlane v52, v4;
	_ =	sdelay $0x1  }
0x5db: {  	v59 =	vperm.xlane v52, v6;
	v53 =	vadd.s32 v5, v53;
	_ =	sdelay $0x1  }
0x5dc: {  	s28 =	sld [smem:$0x774];
	v60 =	vperm.xlane v52, v7;
	v54 =	vadd.s32 v5, v59;
	_ =	sdelay $0x1  }
0x5dd: {  	s29 =	sld [smem:$0x776];
	v61 =	vperm.xlane v52, v2;
	v55 =	vadd.s32 v5, v60  }
0x5de: {  	[tilespmem:s28], [sflag:$0x1] =	stream.indirect_vreg.gather [hbm4b:s19+s2], $0x80, v53, vm0, $0xb8;
	[tilespmem:$0x16280] =	vst v63  }
0x5df: {  	s30 =	sld [smem:$0x777];
	v62 =	vperm.xlane v52, v8;
	v53 =	vadd.s32 v5, v61  }
0x5e0: {  	[tilespmem:s29], [sflag:$0x1] =	stream.indirect_vreg.gather [hbm4b:s19+s2], $0x80, v54, vm0, $0xb8;
	[tilespmem:$0x16280] =	vst v63  }
0x5e1: {  	s31 =	sld [smem:$0x778];
	v63 =	vperm.xlane v52, v9;
	v54 =	vadd.s32 v5, v62  }
0x5e2: {  	[tilespmem:s30], [sflag:$0x1] =	stream.indirect_vreg.gather [hbm4b:s19+s2], $0x80, v55, vm0, $0xb8;
	[tilespmem:$0x16280] =	vst v63  }
0x5e3: {  	s22 =	sld [smem:$0x779];
	v60 =	vadd.s32 v5, v63;
	v61 =	vperm.xlane v52, v10  }
0x5e4: {  	[tilespmem:s31], [sflag:$0x1] =	stream.indirect_vreg.gather [hbm4b:s19+s2], $0x80, v53, vm0, $0xb8;
	[tilespmem:$0x16280] =	vst v63  }
0x5e5: {  	s23 =	sld [smem:$0x77A];
	v62 =	vperm.xlane v52, v3;
	v53 =	vadd.s32 v5, v61  }
0x5e6: {  	[tilespmem:s22], [sflag:$0x1] =	stream.indirect_vreg.gather [hbm4b:s19+s2], $0x80, v54, vm0, $0xb8;
	[tilespmem:$0x16280] =	vst v63  }
0x5e7: {  	s24 =	sld [smem:$0x77B];
	v63 =	vperm.xlane v52, v11;
	v54 =	vadd.s32 v5, v62  }
0x5e8: {  	[tilespmem:s23], [sflag:$0x1] =	stream.indirect_vreg.gather [hbm4b:s19+s2], $0x80, v60, vm0, $0xb8;
	[tilespmem:$0x16280] =	vst v63  }
0x5e9: {  	s25 =	sld [smem:$0x77C];
	v61 =	vperm.xlane v52, v12;
	v60 =	vadd.s32 v5, v63  }
0x5ea: {  	[tilespmem:s24], [sflag:$0x1] =	stream.indirect_vreg.gather [hbm4b:s19+s2], $0x80, v53, vm0, $0xb8;
	[tilespmem:$0x16280] =	vst v63  }
0x5eb: {  	s26 =	sld [smem:$0x77D];
	v62 =	vperm.xlane v52, v13;
	v53 =	vadd.s32 v5, v61  }
0x5ec: {  	[tilespmem:s25], [sflag:$0x1] =	stream.indirect_vreg.gather [hbm4b:s19+s2], $0x80, v54, vm0, $0xb8;
	[tilespmem:$0x16280] =	vst v63  }
0x5ed: {  	s28 =	sld [smem:$0x77E];
	v63 =	vperm.xlane v52, v14;
	v54 =	vadd.s32 v5, v62  }
0x5ee: {  	[tilespmem:s26], [sflag:$0x1] =	stream.indirect_vreg.gather [hbm4b:s19+s2], $0x80, v60, vm0, $0xb8;
	[tilespmem:$0x16280] =	vst v63  }
0x5ef: {  	s29 =	sld [smem:$0x77F];
	v55 =	vadd.s32 v5, v63;
	v61 =	vsel vm11, $0x0, v51;
	v60 =	vperm.xlane v52, v15  }
0x5f0: {  	v62 =	vxor.u32 $0x80000000, v61;
	[tilespmem:s28], [sflag:$0x1] =	stream.indirect_vreg.gather [hbm4b:s19+s2], $0x80, v53, vm0, $0xb8;
	[tilespmem:$0x16280] =	vst v63  }
0x5f1: {  	s30 =	sld [smem:$0x780];
	v63 =	vperm.xlane v52, v16;
	(xrf0) =	vmax.scan.msk.u32 $0xffff, v62;
	v56 =	vadd.s32 v5, v60  }
0x5f2: {  	[tilespmem:s29], [sflag:$0x1] =	stream.indirect_vreg.gather [hbm4b:s19+s2], $0x80, v54, vm0, $0xb8;
	[tilespmem:$0x16280] =	vst v63  }
0x5f3: {  	v58 =	vperm.xlane v52, v17;
	s31 =	sld [smem:$0x781];
	v57 =	vadd.s32 v5, v63  }
0x5f4: {  	[tilespmem:s30], [sflag:$0x1] =	stream.indirect_vreg.gather [hbm4b:s19+s2], $0x80, v55, vm0, $0xb8;
	[tilespmem:$0x16280] =	vst v63  }
0x5f5: {  	s22 =	sld [smem:$0x782];
	v52 =	vperm.xlane v52, v18;
	v54 =	vadd.s32 v5, v58  }
0x5f6: {  	[tilespmem:s31], [sflag:$0x1] =	stream.indirect_vreg.gather [hbm4b:s19+s2], $0x80, v56, vm0, $0xb8;
	[tilespmem:$0x16280] =	vst v63  }
0x5f7: {  	s23 =	sld [smem:$0x783];
	v52 =	vadd.s32 v5, v52;
	v59, _, _ =	vpop (xrf0)  }
0x5f8: {  	(v2sf) =	vpush v59, $0xF;
	[tilespmem:s22], [sflag:$0x1] =	stream.indirect_vreg.gather [hbm4b:s19+s2], $0x80, v57, vm0, $0xb8;
	[tilespmem:$0x16280] =	vst v63  }
0x5f9: {  	s24 =	sld [smem:$0x784]  }
0x5fa: {  	[tilespmem:s23], [sflag:$0x1] =	stream.indirect_vreg.gather [hbm4b:s19+s2], $0x80, v54, vm0, $0xb8;
	[tilespmem:$0x16280] =	vst v63  }
0x5fb: {  	_ = 	snop  }
0x5fc: {  	[tilespmem:s24], [sflag:$0x1] =	stream.indirect_vreg.gather [hbm4b:s19+s2], $0x80, v52, vm0, $0xb8;
	[tilespmem:$0x16280] =	vst v63  }
0x5fd: {  	v52 =	vld [tilespmem:$0x200];
	_ =	sdelay $0x4  }
0x5fe: {  	v60 =	vshrl.u32 v52, $0x3  }
0x5ff: {  	v53 =	vmul.u32 $0xF428, v60  }
0x600: {  	v52 =	vand.u32 $0x7, v52  }
0x601: {  	v52 =	vor.u32 v52, v53  }
0x602: {  	v53 =	vperm.xlane v52, v4  }
0x603: {  	s25 =	spop (v2sf)  }
0x604: {  	s19 =	sand.u32 $0xFFFFFF80, s25;
	v61 =	vperm.xlane v52, v6;
	v53 =	vadd.s32 v5, v53  }
0x605: {  	s19 =	sxor.u32 $0x80000000, s19  }
0x606: {  	s26 =	sld [smem:$0x785];
	p0 =	slt.s32 s19, $0xF4180;
	v62 =	vperm.xlane v52, v7;
	v54 =	vadd.s32 v5, v61  }
0x607: {  	s19 =	simm.s32 @!p0 $0xF4180  }
0x608: {  	s28 =	sld [smem:$0x786];
	v63 =	vperm.xlane v52, v2;
	s19 =	sadd.s32 s1, s19;
	v55 =	vadd.s32 v5, v62  }
0x609: {  	[tilespmem:s26], [sflag:$0x1] =	stream.indirect_vreg.gather [hbm4b:s19+s2], $0x80, v53, vm0, $0xb8;
	[tilespmem:$0x16280] =	vst v63  }
0x60a: {  	s29 =	sld [smem:$0x787];
	v60 =	vadd.s32 v5, v63;
	v61 =	vperm.xlane v52, v8  }
0x60b: {  	[tilespmem:s28], [sflag:$0x1] =	stream.indirect_vreg.gather [hbm4b:s19+s2], $0x80, v54, vm0, $0xb8;
	[tilespmem:$0x16280] =	vst v63  }
0x60c: {  	s30 =	sld [smem:$0x788];
	v62 =	vperm.xlane v52, v9;
	v54 =	vadd.s32 v5, v61  }
0x60d: {  	[tilespmem:s29], [sflag:$0x1] =	stream.indirect_vreg.gather [hbm4b:s19+s2], $0x80, v55, vm0, $0xb8;
	[tilespmem:$0x16280] =	vst v63  }
0x60e: {  	s31 =	sld [smem:$0x789];
	v63 =	vperm.xlane v52, v10;
	v55 =	vadd.s32 v5, v62  }
0x60f: {  	[tilespmem:s30], [sflag:$0x1] =	stream.indirect_vreg.gather [hbm4b:s19+s2], $0x80, v60, vm0, $0xb8;
	[tilespmem:$0x16280] =	vst v63  }
0x610: {  	s22 =	sld [smem:$0x78A];
	v61 =	vperm.xlane v52, v3;
	v60 =	vadd.s32 v5, v63  }
0x611: {  	[tilespmem:s31], [sflag:$0x1] =	stream.indirect_vreg.gather [hbm4b:s19+s2], $0x80, v54, vm0, $0xb8;
	[tilespmem:$0x16280] =	vst v63  }
0x612: {  	s23 =	sld [smem:$0x78B];
	v62 =	vperm.xlane v52, v11;
	v54 =	vadd.s32 v5, v61  }
0x613: {  	[tilespmem:s22], [sflag:$0x1] =	stream.indirect_vreg.gather [hbm4b:s19+s2], $0x80, v55, vm0, $0xb8;
	[tilespmem:$0x16280] =	vst v63  }
0x614: {  	s24 =	sld [smem:$0x78C];
	v63 =	vperm.xlane v52, v12;
	v55 =	vadd.s32 v5, v62  }
0x615: {  	[tilespmem:s23], [sflag:$0x1] =	stream.indirect_vreg.gather [hbm4b:s19+s2], $0x80, v60, vm0, $0xb8;
	[tilespmem:$0x16280] =	vst v63  }
0x616: {  	s25 =	sld [smem:$0x78D];
	v61 =	vperm.xlane v52, v13;
	v60 =	vadd.s32 v5, v63  }
0x617: {  	[tilespmem:s24], [sflag:$0x1] =	stream.indirect_vreg.gather [hbm4b:s19+s2], $0x80, v54, vm0, $0xb8;
	[tilespmem:$0x16280] =	vst v63  }
0x618: {  	s26 =	sld [smem:$0x78E];
	v62 =	vperm.xlane v52, v14;
	v54 =	vadd.s32 v5, v61  }
0x619: {  	[tilespmem:s25], [sflag:$0x1] =	stream.indirect_vreg.gather [hbm4b:s19+s2], $0x80, v55, vm0, $0xb8;
	[tilespmem:$0x16280] =	vst v63  }
0x61a: {  	s28 =	sld [smem:$0x78F];
	v63 =	vperm.xlane v52, v15;
	v55 =	vadd.s32 v5, v62  }
0x61b: {  	[tilespmem:s26], [sflag:$0x1] =	stream.indirect_vreg.gather [hbm4b:s19+s2], $0x80, v60, vm0, $0xb8;
	[tilespmem:$0x16280] =	vst v63  }
0x61c: {  	s29 =	sld [smem:$0x790];
	v61 =	vperm.xlane v52, v16;
	v60 =	vadd.s32 v5, v63  }
0x61d: {  	[tilespmem:s28], [sflag:$0x1] =	stream.indirect_vreg.gather [hbm4b:s19+s2], $0x80, v54, vm0, $0xb8;
	[tilespmem:$0x16280] =	vst v63  }
0x61e: {  	s30 =	sld [smem:$0x791];
	v62 =	vadd.s32 v5, v61;
	v63 =	vperm.xlane v52, v17  }
0x61f: {  	[tilespmem:s29], [sflag:$0x1] =	stream.indirect_vreg.gather [hbm4b:s19+s2], $0x80, v55, vm0, $0xb8;
	[tilespmem:$0x16280] =	vst v63  }
0x620: {  	s31 =	sld [smem:$0x792];
	v52 =	vperm.xlane v52, v18;
	v57 =	vadd.s32 v5, v63  }
0x621: {  	[tilespmem:s30], [sflag:$0x1] =	stream.indirect_vreg.gather [hbm4b:s19+s2], $0x80, v60, vm0, $0xb8;
	[tilespmem:$0x16280] =	vst v63  }
0x622: {  	s22 =	sld [smem:$0x793];
	v52 =	vadd.s32 v5, v52  }
0x623: {  	[tilespmem:s31], [sflag:$0x1] =	stream.indirect_vreg.gather [hbm4b:s19+s2], $0x80, v62, vm0, $0xb8;
	[tilespmem:$0x16280] =	vst v63  }
0x624: {  	s23 =	sld [smem:$0x794]  }
0x625: {  	[tilespmem:s22], [sflag:$0x1] =	stream.indirect_vreg.gather [hbm4b:s19+s2], $0x80, v57, vm0, $0xb8;
	[tilespmem:$0x16280] =	vst v63  }
0x626: {  	_ = 	snop  }
0x627: {  	[tilespmem:s23], [sflag:$0x1] =	stream.indirect_vreg.gather [hbm4b:s19+s2], $0x80, v52, vm0, $0xb8;
	[tilespmem:$0x16280] =	vst v63  }
0x628: {  	v52 =	vld [tilespmem:$0x210];
	_ =	sdelay $0x4  }
0x629: {  	v58 =	vshrl.u32 v52, $0x3  }
0x62a: {  	v53 =	vmul.u32 $0xF428, v58  }
0x62b: {  	v52 =	vand.u32 $0x7, v52  }
0x62c: {  	v52 =	vor.u32 v52, v53  }
0x62d: {  	v53 =	vperm.xlane v52, v4;
	_ =	sdelay $0x1  }
0x62e: {  	v59 =	vperm.xlane v52, v6;
	v53 =	vadd.s32 v5, v53;
	_ =	sdelay $0x1  }
0x62f: {  	s24 =	sld [smem:$0x795];
	v60 =	vperm.xlane v52, v7;
	v54 =	vadd.s32 v5, v59;
	_ =	sdelay $0x1  }
0x630: {  	s25 =	sld [smem:$0x797];
	v61 =	vperm.xlane v52, v2;
	v55 =	vadd.s32 v5, v60  }
0x631: {  	[tilespmem:s24], [sflag:$0x1] =	stream.indirect_vreg.gather [hbm4b:s19+s2], $0x80, v53, vm0, $0xb8;
	[tilespmem:$0x16280] =	vst v63  }
0x632: {  	s26 =	sld [smem:$0x798];
	v62 =	vperm.xlane v52, v8;
	v53 =	vadd.s32 v5, v61  }
0x633: {  	[tilespmem:s25], [sflag:$0x1] =	stream.indirect_vreg.gather [hbm4b:s19+s2], $0x80, v54, vm0, $0xb8;
	[tilespmem:$0x16280] =	vst v63  }
0x634: {  	s28 =	sld [smem:$0x799];
	v63 =	vperm.xlane v52, v9;
	v54 =	vadd.s32 v5, v62  }
0x635: {  	[tilespmem:s26], [sflag:$0x1] =	stream.indirect_vreg.gather [hbm4b:s19+s2], $0x80, v55, vm0, $0xb8;
	[tilespmem:$0x16280] =	vst v63  }
0x636: {  	s29 =	sld [smem:$0x79A];
	v60 =	vadd.s32 v5, v63;
	v61 =	vperm.xlane v52, v10  }
0x637: {  	[tilespmem:s28], [sflag:$0x1] =	stream.indirect_vreg.gather [hbm4b:s19+s2], $0x80, v53, vm0, $0xb8;
	[tilespmem:$0x16280] =	vst v63  }
0x638: {  	s30 =	sld [smem:$0x79B];
	v62 =	vperm.xlane v52, v3;
	v53 =	vadd.s32 v5, v61  }
0x639: {  	[tilespmem:s29], [sflag:$0x1] =	stream.indirect_vreg.gather [hbm4b:s19+s2], $0x80, v54, vm0, $0xb8;
	[tilespmem:$0x16280] =	vst v63  }
0x63a: {  	s31 =	sld [smem:$0x79C];
	v63 =	vperm.xlane v52, v11;
	v54 =	vadd.s32 v5, v62  }
0x63b: {  	[tilespmem:s30], [sflag:$0x1] =	stream.indirect_vreg.gather [hbm4b:s19+s2], $0x80, v60, vm0, $0xb8;
	[tilespmem:$0x16280] =	vst v63  }
0x63c: {  	s22 =	sld [smem:$0x79D];
	v61 =	vperm.xlane v52, v12;
	v60 =	vadd.s32 v5, v63  }
0x63d: {  	[tilespmem:s31], [sflag:$0x1] =	stream.indirect_vreg.gather [hbm4b:s19+s2], $0x80, v53, vm0, $0xb8;
	[tilespmem:$0x16280] =	vst v63  }
0x63e: {  	s23 =	sld [smem:$0x79E];
	v62 =	vperm.xlane v52, v13;
	v53 =	vadd.s32 v5, v61  }
0x63f: {  	[tilespmem:s22], [sflag:$0x1] =	stream.indirect_vreg.gather [hbm4b:s19+s2], $0x80, v54, vm0, $0xb8;
	[tilespmem:$0x16280] =	vst v63  }
0x640: {  	s24 =	sld [smem:$0x79F];
	v63 =	vperm.xlane v52, v14;
	v54 =	vadd.s32 v5, v62  }
0x641: {  	[tilespmem:s23], [sflag:$0x1] =	stream.indirect_vreg.gather [hbm4b:s19+s2], $0x80, v60, vm0, $0xb8;
	[tilespmem:$0x16280] =	vst v63  }
0x642: {  	s25 =	sld [smem:$0x7A0];
	v55 =	vadd.s32 v5, v63;
	v61 =	vsel vm12, $0x0, v51;
	v60 =	vperm.xlane v52, v15  }
0x643: {  	v62 =	vxor.u32 $0x80000000, v61;
	[tilespmem:s24], [sflag:$0x1] =	stream.indirect_vreg.gather [hbm4b:s19+s2], $0x80, v53, vm0, $0xb8;
	[tilespmem:$0x16280] =	vst v63  }
0x644: {  	s26 =	sld [smem:$0x7A1];
	v63 =	vperm.xlane v52, v16;
	(xrf0) =	vmax.scan.msk.u32 $0xffff, v62;
	v56 =	vadd.s32 v5, v60  }
0x645: {  	[tilespmem:s25], [sflag:$0x1] =	stream.indirect_vreg.gather [hbm4b:s19+s2], $0x80, v54, vm0, $0xb8;
	[tilespmem:$0x16280] =	vst v63  }
0x646: {  	v58 =	vperm.xlane v52, v17;
	s28 =	sld [smem:$0x7A2];
	v57 =	vadd.s32 v5, v63  }
0x647: {  	[tilespmem:s26], [sflag:$0x1] =	stream.indirect_vreg.gather [hbm4b:s19+s2], $0x80, v55, vm0, $0xb8;
	[tilespmem:$0x16280] =	vst v63  }
0x648: {  	s29 =	sld [smem:$0x7A3];
	v52 =	vperm.xlane v52, v18;
	v54 =	vadd.s32 v5, v58  }
0x649: {  	[tilespmem:s28], [sflag:$0x1] =	stream.indirect_vreg.gather [hbm4b:s19+s2], $0x80, v56, vm0, $0xb8;
	[tilespmem:$0x16280] =	vst v63  }
0x64a: {  	s30 =	sld [smem:$0x7A4];
	v52 =	vadd.s32 v5, v52;
	v59, _, _ =	vpop (xrf0)  }
0x64b: {  	(v2sf) =	vpush v59, $0xF;
	[tilespmem:s29], [sflag:$0x1] =	stream.indirect_vreg.gather [hbm4b:s19+s2], $0x80, v57, vm0, $0xb8;
	[tilespmem:$0x16280] =	vst v63  }
0x64c: {  	s31 =	sld [smem:$0x7A5]  }
0x64d: {  	[tilespmem:s30], [sflag:$0x1] =	stream.indirect_vreg.gather [hbm4b:s19+s2], $0x80, v54, vm0, $0xb8;
	[tilespmem:$0x16280] =	vst v63  }
0x64e: {  	_ = 	snop  }
0x64f: {  	[tilespmem:s31], [sflag:$0x1] =	stream.indirect_vreg.gather [hbm4b:s19+s2], $0x80, v52, vm0, $0xb8;
	[tilespmem:$0x16280] =	vst v63  }
0x650: {  	v52 =	vld [tilespmem:$0x200];
	_ =	sdelay $0x4  }
0x651: {  	v60 =	vshrl.u32 v52, $0x3  }
0x652: {  	v53 =	vmul.u32 $0xF428, v60  }
0x653: {  	v52 =	vand.u32 $0x7, v52  }
0x654: {  	v52 =	vor.u32 v52, v53  }
0x655: {  	v53 =	vperm.xlane v52, v4  }
0x656: {  	s20 =	spop (v2sf)  }
0x657: {  	s19 =	sand.u32 $0xFFFFFF80, s20;
	v61 =	vperm.xlane v52, v6;
	v53 =	vadd.s32 v5, v53  }
0x658: {  	s19 =	sxor.u32 $0x80000000, s19  }
0x659: {  	s21 =	sld [smem:$0x7A6];
	p0 =	slt.s32 s19, $0xF4180;
	v62 =	vperm.xlane v52, v7;
	v54 =	vadd.s32 v5, v61  }
0x65a: {  	s19 =	simm.s32 @!p0 $0xF4180  }
0x65b: {  	s22 =	sld [smem:$0x7A7];
	v63 =	vperm.xlane v52, v2;
	s19 =	sadd.s32 s1, s19;
	v55 =	vadd.s32 v5, v62  }
0x65c: {  	[tilespmem:s21], [sflag:$0x1] =	stream.indirect_vreg.gather [hbm4b:s19+s2], $0x80, v53, vm0, $0xb8;
	[tilespmem:$0x16280] =	vst v63  }
0x65d: {  	s23 =	sld [smem:$0x7A8];
	v60 =	vadd.s32 v5, v63;
	v61 =	vperm.xlane v52, v8  }
0x65e: {  	[tilespmem:s22], [sflag:$0x1] =	stream.indirect_vreg.gather [hbm4b:s19+s2], $0x80, v54, vm0, $0xb8;
	[tilespmem:$0x16280] =	vst v63  }
0x65f: {  	s24 =	sld [smem:$0x7A9];
	v62 =	vperm.xlane v52, v9;
	v54 =	vadd.s32 v5, v61  }
0x660: {  	[tilespmem:s23], [sflag:$0x1] =	stream.indirect_vreg.gather [hbm4b:s19+s2], $0x80, v55, vm0, $0xb8;
	[tilespmem:$0x16280] =	vst v63  }
0x661: {  	s25 =	sld [smem:$0x7AA];
	v63 =	vperm.xlane v52, v10;
	v55 =	vadd.s32 v5, v62  }
0x662: {  	[tilespmem:s24], [sflag:$0x1] =	stream.indirect_vreg.gather [hbm4b:s19+s2], $0x80, v60, vm0, $0xb8;
	[tilespmem:$0x16280] =	vst v63  }
0x663: {  	s26 =	sld [smem:$0x7AB];
	v61 =	vperm.xlane v52, v3;
	v60 =	vadd.s32 v5, v63  }
0x664: {  	[tilespmem:s25], [sflag:$0x1] =	stream.indirect_vreg.gather [hbm4b:s19+s2], $0x80, v54, vm0, $0xb8;
	[tilespmem:$0x16280] =	vst v63  }
0x665: {  	s28 =	sld [smem:$0x7AC];
	v62 =	vperm.xlane v52, v11;
	v54 =	vadd.s32 v5, v61  }
0x666: {  	[tilespmem:s26], [sflag:$0x1] =	stream.indirect_vreg.gather [hbm4b:s19+s2], $0x80, v55, vm0, $0xb8;
	[tilespmem:$0x16280] =	vst v63  }
0x667: {  	s29 =	sld [smem:$0x7AD];
	v63 =	vperm.xlane v52, v12;
	v55 =	vadd.s32 v5, v62  }
0x668: {  	[tilespmem:s28], [sflag:$0x1] =	stream.indirect_vreg.gather [hbm4b:s19+s2], $0x80, v60, vm0, $0xb8;
	[tilespmem:$0x16280] =	vst v63  }
0x669: {  	s30 =	sld [smem:$0x7AE];
	v61 =	vperm.xlane v52, v13;
	v60 =	vadd.s32 v5, v63  }
0x66a: {  	[tilespmem:s29], [sflag:$0x1] =	stream.indirect_vreg.gather [hbm4b:s19+s2], $0x80, v54, vm0, $0xb8;
	[tilespmem:$0x16280] =	vst v63  }
0x66b: {  	s31 =	sld [smem:$0x7AF];
	v62 =	vperm.xlane v52, v14;
	v54 =	vadd.s32 v5, v61  }
0x66c: {  	[tilespmem:s30], [sflag:$0x1] =	stream.indirect_vreg.gather [hbm4b:s19+s2], $0x80, v55, vm0, $0xb8;
	[tilespmem:$0x16280] =	vst v63  }
0x66d: {  	s22 =	sld [smem:$0x7B0];
	v63 =	vperm.xlane v52, v15;
	v55 =	vadd.s32 v5, v62  }
0x66e: {  	[tilespmem:s31], [sflag:$0x1] =	stream.indirect_vreg.gather [hbm4b:s19+s2], $0x80, v60, vm0, $0xb8;
	[tilespmem:$0x16280] =	vst v63  }
0x66f: {  	s23 =	sld [smem:$0x7B1];
	v61 =	vperm.xlane v52, v16;
	v60 =	vadd.s32 v5, v63  }
0x670: {  	[tilespmem:s22], [sflag:$0x1] =	stream.indirect_vreg.gather [hbm4b:s19+s2], $0x80, v54, vm0, $0xb8;
	[tilespmem:$0x16280] =	vst v63  }
0x671: {  	s24 =	sld [smem:$0x7B2];
	v62 =	vadd.s32 v5, v61;
	v63 =	vperm.xlane v52, v17  }
0x672: {  	[tilespmem:s23], [sflag:$0x1] =	stream.indirect_vreg.gather [hbm4b:s19+s2], $0x80, v55, vm0, $0xb8;
	[tilespmem:$0x16280] =	vst v63  }
0x673: {  	s25 =	sld [smem:$0x7B3];
	v52 =	vperm.xlane v52, v18;
	v57 =	vadd.s32 v5, v63  }
0x674: {  	[tilespmem:s24], [sflag:$0x1] =	stream.indirect_vreg.gather [hbm4b:s19+s2], $0x80, v60, vm0, $0xb8;
	[tilespmem:$0x16280] =	vst v63  }
0x675: {  	s26 =	sld [smem:$0x7B4];
	v52 =	vadd.s32 v5, v52  }
0x676: {  	[tilespmem:s25], [sflag:$0x1] =	stream.indirect_vreg.gather [hbm4b:s19+s2], $0x80, v62, vm0, $0xb8;
	[tilespmem:$0x16280] =	vst v63  }
0x677: {  	s28 =	sld [smem:$0x7B5]  }
0x678: {  	[tilespmem:s26], [sflag:$0x1] =	stream.indirect_vreg.gather [hbm4b:s19+s2], $0x80, v57, vm0, $0xb8;
	[tilespmem:$0x16280] =	vst v63  }
0x679: {  	_ = 	snop  }
0x67a: {  	[tilespmem:s28], [sflag:$0x1] =	stream.indirect_vreg.gather [hbm4b:s19+s2], $0x80, v52, vm0, $0xb8;
	[tilespmem:$0x16280] =	vst v63  }
0x67b: {  	v52 =	vld [tilespmem:$0x210];
	_ =	sdelay $0x4  }
0x67c: {  	v58 =	vshrl.u32 v52, $0x3  }
0x67d: {  	v53 =	vmul.u32 $0xF428, v58  }
0x67e: {  	v52 =	vand.u32 $0x7, v52  }
0x67f: {  	v52 =	vor.u32 v52, v53  }
0x680: {  	v53 =	vperm.xlane v52, v4;
	_ =	sdelay $0x1  }
0x681: {  	v59 =	vperm.xlane v52, v6;
	v53 =	vadd.s32 v5, v53;
	_ =	sdelay $0x1  }
0x682: {  	s29 =	sld [smem:$0x7B6];
	v60 =	vperm.xlane v52, v7;
	v54 =	vadd.s32 v5, v59;
	_ =	sdelay $0x1  }
0x683: {  	s30 =	sld [smem:$0x7B8];
	v61 =	vperm.xlane v52, v2;
	v55 =	vadd.s32 v5, v60  }
0x684: {  	[tilespmem:s29], [sflag:$0x1] =	stream.indirect_vreg.gather [hbm4b:s19+s2], $0x80, v53, vm0, $0xb8;
	[tilespmem:$0x16280] =	vst v63  }
0x685: {  	s31 =	sld [smem:$0x7B9];
	v62 =	vperm.xlane v52, v8;
	v53 =	vadd.s32 v5, v61  }
0x686: {  	[tilespmem:s30], [sflag:$0x1] =	stream.indirect_vreg.gather [hbm4b:s19+s2], $0x80, v54, vm0, $0xb8;
	[tilespmem:$0x16280] =	vst v63  }
0x687: {  	s22 =	sld [smem:$0x7BA];
	v63 =	vperm.xlane v52, v9;
	v54 =	vadd.s32 v5, v62  }
0x688: {  	[tilespmem:s31], [sflag:$0x1] =	stream.indirect_vreg.gather [hbm4b:s19+s2], $0x80, v55, vm0, $0xb8;
	[tilespmem:$0x16280] =	vst v63  }
0x689: {  	s23 =	sld [smem:$0x7BB];
	v60 =	vadd.s32 v5, v63;
	v61 =	vperm.xlane v52, v10  }
0x68a: {  	[tilespmem:s22], [sflag:$0x1] =	stream.indirect_vreg.gather [hbm4b:s19+s2], $0x80, v53, vm0, $0xb8;
	[tilespmem:$0x16280] =	vst v63  }
0x68b: {  	s24 =	sld [smem:$0x7BC];
	v62 =	vperm.xlane v52, v3;
	v53 =	vadd.s32 v5, v61  }
0x68c: {  	[tilespmem:s23], [sflag:$0x1] =	stream.indirect_vreg.gather [hbm4b:s19+s2], $0x80, v54, vm0, $0xb8;
	[tilespmem:$0x16280] =	vst v63  }
0x68d: {  	s25 =	sld [smem:$0x7BD];
	v63 =	vperm.xlane v52, v11;
	v54 =	vadd.s32 v5, v62  }
0x68e: {  	[tilespmem:s24], [sflag:$0x1] =	stream.indirect_vreg.gather [hbm4b:s19+s2], $0x80, v60, vm0, $0xb8;
	[tilespmem:$0x16280] =	vst v63  }
0x68f: {  	s26 =	sld [smem:$0x7BE];
	v61 =	vperm.xlane v52, v12;
	v60 =	vadd.s32 v5, v63  }
0x690: {  	[tilespmem:s25], [sflag:$0x1] =	stream.indirect_vreg.gather [hbm4b:s19+s2], $0x80, v53, vm0, $0xb8;
	[tilespmem:$0x16280] =	vst v63  }
0x691: {  	s28 =	sld [smem:$0x7BF];
	v62 =	vperm.xlane v52, v13;
	v53 =	vadd.s32 v5, v61  }
0x692: {  	[tilespmem:s26], [sflag:$0x1] =	stream.indirect_vreg.gather [hbm4b:s19+s2], $0x80, v54, vm0, $0xb8;
	[tilespmem:$0x16280] =	vst v63  }
0x693: {  	s29 =	sld [smem:$0x7C0];
	v63 =	vperm.xlane v52, v14;
	v54 =	vadd.s32 v5, v62  }
0x694: {  	[tilespmem:s28], [sflag:$0x1] =	stream.indirect_vreg.gather [hbm4b:s19+s2], $0x80, v60, vm0, $0xb8;
	[tilespmem:$0x16280] =	vst v63  }
0x695: {  	s30 =	sld [smem:$0x7C1];
	v55 =	vadd.s32 v5, v63;
	v61 =	vsel vm13, $0x0, v51;
	v60 =	vperm.xlane v52, v15  }
0x696: {  	v62 =	vxor.u32 $0x80000000, v61;
	[tilespmem:s29], [sflag:$0x1] =	stream.indirect_vreg.gather [hbm4b:s19+s2], $0x80, v53, vm0, $0xb8;
	[tilespmem:$0x16280] =	vst v63  }
0x697: {  	s31 =	sld [smem:$0x7C2];
	v63 =	vperm.xlane v52, v16;
	(xrf0) =	vmax.scan.msk.u32 $0xffff, v62;
	v56 =	vadd.s32 v5, v60  }
0x698: {  	[tilespmem:s30], [sflag:$0x1] =	stream.indirect_vreg.gather [hbm4b:s19+s2], $0x80, v54, vm0, $0xb8;
	[tilespmem:$0x16280] =	vst v63  }
0x699: {  	v58 =	vperm.xlane v52, v17;
	s22 =	sld [smem:$0x7C3];
	v57 =	vadd.s32 v5, v63  }
0x69a: {  	[tilespmem:s31], [sflag:$0x1] =	stream.indirect_vreg.gather [hbm4b:s19+s2], $0x80, v55, vm0, $0xb8;
	[tilespmem:$0x16280] =	vst v63  }
0x69b: {  	s23 =	sld [smem:$0x7C4];
	v52 =	vperm.xlane v52, v18;
	v54 =	vadd.s32 v5, v58  }
0x69c: {  	[tilespmem:s22], [sflag:$0x1] =	stream.indirect_vreg.gather [hbm4b:s19+s2], $0x80, v56, vm0, $0xb8;
	[tilespmem:$0x16280] =	vst v63  }
0x69d: {  	s24 =	sld [smem:$0x7C5];
	v52 =	vadd.s32 v5, v52;
	v59, _, _ =	vpop (xrf0)  }
0x69e: {  	(v2sf) =	vpush v59, $0xF;
	[tilespmem:s23], [sflag:$0x1] =	stream.indirect_vreg.gather [hbm4b:s19+s2], $0x80, v57, vm0, $0xb8;
	[tilespmem:$0x16280] =	vst v63  }
0x69f: {  	s25 =	sld [smem:$0x7C6]  }
0x6a0: {  	[tilespmem:s24], [sflag:$0x1] =	stream.indirect_vreg.gather [hbm4b:s19+s2], $0x80, v54, vm0, $0xb8;
	[tilespmem:$0x16280] =	vst v63  }
0x6a1: {  	_ = 	snop  }
0x6a2: {  	[tilespmem:s25], [sflag:$0x1] =	stream.indirect_vreg.gather [hbm4b:s19+s2], $0x80, v52, vm0, $0xb8;
	[tilespmem:$0x16280] =	vst v63  }
0x6a3: {  	v52 =	vld [tilespmem:$0x200];
	_ =	sdelay $0x4  }
0x6a4: {  	v60 =	vshrl.u32 v52, $0x3  }
0x6a5: {  	v53 =	vmul.u32 $0xF428, v60  }
0x6a6: {  	v52 =	vand.u32 $0x7, v52  }
0x6a7: {  	v52 =	vor.u32 v52, v53  }
0x6a8: {  	v53 =	vperm.xlane v52, v4  }
0x6a9: {  	s26 =	spop (v2sf)  }
0x6aa: {  	s19 =	sand.u32 $0xFFFFFF80, s26;
	v61 =	vperm.xlane v52, v6;
	v53 =	vadd.s32 v5, v53  }
0x6ab: {  	s19 =	sxor.u32 $0x80000000, s19  }
0x6ac: {  	s28 =	sld [smem:$0x7C7];
	p0 =	slt.s32 s19, $0xF4180;
	v62 =	vperm.xlane v52, v7;
	v54 =	vadd.s32 v5, v61  }
0x6ad: {  	s19 =	simm.s32 @!p0 $0xF4180  }
0x6ae: {  	s29 =	sld [smem:$0x7C8];
	v63 =	vperm.xlane v52, v2;
	s19 =	sadd.s32 s1, s19;
	v55 =	vadd.s32 v5, v62  }
0x6af: {  	[tilespmem:s28], [sflag:$0x1] =	stream.indirect_vreg.gather [hbm4b:s19+s2], $0x80, v53, vm0, $0xb8;
	[tilespmem:$0x16280] =	vst v63  }
0x6b0: {  	s30 =	sld [smem:$0x7C9];
	v60 =	vadd.s32 v5, v63;
	v61 =	vperm.xlane v52, v8  }
0x6b1: {  	[tilespmem:s29], [sflag:$0x1] =	stream.indirect_vreg.gather [hbm4b:s19+s2], $0x80, v54, vm0, $0xb8;
	[tilespmem:$0x16280] =	vst v63  }
0x6b2: {  	s31 =	sld [smem:$0x7CA];
	v62 =	vperm.xlane v52, v9;
	v54 =	vadd.s32 v5, v61  }
0x6b3: {  	[tilespmem:s30], [sflag:$0x1] =	stream.indirect_vreg.gather [hbm4b:s19+s2], $0x80, v55, vm0, $0xb8;
	[tilespmem:$0x16280] =	vst v63  }
0x6b4: {  	s22 =	sld [smem:$0x7CB];
	v63 =	vperm.xlane v52, v10;
	v55 =	vadd.s32 v5, v62  }
0x6b5: {  	[tilespmem:s31], [sflag:$0x1] =	stream.indirect_vreg.gather [hbm4b:s19+s2], $0x80, v60, vm0, $0xb8;
	[tilespmem:$0x16280] =	vst v63  }
0x6b6: {  	s23 =	sld [smem:$0x7CC];
	v61 =	vperm.xlane v52, v3;
	v60 =	vadd.s32 v5, v63  }
0x6b7: {  	[tilespmem:s22], [sflag:$0x1] =	stream.indirect_vreg.gather [hbm4b:s19+s2], $0x80, v54, vm0, $0xb8;
	[tilespmem:$0x16280] =	vst v63  }
0x6b8: {  	s24 =	sld [smem:$0x7CD];
	v62 =	vperm.xlane v52, v11;
	v54 =	vadd.s32 v5, v61  }
0x6b9: {  	[tilespmem:s23], [sflag:$0x1] =	stream.indirect_vreg.gather [hbm4b:s19+s2], $0x80, v55, vm0, $0xb8;
	[tilespmem:$0x16280] =	vst v63  }
0x6ba: {  	s25 =	sld [smem:$0x7CE];
	v63 =	vperm.xlane v52, v12;
	v55 =	vadd.s32 v5, v62  }
0x6bb: {  	[tilespmem:s24], [sflag:$0x1] =	stream.indirect_vreg.gather [hbm4b:s19+s2], $0x80, v60, vm0, $0xb8;
	[tilespmem:$0x16280] =	vst v63  }
0x6bc: {  	s26 =	sld [smem:$0x7CF];
	v61 =	vperm.xlane v52, v13;
	v60 =	vadd.s32 v5, v63  }
0x6bd: {  	[tilespmem:s25], [sflag:$0x1] =	stream.indirect_vreg.gather [hbm4b:s19+s2], $0x80, v54, vm0, $0xb8;
	[tilespmem:$0x16280] =	vst v63  }
0x6be: {  	s28 =	sld [smem:$0x7D0];
	v62 =	vperm.xlane v52, v14;
	v54 =	vadd.s32 v5, v61  }
0x6bf: {  	[tilespmem:s26], [sflag:$0x1] =	stream.indirect_vreg.gather [hbm4b:s19+s2], $0x80, v55, vm0, $0xb8;
	[tilespmem:$0x16280] =	vst v63  }
0x6c0: {  	s29 =	sld [smem:$0x7D1];
	v63 =	vperm.xlane v52, v15;
	v55 =	vadd.s32 v5, v62  }
0x6c1: {  	[tilespmem:s28], [sflag:$0x1] =	stream.indirect_vreg.gather [hbm4b:s19+s2], $0x80, v60, vm0, $0xb8;
	[tilespmem:$0x16280] =	vst v63  }
0x6c2: {  	s30 =	sld [smem:$0x7D2];
	v61 =	vperm.xlane v52, v16;
	v60 =	vadd.s32 v5, v63  }
0x6c3: {  	[tilespmem:s29], [sflag:$0x1] =	stream.indirect_vreg.gather [hbm4b:s19+s2], $0x80, v54, vm0, $0xb8;
	[tilespmem:$0x16280] =	vst v63  }
0x6c4: {  	s31 =	sld [smem:$0x7D3];
	v62 =	vadd.s32 v5, v61;
	v63 =	vperm.xlane v52, v17  }
0x6c5: {  	[tilespmem:s30], [sflag:$0x1] =	stream.indirect_vreg.gather [hbm4b:s19+s2], $0x80, v55, vm0, $0xb8;
	[tilespmem:$0x16280] =	vst v63  }
0x6c6: {  	s22 =	sld [smem:$0x7D4];
	v52 =	vperm.xlane v52, v18;
	v57 =	vadd.s32 v5, v63  }
0x6c7: {  	[tilespmem:s31], [sflag:$0x1] =	stream.indirect_vreg.gather [hbm4b:s19+s2], $0x80, v60, vm0, $0xb8;
	[tilespmem:$0x16280] =	vst v63  }
0x6c8: {  	s23 =	sld [smem:$0x7D5];
	v52 =	vadd.s32 v5, v52  }
0x6c9: {  	[tilespmem:s22], [sflag:$0x1] =	stream.indirect_vreg.gather [hbm4b:s19+s2], $0x80, v62, vm0, $0xb8;
	[tilespmem:$0x16280] =	vst v63  }
0x6ca: {  	s24 =	sld [smem:$0x7D6]  }
0x6cb: {  	[tilespmem:s23], [sflag:$0x1] =	stream.indirect_vreg.gather [hbm4b:s19+s2], $0x80, v57, vm0, $0xb8;
	[tilespmem:$0x16280] =	vst v63  }
0x6cc: {  	_ = 	snop  }
0x6cd: {  	[tilespmem:s24], [sflag:$0x1] =	stream.indirect_vreg.gather [hbm4b:s19+s2], $0x80, v52, vm0, $0xb8;
	[tilespmem:$0x16280] =	vst v63  }
0x6ce: {  	v52 =	vld [tilespmem:$0x210];
	_ =	sdelay $0x4  }
0x6cf: {  	v58 =	vshrl.u32 v52, $0x3  }
0x6d0: {  	v53 =	vmul.u32 $0xF428, v58  }
0x6d1: {  	v52 =	vand.u32 $0x7, v52  }
0x6d2: {  	v52 =	vor.u32 v52, v53  }
0x6d3: {  	v53 =	vperm.xlane v52, v4;
	_ =	sdelay $0x1  }
0x6d4: {  	v59 =	vperm.xlane v52, v6;
	v53 =	vadd.s32 v5, v53;
	_ =	sdelay $0x1  }
0x6d5: {  	s25 =	sld [smem:$0x7D7];
	v60 =	vperm.xlane v52, v7;
	v54 =	vadd.s32 v5, v59;
	_ =	sdelay $0x1  }
0x6d6: {  	s26 =	sld [smem:$0x7D9];
	v61 =	vperm.xlane v52, v2;
	v55 =	vadd.s32 v5, v60  }
0x6d7: {  	[tilespmem:s25], [sflag:$0x1] =	stream.indirect_vreg.gather [hbm4b:s19+s2], $0x80, v53, vm0, $0xb8;
	[tilespmem:$0x16280] =	vst v63  }
0x6d8: {  	s28 =	sld [smem:$0x7DA];
	v62 =	vperm.xlane v52, v8;
	v53 =	vadd.s32 v5, v61  }
0x6d9: {  	[tilespmem:s26], [sflag:$0x1] =	stream.indirect_vreg.gather [hbm4b:s19+s2], $0x80, v54, vm0, $0xb8;
	[tilespmem:$0x16280] =	vst v63  }
0x6da: {  	s29 =	sld [smem:$0x7DB];
	v63 =	vperm.xlane v52, v9;
	v54 =	vadd.s32 v5, v62  }
0x6db: {  	[tilespmem:s28], [sflag:$0x1] =	stream.indirect_vreg.gather [hbm4b:s19+s2], $0x80, v55, vm0, $0xb8;
	[tilespmem:$0x16280] =	vst v63  }
0x6dc: {  	s30 =	sld [smem:$0x7DC];
	v60 =	vadd.s32 v5, v63;
	v61 =	vperm.xlane v52, v10  }
0x6dd: {  	[tilespmem:s29], [sflag:$0x1] =	stream.indirect_vreg.gather [hbm4b:s19+s2], $0x80, v53, vm0, $0xb8;
	[tilespmem:$0x16280] =	vst v63  }
0x6de: {  	s31 =	sld [smem:$0x7DD];
	v62 =	vperm.xlane v52, v3;
	v53 =	vadd.s32 v5, v61  }
0x6df: {  	[tilespmem:s30], [sflag:$0x1] =	stream.indirect_vreg.gather [hbm4b:s19+s2], $0x80, v54, vm0, $0xb8;
	[tilespmem:$0x16280] =	vst v63  }
0x6e0: {  	s22 =	sld [smem:$0x7DE];
	v63 =	vperm.xlane v52, v11;
	v54 =	vadd.s32 v5, v62  }
0x6e1: {  	[tilespmem:s31], [sflag:$0x1] =	stream.indirect_vreg.gather [hbm4b:s19+s2], $0x80, v60, vm0, $0xb8;
	[tilespmem:$0x16280] =	vst v63  }
0x6e2: {  	s23 =	sld [smem:$0x7DF];
	v61 =	vperm.xlane v52, v12;
	v60 =	vadd.s32 v5, v63  }
0x6e3: {  	[tilespmem:s22], [sflag:$0x1] =	stream.indirect_vreg.gather [hbm4b:s19+s2], $0x80, v53, vm0, $0xb8;
	[tilespmem:$0x16280] =	vst v63  }
0x6e4: {  	s24 =	sld [smem:$0x7E0];
	v62 =	vperm.xlane v52, v13;
	v53 =	vadd.s32 v5, v61  }
0x6e5: {  	[tilespmem:s23], [sflag:$0x1] =	stream.indirect_vreg.gather [hbm4b:s19+s2], $0x80, v54, vm0, $0xb8;
	[tilespmem:$0x16280] =	vst v63  }
0x6e6: {  	s25 =	sld [smem:$0x7E1];
	v63 =	vperm.xlane v52, v14;
	v54 =	vadd.s32 v5, v62  }
0x6e7: {  	[tilespmem:s24], [sflag:$0x1] =	stream.indirect_vreg.gather [hbm4b:s19+s2], $0x80, v60, vm0, $0xb8;
	[tilespmem:$0x16280] =	vst v63  }
0x6e8: {  	s26 =	sld [smem:$0x7E2];
	v55 =	vadd.s32 v5, v63;
	v61 =	vsel vm14, $0x0, v51;
	v60 =	vperm.xlane v52, v15  }
0x6e9: {  	v62 =	vxor.u32 $0x80000000, v61;
	[tilespmem:s25], [sflag:$0x1] =	stream.indirect_vreg.gather [hbm4b:s19+s2], $0x80, v53, vm0, $0xb8;
	[tilespmem:$0x16280] =	vst v63  }
0x6ea: {  	s28 =	sld [smem:$0x7E3];
	v63 =	vperm.xlane v52, v16;
	(xrf0) =	vmax.scan.msk.u32 $0xffff, v62;
	v56 =	vadd.s32 v5, v60  }
0x6eb: {  	[tilespmem:s26], [sflag:$0x1] =	stream.indirect_vreg.gather [hbm4b:s19+s2], $0x80, v54, vm0, $0xb8;
	[tilespmem:$0x16280] =	vst v63  }
0x6ec: {  	v58 =	vperm.xlane v52, v17;
	s29 =	sld [smem:$0x7E4];
	v57 =	vadd.s32 v5, v63  }
0x6ed: {  	[tilespmem:s28], [sflag:$0x1] =	stream.indirect_vreg.gather [hbm4b:s19+s2], $0x80, v55, vm0, $0xb8;
	[tilespmem:$0x16280] =	vst v63  }
0x6ee: {  	s30 =	sld [smem:$0x7E5];
	v52 =	vperm.xlane v52, v18;
	v54 =	vadd.s32 v5, v58  }
0x6ef: {  	[tilespmem:s29], [sflag:$0x1] =	stream.indirect_vreg.gather [hbm4b:s19+s2], $0x80, v56, vm0, $0xb8;
	[tilespmem:$0x16280] =	vst v63  }
0x6f0: {  	s31 =	sld [smem:$0x743];
	v52 =	vadd.s32 v5, v52;
	v59, _, _ =	vpop (xrf0)  }
0x6f1: {  	(v2sf) =	vpush v59, $0xF;
	[tilespmem:s30], [sflag:$0x1] =	stream.indirect_vreg.gather [hbm4b:s19+s2], $0x80, v57, vm0, $0xb8;
	[tilespmem:$0x16280] =	vst v63  }
0x6f2: {  	s22 =	sld [smem:$0x742]  }
0x6f3: {  	[tilespmem:s31], [sflag:$0x1] =	stream.indirect_vreg.gather [hbm4b:s19+s2], $0x80, v54, vm0, $0xb8;
	[tilespmem:$0x16280] =	vst v63  }
0x6f4: {  	_ = 	snop  }
0x6f5: {  	[tilespmem:s22], [sflag:$0x1] =	stream.indirect_vreg.gather [hbm4b:s19+s2], $0x80, v52, vm0, $0xb8;
	[tilespmem:$0x16280] =	vst v63  }
0x6f6: {  	v52 =	vld [tilespmem:$0x200];
	_ =	sdelay $0x4  }
0x6f7: {  	v60 =	vshrl.u32 v52, $0x3  }
0x6f8: {  	v53 =	vmul.u32 $0xF428, v60  }
0x6f9: {  	v52 =	vand.u32 $0x7, v52  }
0x6fa: {  	v52 =	vor.u32 v52, v53  }
0x6fb: {  	v53 =	vperm.xlane v52, v4  }
0x6fc: {  	s23 =	spop (v2sf)  }
0x6fd: {  	s19 =	sand.u32 $0xFFFFFF80, s23;
	v61 =	vperm.xlane v52, v6;
	v53 =	vadd.s32 v5, v53  }
0x6fe: {  	s19 =	sxor.u32 $0x80000000, s19  }
0x6ff: {  	s24 =	sld [smem:$0x740];
	p0 =	slt.s32 s19, $0xF4180;
	v62 =	vperm.xlane v52, v7;
	v54 =	vadd.s32 v5, v61  }
0x700: {  	s19 =	simm.s32 @!p0 $0xF4180  }
0x701: {  	s25 =	sld [smem:$0x7E6];
	v63 =	vperm.xlane v52, v2;
	s19 =	sadd.s32 s1, s19;
	v55 =	vadd.s32 v5, v62  }
0x702: {  	[tilespmem:s24], [sflag:$0x1] =	stream.indirect_vreg.gather [hbm4b:s19+s2], $0x80, v53, vm0, $0xb8;
	[tilespmem:$0x16280] =	vst v63  }
0x703: {  	s26 =	sld [smem:$0x7E7];
	v60 =	vperm.xlane v52, v8;
	v53 =	vadd.s32 v5, v63  }
0x704: {  	[tilespmem:s25], [sflag:$0x1] =	stream.indirect_vreg.gather [hbm4b:s19+s2], $0x80, v54, vm0, $0xb8;
	[tilespmem:$0x16280] =	vst v63  }
0x705: {  	s28 =	sld [smem:$0x7E8];
	v61 =	vadd.s32 v5, v60;
	v62 =	vperm.xlane v52, v9  }
0x706: {  	[tilespmem:s26], [sflag:$0x1] =	stream.indirect_vreg.gather [hbm4b:s19+s2], $0x80, v55, vm0, $0xb8;
	[tilespmem:$0x16280] =	vst v63  }
0x707: {  	s29 =	sld [smem:$0x744];
	v63 =	vperm.xlane v52, v10;
	v55 =	vadd.s32 v5, v62  }
0x708: {  	[tilespmem:s28], [sflag:$0x1] =	stream.indirect_vreg.gather [hbm4b:s19+s2], $0x80, v53, vm0, $0xb8;
	[tilespmem:$0x16280] =	vst v63  }
0x709: {  	s30 =	sld [smem:$0x7E9];
	v60 =	vperm.xlane v52, v3;
	v53 =	vadd.s32 v5, v63  }
0x70a: {  	[tilespmem:s29], [sflag:$0x1] =	stream.indirect_vreg.gather [hbm4b:s19+s2], $0x80, v61, vm0, $0xb8;
	[tilespmem:$0x16280] =	vst v63  }
0x70b: {  	s31 =	sld [smem:$0x7EA];
	v62 =	vperm.xlane v52, v11;
	v61 =	vadd.s32 v5, v60  }
0x70c: {  	[tilespmem:s30], [sflag:$0x1] =	stream.indirect_vreg.gather [hbm4b:s19+s2], $0x80, v55, vm0, $0xb8;
	[tilespmem:$0x16280] =	vst v63  }
0x70d: {  	s22 =	sld [smem:$0x7EB];
	v63 =	vperm.xlane v52, v12;
	v55 =	vadd.s32 v5, v62  }
0x70e: {  	[tilespmem:s31], [sflag:$0x1] =	stream.indirect_vreg.gather [hbm4b:s19+s2], $0x80, v53, vm0, $0xb8;
	[tilespmem:$0x16280] =	vst v63  }
0x70f: {  	s23 =	sld [smem:$0x7ED];
	v60 =	vperm.xlane v52, v13;
	v53 =	vadd.s32 v5, v63  }
0x710: {  	[tilespmem:s22], [sflag:$0x1] =	stream.indirect_vreg.gather [hbm4b:s19+s2], $0x80, v61, vm0, $0xb8;
	[tilespmem:$0x16280] =	vst v63  }
0x711: {  	s24 =	sld [smem:$0x7EE];
	v62 =	vperm.xlane v52, v14;
	v61 =	vadd.s32 v5, v60  }
0x712: {  	[tilespmem:s23], [sflag:$0x1] =	stream.indirect_vreg.gather [hbm4b:s19+s2], $0x80, v55, vm0, $0xb8;
	[tilespmem:$0x16280] =	vst v63  }
0x713: {  	s25 =	sld [smem:$0x7EF];
	v63 =	vperm.xlane v52, v15;
	v55 =	vadd.s32 v5, v62  }
0x714: {  	[tilespmem:s24], [sflag:$0x1] =	stream.indirect_vreg.gather [hbm4b:s19+s2], $0x80, v53, vm0, $0xb8;
	[tilespmem:$0x16280] =	vst v63  }
0x715: {  	s26 =	sld [smem:$0x7F0];
	v60 =	vperm.xlane v52, v16;
	v53 =	vadd.s32 v5, v63  }
0x716: {  	[tilespmem:s25], [sflag:$0x1] =	stream.indirect_vreg.gather [hbm4b:s19+s2], $0x80, v61, vm0, $0xb8;
	[tilespmem:$0x16280] =	vst v63  }
0x717: {  	s28 =	sld [smem:$0x7F1];
	v62 =	vperm.xlane v52, v17;
	v61 =	vadd.s32 v5, v60  }
0x718: {  	[tilespmem:s26], [sflag:$0x1] =	stream.indirect_vreg.gather [hbm4b:s19+s2], $0x80, v55, vm0, $0xb8;
	[tilespmem:$0x16280] =	vst v63  }
0x719: {  	s29 =	sld [smem:$0x7F2];
	v52 =	vperm.xlane v52, v18;
	v63 =	vadd.s32 v5, v62  }
0x71a: {  	[tilespmem:s28], [sflag:$0x1] =	stream.indirect_vreg.gather [hbm4b:s19+s2], $0x80, v53, vm0, $0xb8;
	[tilespmem:$0x16280] =	vst v63  }
0x71b: {  	s30 =	sld [smem:$0x7F3];
	v52 =	vadd.s32 v5, v52  }
0x71c: {  	[tilespmem:s29], [sflag:$0x1] =	stream.indirect_vreg.gather [hbm4b:s19+s2], $0x80, v61, vm0, $0xb8;
	[tilespmem:$0x16280] =	vst v63  }
0x71d: {  	s31 =	sld [smem:$0x7F5]  }
0x71e: {  	[tilespmem:s30], [sflag:$0x1] =	stream.indirect_vreg.gather [hbm4b:s19+s2], $0x80, v63, vm0, $0xb8;
	[tilespmem:$0x16280] =	vst v63  }
0x71f: {  	_ = 	snop  }
0x720: {  	[tilespmem:s31], [sflag:$0x1] =	stream.indirect_vreg.gather [hbm4b:s19+s2], $0x80, v52, vm0, $0xb8;
	[tilespmem:$0x16280] =	vst v63  }
0x721: {  	v52 =	vld [tilespmem:$0x210];
	_ =	sdelay $0x4  }
0x722: {  	v57 =	vshrl.u32 v52, $0x3  }
0x723: {  	v53 =	vmul.u32 $0xF428, v57  }
0x724: {  	v52 =	vand.u32 $0x7, v52  }
0x725: {  	v52 =	vor.u32 v52, v53  }
0x726: {  	v53 =	vperm.xlane v52, v4;
	_ =	sdelay $0x1  }
0x727: {  	v58 =	vperm.xlane v52, v6;
	v53 =	vadd.s32 v5, v53;
	_ =	sdelay $0x1  }
0x728: {  	s21 =	sld [smem:$0x7F6];
	v59 =	vperm.xlane v52, v7;
	v54 =	vadd.s32 v5, v58;
	_ =	sdelay $0x1  }
0x729: {  	s22 =	sld [smem:$0x7F7];
	v60 =	vperm.xlane v52, v2;
	v55 =	vadd.s32 v5, v59  }
0x72a: {  	[tilespmem:s21], [sflag:$0x1] =	stream.indirect_vreg.gather [hbm4b:s19+s2], $0x80, v53, vm0, $0xb8;
	[tilespmem:$0x16280] =	vst v63  }
0x72b: {  	s23 =	sld [smem:$0x7F9];
	v61 =	vperm.xlane v52, v8;
	v53 =	vadd.s32 v5, v60  }
0x72c: {  	[tilespmem:s22], [sflag:$0x1] =	stream.indirect_vreg.gather [hbm4b:s19+s2], $0x80, v54, vm0, $0xb8;
	[tilespmem:$0x16280] =	vst v63  }
0x72d: {  	s24 =	sld [smem:$0x7F8];
	v63 =	vperm.xlane v52, v9;
	v62 =	vadd.s32 v5, v61  }
0x72e: {  	[tilespmem:s23], [sflag:$0x1] =	stream.indirect_vreg.gather [hbm4b:s19+s2], $0x80, v55, vm0, $0xb8;
	[tilespmem:$0x16280] =	vst v63  }
0x72f: {  	s25 =	sld [smem:$0x7F4];
	v60 =	vperm.xlane v52, v10;
	v55 =	vadd.s32 v5, v63  }
0x730: {  	[tilespmem:s24], [sflag:$0x1] =	stream.indirect_vreg.gather [hbm4b:s19+s2], $0x80, v53, vm0, $0xb8;
	[tilespmem:$0x16280] =	vst v63  }
0x731: {  	s26 =	sld [smem:$0x7EC];
	v61 =	vperm.xlane v52, v3;
	v53 =	vadd.s32 v5, v60  }
0x732: {  	[tilespmem:s25], [sflag:$0x1] =	stream.indirect_vreg.gather [hbm4b:s19+s2], $0x80, v62, vm0, $0xb8;
	[tilespmem:$0x16280] =	vst v63  }
0x733: {  	s28 =	sld [smem:$0x7D8];
	v63 =	vperm.xlane v52, v11;
	v62 =	vadd.s32 v5, v61  }
0x734: {  	[tilespmem:s26], [sflag:$0x1] =	stream.indirect_vreg.gather [hbm4b:s19+s2], $0x80, v55, vm0, $0xb8;
	[tilespmem:$0x16280] =	vst v63  }
0x735: {  	s29 =	sld [smem:$0x7B7];
	v60 =	vperm.xlane v52, v12;
	v55 =	vadd.s32 v5, v63  }
0x736: {  	[tilespmem:s28], [sflag:$0x1] =	stream.indirect_vreg.gather [hbm4b:s19+s2], $0x80, v53, vm0, $0xb8;
	[tilespmem:$0x16280] =	vst v63  }
0x737: {  	s30 =	sld [smem:$0x796];
	v61 =	vperm.xlane v52, v13;
	v53 =	vadd.s32 v5, v60  }
0x738: {  	[tilespmem:s29], [sflag:$0x1] =	stream.indirect_vreg.gather [hbm4b:s19+s2], $0x80, v62, vm0, $0xb8;
	[tilespmem:$0x16280] =	vst v63  }
0x739: {  	s31 =	sld [smem:$0x775];
	v63 =	vperm.xlane v52, v14;
	v62 =	vadd.s32 v5, v61  }
0x73a: {  	[tilespmem:s30], [sflag:$0x1] =	stream.indirect_vreg.gather [hbm4b:s19+s2], $0x80, v55, vm0, $0xb8;
	[tilespmem:$0x16280] =	vst v63  }
0x73b: {  	s22 =	sld [smem:$0x754];
	v60 =	vperm.xlane v52, v15;
	v55 =	vadd.s32 v5, v63  }
0x73c: {  	[tilespmem:s31], [sflag:$0x1] =	stream.indirect_vreg.gather [hbm4b:s19+s2], $0x80, v53, vm0, $0xb8;
	[tilespmem:$0x16280] =	vst v63  }
0x73d: {  	s23 =	sld [smem:$0x7FA];
	v61 =	vperm.xlane v52, v16;
	v53 =	vadd.s32 v5, v60  }
0x73e: {  	[tilespmem:s22], [sflag:$0x1] =	stream.indirect_vreg.gather [hbm4b:s19+s2], $0x80, v62, vm0, $0xb8;
	[tilespmem:$0x16280] =	vst v63  }
0x73f: {  	s24 =	sld [smem:$0x741];
	v63 =	vperm.xlane v52, v17;
	v62 =	vadd.s32 v5, v61  }
0x740: {  	[tilespmem:s23], [sflag:$0x1] =	stream.indirect_vreg.gather [hbm4b:s19+s2], $0x80, v55, vm0, $0xb8;
	[tilespmem:$0x16280] =	vst v63  }
0x741: {  	s25 =	sld [smem:$0x7FB];
	v52 =	vperm.xlane v52, v18;
	v60 =	vadd.s32 v5, v63  }
0x742: {  	[tilespmem:s24], [sflag:$0x1] =	stream.indirect_vreg.gather [hbm4b:s19+s2], $0x80, v53, vm0, $0xb8;
	[tilespmem:$0x16280] =	vst v63  }
0x743: {  	s26 =	sld [smem:$0x7FC];
	v52 =	vadd.s32 v5, v52  }
0x744: {  	[tilespmem:s25], [sflag:$0x1] =	stream.indirect_vreg.gather [hbm4b:s19+s2], $0x80, v62, vm0, $0xb8;
	[tilespmem:$0x16280] =	vst v63  }
0x745: {  	s28 =	sld [smem:$0x7FD]  }
0x746: {  	[tilespmem:s26], [sflag:$0x1] =	stream.indirect_vreg.gather [hbm4b:s19+s2], $0x80, v60, vm0, $0xb8;
	[tilespmem:$0x16280] =	vst v63  }
0x747: {  	_ = 	snop  }
0x748: {  	[tilespmem:s28], [sflag:$0x1] =	stream.indirect_vreg.gather [hbm4b:s19+s2], $0x80, v52, vm0, $0xb8;
	[tilespmem:$0x16280] =	vst v63  }
0x749: {  	_ =	swait.ge [sflag:s12], $0x1000  }
0x74a: {  	[sflag:s12] =	ssyncset.done $0x0  }
0x74b: {  	[sflag:s12] =	ssyncadd.s32 $0xFFFFF000  }
0x74c: {  	_ =	swait.ge [sflag:s12], $0x1000  }
0x74d: {  	[sflag:s12] =	ssyncset.done $0x0  }
0x74e: {  	[sflag:s12] =	ssyncadd.s32 $0xFFFFF000  }
0x74f: {  	_ =	swait.ge [sflag:s12], $0x1000  }
0x750: {  	[sflag:s12] =	ssyncset.done $0x0  }
0x751: {  	[sflag:s12] =	ssyncadd.s32 $0xFFFFF000  }
0x752: {  	_ =	swait.ge [sflag:s12], $0x1000  }
0x753: {  	[sflag:s12] =	ssyncset.done $0x0  }
0x754: {  	[sflag:s12] =	ssyncadd.s32 $0xFFFFF000  }
0x755: {  	_ =	swait.ge [sflag:s12], $0x1000  }
0x756: {  	[sflag:s12] =	ssyncset.done $0x0  }
0x757: {  	[sflag:s12] =	ssyncadd.s32 $0xFFFFF000  }
0x758: {  	_ =	swait.ge [sflag:s12], $0x1000  }
0x759: {  	[sflag:s12] =	ssyncset.done $0x0  }
0x75a: {  	[sflag:s12] =	ssyncadd.s32 $0xFFFFF000  }
0x75b: {  	_ =	swait.ge [sflag:s12], $0x1000  }
0x75c: {  	[sflag:s12] =	ssyncset.done $0x0  }
0x75d: {  	[sflag:s12] =	ssyncadd.s32 $0xFFFFF000  }
0x75e: {  	_ =	swait.ge [sflag:s12], $0x1000  }
0x75f: {  	[sflag:s12] =	ssyncset.done $0x0  }
0x760: {  	[sflag:s12] =	ssyncadd.s32 $0xFFFFF000  }
0x761: {  	_ =	swait.ge [sflag:s12], $0x1000  }
0x762: {  	[sflag:s12] =	ssyncset.done $0x0  }
0x763: {  	[sflag:s12] =	ssyncadd.s32 $0xFFFFF000  }
0x764: {  	_ =	swait.ge [sflag:s12], $0x1000  }
0x765: {  	[sflag:s12] =	ssyncset.done $0x0  }
0x766: {  	[sflag:s12] =	ssyncadd.s32 $0xFFFFF000  }
0x767: {  	_ =	swait.ge [sflag:s12], $0x1000  }
0x768: {  	[sflag:s12] =	ssyncset.done $0x0  }
0x769: {  	[sflag:s12] =	ssyncadd.s32 $0xFFFFF000  }
0x76a: {  	_ =	swait.ge [sflag:s12], $0x1000  }
0x76b: {  	[sflag:s12] =	ssyncset.done $0x0  }
0x76c: {  	[sflag:s12] =	ssyncadd.s32 $0xFFFFF000  }
0x76d: {  	vm14 =	vmmov vm15;
	_ =	swait.ge [sflag:s12], $0x1000  }
0x76e: {  	vm15 =	vmmov vm13;
	vm13 =	vmmov vm12;
	vm12 =	vmmov vm11;
	[sflag:s12] =	ssyncset.done $0x0  }
0x76f: {  	vm11 =	vmmov vm10;
	vm10 =	vmmov vm9;
	vm9 =	vmmov vm8;
	[sflag:s12] =	ssyncadd.s32 $0xFFFFF000  }
0x770: {  	vm8 =	vmmov vm7;
	vm7 =	vmmov vm6;
	vm6 =	vmmov vm5;
	_ =	swait.ge [sflag:s12], $0x1000  }
0x771: {  	vm5 =	vmmov vm4;
	vm4 =	vmmov vm3;
	v61 =	vadd.s32 $0xFFF0BE00, v51;
	[sflag:s12] =	ssyncset.done $0x0  }
0x772: {  	vm3 =	vmmov vm2;
	vm2 =	vmmov vm1;
	vm1 =	vgt.s32 v61, $0x0;
	[sflag:s12] =	ssyncadd.s32 $0xFFFFF000  }
0x773: {  	v53 =	vnsel vm1, $0x0, v61;
	v52 =	vand.u32 $0x7F, v51;
	_ =	swait.ge [sflag:s12], $0x1000  }
0x774: {  	v53 =	vmin.u32 v53, $0x3F;
	v62 =	vor.u32 v19, v52;
	[sflag:s12] =	ssyncset.done $0x0  }
0x775: {  	v53 =	vshll.u32 v53, $0x7;
	[sflag:s12] =	ssyncadd.s32 $0xFFFFF000  }
0x776: {  	_ =	swait.ge [sflag:s12], $0x1000  }
0x777: {  	[sflag:s12] =	ssyncset.done $0x0  }
0x778: {  	[sflag:s12] =	ssyncadd.s32 $0xFFFFF000  }
0x779: {  	v54 =	vld.idx.msk [tilespmem:v62+s10+$0x0], $0xffff  }
0x77a: {  	v63 =	vld.idx.msk [tilespmem:v53+s9+$0x0], $0xffff;
	_ =	sdelay $0x1  }
0x77b: {  	v60 =	vor.u32 v20, v52  }
0x77c: {  	v61 =	vor.u32 $0x1, v53  }
0x77d: {  	s29 =	sand.u32 $0x70, s18;
	s30 =	sand.u32 $0xC00, s17;
	vm1 =	vgt.s32 v51, $0xF41FF  }
0x77e: {  	s19 =	sor.u32 s29, s30;
	v51 =	vsel vm1, v63, v54  }
0x77f: {  	[tilespmem:s19+$0x12280] =	vst v51  }
0x780: {  	v51 =	vld.idx.msk [tilespmem:v60+s10+$0x0], $0xffff  }
0x781: {  	v62 =	vld.idx.msk [tilespmem:v61+s9+$0x0], $0xffff;
	_ =	sdelay $0x1  }
0x782: {  	v63 =	vor.u32 v21, v52  }
0x783: {  	v60 =	vor.u32 $0x2, v53;
	_ =	sdelay $0x1  }
0x784: {  	v51 =	vsel vm1, v62, v51  }
0x785: {  	[tilespmem:s19+$0x12300] =	vst v51  }
0x786: {  	v51 =	vld.idx.msk [tilespmem:v63+s10+$0x0], $0xffff  }
0x787: {  	v61 =	vld.idx.msk [tilespmem:v60+s9+$0x0], $0xffff;
	_ =	sdelay $0x1  }
0x788: {  	v62 =	vor.u32 v22, v52  }
0x789: {  	v63 =	vor.u32 $0x3, v53;
	_ =	sdelay $0x1  }
0x78a: {  	v51 =	vsel vm1, v61, v51  }
0x78b: {  	[tilespmem:s19+$0x12380] =	vst v51  }
0x78c: {  	v51 =	vld.idx.msk [tilespmem:v62+s10+$0x0], $0xffff  }
0x78d: {  	v60 =	vld.idx.msk [tilespmem:v63+s9+$0x0], $0xffff;
	_ =	sdelay $0x1  }
0x78e: {  	v61 =	vor.u32 v23, v52  }
0x78f: {  	v62 =	vor.u32 $0x4, v53;
	_ =	sdelay $0x1  }
0x790: {  	v51 =	vsel vm1, v60, v51  }
0x791: {  	[tilespmem:s19+$0x12400] =	vst v51  }
0x792: {  	v51 =	vld.idx.msk [tilespmem:v61+s10+$0x0], $0xffff  }
0x793: {  	v63 =	vld.idx.msk [tilespmem:v62+s9+$0x0], $0xffff;
	_ =	sdelay $0x1  }
0x794: {  	v60 =	vor.u32 v24, v52  }
0x795: {  	v61 =	vor.u32 $0x5, v53;
	_ =	sdelay $0x1  }
0x796: {  	v51 =	vsel vm1, v63, v51  }
0x797: {  	[tilespmem:s19+$0x12480] =	vst v51  }
0x798: {  	v51 =	vld.idx.msk [tilespmem:v60+s10+$0x0], $0xffff  }
0x799: {  	v62 =	vld.idx.msk [tilespmem:v61+s9+$0x0], $0xffff;
	_ =	sdelay $0x1  }
0x79a: {  	v63 =	vor.u32 v25, v52  }
0x79b: {  	v60 =	vor.u32 $0x6, v53;
	_ =	sdelay $0x1  }
0x79c: {  	v51 =	vsel vm1, v62, v51  }
0x79d: {  	[tilespmem:s19+$0x12500] =	vst v51  }
0x79e: {  	v51 =	vld.idx.msk [tilespmem:v63+s10+$0x0], $0xffff  }
0x79f: {  	v61 =	vld.idx.msk [tilespmem:v60+s9+$0x0], $0xffff;
	_ =	sdelay $0x1  }
0x7a0: {  	v62 =	vor.u32 v26, v52  }
0x7a1: {  	v63 =	vor.u32 $0x7, v53;
	_ =	sdelay $0x1  }
0x7a2: {  	v51 =	vsel vm1, v61, v51  }
0x7a3: {  	[tilespmem:s19+$0x12580] =	vst v51  }
0x7a4: {  	v51 =	vld.idx.msk [tilespmem:v62+s10+$0x0], $0xffff  }
0x7a5: {  	v60 =	vld.idx.msk [tilespmem:v63+s9+$0x0], $0xffff;
	_ =	sdelay $0x1  }
0x7a6: {  	v61 =	vor.u32 v27, v52  }
0x7a7: {  	v62 =	vor.u32 $0x8, v53  }
0x7a8: {  	s31 =	sor.u32 s17, s18  }
0x7a9: {  	s20 =	sor.u32 $0x380, s31;
	v51 =	vsel vm1, v60, v51  }
0x7aa: {  	[tilespmem:s20+$0x12280] =	vst v51  }
0x7ab: {  	v51 =	vld.idx.msk [tilespmem:v61+s10+$0x0], $0xffff  }
0x7ac: {  	v63 =	vld.idx.msk [tilespmem:v62+s9+$0x0], $0xffff;
	_ =	sdelay $0x1  }
0x7ad: {  	v60 =	vor.u32 v28, v52  }
0x7ae: {  	v61 =	vor.u32 $0x9, v53;
	_ =	sdelay $0x1  }
0x7af: {  	v51 =	vsel vm1, v63, v51  }
0x7b0: {  	[tilespmem:s19+$0x13280] =	vst v51  }
0x7b1: {  	v51 =	vld.idx.msk [tilespmem:v60+s10+$0x0], $0xffff  }
0x7b2: {  	v62 =	vld.idx.msk [tilespmem:v61+s9+$0x0], $0xffff;
	_ =	sdelay $0x1  }
0x7b3: {  	v63 =	vor.u32 v29, v52  }
0x7b4: {  	v60 =	vor.u32 $0xA, v53;
	_ =	sdelay $0x1  }
0x7b5: {  	v51 =	vsel vm1, v62, v51  }
0x7b6: {  	[tilespmem:s19+$0x13300] =	vst v51  }
0x7b7: {  	v51 =	vld.idx.msk [tilespmem:v63+s10+$0x0], $0xffff  }
0x7b8: {  	v61 =	vld.idx.msk [tilespmem:v60+s9+$0x0], $0xffff;
	_ =	sdelay $0x1  }
0x7b9: {  	v62 =	vor.u32 v30, v52  }
0x7ba: {  	v63 =	vor.u32 $0xB, v53;
	_ =	sdelay $0x1  }
0x7bb: {  	v51 =	vsel vm1, v61, v51  }
0x7bc: {  	[tilespmem:s19+$0x13380] =	vst v51  }
0x7bd: {  	v51 =	vld.idx.msk [tilespmem:v62+s10+$0x0], $0xffff  }
0x7be: {  	v60 =	vld.idx.msk [tilespmem:v63+s9+$0x0], $0xffff;
	_ =	sdelay $0x1  }
0x7bf: {  	v61 =	vor.u32 v31, v52  }
0x7c0: {  	v62 =	vor.u32 $0xC, v53;
	_ =	sdelay $0x1  }
0x7c1: {  	v51 =	vsel vm1, v60, v51  }
0x7c2: {  	[tilespmem:s19+$0x13400] =	vst v51  }
0x7c3: {  	v51 =	vld.idx.msk [tilespmem:v61+s10+$0x0], $0xffff  }
0x7c4: {  	v63 =	vld.idx.msk [tilespmem:v62+s9+$0x0], $0xffff;
	_ =	sdelay $0x1  }
0x7c5: {  	v60 =	vor.u32 v32, v52  }
0x7c6: {  	v61 =	vor.u32 $0xD, v53;
	_ =	sdelay $0x1  }
0x7c7: {  	v51 =	vsel vm1, v63, v51  }
0x7c8: {  	[tilespmem:s19+$0x13480] =	vst v51  }
0x7c9: {  	v51 =	vld.idx.msk [tilespmem:v60+s10+$0x0], $0xffff  }
0x7ca: {  	v62 =	vld.idx.msk [tilespmem:v61+s9+$0x0], $0xffff;
	_ =	sdelay $0x1  }
0x7cb: {  	v63 =	vor.u32 v33, v52  }
0x7cc: {  	v60 =	vor.u32 $0xE, v53;
	_ =	sdelay $0x1  }
0x7cd: {  	v51 =	vsel vm1, v62, v51  }
0x7ce: {  	[tilespmem:s19+$0x13500] =	vst v51  }
0x7cf: {  	v51 =	vld.idx.msk [tilespmem:v63+s10+$0x0], $0xffff  }
0x7d0: {  	v61 =	vld.idx.msk [tilespmem:v60+s9+$0x0], $0xffff;
	_ =	sdelay $0x1  }
0x7d1: {  	v62 =	vor.u32 v34, v52  }
0x7d2: {  	v63 =	vor.u32 $0xF, v53;
	_ =	sdelay $0x1  }
0x7d3: {  	v51 =	vsel vm1, v61, v51  }
0x7d4: {  	[tilespmem:s19+$0x13580] =	vst v51  }
0x7d5: {  	v51 =	vld.idx.msk [tilespmem:v62+s10+$0x0], $0xffff  }
0x7d6: {  	v60 =	vld.idx.msk [tilespmem:v63+s9+$0x0], $0xffff;
	_ =	sdelay $0x1  }
0x7d7: {  	v61 =	vor.u32 v35, v52  }
0x7d8: {  	v62 =	vor.u32 $0x10, v53;
	_ =	sdelay $0x1  }
0x7d9: {  	v51 =	vsel vm1, v60, v51  }
0x7da: {  	[tilespmem:s19+$0x13600] =	vst v51  }
0x7db: {  	v51 =	vld.idx.msk [tilespmem:v61+s10+$0x0], $0xffff  }
0x7dc: {  	v63 =	vld.idx.msk [tilespmem:v62+s9+$0x0], $0xffff;
	_ =	sdelay $0x1  }
0x7dd: {  	v60 =	vor.u32 v36, v52  }
0x7de: {  	v61 =	vor.u32 $0x11, v53;
	_ =	sdelay $0x1  }
0x7df: {  	v51 =	vsel vm1, v63, v51  }
0x7e0: {  	[tilespmem:s19+$0x14280] =	vst v51  }
0x7e1: {  	v51 =	vld.idx.msk [tilespmem:v60+s10+$0x0], $0xffff  }
0x7e2: {  	v62 =	vld.idx.msk [tilespmem:v61+s9+$0x0], $0xffff;
	_ =	sdelay $0x1  }
0x7e3: {  	v63 =	vor.u32 v37, v52  }
0x7e4: {  	v60 =	vor.u32 $0x12, v53;
	_ =	sdelay $0x1  }
0x7e5: {  	v51 =	vsel vm1, v62, v51  }
0x7e6: {  	[tilespmem:s19+$0x14300] =	vst v51  }
0x7e7: {  	v51 =	vld.idx.msk [tilespmem:v63+s10+$0x0], $0xffff  }
0x7e8: {  	v61 =	vld.idx.msk [tilespmem:v60+s9+$0x0], $0xffff;
	_ =	sdelay $0x1  }
0x7e9: {  	v62 =	vor.u32 v38, v52  }
0x7ea: {  	v63 =	vor.u32 $0x13, v53;
	_ =	sdelay $0x1  }
0x7eb: {  	v51 =	vsel vm1, v61, v51  }
0x7ec: {  	[tilespmem:s19+$0x14380] =	vst v51  }
0x7ed: {  	v51 =	vld.idx.msk [tilespmem:v62+s10+$0x0], $0xffff  }
0x7ee: {  	v60 =	vld.idx.msk [tilespmem:v63+s9+$0x0], $0xffff;
	_ =	sdelay $0x1  }
0x7ef: {  	v61 =	vor.u32 v39, v52  }
0x7f0: {  	v62 =	vor.u32 $0x14, v53;
	_ =	sdelay $0x1  }
0x7f1: {  	v51 =	vsel vm1, v60, v51  }
0x7f2: {  	[tilespmem:s19+$0x14400] =	vst v51  }
0x7f3: {  	v51 =	vld.idx.msk [tilespmem:v61+s10+$0x0], $0xffff  }
0x7f4: {  	v63 =	vld.idx.msk [tilespmem:v62+s9+$0x0], $0xffff;
	_ =	sdelay $0x1  }
0x7f5: {  	v60 =	vor.u32 v40, v52  }
0x7f6: {  	v61 =	vor.u32 $0x15, v53;
	_ =	sdelay $0x1  }
0x7f7: {  	v51 =	vsel vm1, v63, v51  }
0x7f8: {  	[tilespmem:s19+$0x14480] =	vst v51  }
0x7f9: {  	v51 =	vld.idx.msk [tilespmem:v60+s10+$0x0], $0xffff  }
0x7fa: {  	v62 =	vld.idx.msk [tilespmem:v61+s9+$0x0], $0xffff;
	_ =	sdelay $0x1  }
0x7fb: {  	v63 =	vor.u32 v41, v52  }
0x7fc: {  	v60 =	vor.u32 $0x16, v53;
	_ =	sdelay $0x1  }
0x7fd: {  	v51 =	vsel vm1, v62, v51  }
0x7fe: {  	[tilespmem:s19+$0x14500] =	vst v51  }
0x7ff: {  	v51 =	vld.idx.msk [tilespmem:v63+s10+$0x0], $0xffff  }
0x800: {  	v61 =	vld.idx.msk [tilespmem:v60+s9+$0x0], $0xffff;
	_ =	sdelay $0x1  }
0x801: {  	v62 =	vor.u32 v42, v52  }
0x802: {  	v63 =	vor.u32 $0x17, v53;
	_ =	sdelay $0x1  }
0x803: {  	v51 =	vsel vm1, v61, v51  }
0x804: {  	[tilespmem:s19+$0x14580] =	vst v51  }
0x805: {  	v51 =	vld.idx.msk [tilespmem:v62+s10+$0x0], $0xffff  }
0x806: {  	v60 =	vld.idx.msk [tilespmem:v63+s9+$0x0], $0xffff;
	_ =	sdelay $0x1  }
0x807: {  	v61 =	vor.u32 v43, v52  }
0x808: {  	v62 =	vor.u32 $0x18, v53;
	_ =	sdelay $0x1  }
0x809: {  	v51 =	vsel vm1, v60, v51  }
0x80a: {  	[tilespmem:s19+$0x14600] =	vst v51  }
0x80b: {  	v51 =	vld.idx.msk [tilespmem:v61+s10+$0x0], $0xffff  }
0x80c: {  	v63 =	vld.idx.msk [tilespmem:v62+s9+$0x0], $0xffff;
	_ =	sdelay $0x1  }
0x80d: {  	v60 =	vor.u32 v44, v52  }
0x80e: {  	v61 =	vor.u32 $0x19, v53;
	_ =	sdelay $0x1  }
0x80f: {  	v51 =	vsel vm1, v63, v51  }
0x810: {  	[tilespmem:s19+$0x15280] =	vst v51  }
0x811: {  	v51 =	vld.idx.msk [tilespmem:v60+s10+$0x0], $0xffff  }
0x812: {  	v62 =	vld.idx.msk [tilespmem:v61+s9+$0x0], $0xffff;
	_ =	sdelay $0x1  }
0x813: {  	v63 =	vor.u32 v45, v52  }
0x814: {  	v60 =	vor.u32 $0x1A, v53;
	_ =	sdelay $0x1  }
0x815: {  	v51 =	vsel vm1, v62, v51  }
0x816: {  	[tilespmem:s19+$0x15300] =	vst v51  }
0x817: {  	v51 =	vld.idx.msk [tilespmem:v63+s10+$0x0], $0xffff  }
0x818: {  	v61 =	vld.idx.msk [tilespmem:v60+s9+$0x0], $0xffff;
	_ =	sdelay $0x1  }
0x819: {  	v62 =	vor.u32 v46, v52  }
0x81a: {  	v63 =	vor.u32 $0x1B, v53;
	_ =	sdelay $0x1  }
0x81b: {  	v51 =	vsel vm1, v61, v51  }
0x81c: {  	[tilespmem:s19+$0x15380] =	vst v51  }
0x81d: {  	v51 =	vld.idx.msk [tilespmem:v62+s10+$0x0], $0xffff  }
0x81e: {  	v60 =	vld.idx.msk [tilespmem:v63+s9+$0x0], $0xffff;
	_ =	sdelay $0x1  }
0x81f: {  	v61 =	vor.u32 v47, v52  }
0x820: {  	v62 =	vor.u32 $0x1C, v53;
	_ =	sdelay $0x1  }
0x821: {  	v51 =	vsel vm1, v60, v51  }
0x822: {  	[tilespmem:s19+$0x15400] =	vst v51  }
0x823: {  	v51 =	vld.idx.msk [tilespmem:v61+s10+$0x0], $0xffff  }
0x824: {  	v63 =	vld.idx.msk [tilespmem:v62+s9+$0x0], $0xffff;
	_ =	sdelay $0x1  }
0x825: {  	v60 =	vor.u32 v48, v52  }
0x826: {  	v61 =	vor.u32 $0x1D, v53;
	_ =	sdelay $0x1  }
0x827: {  	v51 =	vsel vm1, v63, v51  }
0x828: {  	[tilespmem:s19+$0x15480] =	vst v51  }
0x829: {  	v51 =	vld.idx.msk [tilespmem:v60+s10+$0x0], $0xffff  }
0x82a: {  	v62 =	vld.idx.msk [tilespmem:v61+s9+$0x0], $0xffff;
	_ =	sdelay $0x1  }
0x82b: {  	v63 =	vor.u32 v49, v52  }
0x82c: {  	v60 =	vor.u32 $0x1E, v53;
	_ =	sdelay $0x1  }
0x82d: {  	v51 =	vsel vm1, v62, v51  }
0x82e: {  	[tilespmem:s19+$0x15500] =	vst v51  }
0x82f: {  	v51 =	vld.idx.msk [tilespmem:v63+s10+$0x0], $0xffff  }
0x830: {  	v61 =	vld.idx.msk [tilespmem:v60+s9+$0x0], $0xffff;
	_ =	sdelay $0x1  }
0x831: {  	v52 =	vor.u32 v50, v52  }
0x832: {  	v53 =	vor.u32 $0x1F, v53;
	_ =	sdelay $0x1  }
0x833: {  	v51 =	vsel vm1, v61, v51  }
0x834: {  	[tilespmem:s19+$0x15580] =	vst v51  }
0x835: {  	v51 =	vld.idx.msk [tilespmem:v52+s10+$0x0], $0xffff  }
0x836: {  	v62 =	vld.idx.msk [tilespmem:v53+s9+$0x0], $0xffff;
	_ =	sdelay $0x4  }
0x837: {  	p0 =	sne.s32 s18, $0x1F0;
	v63 =	vld [tilespmem:$0x1FFF0];
	v51 =	vsel vm1, v62, v51  }
.Ltmp0:
0x838: {  	vm1 =	vmmov vm2;
	vm2 =	vmmov vm3;
	vm3 =	vmmov vm4;
	(pc) =	sbr.rel @p0 .LBB2_2-.Ltmp0, $4  }
0x839: {  	vm4 =	vmmov vm5;
	vm5 =	vmmov vm6;
	vm6 =	vmmov vm7  }
0x83a: {  	vm7 =	vmmov vm8;
	vm8 =	vmmov vm9;
	vm9 =	vmmov vm10  }
0x83b: {  	vm10 =	vmmov vm11;
	vm11 =	vmmov vm12;
	vm12 =	vmmov vm13  }
0x83c: {  	s16 =	sadd.s32 $0x10, s16;
	s17 =	sadd.s32 $0x80, s17;
	s18 =	sadd.s32 $0x10, s18;
	vm13 =	vmmov vm15;
	vm15 =	vmmov vm14;
	vm14 =	vnez.u8 v63;
	[tilespmem:s19+$0x15600] =	vst v51  }
0x83d: {  	s15 =	sadd.s32 $0x1, s15  }
0x83e: {  	p0 =	sne.s32 s15, s7  }
.Ltmp1:
0x83f: {  	_ = 	snop;
	(pc) =	sbr.rel @p0 .LBB2_1-.Ltmp1, $4  }
0x840: {  	[hbm4b:s6+s11] =	stream.strided.scatter [tilespmem:s14], [sflag:$0x2], $0x4000, s13, s11, $0x38;
	[tilespmem:$0x16280] =	vst v63  }
0x841: {  	_ =	swait.ge [sflag:s8], $0x4000  }
0x842: {  	[sflag:s8] =	ssyncset.done $0x0  }
0x843: {  	[sflag:s8] =	ssyncadd.s32 $0xFFFFC000  }
0x844: {  	_ =	sfence.sel $0x180000  }
0x845: {  	[bflag:$0x0] =	sbarrier.arrive $0xFFFF  }
0x846: {  	p0 =	sne.s32 s4, $0x0;
	_ =	strace $0x90000047  }
0x847: {  	s0 =	sadd.s32 @!p0 $0x100000, s0;
	[bflag:$0x2] =	sbarrier.arrive $0xFFFF  }
0x848: {  	[sflag:s0] =	ssyncadd.tile.s32 @!p0 $0x1;
	_ =	shalt  }
.Lfunc_end2:
_tile_overlayer_lowered:
.L_overlay_start_2:
0x849: {  	(tag) =	ssettag $0x2  }
0x84a: {  	s0 =	rddreg [dreg:$0x0];
	s2 =	stileid.u32  }
0x84b: {  	s1 =	rddreg [dreg:$0x1];
	p0 =	sne.s32 s2, $0x0  }
0x84c: {  	s3 =	rddreg [dreg:$0x2];
	[bflag:$0x3] =	sbarrier.arrive $0xFFFF;
	s2 =	simm.s32 @!p0 $0x1C02  }
0x84d: {  	[timem:s3], [sflag:s2] =	dma.local @!p0 [hbm:s0], s1  }
0x84e: {  	s0 =	simm.s32 @!p0 $0x2  }
0x84f: {  	_ =	swait.ge @!p0 [sflag:s0], s1  }
0x850: {  	s1 =	ssub.s32 @!p0 $0x0, s1;
	[sflag:s0] =	ssyncset.done @!p0 $0x0  }
0x851: {  	[sflag:s0] =	ssyncadd.s32 @!p0 s1  }
0x852: {  	[bflag:$0x3] =	sbarrier.arrive $0xFFFF  }
0x853: {  	_ =	shalt  }

</sc_bundles>
